<compile_context>
chip_gen: v7x
topology: tpu7x:2x2x1
jax: 0.10.2.dev20260603
libtpu: 0.0.44.dev20260713+nightly
codegen_flags: <defaults>
</compile_context>

<pallas_src>
import functools

import jax
import jax.numpy as jnp
from jax import lax
from jax.experimental import pallas as pl
from jax.experimental.pallas import tpu as pltpu
from jax.experimental.pallas import tpu_sc as plsc

_VOCAB = 1000000
_DIM = 64
_B = 4096
_L = 200
_NC = 2
_NS = 16
_NW = _NC * _NS
_BT = _B // 128


@jax.jit
def _embed(idx3, table):
  mesh = plsc.VectorSubcoreMesh(core_axis_name="c", subcore_axis_name="s")

  @functools.partial(
      pl.kernel,
      mesh=mesh,
      compiler_params=pltpu.CompilerParams(
          use_tc_tiling_on_sc=False, needs_layout_passes=False
      ),
      out_type=jax.ShapeDtypeStruct((_L, 8, _BT, 8, 128), jnp.float32),
      scratch_types=[
          pltpu.VMEM((_L, 128), jnp.int32),
          pltpu.VMEM((128, _DIM), jnp.float32),
          pltpu.VMEM((128, _DIM), jnp.float32),
          pltpu.VMEM((_DIM, 128), jnp.float32),
          pltpu.VMEM((_DIM, 128), jnp.float32),
          pltpu.SemaphoreType.DMA,
          pltpu.SemaphoreType.DMA,
          pltpu.SemaphoreType.DMA,
          pltpu.SemaphoreType.DMA,
      ],
  )
  def k(table_hbm, idx_hbm, out_hbm, idxs, r0, r1, t0, t1, g0, g1, s0, s1):
    wid = lax.axis_index("s") * _NC + lax.axis_index("c")
    pltpu.sync_copy(idx_hbm.at[wid], idxs)
    rbuf = (r0, r1)
    tbuf = (t0, t1)
    gsem = (g0, g1)
    ssem = (s0, s1)

    def start_gather(l, b):
      pltpu.async_copy(table_hbm.at[idxs.at[l]], rbuf[b], gsem[b])

    def wait_gather(b):
      pltpu.make_async_copy(table_hbm.at[idxs.at[0]], rbuf[b], gsem[b]).wait()

    def start_store(l, b):
      for dt in range(8):
        pltpu.async_copy(
            tbuf[b].at[pl.ds(8 * dt, 8), :], out_hbm.at[l, dt, wid], ssem[b]
        )

    def wait_store(b):
      for dt in range(8):
        pltpu.make_async_copy(
            tbuf[b].at[pl.ds(0, 8), :], out_hbm.at[0, 0, wid], ssem[b]
        ).wait()

    lanes = lax.iota(jnp.int32, 16)
    rot = [lax.rem(lanes + kk, 16) for kk in range(16)]

    def transpose(b):
      r = rbuf[b]
      t = tbuf[b]

      def jstep(jt, carry):
        row_idx = lanes + jt * 16
        for d0 in range(0, _DIM, 16):
          cols = [rot[kk] + d0 for kk in range(16)]
          vs = [plsc.load_gather(r, [row_idx, c]) for c in cols]
          for c, v in zip(cols, vs):
            plsc.store_scatter(t, [c, row_idx], v)
        return carry

      lax.fori_loop(0, 8, jstep, 0)

    for b in range(2):
      start_gather(b, b)

    def group(g, carry):
      for b in range(2):
        l = 2 * g + b
        wait_gather(b)

        @pl.when(l >= 2)
        def _():
          wait_store(b)

        transpose(b)
        start_store(l, b)

        @pl.when(l + 2 < _L)
        def _():
          start_gather(l + 2, b)

      return carry

    lax.fori_loop(0, _L // 2, group, 0)
    for b in range(2):
      wait_store(b)

  return k(table, idx3)


_NFULL = (_VOCAB // 128) * 128
_NT = _NFULL // 128
_UPW = _NT // _NW


@jax.jit
def _detile(table_t, tail_block):
  mesh = plsc.VectorSubcoreMesh(core_axis_name="c", subcore_axis_name="s")

  @functools.partial(
      pl.kernel,
      mesh=mesh,
      compiler_params=pltpu.CompilerParams(needs_layout_passes=False),
      out_type=jax.ShapeDtypeStruct((_VOCAB // 2, 128), jnp.float32),
      scratch_types=[
          pltpu.VMEM((_DIM, 128), jnp.float32),
          pltpu.VMEM((_DIM, 128), jnp.float32),
          pltpu.VMEM((_DIM, 128), jnp.float32),
          pltpu.VMEM((_DIM, 128), jnp.float32),
          pltpu.SemaphoreType.DMA,
          pltpu.SemaphoreType.DMA,
          pltpu.SemaphoreType.DMA,
          pltpu.SemaphoreType.DMA,
      ],
  )
  def k(tab_hbm, tail_hbm, out_hbm, v0, v1, t0, t1, g0, g1, s0, s1):
    wid = lax.axis_index("s") * _NC + lax.axis_index("c")
    vbuf = (v0, v1)
    tbuf = (t0, t1)
    gsem = (g0, g1)
    ssem = (s0, s1)

    def start_in(vt, b):
      pltpu.async_copy(tab_hbm.at[:, pl.ds(128 * vt, 128)], vbuf[b], gsem[b])

    def wait_in(b):
      pltpu.make_async_copy(
          tab_hbm.at[:, pl.ds(0, 128)], vbuf[b], gsem[b]
      ).wait()

    def start_out(vt, b):
      pltpu.async_copy(tbuf[b], out_hbm.at[pl.ds(64 * vt, 64), :], ssem[b])

    def wait_out(b):
      pltpu.make_async_copy(
          tbuf[b], out_hbm.at[pl.ds(0, 64), :], ssem[b]
      ).wait()

    lanes = lax.iota(jnp.int32, 16)
    rot = [lax.rem(lanes + kk, 16) for kk in range(16)]

    def transpose(b):
      v = vbuf[b]
      t = tbuf[b]

      def ustep(uq, carry):
        u0 = uq * 16
        for p in range(2):
          for d0 in range(0, _DIM, 16):
            dvec = lanes + d0
            cvec = dvec + p * 64
            for half in range(2):
              uvecs = [rot[kk] + u0 for kk in range(8 * half, 8 * half + 8)]
              vlocs = [uv * 2 + p for uv in uvecs]
              vs = [plsc.load_gather(v, [dvec, vl]) for vl in vlocs]
              for uv, vv in zip(uvecs, vs):
                plsc.store_scatter(t, [uv, cvec], vv)
        return carry

      lax.fori_loop(0, 4, ustep, 0)

    def vt_of(u):
      return u * _NW + wid

    for b in range(2):
      start_in(vt_of(b), b)

    def group(g, carry):
      for b in range(2):
        u = 2 * g + b
        wait_in(b)

        @pl.when(u >= 2)
        def _():
          wait_out(b)

        transpose(b)
        start_out(vt_of(u), b)

        @pl.when(u + 2 < _UPW)
        def _():
          start_in(vt_of(u + 2), b)

      return carry

    lax.fori_loop(0, _UPW // 2, group, 0)
    for b in range(2):
      wait_out(b)

    @pl.when(wid < _NT - _UPW * _NW)
    def _():
      vt = _UPW * _NW + wid
      pltpu.async_copy(tab_hbm.at[:, pl.ds(128 * vt, 128)], vbuf[0], gsem[0])
      wait_in(0)
      transpose(0)
      pltpu.async_copy(tbuf[0], out_hbm.at[pl.ds(64 * vt, 64), :], ssem[0])
      wait_out(0)

    @pl.when(wid == _NW - 1)
    def _():
      pltpu.sync_copy(tail_hbm, t0.at[pl.ds(0, 32), :])
      pltpu.sync_copy(
          t0.at[pl.ds(0, 32), :], out_hbm.at[pl.ds(_NFULL // 2, 32), :]
      )

  return k(table_t, tail_block)


def kernel(x, table):
  idx3 = jnp.transpose(x).reshape(_L, _BT, 128).transpose(1, 0, 2)
  tlin = _detile(jnp.transpose(table), table[_NFULL:].reshape(32, 128))
  out5 = _embed(idx3, tlin.reshape(_VOCAB, _DIM))
  return out5.transpose(2, 4, 0, 1, 3).reshape(_B, _L, _DIM)

# --- scband reference (transcript-rebuilt; emitter-appended) ---
"""Pipeline reference for scband-tokenembedder-69320772158025 (READ-ONLY COPY).

The authoritative reference and input builder live on the scoring server;
editing this copy changes nothing except your own understanding.
"""

import jax, jax.numpy as jnp
import numpy as np

VOCAB = 1000000
DIM = 64
B = 4096
L = 200

def setup_inputs(seed: int = 0) -> dict:
    key = jax.random.key(seed)
    k_idx, k_tab = jax.random.split(key)
    x = jax.random.randint(k_idx, (B, L), 0, VOCAB, dtype=jnp.int64 if jax.config.jax_enable_x64 else jnp.int32)
    table = jax.random.normal(k_tab, (VOCAB, DIM), dtype=jnp.float32)
    return {"x": x, "table": table}

def reference(x, table):
    # nn.Embedding forward: gather rows of the embedding table
    return jnp.take(table, x, axis=0)

if __name__ == "__main__":
    import jax
    _d = setup_inputs()
    print(jax.jit(kernel)(*tuple(_d.values())))

</pallas_src>

<mosaic_0001>
#map = affine_map<(d0, d1) -> (0, 0)>
module attributes {stable_mosaic.version = 14 : i64} {
  func.func @k(%arg0: i32, %arg1: i32, %arg2: memref<64x1000000xf32, #tpu.memory_space<hbm>>, %arg3: memref<32x128xf32, #tpu.memory_space<hbm>>, %arg4: memref<500000x128xf32, #tpu.memory_space<hbm>>, %arg5: memref<64x128xf32, #tpu.memory_space<vmem>>, %arg6: memref<64x128xf32, #tpu.memory_space<vmem>>, %arg7: memref<64x128xf32, #tpu.memory_space<vmem>>, %arg8: memref<64x128xf32, #tpu.memory_space<vmem>>, %arg9: memref<!tpu.dma_semaphore, #tpu.memory_space<semaphore_mem>>, %arg10: memref<!tpu.dma_semaphore, #tpu.memory_space<semaphore_mem>>, %arg11: memref<!tpu.dma_semaphore, #tpu.memory_space<semaphore_mem>>, %arg12: memref<!tpu.dma_semaphore, #tpu.memory_space<semaphore_mem>>) attributes {dimension_semantics = [#tpu.dimension_semantics<core_parallel>, #tpu.dimension_semantics<subcore_parallel>], iteration_bounds = array<i64: 2, 16>, scalar_prefetch = 0 : i64, scratch_operands = 8 : i64, tpu.core_type = #tpu.core_type<sc_vector_subcore>, window_params = [{transform_indices = #map}, {transform_indices = #map}, {transform_indices = #map}]} {
    %mul3A = arith.constant 2 : i32
    %mul3A_0 = arith.muli %arg1, %mul3A : i32
    %add3A = arith.addi %mul3A_0, %arg0 : i32
    %iota3A = tpu.iota {dimensions = array<i32: 0>} : vector<16xi32>
    %add3A_1 = arith.constant 0 : i32
    %add3A_2 = vector.broadcast %add3A_1 : i32 to vector<16xi32>
    %add3A_3 = arith.addi %iota3A, %add3A_2 : vector<16xi32>
    %rem3A = arith.constant 16 : i32
    %rem3A_4 = vector.broadcast %rem3A : i32 to vector<16xi32>
    %rem3A_5 = arith.remsi %add3A_3, %rem3A_4 : vector<16xi32>
    %add3A_6 = arith.constant 1 : i32
    %add3A_7 = vector.broadcast %add3A_6 : i32 to vector<16xi32>
    %add3A_8 = arith.addi %iota3A, %add3A_7 : vector<16xi32>
    %rem3A_9 = arith.constant 16 : i32
    %rem3A_10 = vector.broadcast %rem3A_9 : i32 to vector<16xi32>
    %rem3A_11 = arith.remsi %add3A_8, %rem3A_10 : vector<16xi32>
    %add3A_12 = arith.constant 2 : i32
    %add3A_13 = vector.broadcast %add3A_12 : i32 to vector<16xi32>
    %add3A_14 = arith.addi %iota3A, %add3A_13 : vector<16xi32>
    %rem3A_15 = arith.constant 16 : i32
    %rem3A_16 = vector.broadcast %rem3A_15 : i32 to vector<16xi32>
    %rem3A_17 = arith.remsi %add3A_14, %rem3A_16 : vector<16xi32>
    %add3A_18 = arith.constant 3 : i32
    %add3A_19 = vector.broadcast %add3A_18 : i32 to vector<16xi32>
    %add3A_20 = arith.addi %iota3A, %add3A_19 : vector<16xi32>
    %rem3A_21 = arith.constant 16 : i32
    %rem3A_22 = vector.broadcast %rem3A_21 : i32 to vector<16xi32>
    %rem3A_23 = arith.remsi %add3A_20, %rem3A_22 : vector<16xi32>
    %add3A_24 = arith.constant 4 : i32
    %add3A_25 = vector.broadcast %add3A_24 : i32 to vector<16xi32>
    %add3A_26 = arith.addi %iota3A, %add3A_25 : vector<16xi32>
    %rem3A_27 = arith.constant 16 : i32
    %rem3A_28 = vector.broadcast %rem3A_27 : i32 to vector<16xi32>
    %rem3A_29 = arith.remsi %add3A_26, %rem3A_28 : vector<16xi32>
    %add3A_30 = arith.constant 5 : i32
    %add3A_31 = vector.broadcast %add3A_30 : i32 to vector<16xi32>
    %add3A_32 = arith.addi %iota3A, %add3A_31 : vector<16xi32>
    %rem3A_33 = arith.constant 16 : i32
    %rem3A_34 = vector.broadcast %rem3A_33 : i32 to vector<16xi32>
    %rem3A_35 = arith.remsi %add3A_32, %rem3A_34 : vector<16xi32>
    %add3A_36 = arith.constant 6 : i32
    %add3A_37 = vector.broadcast %add3A_36 : i32 to vector<16xi32>
    %add3A_38 = arith.addi %iota3A, %add3A_37 : vector<16xi32>
    %rem3A_39 = arith.constant 16 : i32
    %rem3A_40 = vector.broadcast %rem3A_39 : i32 to vector<16xi32>
    %rem3A_41 = arith.remsi %add3A_38, %rem3A_40 : vector<16xi32>
    %add3A_42 = arith.constant 7 : i32
    %add3A_43 = vector.broadcast %add3A_42 : i32 to vector<16xi32>
    %add3A_44 = arith.addi %iota3A, %add3A_43 : vector<16xi32>
    %rem3A_45 = arith.constant 16 : i32
    %rem3A_46 = vector.broadcast %rem3A_45 : i32 to vector<16xi32>
    %rem3A_47 = arith.remsi %add3A_44, %rem3A_46 : vector<16xi32>
    %add3A_48 = arith.constant 8 : i32
    %add3A_49 = vector.broadcast %add3A_48 : i32 to vector<16xi32>
    %add3A_50 = arith.addi %iota3A, %add3A_49 : vector<16xi32>
    %rem3A_51 = arith.constant 16 : i32
    %rem3A_52 = vector.broadcast %rem3A_51 : i32 to vector<16xi32>
    %rem3A_53 = arith.remsi %add3A_50, %rem3A_52 : vector<16xi32>
    %add3A_54 = arith.constant 9 : i32
    %add3A_55 = vector.broadcast %add3A_54 : i32 to vector<16xi32>
    %add3A_56 = arith.addi %iota3A, %add3A_55 : vector<16xi32>
    %rem3A_57 = arith.constant 16 : i32
    %rem3A_58 = vector.broadcast %rem3A_57 : i32 to vector<16xi32>
    %rem3A_59 = arith.remsi %add3A_56, %rem3A_58 : vector<16xi32>
    %add3A_60 = arith.constant 10 : i32
    %add3A_61 = vector.broadcast %add3A_60 : i32 to vector<16xi32>
    %add3A_62 = arith.addi %iota3A, %add3A_61 : vector<16xi32>
    %rem3A_63 = arith.constant 16 : i32
    %rem3A_64 = vector.broadcast %rem3A_63 : i32 to vector<16xi32>
    %rem3A_65 = arith.remsi %add3A_62, %rem3A_64 : vector<16xi32>
    %add3A_66 = arith.constant 11 : i32
    %add3A_67 = vector.broadcast %add3A_66 : i32 to vector<16xi32>
    %add3A_68 = arith.addi %iota3A, %add3A_67 : vector<16xi32>
    %rem3A_69 = arith.constant 16 : i32
    %rem3A_70 = vector.broadcast %rem3A_69 : i32 to vector<16xi32>
    %rem3A_71 = arith.remsi %add3A_68, %rem3A_70 : vector<16xi32>
    %add3A_72 = arith.constant 12 : i32
    %add3A_73 = vector.broadcast %add3A_72 : i32 to vector<16xi32>
    %add3A_74 = arith.addi %iota3A, %add3A_73 : vector<16xi32>
    %rem3A_75 = arith.constant 16 : i32
    %rem3A_76 = vector.broadcast %rem3A_75 : i32 to vector<16xi32>
    %rem3A_77 = arith.remsi %add3A_74, %rem3A_76 : vector<16xi32>
    %add3A_78 = arith.constant 13 : i32
    %add3A_79 = vector.broadcast %add3A_78 : i32 to vector<16xi32>
    %add3A_80 = arith.addi %iota3A, %add3A_79 : vector<16xi32>
    %rem3A_81 = arith.constant 16 : i32
    %rem3A_82 = vector.broadcast %rem3A_81 : i32 to vector<16xi32>
    %rem3A_83 = arith.remsi %add3A_80, %rem3A_82 : vector<16xi32>
    %add3A_84 = arith.constant 14 : i32
    %add3A_85 = vector.broadcast %add3A_84 : i32 to vector<16xi32>
    %add3A_86 = arith.addi %iota3A, %add3A_85 : vector<16xi32>
    %rem3A_87 = arith.constant 16 : i32
    %rem3A_88 = vector.broadcast %rem3A_87 : i32 to vector<16xi32>
    %rem3A_89 = arith.remsi %add3A_86, %rem3A_88 : vector<16xi32>
    %add3A_90 = arith.constant 15 : i32
    %add3A_91 = vector.broadcast %add3A_90 : i32 to vector<16xi32>
    %add3A_92 = arith.addi %iota3A, %add3A_91 : vector<16xi32>
    %rem3A_93 = arith.constant 16 : i32
    %rem3A_94 = vector.broadcast %rem3A_93 : i32 to vector<16xi32>
    %rem3A_95 = arith.remsi %add3A_92, %rem3A_94 : vector<16xi32>
    %add3A_96 = arith.constant 0 : i32
    %add3A_97 = arith.addi %add3A_96, %add3A : i32
    %mul3A_98 = arith.constant 128 : i32
    %mul3A_99 = arith.muli %mul3A_98, %add3A_97 : i32
    %dma_start3A = arith.constant 0 : i32
    %dma_start3A_100 = tpu.memref_slice %arg2[%dma_start3A, %mul3A_99] : memref<64x1000000xf32, #tpu.memory_space<hbm>> -> memref<64x128xf32, #tpu.memory_space<hbm>>
    %dma_start3A_101 = arith.constant 0 : i32
    %dma_start3A_102 = tpu.memref_slice %arg2[%dma_start3A_101, %mul3A_99] : memref<64x1000000xf32, #tpu.memory_space<hbm>> -> memref<64x128xf32, #tpu.memory_space<hbm>>
    tpu.enqueue_dma source(%dma_start3A_102 : memref<64x128xf32, #tpu.memory_space<hbm>>) target(%arg5 : memref<64x128xf32, #tpu.memory_space<vmem>>) target_semaphore(%arg9 : memref<!tpu.dma_semaphore, #tpu.memory_space<semaphore_mem>>)
    %add3A_103 = arith.constant 32 : i32
    %add3A_104 = arith.addi %add3A_103, %add3A : i32
    %mul3A_105 = arith.constant 128 : i32
    %mul3A_106 = arith.muli %mul3A_105, %add3A_104 : i32
    %dma_start3A_107 = arith.constant 0 : i32
    %dma_start3A_108 = tpu.memref_slice %arg2[%dma_start3A_107, %mul3A_106] : memref<64x1000000xf32, #tpu.memory_space<hbm>> -> memref<64x128xf32, #tpu.memory_space<hbm>>
    %dma_start3A_109 = arith.constant 0 : i32
    %dma_start3A_110 = tpu.memref_slice %arg2[%dma_start3A_109, %mul3A_106] : memref<64x1000000xf32, #tpu.memory_space<hbm>> -> memref<64x128xf32, #tpu.memory_space<hbm>>
    tpu.enqueue_dma source(%dma_start3A_110 : memref<64x128xf32, #tpu.memory_space<hbm>>) target(%arg6 : memref<64x128xf32, #tpu.memory_space<vmem>>) target_semaphore(%arg10 : memref<!tpu.dma_semaphore, #tpu.memory_space<semaphore_mem>>)
    %scan3A = arith.constant 0 : i32
    %scan3A_111 = arith.constant 0 : i32
    %scan3A_112 = arith.constant 122 : i32
    %scan3A_113 = arith.addi %scan3A_111, %scan3A_112 : i32
    %scan3A_114 = arith.constant 1 : i32
    scf.for %scan3A_133 = %scan3A_111 to %scan3A_113 step %scan3A_114  : i32 {
      %mul3A_134 = arith.constant 2 : i32
      %mul3A_135 = arith.muli %mul3A_134, %scan3A_133 : i32
      %add3A_136 = arith.constant 0 : i32
      %add3A_137 = arith.addi %mul3A_135, %add3A_136 : i32
      %dma_wait3A_138 = arith.constant 0 : i32
      %dma_wait3A_139 = arith.constant 0 : i32
      %dma_wait3A_140 = tpu.memref_slice %arg2[%dma_wait3A_138, %dma_wait3A_139] : memref<64x1000000xf32, #tpu.memory_space<hbm>> -> memref<64x128xf32, #tpu.memory_space<hbm>>
      %dma_wait3A_141 = arith.constant 0 : i32
      %dma_wait3A_142 = arith.constant 0 : i32
      %dma_wait3A_143 = tpu.memref_slice %arg2[%dma_wait3A_141, %dma_wait3A_142] : memref<64x1000000xf32, #tpu.memory_space<hbm>> -> memref<64x128xf32, #tpu.memory_space<hbm>>
      tpu.wait_dma2 semaphore(%arg9 : memref<!tpu.dma_semaphore, #tpu.memory_space<semaphore_mem>>) src(%dma_wait3A_143 : memref<64x128xf32, #tpu.memory_space<hbm>>) dst(%arg5 : memref<64x128xf32, #tpu.memory_space<vmem>>)
      %ge3A = arith.constant 2 : i32
      %ge3A_144 = arith.cmpi sge, %add3A_137, %ge3A : i32
      %convert_element_type3A_145 = arith.extui %ge3A_144 : i1 to i32
      %cond3A_146 = arith.constant 0 : i32
      %cond3A_147 = arith.cmpi ne, %convert_element_type3A_145, %cond3A_146 : i32
      scf.if %cond3A_147 {
        %dma_wait3A_207 = arith.constant 0 : i32
        %dma_wait3A_208 = arith.constant 0 : i32
        %dma_wait3A_209 = tpu.memref_slice %arg4[%dma_wait3A_207, %dma_wait3A_208] : memref<500000x128xf32, #tpu.memory_space<hbm>> -> memref<64x128xf32, #tpu.memory_space<hbm>>
        %dma_wait3A_210 = arith.constant 0 : i32
        %dma_wait3A_211 = arith.constant 0 : i32
        %dma_wait3A_212 = tpu.memref_slice %arg4[%dma_wait3A_210, %dma_wait3A_211] : memref<500000x128xf32, #tpu.memory_space<hbm>> -> memref<64x128xf32, #tpu.memory_space<hbm>>
        tpu.wait_dma2 semaphore(%arg11 : memref<!tpu.dma_semaphore, #tpu.memory_space<semaphore_mem>>) src(%arg7 : memref<64x128xf32, #tpu.memory_space<vmem>>) dst(%dma_wait3A_212 : memref<64x128xf32, #tpu.memory_space<hbm>>)
      } else {
      }
      %scan3A_148 = arith.constant 0 : i32
      %scan3A_149 = arith.constant 0 : i32
      %scan3A_150 = arith.constant 4 : i32
      %scan3A_151 = arith.addi %scan3A_149, %scan3A_150 : i32
      %scan3A_152 = arith.constant 1 : i32
      scf.for %scan3A_207 = %scan3A_149 to %scan3A_151 step %scan3A_152  : i32 {
        %mul3A_208 = arith.constant 16 : i32
        %mul3A_209 = arith.muli %scan3A_207, %mul3A_208 : i32
        %add3A_210 = arith.constant 0 : i32
        %add3A_211 = vector.broadcast %add3A_210 : i32 to vector<16xi32>
        %add3A_212 = arith.addi %iota3A, %add3A_211 : vector<16xi32>
        %add3A_213 = arith.constant 0 : i32
        %add3A_214 = vector.broadcast %add3A_213 : i32 to vector<16xi32>
        %add3A_215 = arith.addi %add3A_212, %add3A_214 : vector<16xi32>
        %add3A_216 = vector.broadcast %mul3A_209 : i32 to vector<16xi32>
        %add3A_217 = arith.addi %rem3A_5, %add3A_216 : vector<16xi32>
        %add3A_218 = vector.broadcast %mul3A_209 : i32 to vector<16xi32>
        %add3A_219 = arith.addi %rem3A_11, %add3A_218 : vector<16xi32>
        %add3A_220 = vector.broadcast %mul3A_209 : i32 to vector<16xi32>
        %add3A_221 = arith.addi %rem3A_17, %add3A_220 : vector<16xi32>
        %add3A_222 = vector.broadcast %mul3A_209 : i32 to vector<16xi32>
        %add3A_223 = arith.addi %rem3A_23, %add3A_222 : vector<16xi32>
        %add3A_224 = vector.broadcast %mul3A_209 : i32 to vector<16xi32>
        %add3A_225 = arith.addi %rem3A_29, %add3A_224 : vector<16xi32>
        %add3A_226 = vector.broadcast %mul3A_209 : i32 to vector<16xi32>
        %add3A_227 = arith.addi %rem3A_35, %add3A_226 : vector<16xi32>
        %add3A_228 = vector.broadcast %mul3A_209 : i32 to vector<16xi32>
        %add3A_229 = arith.addi %rem3A_41, %add3A_228 : vector<16xi32>
        %add3A_230 = vector.broadcast %mul3A_209 : i32 to vector<16xi32>
        %add3A_231 = arith.addi %rem3A_47, %add3A_230 : vector<16xi32>
        %mul3A_232 = arith.constant 2 : i32
        %mul3A_233 = vector.broadcast %mul3A_232 : i32 to vector<16xi32>
        %mul3A_234 = arith.muli %add3A_217, %mul3A_233 : vector<16xi32>
        %add3A_235 = arith.constant 0 : i32
        %add3A_236 = vector.broadcast %add3A_235 : i32 to vector<16xi32>
        %add3A_237 = arith.addi %mul3A_234, %add3A_236 : vector<16xi32>
        %mul3A_238 = arith.constant 2 : i32
        %mul3A_239 = vector.broadcast %mul3A_238 : i32 to vector<16xi32>
        %mul3A_240 = arith.muli %add3A_219, %mul3A_239 : vector<16xi32>
        %add3A_241 = arith.constant 0 : i32
        %add3A_242 = vector.broadcast %add3A_241 : i32 to vector<16xi32>
        %add3A_243 = arith.addi %mul3A_240, %add3A_242 : vector<16xi32>
        %mul3A_244 = arith.constant 2 : i32
        %mul3A_245 = vector.broadcast %mul3A_244 : i32 to vector<16xi32>
        %mul3A_246 = arith.muli %add3A_221, %mul3A_245 : vector<16xi32>
        %add3A_247 = arith.constant 0 : i32
        %add3A_248 = vector.broadcast %add3A_247 : i32 to vector<16xi32>
        %add3A_249 = arith.addi %mul3A_246, %add3A_248 : vector<16xi32>
        %mul3A_250 = arith.constant 2 : i32
        %mul3A_251 = vector.broadcast %mul3A_250 : i32 to vector<16xi32>
        %mul3A_252 = arith.muli %add3A_223, %mul3A_251 : vector<16xi32>
        %add3A_253 = arith.constant 0 : i32
        %add3A_254 = vector.broadcast %add3A_253 : i32 to vector<16xi32>
        %add3A_255 = arith.addi %mul3A_252, %add3A_254 : vector<16xi32>
        %mul3A_256 = arith.constant 2 : i32
        %mul3A_257 = vector.broadcast %mul3A_256 : i32 to vector<16xi32>
        %mul3A_258 = arith.muli %add3A_225, %mul3A_257 : vector<16xi32>
        %add3A_259 = arith.constant 0 : i32
        %add3A_260 = vector.broadcast %add3A_259 : i32 to vector<16xi32>
        %add3A_261 = arith.addi %mul3A_258, %add3A_260 : vector<16xi32>
        %mul3A_262 = arith.constant 2 : i32
        %mul3A_263 = vector.broadcast %mul3A_262 : i32 to vector<16xi32>
        %mul3A_264 = arith.muli %add3A_227, %mul3A_263 : vector<16xi32>
        %add3A_265 = arith.constant 0 : i32
        %add3A_266 = vector.broadcast %add3A_265 : i32 to vector<16xi32>
        %add3A_267 = arith.addi %mul3A_264, %add3A_266 : vector<16xi32>
        %mul3A_268 = arith.constant 2 : i32
        %mul3A_269 = vector.broadcast %mul3A_268 : i32 to vector<16xi32>
        %mul3A_270 = arith.muli %add3A_229, %mul3A_269 : vector<16xi32>
        %add3A_271 = arith.constant 0 : i32
        %add3A_272 = vector.broadcast %add3A_271 : i32 to vector<16xi32>
        %add3A_273 = arith.addi %mul3A_270, %add3A_272 : vector<16xi32>
        %mul3A_274 = arith.constant 2 : i32
        %mul3A_275 = vector.broadcast %mul3A_274 : i32 to vector<16xi32>
        %mul3A_276 = arith.muli %add3A_231, %mul3A_275 : vector<16xi32>
        %add3A_277 = arith.constant 0 : i32
        %add3A_278 = vector.broadcast %add3A_277 : i32 to vector<16xi32>
        %add3A_279 = arith.addi %mul3A_276, %add3A_278 : vector<16xi32>
        %gather3A = tpu.vector_load_idx %arg5[%add3A_212, %add3A_237] : memref<64x128xf32, #tpu.memory_space<vmem>>[vector<16xi32>, vector<16xi32>], vector<16xf32>,
        %gather3A_280 = tpu.vector_load_idx %arg5[%add3A_212, %add3A_243] : memref<64x128xf32, #tpu.memory_space<vmem>>[vector<16xi32>, vector<16xi32>], vector<16xf32>,
        %gather3A_281 = tpu.vector_load_idx %arg5[%add3A_212, %add3A_249] : memref<64x128xf32, #tpu.memory_space<vmem>>[vector<16xi32>, vector<16xi32>], vector<16xf32>,
        %gather3A_282 = tpu.vector_load_idx %arg5[%add3A_212, %add3A_255] : memref<64x128xf32, #tpu.memory_space<vmem>>[vector<16xi32>, vector<16xi32>], vector<16xf32>,
        %gather3A_283 = tpu.vector_load_idx %arg5[%add3A_212, %add3A_261] : memref<64x128xf32, #tpu.memory_space<vmem>>[vector<16xi32>, vector<16xi32>], vector<16xf32>,
        %gather3A_284 = tpu.vector_load_idx %arg5[%add3A_212, %add3A_267] : memref<64x128xf32, #tpu.memory_space<vmem>>[vector<16xi32>, vector<16xi32>], vector<16xf32>,
        %gather3A_285 = tpu.vector_load_idx %arg5[%add3A_212, %add3A_273] : memref<64x128xf32, #tpu.memory_space<vmem>>[vector<16xi32>, vector<16xi32>], vector<16xf32>,
        %gather3A_286 = tpu.vector_load_idx %arg5[%add3A_212, %add3A_279] : memref<64x128xf32, #tpu.memory_space<vmem>>[vector<16xi32>, vector<16xi32>], vector<16xf32>,
        tpu.vector_store_idx %arg7[%add3A_217, %add3A_215], %gather3A : memref<64x128xf32, #tpu.memory_space<vmem>>[vector<16xi32>, vector<16xi32>], vector<16xf32>,
        tpu.vector_store_idx %arg7[%add3A_219, %add3A_215], %gather3A_280 : memref<64x128xf32, #tpu.memory_space<vmem>>[vector<16xi32>, vector<16xi32>], vector<16xf32>,
        tpu.vector_store_idx %arg7[%add3A_221, %add3A_215], %gather3A_281 : memref<64x128xf32, #tpu.memory_space<vmem>>[vector<16xi32>, vector<16xi32>], vector<16xf32>,
        tpu.vector_store_idx %arg7[%add3A_223, %add3A_215], %gather3A_282 : memref<64x128xf32, #tpu.memory_space<vmem>>[vector<16xi32>, vector<16xi32>], vector<16xf32>,
        tpu.vector_store_idx %arg7[%add3A_225, %add3A_215], %gather3A_283 : memref<64x128xf32, #tpu.memory_space<vmem>>[vector<16xi32>, vector<16xi32>], vector<16xf32>,
        tpu.vector_store_idx %arg7[%add3A_227, %add3A_215], %gather3A_284 : memref<64x128xf32, #tpu.memory_space<vmem>>[vector<16xi32>, vector<16xi32>], vector<16xf32>,
        tpu.vector_store_idx %arg7[%add3A_229, %add3A_215], %gather3A_285 : memref<64x128xf32, #tpu.memory_space<vmem>>[vector<16xi32>, vector<16xi32>], vector<16xf32>,
        tpu.vector_store_idx %arg7[%add3A_231, %add3A_215], %gather3A_286 : memref<64x128xf32, #tpu.memory_space<vmem>>[vector<16xi32>, vector<16xi32>], vector<16xf32>,
        %add3A_287 = vector.broadcast %mul3A_209 : i32 to vector<16xi32>
        %add3A_288 = arith.addi %rem3A_53, %add3A_287 : vector<16xi32>
        %add3A_289 = vector.broadcast %mul3A_209 : i32 to vector<16xi32>
        %add3A_290 = arith.addi %rem3A_59, %add3A_289 : vector<16xi32>
        %add3A_291 = vector.broadcast %mul3A_209 : i32 to vector<16xi32>
        %add3A_292 = arith.addi %rem3A_65, %add3A_291 : vector<16xi32>
        %add3A_293 = vector.broadcast %mul3A_209 : i32 to vector<16xi32>
        %add3A_294 = arith.addi %rem3A_71, %add3A_293 : vector<16xi32>
        %add3A_295 = vector.broadcast %mul3A_209 : i32 to vector<16xi32>
        %add3A_296 = arith.addi %rem3A_77, %add3A_295 : vector<16xi32>
        %add3A_297 = vector.broadcast %mul3A_209 : i32 to vector<16xi32>
        %add3A_298 = arith.addi %rem3A_83, %add3A_297 : vector<16xi32>
        %add3A_299 = vector.broadcast %mul3A_209 : i32 to vector<16xi32>
        %add3A_300 = arith.addi %rem3A_89, %add3A_299 : vector<16xi32>
        %add3A_301 = vector.broadcast %mul3A_209 : i32 to vector<16xi32>
        %add3A_302 = arith.addi %rem3A_95, %add3A_301 : vector<16xi32>
        %mul3A_303 = arith.constant 2 : i32
        %mul3A_304 = vector.broadcast %mul3A_303 : i32 to vector<16xi32>
        %mul3A_305 = arith.muli %add3A_288, %mul3A_304 : vector<16xi32>
        %add3A_306 = arith.constant 0 : i32
        %add3A_307 = vector.broadcast %add3A_306 : i32 to vector<16xi32>
        %add3A_308 = arith.addi %mul3A_305, %add3A_307 : vector<16xi32>
        %mul3A_309 = arith.constant 2 : i32
        %mul3A_310 = vector.broadcast %mul3A_309 : i32 to vector<16xi32>
        %mul3A_311 = arith.muli %add3A_290, %mul3A_310 : vector<16xi32>
        %add3A_312 = arith.constant 0 : i32
        %add3A_313 = vector.broadcast %add3A_312 : i32 to vector<16xi32>
        %add3A_314 = arith.addi %mul3A_311, %add3A_313 : vector<16xi32>
        %mul3A_315 = arith.constant 2 : i32
        %mul3A_316 = vector.broadcast %mul3A_315 : i32 to vector<16xi32>
        %mul3A_317 = arith.muli %add3A_292, %mul3A_316 : vector<16xi32>
        %add3A_318 = arith.constant 0 : i32
        %add3A_319 = vector.broadcast %add3A_318 : i32 to vector<16xi32>
        %add3A_320 = arith.addi %mul3A_317, %add3A_319 : vector<16xi32>
        %mul3A_321 = arith.constant 2 : i32
        %mul3A_322 = vector.broadcast %mul3A_321 : i32 to vector<16xi32>
        %mul3A_323 = arith.muli %add3A_294, %mul3A_322 : vector<16xi32>
        %add3A_324 = arith.constant 0 : i32
        %add3A_325 = vector.broadcast %add3A_324 : i32 to vector<16xi32>
        %add3A_326 = arith.addi %mul3A_323, %add3A_325 : vector<16xi32>
        %mul3A_327 = arith.constant 2 : i32
        %mul3A_328 = vector.broadcast %mul3A_327 : i32 to vector<16xi32>
        %mul3A_329 = arith.muli %add3A_296, %mul3A_328 : vector<16xi32>
        %add3A_330 = arith.constant 0 : i32
        %add3A_331 = vector.broadcast %add3A_330 : i32 to vector<16xi32>
        %add3A_332 = arith.addi %mul3A_329, %add3A_331 : vector<16xi32>
        %mul3A_333 = arith.constant 2 : i32
        %mul3A_334 = vector.broadcast %mul3A_333 : i32 to vector<16xi32>
        %mul3A_335 = arith.muli %add3A_298, %mul3A_334 : vector<16xi32>
        %add3A_336 = arith.constant 0 : i32
        %add3A_337 = vector.broadcast %add3A_336 : i32 to vector<16xi32>
        %add3A_338 = arith.addi %mul3A_335, %add3A_337 : vector<16xi32>
        %mul3A_339 = arith.constant 2 : i32
        %mul3A_340 = vector.broadcast %mul3A_339 : i32 to vector<16xi32>
        %mul3A_341 = arith.muli %add3A_300, %mul3A_340 : vector<16xi32>
        %add3A_342 = arith.constant 0 : i32
        %add3A_343 = vector.broadcast %add3A_342 : i32 to vector<16xi32>
        %add3A_344 = arith.addi %mul3A_341, %add3A_343 : vector<16xi32>
        %mul3A_345 = arith.constant 2 : i32
        %mul3A_346 = vector.broadcast %mul3A_345 : i32 to vector<16xi32>
        %mul3A_347 = arith.muli %add3A_302, %mul3A_346 : vector<16xi32>
        %add3A_348 = arith.constant 0 : i32
        %add3A_349 = vector.broadcast %add3A_348 : i32 to vector<16xi32>
        %add3A_350 = arith.addi %mul3A_347, %add3A_349 : vector<16xi32>
        %gather3A_351 = tpu.vector_load_idx %arg5[%add3A_212, %add3A_308] : memref<64x128xf32, #tpu.memory_space<vmem>>[vector<16xi32>, vector<16xi32>], vector<16xf32>,
        %gather3A_352 = tpu.vector_load_idx %arg5[%add3A_212, %add3A_314] : memref<64x128xf32, #tpu.memory_space<vmem>>[vector<16xi32>, vector<16xi32>], vector<16xf32>,
        %gather3A_353 = tpu.vector_load_idx %arg5[%add3A_212, %add3A_320] : memref<64x128xf32, #tpu.memory_space<vmem>>[vector<16xi32>, vector<16xi32>], vector<16xf32>,
        %gather3A_354 = tpu.vector_load_idx %arg5[%add3A_212, %add3A_326] : memref<64x128xf32, #tpu.memory_space<vmem>>[vector<16xi32>, vector<16xi32>], vector<16xf32>,
        %gather3A_355 = tpu.vector_load_idx %arg5[%add3A_212, %add3A_332] : memref<64x128xf32, #tpu.memory_space<vmem>>[vector<16xi32>, vector<16xi32>], vector<16xf32>,
        %gather3A_356 = tpu.vector_load_idx %arg5[%add3A_212, %add3A_338] : memref<64x128xf32, #tpu.memory_space<vmem>>[vector<16xi32>, vector<16xi32>], vector<16xf32>,
        %gather3A_357 = tpu.vector_load_idx %arg5[%add3A_212, %add3A_344] : memref<64x128xf32, #tpu.memory_space<vmem>>[vector<16xi32>, vector<16xi32>], vector<16xf32>,
        %gather3A_358 = tpu.vector_load_idx %arg5[%add3A_212, %add3A_350] : memref<64x128xf32, #tpu.memory_space<vmem>>[vector<16xi32>, vector<16xi32>], vector<16xf32>,
        tpu.vector_store_idx %arg7[%add3A_288, %add3A_215], %gather3A_351 : memref<64x128xf32, #tpu.memory_space<vmem>>[vector<16xi32>, vector<16xi32>], vector<16xf32>,
        tpu.vector_store_idx %arg7[%add3A_290, %add3A_215], %gather3A_352 : memref<64x128xf32, #tpu.memory_space<vmem>>[vector<16xi32>, vector<16xi32>], vector<16xf32>,
        tpu.vector_store_idx %arg7[%add3A_292, %add3A_215], %gather3A_353 : memref<64x128xf32, #tpu.memory_space<vmem>>[vector<16xi32>, vector<16xi32>], vector<16xf32>,
        tpu.vector_store_idx %arg7[%add3A_294, %add3A_215], %gather3A_354 : memref<64x128xf32, #tpu.memory_space<vmem>>[vector<16xi32>, vector<16xi32>], vector<16xf32>,
        tpu.vector_store_idx %arg7[%add3A_296, %add3A_215], %gather3A_355 : memref<64x128xf32, #tpu.memory_space<vmem>>[vector<16xi32>, vector<16xi32>], vector<16xf32>,
        tpu.vector_store_idx %arg7[%add3A_298, %add3A_215], %gather3A_356 : memref<64x128xf32, #tpu.memory_space<vmem>>[vector<16xi32>, vector<16xi32>], vector<16xf32>,
        tpu.vector_store_idx %arg7[%add3A_300, %add3A_215], %gather3A_357 : memref<64x128xf32, #tpu.memory_space<vmem>>[vector<16xi32>, vector<16xi32>], vector<16xf32>,
        tpu.vector_store_idx %arg7[%add3A_302, %add3A_215], %gather3A_358 : memref<64x128xf32, #tpu.memory_space<vmem>>[vector<16xi32>, vector<16xi32>], vector<16xf32>,
        %add3A_359 = arith.constant 16 : i32
        %add3A_360 = vector.broadcast %add3A_359 : i32 to vector<16xi32>
        %add3A_361 = arith.addi %iota3A, %add3A_360 : vector<16xi32>
        %add3A_362 = arith.constant 0 : i32
        %add3A_363 = vector.broadcast %add3A_362 : i32 to vector<16xi32>
        %add3A_364 = arith.addi %add3A_361, %add3A_363 : vector<16xi32>
        %add3A_365 = vector.broadcast %mul3A_209 : i32 to vector<16xi32>
        %add3A_366 = arith.addi %rem3A_5, %add3A_365 : vector<16xi32>
        %add3A_367 = vector.broadcast %mul3A_209 : i32 to vector<16xi32>
        %add3A_368 = arith.addi %rem3A_11, %add3A_367 : vector<16xi32>
        %add3A_369 = vector.broadcast %mul3A_209 : i32 to vector<16xi32>
        %add3A_370 = arith.addi %rem3A_17, %add3A_369 : vector<16xi32>
        %add3A_371 = vector.broadcast %mul3A_209 : i32 to vector<16xi32>
        %add3A_372 = arith.addi %rem3A_23, %add3A_371 : vector<16xi32>
        %add3A_373 = vector.broadcast %mul3A_209 : i32 to vector<16xi32>
        %add3A_374 = arith.addi %rem3A_29, %add3A_373 : vector<16xi32>
        %add3A_375 = vector.broadcast %mul3A_209 : i32 to vector<16xi32>
        %add3A_376 = arith.addi %rem3A_35, %add3A_375 : vector<16xi32>
        %add3A_377 = vector.broadcast %mul3A_209 : i32 to vector<16xi32>
        %add3A_378 = arith.addi %rem3A_41, %add3A_377 : vector<16xi32>
        %add3A_379 = vector.broadcast %mul3A_209 : i32 to vector<16xi32>
        %add3A_380 = arith.addi %rem3A_47, %add3A_379 : vector<16xi32>
        %mul3A_381 = arith.constant 2 : i32
        %mul3A_382 = vector.broadcast %mul3A_381 : i32 to vector<16xi32>
        %mul3A_383 = arith.muli %add3A_366, %mul3A_382 : vector<16xi32>
        %add3A_384 = arith.constant 0 : i32
        %add3A_385 = vector.broadcast %add3A_384 : i32 to vector<16xi32>
        %add3A_386 = arith.addi %mul3A_383, %add3A_385 : vector<16xi32>
        %mul3A_387 = arith.constant 2 : i32
        %mul3A_388 = vector.broadcast %mul3A_387 : i32 to vector<16xi32>
        %mul3A_389 = arith.muli %add3A_368, %mul3A_388 : vector<16xi32>
        %add3A_390 = arith.constant 0 : i32
        %add3A_391 = vector.broadcast %add3A_390 : i32 to vector<16xi32>
        %add3A_392 = arith.addi %mul3A_389, %add3A_391 : vector<16xi32>
        %mul3A_393 = arith.constant 2 : i32
        %mul3A_394 = vector.broadcast %mul3A_393 : i32 to vector<16xi32>
        %mul3A_395 = arith.muli %add3A_370, %mul3A_394 : vector<16xi32>
        %add3A_396 = arith.constant 0 : i32
        %add3A_397 = vector.broadcast %add3A_396 : i32 to vector<16xi32>
        %add3A_398 = arith.addi %mul3A_395, %add3A_397 : vector<16xi32>
        %mul3A_399 = arith.constant 2 : i32
        %mul3A_400 = vector.broadcast %mul3A_399 : i32 to vector<16xi32>
        %mul3A_401 = arith.muli %add3A_372, %mul3A_400 : vector<16xi32>
        %add3A_402 = arith.constant 0 : i32
        %add3A_403 = vector.broadcast %add3A_402 : i32 to vector<16xi32>
        %add3A_404 = arith.addi %mul3A_401, %add3A_403 : vector<16xi32>
        %mul3A_405 = arith.constant 2 : i32
        %mul3A_406 = vector.broadcast %mul3A_405 : i32 to vector<16xi32>
        %mul3A_407 = arith.muli %add3A_374, %mul3A_406 : vector<16xi32>
        %add3A_408 = arith.constant 0 : i32
        %add3A_409 = vector.broadcast %add3A_408 : i32 to vector<16xi32>
        %add3A_410 = arith.addi %mul3A_407, %add3A_409 : vector<16xi32>
        %mul3A_411 = arith.constant 2 : i32
        %mul3A_412 = vector.broadcast %mul3A_411 : i32 to vector<16xi32>
        %mul3A_413 = arith.muli %add3A_376, %mul3A_412 : vector<16xi32>
        %add3A_414 = arith.constant 0 : i32
        %add3A_415 = vector.broadcast %add3A_414 : i32 to vector<16xi32>
        %add3A_416 = arith.addi %mul3A_413, %add3A_415 : vector<16xi32>
        %mul3A_417 = arith.constant 2 : i32
        %mul3A_418 = vector.broadcast %mul3A_417 : i32 to vector<16xi32>
        %mul3A_419 = arith.muli %add3A_378, %mul3A_418 : vector<16xi32>
        %add3A_420 = arith.constant 0 : i32
        %add3A_421 = vector.broadcast %add3A_420 : i32 to vector<16xi32>
        %add3A_422 = arith.addi %mul3A_419, %add3A_421 : vector<16xi32>
        %mul3A_423 = arith.constant 2 : i32
        %mul3A_424 = vector.broadcast %mul3A_423 : i32 to vector<16xi32>
        %mul3A_425 = arith.muli %add3A_380, %mul3A_424 : vector<16xi32>
        %add3A_426 = arith.constant 0 : i32
        %add3A_427 = vector.broadcast %add3A_426 : i32 to vector<16xi32>
        %add3A_428 = arith.addi %mul3A_425, %add3A_427 : vector<16xi32>
        %gather3A_429 = tpu.vector_load_idx %arg5[%add3A_361, %add3A_386] : memref<64x128xf32, #tpu.memory_space<vmem>>[vector<16xi32>, vector<16xi32>], vector<16xf32>,
        %gather3A_430 = tpu.vector_load_idx %arg5[%add3A_361, %add3A_392] : memref<64x128xf32, #tpu.memory_space<vmem>>[vector<16xi32>, vector<16xi32>], vector<16xf32>,
        %gather3A_431 = tpu.vector_load_idx %arg5[%add3A_361, %add3A_398] : memref<64x128xf32, #tpu.memory_space<vmem>>[vector<16xi32>, vector<16xi32>], vector<16xf32>,
        %gather3A_432 = tpu.vector_load_idx %arg5[%add3A_361, %add3A_404] : memref<64x128xf32, #tpu.memory_space<vmem>>[vector<16xi32>, vector<16xi32>], vector<16xf32>,
        %gather3A_433 = tpu.vector_load_idx %arg5[%add3A_361, %add3A_410] : memref<64x128xf32, #tpu.memory_space<vmem>>[vector<16xi32>, vector<16xi32>], vector<16xf32>,
        %gather3A_434 = tpu.vector_load_idx %arg5[%add3A_361, %add3A_416] : memref<64x128xf32, #tpu.memory_space<vmem>>[vector<16xi32>, vector<16xi32>], vector<16xf32>,
        %gather3A_435 = tpu.vector_load_idx %arg5[%add3A_361, %add3A_422] : memref<64x128xf32, #tpu.memory_space<vmem>>[vector<16xi32>, vector<16xi32>], vector<16xf32>,
        %gather3A_436 = tpu.vector_load_idx %arg5[%add3A_361, %add3A_428] : memref<64x128xf32, #tpu.memory_space<vmem>>[vector<16xi32>, vector<16xi32>], vector<16xf32>,
        tpu.vector_store_idx %arg7[%add3A_366, %add3A_364], %gather3A_429 : memref<64x128xf32, #tpu.memory_space<vmem>>[vector<16xi32>, vector<16xi32>], vector<16xf32>,
        tpu.vector_store_idx %arg7[%add3A_368, %add3A_364], %gather3A_430 : memref<64x128xf32, #tpu.memory_space<vmem>>[vector<16xi32>, vector<16xi32>], vector<16xf32>,
        tpu.vector_store_idx %arg7[%add3A_370, %add3A_364], %gather3A_431 : memref<64x128xf32, #tpu.memory_space<vmem>>[vector<16xi32>, vector<16xi32>], vector<16xf32>,
        tpu.vector_store_idx %arg7[%add3A_372, %add3A_364], %gather3A_432 : memref<64x128xf32, #tpu.memory_space<vmem>>[vector<16xi32>, vector<16xi32>], vector<16xf32>,
        tpu.vector_store_idx %arg7[%add3A_374, %add3A_364], %gather3A_433 : memref<64x128xf32, #tpu.memory_space<vmem>>[vector<16xi32>, vector<16xi32>], vector<16xf32>,
        tpu.vector_store_idx %arg7[%add3A_376, %add3A_364], %gather3A_434 : memref<64x128xf32, #tpu.memory_space<vmem>>[vector<16xi32>, vector<16xi32>], vector<16xf32>,
        tpu.vector_store_idx %arg7[%add3A_378, %add3A_364], %gather3A_435 : memref<64x128xf32, #tpu.memory_space<vmem>>[vector<16xi32>, vector<16xi32>], vector<16xf32>,
        tpu.vector_store_idx %arg7[%add3A_380, %add3A_364], %gather3A_436 : memref<64x128xf32, #tpu.memory_space<vmem>>[vector<16xi32>, vector<16xi32>], vector<16xf32>,
        %add3A_437 = vector.broadcast %mul3A_209 : i32 to vector<16xi32>
        %add3A_438 = arith.addi %rem3A_53, %add3A_437 : vector<16xi32>
        %add3A_439 = vector.broadcast %mul3A_209 : i32 to vector<16xi32>
        %add3A_440 = arith.addi %rem3A_59, %add3A_439 : vector<16xi32>
        %add3A_441 = vector.broadcast %mul3A_209 : i32 to vector<16xi32>
        %add3A_442 = arith.addi %rem3A_65, %add3A_441 : vector<16xi32>
        %add3A_443 = vector.broadcast %mul3A_209 : i32 to vector<16xi32>
        %add3A_444 = arith.addi %rem3A_71, %add3A_443 : vector<16xi32>
        %add3A_445 = vector.broadcast %mul3A_209 : i32 to vector<16xi32>
        %add3A_446 = arith.addi %rem3A_77, %add3A_445 : vector<16xi32>
        %add3A_447 = vector.broadcast %mul3A_209 : i32 to vector<16xi32>
        %add3A_448 = arith.addi %rem3A_83, %add3A_447 : vector<16xi32>
        %add3A_449 = vector.broadcast %mul3A_209 : i32 to vector<16xi32>
        %add3A_450 = arith.addi %rem3A_89, %add3A_449 : vector<16xi32>
        %add3A_451 = vector.broadcast %mul3A_209 : i32 to vector<16xi32>
        %add3A_452 = arith.addi %rem3A_95, %add3A_451 : vector<16xi32>
        %mul3A_453 = arith.constant 2 : i32
        %mul3A_454 = vector.broadcast %mul3A_453 : i32 to vector<16xi32>
        %mul3A_455 = arith.muli %add3A_438, %mul3A_454 : vector<16xi32>
        %add3A_456 = arith.constant 0 : i32
        %add3A_457 = vector.broadcast %add3A_456 : i32 to vector<16xi32>
        %add3A_458 = arith.addi %mul3A_455, %add3A_457 : vector<16xi32>
        %mul3A_459 = arith.constant 2 : i32
        %mul3A_460 = vector.broadcast %mul3A_459 : i32 to vector<16xi32>
        %mul3A_461 = arith.muli %add3A_440, %mul3A_460 : vector<16xi32>
        %add3A_462 = arith.constant 0 : i32
        %add3A_463 = vector.broadcast %add3A_462 : i32 to vector<16xi32>
        %add3A_464 = arith.addi %mul3A_461, %add3A_463 : vector<16xi32>
        %mul3A_465 = arith.constant 2 : i32
        %mul3A_466 = vector.broadcast %mul3A_465 : i32 to vector<16xi32>
        %mul3A_467 = arith.muli %add3A_442, %mul3A_466 : vector<16xi32>
        %add3A_468 = arith.constant 0 : i32
        %add3A_469 = vector.broadcast %add3A_468 : i32 to vector<16xi32>
        %add3A_470 = arith.addi %mul3A_467, %add3A_469 : vector<16xi32>
        %mul3A_471 = arith.constant 2 : i32
        %mul3A_472 = vector.broadcast %mul3A_471 : i32 to vector<16xi32>
        %mul3A_473 = arith.muli %add3A_444, %mul3A_472 : vector<16xi32>
        %add3A_474 = arith.constant 0 : i32
        %add3A_475 = vector.broadcast %add3A_474 : i32 to vector<16xi32>
        %add3A_476 = arith.addi %mul3A_473, %add3A_475 : vector<16xi32>
        %mul3A_477 = arith.constant 2 : i32
        %mul3A_478 = vector.broadcast %mul3A_477 : i32 to vector<16xi32>
        %mul3A_479 = arith.muli %add3A_446, %mul3A_478 : vector<16xi32>
        %add3A_480 = arith.constant 0 : i32
        %add3A_481 = vector.broadcast %add3A_480 : i32 to vector<16xi32>
        %add3A_482 = arith.addi %mul3A_479, %add3A_481 : vector<16xi32>
        %mul3A_483 = arith.constant 2 : i32
        %mul3A_484 = vector.broadcast %mul3A_483 : i32 to vector<16xi32>
        %mul3A_485 = arith.muli %add3A_448, %mul3A_484 : vector<16xi32>
        %add3A_486 = arith.constant 0 : i32
        %add3A_487 = vector.broadcast %add3A_486 : i32 to vector<16xi32>
        %add3A_488 = arith.addi %mul3A_485, %add3A_487 : vector<16xi32>
        %mul3A_489 = arith.constant 2 : i32
        %mul3A_490 = vector.broadcast %mul3A_489 : i32 to vector<16xi32>
        %mul3A_491 = arith.muli %add3A_450, %mul3A_490 : vector<16xi32>
        %add3A_492 = arith.constant 0 : i32
        %add3A_493 = vector.broadcast %add3A_492 : i32 to vector<16xi32>
        %add3A_494 = arith.addi %mul3A_491, %add3A_493 : vector<16xi32>
        %mul3A_495 = arith.constant 2 : i32
        %mul3A_496 = vector.broadcast %mul3A_495 : i32 to vector<16xi32>
        %mul3A_497 = arith.muli %add3A_452, %mul3A_496 : vector<16xi32>
        %add3A_498 = arith.constant 0 : i32
        %add3A_499 = vector.broadcast %add3A_498 : i32 to vector<16xi32>
        %add3A_500 = arith.addi %mul3A_497, %add3A_499 : vector<16xi32>
        %gather3A_501 = tpu.vector_load_idx %arg5[%add3A_361, %add3A_458] : memref<64x128xf32, #tpu.memory_space<vmem>>[vector<16xi32>, vector<16xi32>], vector<16xf32>,
        %gather3A_502 = tpu.vector_load_idx %arg5[%add3A_361, %add3A_464] : memref<64x128xf32, #tpu.memory_space<vmem>>[vector<16xi32>, vector<16xi32>], vector<16xf32>,
        %gather3A_503 = tpu.vector_load_idx %arg5[%add3A_361, %add3A_470] : memref<64x128xf32, #tpu.memory_space<vmem>>[vector<16xi32>, vector<16xi32>], vector<16xf32>,
        %gather3A_504 = tpu.vector_load_idx %arg5[%add3A_361, %add3A_476] : memref<64x128xf32, #tpu.memory_space<vmem>>[vector<16xi32>, vector<16xi32>], vector<16xf32>,
        %gather3A_505 = tpu.vector_load_idx %arg5[%add3A_361, %add3A_482] : memref<64x128xf32, #tpu.memory_space<vmem>>[vector<16xi32>, vector<16xi32>], vector<16xf32>,
        %gather3A_506 = tpu.vector_load_idx %arg5[%add3A_361, %add3A_488] : memref<64x128xf32, #tpu.memory_space<vmem>>[vector<16xi32>, vector<16xi32>], vector<16xf32>,
        %gather3A_507 = tpu.vector_load_idx %arg5[%add3A_361, %add3A_494] : memref<64x128xf32, #tpu.memory_space<vmem>>[vector<16xi32>, vector<16xi32>], vector<16xf32>,
        %gather3A_508 = tpu.vector_load_idx %arg5[%add3A_361, %add3A_500] : memref<64x128xf32, #tpu.memory_space<vmem>>[vector<16xi32>, vector<16xi32>], vector<16xf32>,
        tpu.vector_store_idx %arg7[%add3A_438, %add3A_364], %gather3A_501 : memref<64x128xf32, #tpu.memory_space<vmem>>[vector<16xi32>, vector<16xi32>], vector<16xf32>,
        tpu.vector_store_idx %arg7[%add3A_440, %add3A_364], %gather3A_502 : memref<64x128xf32, #tpu.memory_space<vmem>>[vector<16xi32>, vector<16xi32>], vector<16xf32>,
        tpu.vector_store_idx %arg7[%add3A_442, %add3A_364], %gather3A_503 : memref<64x128xf32, #tpu.memory_space<vmem>>[vector<16xi32>, vector<16xi32>], vector<16xf32>,
        tpu.vector_store_idx %arg7[%add3A_444, %add3A_364], %gather3A_504 : memref<64x128xf32, #tpu.memory_space<vmem>>[vector<16xi32>, vector<16xi32>], vector<16xf32>,
        tpu.vector_store_idx %arg7[%add3A_446, %add3A_364], %gather3A_505 : memref<64x128xf32, #tpu.memory_space<vmem>>[vector<16xi32>, vector<16xi32>], vector<16xf32>,
        tpu.vector_store_idx %arg7[%add3A_448, %add3A_364], %gather3A_506 : memref<64x128xf32, #tpu.memory_space<vmem>>[vector<16xi32>, vector<16xi32>], vector<16xf32>,
        tpu.vector_store_idx %arg7[%add3A_450, %add3A_364], %gather3A_507 : memref<64x128xf32, #tpu.memory_space<vmem>>[vector<16xi32>, vector<16xi32>], vector<16xf32>,
        tpu.vector_store_idx %arg7[%add3A_452, %add3A_364], %gather3A_508 : memref<64x128xf32, #tpu.memory_space<vmem>>[vector<16xi32>, vector<16xi32>], vector<16xf32>,
        %add3A_509 = arith.constant 32 : i32
        %add3A_510 = vector.broadcast %add3A_509 : i32 to vector<16xi32>
        %add3A_511 = arith.addi %iota3A, %add3A_510 : vector<16xi32>
        %add3A_512 = arith.constant 0 : i32
        %add3A_513 = vector.broadcast %add3A_512 : i32 to vector<16xi32>
        %add3A_514 = arith.addi %add3A_511, %add3A_513 : vector<16xi32>
        %add3A_515 = vector.broadcast %mul3A_209 : i32 to vector<16xi32>
        %add3A_516 = arith.addi %rem3A_5, %add3A_515 : vector<16xi32>
        %add3A_517 = vector.broadcast %mul3A_209 : i32 to vector<16xi32>
        %add3A_518 = arith.addi %rem3A_11, %add3A_517 : vector<16xi32>
        %add3A_519 = vector.broadcast %mul3A_209 : i32 to vector<16xi32>
        %add3A_520 = arith.addi %rem3A_17, %add3A_519 : vector<16xi32>
        %add3A_521 = vector.broadcast %mul3A_209 : i32 to vector<16xi32>
        %add3A_522 = arith.addi %rem3A_23, %add3A_521 : vector<16xi32>
        %add3A_523 = vector.broadcast %mul3A_209 : i32 to vector<16xi32>
        %add3A_524 = arith.addi %rem3A_29, %add3A_523 : vector<16xi32>
        %add3A_525 = vector.broadcast %mul3A_209 : i32 to vector<16xi32>
        %add3A_526 = arith.addi %rem3A_35, %add3A_525 : vector<16xi32>
        %add3A_527 = vector.broadcast %mul3A_209 : i32 to vector<16xi32>
        %add3A_528 = arith.addi %rem3A_41, %add3A_527 : vector<16xi32>
        %add3A_529 = vector.broadcast %mul3A_209 : i32 to vector<16xi32>
        %add3A_530 = arith.addi %rem3A_47, %add3A_529 : vector<16xi32>
        %mul3A_531 = arith.constant 2 : i32
        %mul3A_532 = vector.broadcast %mul3A_531 : i32 to vector<16xi32>
        %mul3A_533 = arith.muli %add3A_516, %mul3A_532 : vector<16xi32>
        %add3A_534 = arith.constant 0 : i32
        %add3A_535 = vector.broadcast %add3A_534 : i32 to vector<16xi32>
        %add3A_536 = arith.addi %mul3A_533, %add3A_535 : vector<16xi32>
        %mul3A_537 = arith.constant 2 : i32
        %mul3A_538 = vector.broadcast %mul3A_537 : i32 to vector<16xi32>
        %mul3A_539 = arith.muli %add3A_518, %mul3A_538 : vector<16xi32>
        %add3A_540 = arith.constant 0 : i32
        %add3A_541 = vector.broadcast %add3A_540 : i32 to vector<16xi32>
        %add3A_542 = arith.addi %mul3A_539, %add3A_541 : vector<16xi32>
        %mul3A_543 = arith.constant 2 : i32
        %mul3A_544 = vector.broadcast %mul3A_543 : i32 to vector<16xi32>
        %mul3A_545 = arith.muli %add3A_520, %mul3A_544 : vector<16xi32>
        %add3A_546 = arith.constant 0 : i32
        %add3A_547 = vector.broadcast %add3A_546 : i32 to vector<16xi32>
        %add3A_548 = arith.addi %mul3A_545, %add3A_547 : vector<16xi32>
        %mul3A_549 = arith.constant 2 : i32
        %mul3A_550 = vector.broadcast %mul3A_549 : i32 to vector<16xi32>
        %mul3A_551 = arith.muli %add3A_522, %mul3A_550 : vector<16xi32>
        %add3A_552 = arith.constant 0 : i32
        %add3A_553 = vector.broadcast %add3A_552 : i32 to vector<16xi32>
        %add3A_554 = arith.addi %mul3A_551, %add3A_553 : vector<16xi32>
        %mul3A_555 = arith.constant 2 : i32
        %mul3A_556 = vector.broadcast %mul3A_555 : i32 to vector<16xi32>
        %mul3A_557 = arith.muli %add3A_524, %mul3A_556 : vector<16xi32>
        %add3A_558 = arith.constant 0 : i32
        %add3A_559 = vector.broadcast %add3A_558 : i32 to vector<16xi32>
        %add3A_560 = arith.addi %mul3A_557, %add3A_559 : vector<16xi32>
        %mul3A_561 = arith.constant 2 : i32
        %mul3A_562 = vector.broadcast %mul3A_561 : i32 to vector<16xi32>
        %mul3A_563 = arith.muli %add3A_526, %mul3A_562 : vector<16xi32>
        %add3A_564 = arith.constant 0 : i32
        %add3A_565 = vector.broadcast %add3A_564 : i32 to vector<16xi32>
        %add3A_566 = arith.addi %mul3A_563, %add3A_565 : vector<16xi32>
        %mul3A_567 = arith.constant 2 : i32
        %mul3A_568 = vector.broadcast %mul3A_567 : i32 to vector<16xi32>
        %mul3A_569 = arith.muli %add3A_528, %mul3A_568 : vector<16xi32>
        %add3A_570 = arith.constant 0 : i32
        %add3A_571 = vector.broadcast %add3A_570 : i32 to vector<16xi32>
        %add3A_572 = arith.addi %mul3A_569, %add3A_571 : vector<16xi32>
        %mul3A_573 = arith.constant 2 : i32
        %mul3A_574 = vector.broadcast %mul3A_573 : i32 to vector<16xi32>
        %mul3A_575 = arith.muli %add3A_530, %mul3A_574 : vector<16xi32>
        %add3A_576 = arith.constant 0 : i32
        %add3A_577 = vector.broadcast %add3A_576 : i32 to vector<16xi32>
        %add3A_578 = arith.addi %mul3A_575, %add3A_577 : vector<16xi32>
        %gather3A_579 = tpu.vector_load_idx %arg5[%add3A_511, %add3A_536] : memref<64x128xf32, #tpu.memory_space<vmem>>[vector<16xi32>, vector<16xi32>], vector<16xf32>,
        %gather3A_580 = tpu.vector_load_idx %arg5[%add3A_511, %add3A_542] : memref<64x128xf32, #tpu.memory_space<vmem>>[vector<16xi32>, vector<16xi32>], vector<16xf32>,
        %gather3A_581 = tpu.vector_load_idx %arg5[%add3A_511, %add3A_548] : memref<64x128xf32, #tpu.memory_space<vmem>>[vector<16xi32>, vector<16xi32>], vector<16xf32>,
        %gather3A_582 = tpu.vector_load_idx %arg5[%add3A_511, %add3A_554] : memref<64x128xf32, #tpu.memory_space<vmem>>[vector<16xi32>, vector<16xi32>], vector<16xf32>,
        %gather3A_583 = tpu.vector_load_idx %arg5[%add3A_511, %add3A_560] : memref<64x128xf32, #tpu.memory_space<vmem>>[vector<16xi32>, vector<16xi32>], vector<16xf32>,
        %gather3A_584 = tpu.vector_load_idx %arg5[%add3A_511, %add3A_566] : memref<64x128xf32, #tpu.memory_space<vmem>>[vector<16xi32>, vector<16xi32>], vector<16xf32>,
        %gather3A_585 = tpu.vector_load_idx %arg5[%add3A_511, %add3A_572] : memref<64x128xf32, #tpu.memory_space<vmem>>[vector<16xi32>, vector<16xi32>], vector<16xf32>,
        %gather3A_586 = tpu.vector_load_idx %arg5[%add3A_511, %add3A_578] : memref<64x128xf32, #tpu.memory_space<vmem>>[vector<16xi32>, vector<16xi32>], vector<16xf32>,
        tpu.vector_store_idx %arg7[%add3A_516, %add3A_514], %gather3A_579 : memref<64x128xf32, #tpu.memory_space<vmem>>[vector<16xi32>, vector<16xi32>], vector<16xf32>,
        tpu.vector_store_idx %arg7[%add3A_518, %add3A_514], %gather3A_580 : memref<64x128xf32, #tpu.memory_space<vmem>>[vector<16xi32>, vector<16xi32>], vector<16xf32>,
        tpu.vector_store_idx %arg7[%add3A_520, %add3A_514], %gather3A_581 : memref<64x128xf32, #tpu.memory_space<vmem>>[vector<16xi32>, vector<16xi32>], vector<16xf32>,
        tpu.vector_store_idx %arg7[%add3A_522, %add3A_514], %gather3A_582 : memref<64x128xf32, #tpu.memory_space<vmem>>[vector<16xi32>, vector<16xi32>], vector<16xf32>,
        tpu.vector_store_idx %arg7[%add3A_524, %add3A_514], %gather3A_583 : memref<64x128xf32, #tpu.memory_space<vmem>>[vector<16xi32>, vector<16xi32>], vector<16xf32>,
        tpu.vector_store_idx %arg7[%add3A_526, %add3A_514], %gather3A_584 : memref<64x128xf32, #tpu.memory_space<vmem>>[vector<16xi32>, vector<16xi32>], vector<16xf32>,
        tpu.vector_store_idx %arg7[%add3A_528, %add3A_514], %gather3A_585 : memref<64x128xf32, #tpu.memory_space<vmem>>[vector<16xi32>, vector<16xi32>], vector<16xf32>,
        tpu.vector_store_idx %arg7[%add3A_530, %add3A_514], %gather3A_586 : memref<64x128xf32, #tpu.memory_space<vmem>>[vector<16xi32>, vector<16xi32>], vector<16xf32>,
        %add3A_587 = vector.broadcast %mul3A_209 : i32 to vector<16xi32>
        %add3A_588 = arith.addi %rem3A_53, %add3A_587 : vector<16xi32>
        %add3A_589 = vector.broadcast %mul3A_209 : i32 to vector<16xi32>
        %add3A_590 = arith.addi %rem3A_59, %add3A_589 : vector<16xi32>
        %add3A_591 = vector.broadcast %mul3A_209 : i32 to vector<16xi32>
        %add3A_592 = arith.addi %rem3A_65, %add3A_591 : vector<16xi32>
        %add3A_593 = vector.broadcast %mul3A_209 : i32 to vector<16xi32>
        %add3A_594 = arith.addi %rem3A_71, %add3A_593 : vector<16xi32>
        %add3A_595 = vector.broadcast %mul3A_209 : i32 to vector<16xi32>
        %add3A_596 = arith.addi %rem3A_77, %add3A_595 : vector<16xi32>
        %add3A_597 = vector.broadcast %mul3A_209 : i32 to vector<16xi32>
        %add3A_598 = arith.addi %rem3A_83, %add3A_597 : vector<16xi32>
        %add3A_599 = vector.broadcast %mul3A_209 : i32 to vector<16xi32>
        %add3A_600 = arith.addi %rem3A_89, %add3A_599 : vector<16xi32>
        %add3A_601 = vector.broadcast %mul3A_209 : i32 to vector<16xi32>
        %add3A_602 = arith.addi %rem3A_95, %add3A_601 : vector<16xi32>
        %mul3A_603 = arith.constant 2 : i32
        %mul3A_604 = vector.broadcast %mul3A_603 : i32 to vector<16xi32>
        %mul3A_605 = arith.muli %add3A_588, %mul3A_604 : vector<16xi32>
        %add3A_606 = arith.constant 0 : i32
        %add3A_607 = vector.broadcast %add3A_606 : i32 to vector<16xi32>
        %add3A_608 = arith.addi %mul3A_605, %add3A_607 : vector<16xi32>
        %mul3A_609 = arith.constant 2 : i32
        %mul3A_610 = vector.broadcast %mul3A_609 : i32 to vector<16xi32>
        %mul3A_611 = arith.muli %add3A_590, %mul3A_610 : vector<16xi32>
        %add3A_612 = arith.constant 0 : i32
        %add3A_613 = vector.broadcast %add3A_612 : i32 to vector<16xi32>
        %add3A_614 = arith.addi %mul3A_611, %add3A_613 : vector<16xi32>
        %mul3A_615 = arith.constant 2 : i32
        %mul3A_616 = vector.broadcast %mul3A_615 : i32 to vector<16xi32>
        %mul3A_617 = arith.muli %add3A_592, %mul3A_616 : vector<16xi32>
        %add3A_618 = arith.constant 0 : i32
        %add3A_619 = vector.broadcast %add3A_618 : i32 to vector<16xi32>
        %add3A_620 = arith.addi %mul3A_617, %add3A_619 : vector<16xi32>
        %mul3A_621 = arith.constant 2 : i32
        %mul3A_622 = vector.broadcast %mul3A_621 : i32 to vector<16xi32>
        %mul3A_623 = arith.muli %add3A_594, %mul3A_622 : vector<16xi32>
        %add3A_624 = arith.constant 0 : i32
        %add3A_625 = vector.broadcast %add3A_624 : i32 to vector<16xi32>
        %add3A_626 = arith.addi %mul3A_623, %add3A_625 : vector<16xi32>
        %mul3A_627 = arith.constant 2 : i32
        %mul3A_628 = vector.broadcast %mul3A_627 : i32 to vector<16xi32>
        %mul3A_629 = arith.muli %add3A_596, %mul3A_628 : vector<16xi32>
        %add3A_630 = arith.constant 0 : i32
        %add3A_631 = vector.broadcast %add3A_630 : i32 to vector<16xi32>
        %add3A_632 = arith.addi %mul3A_629, %add3A_631 : vector<16xi32>
        %mul3A_633 = arith.constant 2 : i32
        %mul3A_634 = vector.broadcast %mul3A_633 : i32 to vector<16xi32>
        %mul3A_635 = arith.muli %add3A_598, %mul3A_634 : vector<16xi32>
        %add3A_636 = arith.constant 0 : i32
        %add3A_637 = vector.broadcast %add3A_636 : i32 to vector<16xi32>
        %add3A_638 = arith.addi %mul3A_635, %add3A_637 : vector<16xi32>
        %mul3A_639 = arith.constant 2 : i32
        %mul3A_640 = vector.broadcast %mul3A_639 : i32 to vector<16xi32>
        %mul3A_641 = arith.muli %add3A_600, %mul3A_640 : vector<16xi32>
        %add3A_642 = arith.constant 0 : i32
        %add3A_643 = vector.broadcast %add3A_642 : i32 to vector<16xi32>
        %add3A_644 = arith.addi %mul3A_641, %add3A_643 : vector<16xi32>
        %mul3A_645 = arith.constant 2 : i32
        %mul3A_646 = vector.broadcast %mul3A_645 : i32 to vector<16xi32>
        %mul3A_647 = arith.muli %add3A_602, %mul3A_646 : vector<16xi32>
        %add3A_648 = arith.constant 0 : i32
        %add3A_649 = vector.broadcast %add3A_648 : i32 to vector<16xi32>
        %add3A_650 = arith.addi %mul3A_647, %add3A_649 : vector<16xi32>
        %gather3A_651 = tpu.vector_load_idx %arg5[%add3A_511, %add3A_608] : memref<64x128xf32, #tpu.memory_space<vmem>>[vector<16xi32>, vector<16xi32>], vector<16xf32>,
        %gather3A_652 = tpu.vector_load_idx %arg5[%add3A_511, %add3A_614] : memref<64x128xf32, #tpu.memory_space<vmem>>[vector<16xi32>, vector<16xi32>], vector<16xf32>,
        %gather3A_653 = tpu.vector_load_idx %arg5[%add3A_511, %add3A_620] : memref<64x128xf32, #tpu.memory_space<vmem>>[vector<16xi32>, vector<16xi32>], vector<16xf32>,
        %gather3A_654 = tpu.vector_load_idx %arg5[%add3A_511, %add3A_626] : memref<64x128xf32, #tpu.memory_space<vmem>>[vector<16xi32>, vector<16xi32>], vector<16xf32>,
        %gather3A_655 = tpu.vector_load_idx %arg5[%add3A_511, %add3A_632] : memref<64x128xf32, #tpu.memory_space<vmem>>[vector<16xi32>, vector<16xi32>], vector<16xf32>,
        %gather3A_656 = tpu.vector_load_idx %arg5[%add3A_511, %add3A_638] : memref<64x128xf32, #tpu.memory_space<vmem>>[vector<16xi32>, vector<16xi32>], vector<16xf32>,
        %gather3A_657 = tpu.vector_load_idx %arg5[%add3A_511, %add3A_644] : memref<64x128xf32, #tpu.memory_space<vmem>>[vector<16xi32>, vector<16xi32>], vector<16xf32>,
        %gather3A_658 = tpu.vector_load_idx %arg5[%add3A_511, %add3A_650] : memref<64x128xf32, #tpu.memory_space<vmem>>[vector<16xi32>, vector<16xi32>], vector<16xf32>,
        tpu.vector_store_idx %arg7[%add3A_588, %add3A_514], %gather3A_651 : memref<64x128xf32, #tpu.memory_space<vmem>>[vector<16xi32>, vector<16xi32>], vector<16xf32>,
        tpu.vector_store_idx %arg7[%add3A_590, %add3A_514], %gather3A_652 : memref<64x128xf32, #tpu.memory_space<vmem>>[vector<16xi32>, vector<16xi32>], vector<16xf32>,
        tpu.vector_store_idx %arg7[%add3A_592, %add3A_514], %gather3A_653 : memref<64x128xf32, #tpu.memory_space<vmem>>[vector<16xi32>, vector<16xi32>], vector<16xf32>,
        tpu.vector_store_idx %arg7[%add3A_594, %add3A_514], %gather3A_654 : memref<64x128xf32, #tpu.memory_space<vmem>>[vector<16xi32>, vector<16xi32>], vector<16xf32>,
        tpu.vector_store_idx %arg7[%add3A_596, %add3A_514], %gather3A_655 : memref<64x128xf32, #tpu.memory_space<vmem>>[vector<16xi32>, vector<16xi32>], vector<16xf32>,
        tpu.vector_store_idx %arg7[%add3A_598, %add3A_514], %gather3A_656 : memref<64x128xf32, #tpu.memory_space<vmem>>[vector<16xi32>, vector<16xi32>], vector<16xf32>,
        tpu.vector_store_idx %arg7[%add3A_600, %add3A_514], %gather3A_657 : memref<64x128xf32, #tpu.memory_space<vmem>>[vector<16xi32>, vector<16xi32>], vector<16xf32>,
        tpu.vector_store_idx %arg7[%add3A_602, %add3A_514], %gather3A_658 : memref<64x128xf32, #tpu.memory_space<vmem>>[vector<16xi32>, vector<16xi32>], vector<16xf32>,
        %add3A_659 = arith.constant 48 : i32
        %add3A_660 = vector.broadcast %add3A_659 : i32 to vector<16xi32>
        %add3A_661 = arith.addi %iota3A, %add3A_660 : vector<16xi32>
        %add3A_662 = arith.constant 0 : i32
        %add3A_663 = vector.broadcast %add3A_662 : i32 to vector<16xi32>
        %add3A_664 = arith.addi %add3A_661, %add3A_663 : vector<16xi32>
        %add3A_665 = vector.broadcast %mul3A_209 : i32 to vector<16xi32>
        %add3A_666 = arith.addi %rem3A_5, %add3A_665 : vector<16xi32>
        %add3A_667 = vector.broadcast %mul3A_209 : i32 to vector<16xi32>
        %add3A_668 = arith.addi %rem3A_11, %add3A_667 : vector<16xi32>
        %add3A_669 = vector.broadcast %mul3A_209 : i32 to vector<16xi32>
        %add3A_670 = arith.addi %rem3A_17, %add3A_669 : vector<16xi32>
        %add3A_671 = vector.broadcast %mul3A_209 : i32 to vector<16xi32>
        %add3A_672 = arith.addi %rem3A_23, %add3A_671 : vector<16xi32>
        %add3A_673 = vector.broadcast %mul3A_209 : i32 to vector<16xi32>
        %add3A_674 = arith.addi %rem3A_29, %add3A_673 : vector<16xi32>
        %add3A_675 = vector.broadcast %mul3A_209 : i32 to vector<16xi32>
        %add3A_676 = arith.addi %rem3A_35, %add3A_675 : vector<16xi32>
        %add3A_677 = vector.broadcast %mul3A_209 : i32 to vector<16xi32>
        %add3A_678 = arith.addi %rem3A_41, %add3A_677 : vector<16xi32>
        %add3A_679 = vector.broadcast %mul3A_209 : i32 to vector<16xi32>
        %add3A_680 = arith.addi %rem3A_47, %add3A_679 : vector<16xi32>
        %mul3A_681 = arith.constant 2 : i32
        %mul3A_682 = vector.broadcast %mul3A_681 : i32 to vector<16xi32>
        %mul3A_683 = arith.muli %add3A_666, %mul3A_682 : vector<16xi32>
        %add3A_684 = arith.constant 0 : i32
        %add3A_685 = vector.broadcast %add3A_684 : i32 to vector<16xi32>
        %add3A_686 = arith.addi %mul3A_683, %add3A_685 : vector<16xi32>
        %mul3A_687 = arith.constant 2 : i32
        %mul3A_688 = vector.broadcast %mul3A_687 : i32 to vector<16xi32>
        %mul3A_689 = arith.muli %add3A_668, %mul3A_688 : vector<16xi32>
        %add3A_690 = arith.constant 0 : i32
        %add3A_691 = vector.broadcast %add3A_690 : i32 to vector<16xi32>
        %add3A_692 = arith.addi %mul3A_689, %add3A_691 : vector<16xi32>
        %mul3A_693 = arith.constant 2 : i32
        %mul3A_694 = vector.broadcast %mul3A_693 : i32 to vector<16xi32>
        %mul3A_695 = arith.muli %add3A_670, %mul3A_694 : vector<16xi32>
        %add3A_696 = arith.constant 0 : i32
        %add3A_697 = vector.broadcast %add3A_696 : i32 to vector<16xi32>
        %add3A_698 = arith.addi %mul3A_695, %add3A_697 : vector<16xi32>
        %mul3A_699 = arith.constant 2 : i32
        %mul3A_700 = vector.broadcast %mul3A_699 : i32 to vector<16xi32>
        %mul3A_701 = arith.muli %add3A_672, %mul3A_700 : vector<16xi32>
        %add3A_702 = arith.constant 0 : i32
        %add3A_703 = vector.broadcast %add3A_702 : i32 to vector<16xi32>
        %add3A_704 = arith.addi %mul3A_701, %add3A_703 : vector<16xi32>
        %mul3A_705 = arith.constant 2 : i32
        %mul3A_706 = vector.broadcast %mul3A_705 : i32 to vector<16xi32>
        %mul3A_707 = arith.muli %add3A_674, %mul3A_706 : vector<16xi32>
        %add3A_708 = arith.constant 0 : i32
        %add3A_709 = vector.broadcast %add3A_708 : i32 to vector<16xi32>
        %add3A_710 = arith.addi %mul3A_707, %add3A_709 : vector<16xi32>
        %mul3A_711 = arith.constant 2 : i32
        %mul3A_712 = vector.broadcast %mul3A_711 : i32 to vector<16xi32>
        %mul3A_713 = arith.muli %add3A_676, %mul3A_712 : vector<16xi32>
        %add3A_714 = arith.constant 0 : i32
        %add3A_715 = vector.broadcast %add3A_714 : i32 to vector<16xi32>
        %add3A_716 = arith.addi %mul3A_713, %add3A_715 : vector<16xi32>
        %mul3A_717 = arith.constant 2 : i32
        %mul3A_718 = vector.broadcast %mul3A_717 : i32 to vector<16xi32>
        %mul3A_719 = arith.muli %add3A_678, %mul3A_718 : vector<16xi32>
        %add3A_720 = arith.constant 0 : i32
        %add3A_721 = vector.broadcast %add3A_720 : i32 to vector<16xi32>
        %add3A_722 = arith.addi %mul3A_719, %add3A_721 : vector<16xi32>
        %mul3A_723 = arith.constant 2 : i32
        %mul3A_724 = vector.broadcast %mul3A_723 : i32 to vector<16xi32>
        %mul3A_725 = arith.muli %add3A_680, %mul3A_724 : vector<16xi32>
        %add3A_726 = arith.constant 0 : i32
        %add3A_727 = vector.broadcast %add3A_726 : i32 to vector<16xi32>
        %add3A_728 = arith.addi %mul3A_725, %add3A_727 : vector<16xi32>
        %gather3A_729 = tpu.vector_load_idx %arg5[%add3A_661, %add3A_686] : memref<64x128xf32, #tpu.memory_space<vmem>>[vector<16xi32>, vector<16xi32>], vector<16xf32>,
        %gather3A_730 = tpu.vector_load_idx %arg5[%add3A_661, %add3A_692] : memref<64x128xf32, #tpu.memory_space<vmem>>[vector<16xi32>, vector<16xi32>], vector<16xf32>,
        %gather3A_731 = tpu.vector_load_idx %arg5[%add3A_661, %add3A_698] : memref<64x128xf32, #tpu.memory_space<vmem>>[vector<16xi32>, vector<16xi32>], vector<16xf32>,
        %gather3A_732 = tpu.vector_load_idx %arg5[%add3A_661, %add3A_704] : memref<64x128xf32, #tpu.memory_space<vmem>>[vector<16xi32>, vector<16xi32>], vector<16xf32>,
        %gather3A_733 = tpu.vector_load_idx %arg5[%add3A_661, %add3A_710] : memref<64x128xf32, #tpu.memory_space<vmem>>[vector<16xi32>, vector<16xi32>], vector<16xf32>,
        %gather3A_734 = tpu.vector_load_idx %arg5[%add3A_661, %add3A_716] : memref<64x128xf32, #tpu.memory_space<vmem>>[vector<16xi32>, vector<16xi32>], vector<16xf32>,
        %gather3A_735 = tpu.vector_load_idx %arg5[%add3A_661, %add3A_722] : memref<64x128xf32, #tpu.memory_space<vmem>>[vector<16xi32>, vector<16xi32>], vector<16xf32>,
        %gather3A_736 = tpu.vector_load_idx %arg5[%add3A_661, %add3A_728] : memref<64x128xf32, #tpu.memory_space<vmem>>[vector<16xi32>, vector<16xi32>], vector<16xf32>,
        tpu.vector_store_idx %arg7[%add3A_666, %add3A_664], %gather3A_729 : memref<64x128xf32, #tpu.memory_space<vmem>>[vector<16xi32>, vector<16xi32>], vector<16xf32>,
        tpu.vector_store_idx %arg7[%add3A_668, %add3A_664], %gather3A_730 : memref<64x128xf32, #tpu.memory_space<vmem>>[vector<16xi32>, vector<16xi32>], vector<16xf32>,
        tpu.vector_store_idx %arg7[%add3A_670, %add3A_664], %gather3A_731 : memref<64x128xf32, #tpu.memory_space<vmem>>[vector<16xi32>, vector<16xi32>], vector<16xf32>,
        tpu.vector_store_idx %arg7[%add3A_672, %add3A_664], %gather3A_732 : memref<64x128xf32, #tpu.memory_space<vmem>>[vector<16xi32>, vector<16xi32>], vector<16xf32>,
        tpu.vector_store_idx %arg7[%add3A_674, %add3A_664], %gather3A_733 : memref<64x128xf32, #tpu.memory_space<vmem>>[vector<16xi32>, vector<16xi32>], vector<16xf32>,
        tpu.vector_store_idx %arg7[%add3A_676, %add3A_664], %gather3A_734 : memref<64x128xf32, #tpu.memory_space<vmem>>[vector<16xi32>, vector<16xi32>], vector<16xf32>,
        tpu.vector_store_idx %arg7[%add3A_678, %add3A_664], %gather3A_735 : memref<64x128xf32, #tpu.memory_space<vmem>>[vector<16xi32>, vector<16xi32>], vector<16xf32>,
        tpu.vector_store_idx %arg7[%add3A_680, %add3A_664], %gather3A_736 : memref<64x128xf32, #tpu.memory_space<vmem>>[vector<16xi32>, vector<16xi32>], vector<16xf32>,
        %add3A_737 = vector.broadcast %mul3A_209 : i32 to vector<16xi32>
        %add3A_738 = arith.addi %rem3A_53, %add3A_737 : vector<16xi32>
        %add3A_739 = vector.broadcast %mul3A_209 : i32 to vector<16xi32>
        %add3A_740 = arith.addi %rem3A_59, %add3A_739 : vector<16xi32>
        %add3A_741 = vector.broadcast %mul3A_209 : i32 to vector<16xi32>
        %add3A_742 = arith.addi %rem3A_65, %add3A_741 : vector<16xi32>
        %add3A_743 = vector.broadcast %mul3A_209 : i32 to vector<16xi32>
        %add3A_744 = arith.addi %rem3A_71, %add3A_743 : vector<16xi32>
        %add3A_745 = vector.broadcast %mul3A_209 : i32 to vector<16xi32>
        %add3A_746 = arith.addi %rem3A_77, %add3A_745 : vector<16xi32>
        %add3A_747 = vector.broadcast %mul3A_209 : i32 to vector<16xi32>
        %add3A_748 = arith.addi %rem3A_83, %add3A_747 : vector<16xi32>
        %add3A_749 = vector.broadcast %mul3A_209 : i32 to vector<16xi32>
        %add3A_750 = arith.addi %rem3A_89, %add3A_749 : vector<16xi32>
        %add3A_751 = vector.broadcast %mul3A_209 : i32 to vector<16xi32>
        %add3A_752 = arith.addi %rem3A_95, %add3A_751 : vector<16xi32>
        %mul3A_753 = arith.constant 2 : i32
        %mul3A_754 = vector.broadcast %mul3A_753 : i32 to vector<16xi32>
        %mul3A_755 = arith.muli %add3A_738, %mul3A_754 : vector<16xi32>
        %add3A_756 = arith.constant 0 : i32
        %add3A_757 = vector.broadcast %add3A_756 : i32 to vector<16xi32>
        %add3A_758 = arith.addi %mul3A_755, %add3A_757 : vector<16xi32>
        %mul3A_759 = arith.constant 2 : i32
        %mul3A_760 = vector.broadcast %mul3A_759 : i32 to vector<16xi32>
        %mul3A_761 = arith.muli %add3A_740, %mul3A_760 : vector<16xi32>
        %add3A_762 = arith.constant 0 : i32
        %add3A_763 = vector.broadcast %add3A_762 : i32 to vector<16xi32>
        %add3A_764 = arith.addi %mul3A_761, %add3A_763 : vector<16xi32>
        %mul3A_765 = arith.constant 2 : i32
        %mul3A_766 = vector.broadcast %mul3A_765 : i32 to vector<16xi32>
        %mul3A_767 = arith.muli %add3A_742, %mul3A_766 : vector<16xi32>
        %add3A_768 = arith.constant 0 : i32
        %add3A_769 = vector.broadcast %add3A_768 : i32 to vector<16xi32>
        %add3A_770 = arith.addi %mul3A_767, %add3A_769 : vector<16xi32>
        %mul3A_771 = arith.constant 2 : i32
        %mul3A_772 = vector.broadcast %mul3A_771 : i32 to vector<16xi32>
        %mul3A_773 = arith.muli %add3A_744, %mul3A_772 : vector<16xi32>
        %add3A_774 = arith.constant 0 : i32
        %add3A_775 = vector.broadcast %add3A_774 : i32 to vector<16xi32>
        %add3A_776 = arith.addi %mul3A_773, %add3A_775 : vector<16xi32>
        %mul3A_777 = arith.constant 2 : i32
        %mul3A_778 = vector.broadcast %mul3A_777 : i32 to vector<16xi32>
        %mul3A_779 = arith.muli %add3A_746, %mul3A_778 : vector<16xi32>
        %add3A_780 = arith.constant 0 : i32
        %add3A_781 = vector.broadcast %add3A_780 : i32 to vector<16xi32>
        %add3A_782 = arith.addi %mul3A_779, %add3A_781 : vector<16xi32>
        %mul3A_783 = arith.constant 2 : i32
        %mul3A_784 = vector.broadcast %mul3A_783 : i32 to vector<16xi32>
        %mul3A_785 = arith.muli %add3A_748, %mul3A_784 : vector<16xi32>
        %add3A_786 = arith.constant 0 : i32
        %add3A_787 = vector.broadcast %add3A_786 : i32 to vector<16xi32>
        %add3A_788 = arith.addi %mul3A_785, %add3A_787 : vector<16xi32>
        %mul3A_789 = arith.constant 2 : i32
        %mul3A_790 = vector.broadcast %mul3A_789 : i32 to vector<16xi32>
        %mul3A_791 = arith.muli %add3A_750, %mul3A_790 : vector<16xi32>
        %add3A_792 = arith.constant 0 : i32
        %add3A_793 = vector.broadcast %add3A_792 : i32 to vector<16xi32>
        %add3A_794 = arith.addi %mul3A_791, %add3A_793 : vector<16xi32>
        %mul3A_795 = arith.constant 2 : i32
        %mul3A_796 = vector.broadcast %mul3A_795 : i32 to vector<16xi32>
        %mul3A_797 = arith.muli %add3A_752, %mul3A_796 : vector<16xi32>
        %add3A_798 = arith.constant 0 : i32
        %add3A_799 = vector.broadcast %add3A_798 : i32 to vector<16xi32>
        %add3A_800 = arith.addi %mul3A_797, %add3A_799 : vector<16xi32>
        %gather3A_801 = tpu.vector_load_idx %arg5[%add3A_661, %add3A_758] : memref<64x128xf32, #tpu.memory_space<vmem>>[vector<16xi32>, vector<16xi32>], vector<16xf32>,
        %gather3A_802 = tpu.vector_load_idx %arg5[%add3A_661, %add3A_764] : memref<64x128xf32, #tpu.memory_space<vmem>>[vector<16xi32>, vector<16xi32>], vector<16xf32>,
        %gather3A_803 = tpu.vector_load_idx %arg5[%add3A_661, %add3A_770] : memref<64x128xf32, #tpu.memory_space<vmem>>[vector<16xi32>, vector<16xi32>], vector<16xf32>,
        %gather3A_804 = tpu.vector_load_idx %arg5[%add3A_661, %add3A_776] : memref<64x128xf32, #tpu.memory_space<vmem>>[vector<16xi32>, vector<16xi32>], vector<16xf32>,
        %gather3A_805 = tpu.vector_load_idx %arg5[%add3A_661, %add3A_782] : memref<64x128xf32, #tpu.memory_space<vmem>>[vector<16xi32>, vector<16xi32>], vector<16xf32>,
        %gather3A_806 = tpu.vector_load_idx %arg5[%add3A_661, %add3A_788] : memref<64x128xf32, #tpu.memory_space<vmem>>[vector<16xi32>, vector<16xi32>], vector<16xf32>,
        %gather3A_807 = tpu.vector_load_idx %arg5[%add3A_661, %add3A_794] : memref<64x128xf32, #tpu.memory_space<vmem>>[vector<16xi32>, vector<16xi32>], vector<16xf32>,
        %gather3A_808 = tpu.vector_load_idx %arg5[%add3A_661, %add3A_800] : memref<64x128xf32, #tpu.memory_space<vmem>>[vector<16xi32>, vector<16xi32>], vector<16xf32>,
        tpu.vector_store_idx %arg7[%add3A_738, %add3A_664], %gather3A_801 : memref<64x128xf32, #tpu.memory_space<vmem>>[vector<16xi32>, vector<16xi32>], vector<16xf32>,
        tpu.vector_store_idx %arg7[%add3A_740, %add3A_664], %gather3A_802 : memref<64x128xf32, #tpu.memory_space<vmem>>[vector<16xi32>, vector<16xi32>], vector<16xf32>,
        tpu.vector_store_idx %arg7[%add3A_742, %add3A_664], %gather3A_803 : memref<64x128xf32, #tpu.memory_space<vmem>>[vector<16xi32>, vector<16xi32>], vector<16xf32>,
        tpu.vector_store_idx %arg7[%add3A_744, %add3A_664], %gather3A_804 : memref<64x128xf32, #tpu.memory_space<vmem>>[vector<16xi32>, vector<16xi32>], vector<16xf32>,
        tpu.vector_store_idx %arg7[%add3A_746, %add3A_664], %gather3A_805 : memref<64x128xf32, #tpu.memory_space<vmem>>[vector<16xi32>, vector<16xi32>], vector<16xf32>,
        tpu.vector_store_idx %arg7[%add3A_748, %add3A_664], %gather3A_806 : memref<64x128xf32, #tpu.memory_space<vmem>>[vector<16xi32>, vector<16xi32>], vector<16xf32>,
        tpu.vector_store_idx %arg7[%add3A_750, %add3A_664], %gather3A_807 : memref<64x128xf32, #tpu.memory_space<vmem>>[vector<16xi32>, vector<16xi32>], vector<16xf32>,
        tpu.vector_store_idx %arg7[%add3A_752, %add3A_664], %gather3A_808 : memref<64x128xf32, #tpu.memory_space<vmem>>[vector<16xi32>, vector<16xi32>], vector<16xf32>,
        %add3A_809 = arith.constant 0 : i32
        %add3A_810 = vector.broadcast %add3A_809 : i32 to vector<16xi32>
        %add3A_811 = arith.addi %iota3A, %add3A_810 : vector<16xi32>
        %add3A_812 = arith.constant 64 : i32
        %add3A_813 = vector.broadcast %add3A_812 : i32 to vector<16xi32>
        %add3A_814 = arith.addi %add3A_811, %add3A_813 : vector<16xi32>
        %add3A_815 = vector.broadcast %mul3A_209 : i32 to vector<16xi32>
        %add3A_816 = arith.addi %rem3A_5, %add3A_815 : vector<16xi32>
        %add3A_817 = vector.broadcast %mul3A_209 : i32 to vector<16xi32>
        %add3A_818 = arith.addi %rem3A_11, %add3A_817 : vector<16xi32>
        %add3A_819 = vector.broadcast %mul3A_209 : i32 to vector<16xi32>
        %add3A_820 = arith.addi %rem3A_17, %add3A_819 : vector<16xi32>
        %add3A_821 = vector.broadcast %mul3A_209 : i32 to vector<16xi32>
        %add3A_822 = arith.addi %rem3A_23, %add3A_821 : vector<16xi32>
        %add3A_823 = vector.broadcast %mul3A_209 : i32 to vector<16xi32>
        %add3A_824 = arith.addi %rem3A_29, %add3A_823 : vector<16xi32>
        %add3A_825 = vector.broadcast %mul3A_209 : i32 to vector<16xi32>
        %add3A_826 = arith.addi %rem3A_35, %add3A_825 : vector<16xi32>
        %add3A_827 = vector.broadcast %mul3A_209 : i32 to vector<16xi32>
        %add3A_828 = arith.addi %rem3A_41, %add3A_827 : vector<16xi32>
        %add3A_829 = vector.broadcast %mul3A_209 : i32 to vector<16xi32>
        %add3A_830 = arith.addi %rem3A_47, %add3A_829 : vector<16xi32>
        %mul3A_831 = arith.constant 2 : i32
        %mul3A_832 = vector.broadcast %mul3A_831 : i32 to vector<16xi32>
        %mul3A_833 = arith.muli %add3A_816, %mul3A_832 : vector<16xi32>
        %add3A_834 = arith.constant 1 : i32
        %add3A_835 = vector.broadcast %add3A_834 : i32 to vector<16xi32>
        %add3A_836 = arith.addi %mul3A_833, %add3A_835 : vector<16xi32>
        %mul3A_837 = arith.constant 2 : i32
        %mul3A_838 = vector.broadcast %mul3A_837 : i32 to vector<16xi32>
        %mul3A_839 = arith.muli %add3A_818, %mul3A_838 : vector<16xi32>
        %add3A_840 = arith.constant 1 : i32
        %add3A_841 = vector.broadcast %add3A_840 : i32 to vector<16xi32>
        %add3A_842 = arith.addi %mul3A_839, %add3A_841 : vector<16xi32>
        %mul3A_843 = arith.constant 2 : i32
        %mul3A_844 = vector.broadcast %mul3A_843 : i32 to vector<16xi32>
        %mul3A_845 = arith.muli %add3A_820, %mul3A_844 : vector<16xi32>
        %add3A_846 = arith.constant 1 : i32
        %add3A_847 = vector.broadcast %add3A_846 : i32 to vector<16xi32>
        %add3A_848 = arith.addi %mul3A_845, %add3A_847 : vector<16xi32>
        %mul3A_849 = arith.constant 2 : i32
        %mul3A_850 = vector.broadcast %mul3A_849 : i32 to vector<16xi32>
        %mul3A_851 = arith.muli %add3A_822, %mul3A_850 : vector<16xi32>
        %add3A_852 = arith.constant 1 : i32
        %add3A_853 = vector.broadcast %add3A_852 : i32 to vector<16xi32>
        %add3A_854 = arith.addi %mul3A_851, %add3A_853 : vector<16xi32>
        %mul3A_855 = arith.constant 2 : i32
        %mul3A_856 = vector.broadcast %mul3A_855 : i32 to vector<16xi32>
        %mul3A_857 = arith.muli %add3A_824, %mul3A_856 : vector<16xi32>
        %add3A_858 = arith.constant 1 : i32
        %add3A_859 = vector.broadcast %add3A_858 : i32 to vector<16xi32>
        %add3A_860 = arith.addi %mul3A_857, %add3A_859 : vector<16xi32>
        %mul3A_861 = arith.constant 2 : i32
        %mul3A_862 = vector.broadcast %mul3A_861 : i32 to vector<16xi32>
        %mul3A_863 = arith.muli %add3A_826, %mul3A_862 : vector<16xi32>
        %add3A_864 = arith.constant 1 : i32
        %add3A_865 = vector.broadcast %add3A_864 : i32 to vector<16xi32>
        %add3A_866 = arith.addi %mul3A_863, %add3A_865 : vector<16xi32>
        %mul3A_867 = arith.constant 2 : i32
        %mul3A_868 = vector.broadcast %mul3A_867 : i32 to vector<16xi32>
        %mul3A_869 = arith.muli %add3A_828, %mul3A_868 : vector<16xi32>
        %add3A_870 = arith.constant 1 : i32
        %add3A_871 = vector.broadcast %add3A_870 : i32 to vector<16xi32>
        %add3A_872 = arith.addi %mul3A_869, %add3A_871 : vector<16xi32>
        %mul3A_873 = arith.constant 2 : i32
        %mul3A_874 = vector.broadcast %mul3A_873 : i32 to vector<16xi32>
        %mul3A_875 = arith.muli %add3A_830, %mul3A_874 : vector<16xi32>
        %add3A_876 = arith.constant 1 : i32
        %add3A_877 = vector.broadcast %add3A_876 : i32 to vector<16xi32>
        %add3A_878 = arith.addi %mul3A_875, %add3A_877 : vector<16xi32>
        %gather3A_879 = tpu.vector_load_idx %arg5[%add3A_811, %add3A_836] : memref<64x128xf32, #tpu.memory_space<vmem>>[vector<16xi32>, vector<16xi32>], vector<16xf32>,
        %gather3A_880 = tpu.vector_load_idx %arg5[%add3A_811, %add3A_842] : memref<64x128xf32, #tpu.memory_space<vmem>>[vector<16xi32>, vector<16xi32>], vector<16xf32>,
        %gather3A_881 = tpu.vector_load_idx %arg5[%add3A_811, %add3A_848] : memref<64x128xf32, #tpu.memory_space<vmem>>[vector<16xi32>, vector<16xi32>], vector<16xf32>,
        %gather3A_882 = tpu.vector_load_idx %arg5[%add3A_811, %add3A_854] : memref<64x128xf32, #tpu.memory_space<vmem>>[vector<16xi32>, vector<16xi32>], vector<16xf32>,
        %gather3A_883 = tpu.vector_load_idx %arg5[%add3A_811, %add3A_860] : memref<64x128xf32, #tpu.memory_space<vmem>>[vector<16xi32>, vector<16xi32>], vector<16xf32>,
        %gather3A_884 = tpu.vector_load_idx %arg5[%add3A_811, %add3A_866] : memref<64x128xf32, #tpu.memory_space<vmem>>[vector<16xi32>, vector<16xi32>], vector<16xf32>,
        %gather3A_885 = tpu.vector_load_idx %arg5[%add3A_811, %add3A_872] : memref<64x128xf32, #tpu.memory_space<vmem>>[vector<16xi32>, vector<16xi32>], vector<16xf32>,
        %gather3A_886 = tpu.vector_load_idx %arg5[%add3A_811, %add3A_878] : memref<64x128xf32, #tpu.memory_space<vmem>>[vector<16xi32>, vector<16xi32>], vector<16xf32>,
        tpu.vector_store_idx %arg7[%add3A_816, %add3A_814], %gather3A_879 : memref<64x128xf32, #tpu.memory_space<vmem>>[vector<16xi32>, vector<16xi32>], vector<16xf32>,
        tpu.vector_store_idx %arg7[%add3A_818, %add3A_814], %gather3A_880 : memref<64x128xf32, #tpu.memory_space<vmem>>[vector<16xi32>, vector<16xi32>], vector<16xf32>,
        tpu.vector_store_idx %arg7[%add3A_820, %add3A_814], %gather3A_881 : memref<64x128xf32, #tpu.memory_space<vmem>>[vector<16xi32>, vector<16xi32>], vector<16xf32>,
        tpu.vector_store_idx %arg7[%add3A_822, %add3A_814], %gather3A_882 : memref<64x128xf32, #tpu.memory_space<vmem>>[vector<16xi32>, vector<16xi32>], vector<16xf32>,
        tpu.vector_store_idx %arg7[%add3A_824, %add3A_814], %gather3A_883 : memref<64x128xf32, #tpu.memory_space<vmem>>[vector<16xi32>, vector<16xi32>], vector<16xf32>,
        tpu.vector_store_idx %arg7[%add3A_826, %add3A_814], %gather3A_884 : memref<64x128xf32, #tpu.memory_space<vmem>>[vector<16xi32>, vector<16xi32>], vector<16xf32>,
        tpu.vector_store_idx %arg7[%add3A_828, %add3A_814], %gather3A_885 : memref<64x128xf32, #tpu.memory_space<vmem>>[vector<16xi32>, vector<16xi32>], vector<16xf32>,
        tpu.vector_store_idx %arg7[%add3A_830, %add3A_814], %gather3A_886 : memref<64x128xf32, #tpu.memory_space<vmem>>[vector<16xi32>, vector<16xi32>], vector<16xf32>,
        %add3A_887 = vector.broadcast %mul3A_209 : i32 to vector<16xi32>
        %add3A_888 = arith.addi %rem3A_53, %add3A_887 : vector<16xi32>
        %add3A_889 = vector.broadcast %mul3A_209 : i32 to vector<16xi32>
        %add3A_890 = arith.addi %rem3A_59, %add3A_889 : vector<16xi32>
        %add3A_891 = vector.broadcast %mul3A_209 : i32 to vector<16xi32>
        %add3A_892 = arith.addi %rem3A_65, %add3A_891 : vector<16xi32>
        %add3A_893 = vector.broadcast %mul3A_209 : i32 to vector<16xi32>
        %add3A_894 = arith.addi %rem3A_71, %add3A_893 : vector<16xi32>
        %add3A_895 = vector.broadcast %mul3A_209 : i32 to vector<16xi32>
        %add3A_896 = arith.addi %rem3A_77, %add3A_895 : vector<16xi32>
        %add3A_897 = vector.broadcast %mul3A_209 : i32 to vector<16xi32>
        %add3A_898 = arith.addi %rem3A_83, %add3A_897 : vector<16xi32>
        %add3A_899 = vector.broadcast %mul3A_209 : i32 to vector<16xi32>
        %add3A_900 = arith.addi %rem3A_89, %add3A_899 : vector<16xi32>
        %add3A_901 = vector.broadcast %mul3A_209 : i32 to vector<16xi32>
        %add3A_902 = arith.addi %rem3A_95, %add3A_901 : vector<16xi32>
        %mul3A_903 = arith.constant 2 : i32
        %mul3A_904 = vector.broadcast %mul3A_903 : i32 to vector<16xi32>
        %mul3A_905 = arith.muli %add3A_888, %mul3A_904 : vector<16xi32>
        %add3A_906 = arith.constant 1 : i32
        %add3A_907 = vector.broadcast %add3A_906 : i32 to vector<16xi32>
        %add3A_908 = arith.addi %mul3A_905, %add3A_907 : vector<16xi32>
        %mul3A_909 = arith.constant 2 : i32
        %mul3A_910 = vector.broadcast %mul3A_909 : i32 to vector<16xi32>
        %mul3A_911 = arith.muli %add3A_890, %mul3A_910 : vector<16xi32>
        %add3A_912 = arith.constant 1 : i32
        %add3A_913 = vector.broadcast %add3A_912 : i32 to vector<16xi32>
        %add3A_914 = arith.addi %mul3A_911, %add3A_913 : vector<16xi32>
        %mul3A_915 = arith.constant 2 : i32
        %mul3A_916 = vector.broadcast %mul3A_915 : i32 to vector<16xi32>
        %mul3A_917 = arith.muli %add3A_892, %mul3A_916 : vector<16xi32>
        %add3A_918 = arith.constant 1 : i32
        %add3A_919 = vector.broadcast %add3A_918 : i32 to vector<16xi32>
        %add3A_920 = arith.addi %mul3A_917, %add3A_919 : vector<16xi32>
        %mul3A_921 = arith.constant 2 : i32
        %mul3A_922 = vector.broadcast %mul3A_921 : i32 to vector<16xi32>
        %mul3A_923 = arith.muli %add3A_894, %mul3A_922 : vector<16xi32>
        %add3A_924 = arith.constant 1 : i32
        %add3A_925 = vector.broadcast %add3A_924 : i32 to vector<16xi32>
        %add3A_926 = arith.addi %mul3A_923, %add3A_925 : vector<16xi32>
        %mul3A_927 = arith.constant 2 : i32
        %mul3A_928 = vector.broadcast %mul3A_927 : i32 to vector<16xi32>
        %mul3A_929 = arith.muli %add3A_896, %mul3A_928 : vector<16xi32>
        %add3A_930 = arith.constant 1 : i32
        %add3A_931 = vector.broadcast %add3A_930 : i32 to vector<16xi32>
        %add3A_932 = arith.addi %mul3A_929, %add3A_931 : vector<16xi32>
        %mul3A_933 = arith.constant 2 : i32
        %mul3A_934 = vector.broadcast %mul3A_933 : i32 to vector<16xi32>
        %mul3A_935 = arith.muli %add3A_898, %mul3A_934 : vector<16xi32>
        %add3A_936 = arith.constant 1 : i32
        %add3A_937 = vector.broadcast %add3A_936 : i32 to vector<16xi32>
        %add3A_938 = arith.addi %mul3A_935, %add3A_937 : vector<16xi32>
        %mul3A_939 = arith.constant 2 : i32
        %mul3A_940 = vector.broadcast %mul3A_939 : i32 to vector<16xi32>
        %mul3A_941 = arith.muli %add3A_900, %mul3A_940 : vector<16xi32>
        %add3A_942 = arith.constant 1 : i32
        %add3A_943 = vector.broadcast %add3A_942 : i32 to vector<16xi32>
        %add3A_944 = arith.addi %mul3A_941, %add3A_943 : vector<16xi32>
        %mul3A_945 = arith.constant 2 : i32
        %mul3A_946 = vector.broadcast %mul3A_945 : i32 to vector<16xi32>
        %mul3A_947 = arith.muli %add3A_902, %mul3A_946 : vector<16xi32>
        %add3A_948 = arith.constant 1 : i32
        %add3A_949 = vector.broadcast %add3A_948 : i32 to vector<16xi32>
        %add3A_950 = arith.addi %mul3A_947, %add3A_949 : vector<16xi32>
        %gather3A_951 = tpu.vector_load_idx %arg5[%add3A_811, %add3A_908] : memref<64x128xf32, #tpu.memory_space<vmem>>[vector<16xi32>, vector<16xi32>], vector<16xf32>,
        %gather3A_952 = tpu.vector_load_idx %arg5[%add3A_811, %add3A_914] : memref<64x128xf32, #tpu.memory_space<vmem>>[vector<16xi32>, vector<16xi32>], vector<16xf32>,
        %gather3A_953 = tpu.vector_load_idx %arg5[%add3A_811, %add3A_920] : memref<64x128xf32, #tpu.memory_space<vmem>>[vector<16xi32>, vector<16xi32>], vector<16xf32>,
        %gather3A_954 = tpu.vector_load_idx %arg5[%add3A_811, %add3A_926] : memref<64x128xf32, #tpu.memory_space<vmem>>[vector<16xi32>, vector<16xi32>], vector<16xf32>,
        %gather3A_955 = tpu.vector_load_idx %arg5[%add3A_811, %add3A_932] : memref<64x128xf32, #tpu.memory_space<vmem>>[vector<16xi32>, vector<16xi32>], vector<16xf32>,
        %gather3A_956 = tpu.vector_load_idx %arg5[%add3A_811, %add3A_938] : memref<64x128xf32, #tpu.memory_space<vmem>>[vector<16xi32>, vector<16xi32>], vector<16xf32>,
        %gather3A_957 = tpu.vector_load_idx %arg5[%add3A_811, %add3A_944] : memref<64x128xf32, #tpu.memory_space<vmem>>[vector<16xi32>, vector<16xi32>], vector<16xf32>,
        %gather3A_958 = tpu.vector_load_idx %arg5[%add3A_811, %add3A_950] : memref<64x128xf32, #tpu.memory_space<vmem>>[vector<16xi32>, vector<16xi32>], vector<16xf32>,
        tpu.vector_store_idx %arg7[%add3A_888, %add3A_814], %gather3A_951 : memref<64x128xf32, #tpu.memory_space<vmem>>[vector<16xi32>, vector<16xi32>], vector<16xf32>,
        tpu.vector_store_idx %arg7[%add3A_890, %add3A_814], %gather3A_952 : memref<64x128xf32, #tpu.memory_space<vmem>>[vector<16xi32>, vector<16xi32>], vector<16xf32>,
        tpu.vector_store_idx %arg7[%add3A_892, %add3A_814], %gather3A_953 : memref<64x128xf32, #tpu.memory_space<vmem>>[vector<16xi32>, vector<16xi32>], vector<16xf32>,
        tpu.vector_store_idx %arg7[%add3A_894, %add3A_814], %gather3A_954 : memref<64x128xf32, #tpu.memory_space<vmem>>[vector<16xi32>, vector<16xi32>], vector<16xf32>,
        tpu.vector_store_idx %arg7[%add3A_896, %add3A_814], %gather3A_955 : memref<64x128xf32, #tpu.memory_space<vmem>>[vector<16xi32>, vector<16xi32>], vector<16xf32>,
        tpu.vector_store_idx %arg7[%add3A_898, %add3A_814], %gather3A_956 : memref<64x128xf32, #tpu.memory_space<vmem>>[vector<16xi32>, vector<16xi32>], vector<16xf32>,
        tpu.vector_store_idx %arg7[%add3A_900, %add3A_814], %gather3A_957 : memref<64x128xf32, #tpu.memory_space<vmem>>[vector<16xi32>, vector<16xi32>], vector<16xf32>,
        tpu.vector_store_idx %arg7[%add3A_902, %add3A_814], %gather3A_958 : memref<64x128xf32, #tpu.memory_space<vmem>>[vector<16xi32>, vector<16xi32>], vector<16xf32>,
        %add3A_959 = arith.constant 16 : i32
        %add3A_960 = vector.broadcast %add3A_959 : i32 to vector<16xi32>
        %add3A_961 = arith.addi %iota3A, %add3A_960 : vector<16xi32>
        %add3A_962 = arith.constant 64 : i32
        %add3A_963 = vector.broadcast %add3A_962 : i32 to vector<16xi32>
        %add3A_964 = arith.addi %add3A_961, %add3A_963 : vector<16xi32>
        %add3A_965 = vector.broadcast %mul3A_209 : i32 to vector<16xi32>
        %add3A_966 = arith.addi %rem3A_5, %add3A_965 : vector<16xi32>
        %add3A_967 = vector.broadcast %mul3A_209 : i32 to vector<16xi32>
        %add3A_968 = arith.addi %rem3A_11, %add3A_967 : vector<16xi32>
        %add3A_969 = vector.broadcast %mul3A_209 : i32 to vector<16xi32>
        %add3A_970 = arith.addi %rem3A_17, %add3A_969 : vector<16xi32>
        %add3A_971 = vector.broadcast %mul3A_209 : i32 to vector<16xi32>
        %add3A_972 = arith.addi %rem3A_23, %add3A_971 : vector<16xi32>
        %add3A_973 = vector.broadcast %mul3A_209 : i32 to vector<16xi32>
        %add3A_974 = arith.addi %rem3A_29, %add3A_973 : vector<16xi32>
        %add3A_975 = vector.broadcast %mul3A_209 : i32 to vector<16xi32>
        %add3A_976 = arith.addi %rem3A_35, %add3A_975 : vector<16xi32>
        %add3A_977 = vector.broadcast %mul3A_209 : i32 to vector<16xi32>
        %add3A_978 = arith.addi %rem3A_41, %add3A_977 : vector<16xi32>
        %add3A_979 = vector.broadcast %mul3A_209 : i32 to vector<16xi32>
        %add3A_980 = arith.addi %rem3A_47, %add3A_979 : vector<16xi32>
        %mul3A_981 = arith.constant 2 : i32
        %mul3A_982 = vector.broadcast %mul3A_981 : i32 to vector<16xi32>
        %mul3A_983 = arith.muli %add3A_966, %mul3A_982 : vector<16xi32>
        %add3A_984 = arith.constant 1 : i32
        %add3A_985 = vector.broadcast %add3A_984 : i32 to vector<16xi32>
        %add3A_986 = arith.addi %mul3A_983, %add3A_985 : vector<16xi32>
        %mul3A_987 = arith.constant 2 : i32
        %mul3A_988 = vector.broadcast %mul3A_987 : i32 to vector<16xi32>
        %mul3A_989 = arith.muli %add3A_968, %mul3A_988 : vector<16xi32>
        %add3A_990 = arith.constant 1 : i32
        %add3A_991 = vector.broadcast %add3A_990 : i32 to vector<16xi32>
        %add3A_992 = arith.addi %mul3A_989, %add3A_991 : vector<16xi32>
        %mul3A_993 = arith.constant 2 : i32
        %mul3A_994 = vector.broadcast %mul3A_993 : i32 to vector<16xi32>
        %mul3A_995 = arith.muli %add3A_970, %mul3A_994 : vector<16xi32>
        %add3A_996 = arith.constant 1 : i32
        %add3A_997 = vector.broadcast %add3A_996 : i32 to vector<16xi32>
        %add3A_998 = arith.addi %mul3A_995, %add3A_997 : vector<16xi32>
        %mul3A_999 = arith.constant 2 : i32
        %mul3A_1000 = vector.broadcast %mul3A_999 : i32 to vector<16xi32>
        %mul3A_1001 = arith.muli %add3A_972, %mul3A_1000 : vector<16xi32>
        %add3A_1002 = arith.constant 1 : i32
        %add3A_1003 = vector.broadcast %add3A_1002 : i32 to vector<16xi32>
        %add3A_1004 = arith.addi %mul3A_1001, %add3A_1003 : vector<16xi32>
        %mul3A_1005 = arith.constant 2 : i32
        %mul3A_1006 = vector.broadcast %mul3A_1005 : i32 to vector<16xi32>
        %mul3A_1007 = arith.muli %add3A_974, %mul3A_1006 : vector<16xi32>
        %add3A_1008 = arith.constant 1 : i32
        %add3A_1009 = vector.broadcast %add3A_1008 : i32 to vector<16xi32>
        %add3A_1010 = arith.addi %mul3A_1007, %add3A_1009 : vector<16xi32>
        %mul3A_1011 = arith.constant 2 : i32
        %mul3A_1012 = vector.broadcast %mul3A_1011 : i32 to vector<16xi32>
        %mul3A_1013 = arith.muli %add3A_976, %mul3A_1012 : vector<16xi32>
        %add3A_1014 = arith.constant 1 : i32
        %add3A_1015 = vector.broadcast %add3A_1014 : i32 to vector<16xi32>
        %add3A_1016 = arith.addi %mul3A_1013, %add3A_1015 : vector<16xi32>
        %mul3A_1017 = arith.constant 2 : i32
        %mul3A_1018 = vector.broadcast %mul3A_1017 : i32 to vector<16xi32>
        %mul3A_1019 = arith.muli %add3A_978, %mul3A_1018 : vector<16xi32>
        %add3A_1020 = arith.constant 1 : i32
        %add3A_1021 = vector.broadcast %add3A_1020 : i32 to vector<16xi32>
        %add3A_1022 = arith.addi %mul3A_1019, %add3A_1021 : vector<16xi32>
        %mul3A_1023 = arith.constant 2 : i32
        %mul3A_1024 = vector.broadcast %mul3A_1023 : i32 to vector<16xi32>
        %mul3A_1025 = arith.muli %add3A_980, %mul3A_1024 : vector<16xi32>
        %add3A_1026 = arith.constant 1 : i32
        %add3A_1027 = vector.broadcast %add3A_1026 : i32 to vector<16xi32>
        %add3A_1028 = arith.addi %mul3A_1025, %add3A_1027 : vector<16xi32>
        %gather3A_1029 = tpu.vector_load_idx %arg5[%add3A_961, %add3A_986] : memref<64x128xf32, #tpu.memory_space<vmem>>[vector<16xi32>, vector<16xi32>], vector<16xf32>,
        %gather3A_1030 = tpu.vector_load_idx %arg5[%add3A_961, %add3A_992] : memref<64x128xf32, #tpu.memory_space<vmem>>[vector<16xi32>, vector<16xi32>], vector<16xf32>,
        %gather3A_1031 = tpu.vector_load_idx %arg5[%add3A_961, %add3A_998] : memref<64x128xf32, #tpu.memory_space<vmem>>[vector<16xi32>, vector<16xi32>], vector<16xf32>,
        %gather3A_1032 = tpu.vector_load_idx %arg5[%add3A_961, %add3A_1004] : memref<64x128xf32, #tpu.memory_space<vmem>>[vector<16xi32>, vector<16xi32>], vector<16xf32>,
        %gather3A_1033 = tpu.vector_load_idx %arg5[%add3A_961, %add3A_1010] : memref<64x128xf32, #tpu.memory_space<vmem>>[vector<16xi32>, vector<16xi32>], vector<16xf32>,
        %gather3A_1034 = tpu.vector_load_idx %arg5[%add3A_961, %add3A_1016] : memref<64x128xf32, #tpu.memory_space<vmem>>[vector<16xi32>, vector<16xi32>], vector<16xf32>,
        %gather3A_1035 = tpu.vector_load_idx %arg5[%add3A_961, %add3A_1022] : memref<64x128xf32, #tpu.memory_space<vmem>>[vector<16xi32>, vector<16xi32>], vector<16xf32>,
        %gather3A_1036 = tpu.vector_load_idx %arg5[%add3A_961, %add3A_1028] : memref<64x128xf32, #tpu.memory_space<vmem>>[vector<16xi32>, vector<16xi32>], vector<16xf32>,
        tpu.vector_store_idx %arg7[%add3A_966, %add3A_964], %gather3A_1029 : memref<64x128xf32, #tpu.memory_space<vmem>>[vector<16xi32>, vector<16xi32>], vector<16xf32>,
        tpu.vector_store_idx %arg7[%add3A_968, %add3A_964], %gather3A_1030 : memref<64x128xf32, #tpu.memory_space<vmem>>[vector<16xi32>, vector<16xi32>], vector<16xf32>,
        tpu.vector_store_idx %arg7[%add3A_970, %add3A_964], %gather3A_1031 : memref<64x128xf32, #tpu.memory_space<vmem>>[vector<16xi32>, vector<16xi32>], vector<16xf32>,
        tpu.vector_store_idx %arg7[%add3A_972, %add3A_964], %gather3A_1032 : memref<64x128xf32, #tpu.memory_space<vmem>>[vector<16xi32>, vector<16xi32>], vector<16xf32>,
        tpu.vector_store_idx %arg7[%add3A_974, %add3A_964], %gather3A_1033 : memref<64x128xf32, #tpu.memory_space<vmem>>[vector<16xi32>, vector<16xi32>], vector<16xf32>,
        tpu.vector_store_idx %arg7[%add3A_976, %add3A_964], %gather3A_1034 : memref<64x128xf32, #tpu.memory_space<vmem>>[vector<16xi32>, vector<16xi32>], vector<16xf32>,
        tpu.vector_store_idx %arg7[%add3A_978, %add3A_964], %gather3A_1035 : memref<64x128xf32, #tpu.memory_space<vmem>>[vector<16xi32>, vector<16xi32>], vector<16xf32>,
        tpu.vector_store_idx %arg7[%add3A_980, %add3A_964], %gather3A_1036 : memref<64x128xf32, #tpu.memory_space<vmem>>[vector<16xi32>, vector<16xi32>], vector<16xf32>,
        %add3A_1037 = vector.broadcast %mul3A_209 : i32 to vector<16xi32>
        %add3A_1038 = arith.addi %rem3A_53, %add3A_1037 : vector<16xi32>
        %add3A_1039 = vector.broadcast %mul3A_209 : i32 to vector<16xi32>
        %add3A_1040 = arith.addi %rem3A_59, %add3A_1039 : vector<16xi32>
        %add3A_1041 = vector.broadcast %mul3A_209 : i32 to vector<16xi32>
        %add3A_1042 = arith.addi %rem3A_65, %add3A_1041 : vector<16xi32>
        %add3A_1043 = vector.broadcast %mul3A_209 : i32 to vector<16xi32>
        %add3A_1044 = arith.addi %rem3A_71, %add3A_1043 : vector<16xi32>
        %add3A_1045 = vector.broadcast %mul3A_209 : i32 to vector<16xi32>
        %add3A_1046 = arith.addi %rem3A_77, %add3A_1045 : vector<16xi32>
        %add3A_1047 = vector.broadcast %mul3A_209 : i32 to vector<16xi32>
        %add3A_1048 = arith.addi %rem3A_83, %add3A_1047 : vector<16xi32>
        %add3A_1049 = vector.broadcast %mul3A_209 : i32 to vector<16xi32>
        %add3A_1050 = arith.addi %rem3A_89, %add3A_1049 : vector<16xi32>
        %add3A_1051 = vector.broadcast %mul3A_209 : i32 to vector<16xi32>
        %add3A_1052 = arith.addi %rem3A_95, %add3A_1051 : vector<16xi32>
        %mul3A_1053 = arith.constant 2 : i32
        %mul3A_1054 = vector.broadcast %mul3A_1053 : i32 to vector<16xi32>
        %mul3A_1055 = arith.muli %add3A_1038, %mul3A_1054 : vector<16xi32>
        %add3A_1056 = arith.constant 1 : i32
        %add3A_1057 = vector.broadcast %add3A_1056 : i32 to vector<16xi32>
        %add3A_1058 = arith.addi %mul3A_1055, %add3A_1057 : vector<16xi32>
        %mul3A_1059 = arith.constant 2 : i32
        %mul3A_1060 = vector.broadcast %mul3A_1059 : i32 to vector<16xi32>
        %mul3A_1061 = arith.muli %add3A_1040, %mul3A_1060 : vector<16xi32>
        %add3A_1062 = arith.constant 1 : i32
        %add3A_1063 = vector.broadcast %add3A_1062 : i32 to vector<16xi32>
        %add3A_1064 = arith.addi %mul3A_1061, %add3A_1063 : vector<16xi32>
        %mul3A_1065 = arith.constant 2 : i32
        %mul3A_1066 = vector.broadcast %mul3A_1065 : i32 to vector<16xi32>
        %mul3A_1067 = arith.muli %add3A_1042, %mul3A_1066 : vector<16xi32>
        %add3A_1068 = arith.constant 1 : i32
        %add3A_1069 = vector.broadcast %add3A_1068 : i32 to vector<16xi32>
        %add3A_1070 = arith.addi %mul3A_1067, %add3A_1069 : vector<16xi32>
        %mul3A_1071 = arith.constant 2 : i32
        %mul3A_1072 = vector.broadcast %mul3A_1071 : i32 to vector<16xi32>
        %mul3A_1073 = arith.muli %add3A_1044, %mul3A_1072 : vector<16xi32>
        %add3A_1074 = arith.constant 1 : i32
        %add3A_1075 = vector.broadcast %add3A_1074 : i32 to vector<16xi32>
        %add3A_1076 = arith.addi %mul3A_1073, %add3A_1075 : vector<16xi32>
        %mul3A_1077 = arith.constant 2 : i32
        %mul3A_1078 = vector.broadcast %mul3A_1077 : i32 to vector<16xi32>
        %mul3A_1079 = arith.muli %add3A_1046, %mul3A_1078 : vector<16xi32>
        %add3A_1080 = arith.constant 1 : i32
        %add3A_1081 = vector.broadcast %add3A_1080 : i32 to vector<16xi32>
        %add3A_1082 = arith.addi %mul3A_1079, %add3A_1081 : vector<16xi32>
        %mul3A_1083 = arith.constant 2 : i32
        %mul3A_1084 = vector.broadcast %mul3A_1083 : i32 to vector<16xi32>
        %mul3A_1085 = arith.muli %add3A_1048, %mul3A_1084 : vector<16xi32>
        %add3A_1086 = arith.constant 1 : i32
        %add3A_1087 = vector.broadcast %add3A_1086 : i32 to vector<16xi32>
        %add3A_1088 = arith.addi %mul3A_1085, %add3A_1087 : vector<16xi32>
        %mul3A_1089 = arith.constant 2 : i32
        %mul3A_1090 = vector.broadcast %mul3A_1089 : i32 to vector<16xi32>
        %mul3A_1091 = arith.muli %add3A_1050, %mul3A_1090 : vector<16xi32>
        %add3A_1092 = arith.constant 1 : i32
        %add3A_1093 = vector.broadcast %add3A_1092 : i32 to vector<16xi32>
        %add3A_1094 = arith.addi %mul3A_1091, %add3A_1093 : vector<16xi32>
        %mul3A_1095 = arith.constant 2 : i32
        %mul3A_1096 = vector.broadcast %mul3A_1095 : i32 to vector<16xi32>
        %mul3A_1097 = arith.muli %add3A_1052, %mul3A_1096 : vector<16xi32>
        %add3A_1098 = arith.constant 1 : i32
        %add3A_1099 = vector.broadcast %add3A_1098 : i32 to vector<16xi32>
        %add3A_1100 = arith.addi %mul3A_1097, %add3A_1099 : vector<16xi32>
        %gather3A_1101 = tpu.vector_load_idx %arg5[%add3A_961, %add3A_1058] : memref<64x128xf32, #tpu.memory_space<vmem>>[vector<16xi32>, vector<16xi32>], vector<16xf32>,
        %gather3A_1102 = tpu.vector_load_idx %arg5[%add3A_961, %add3A_1064] : memref<64x128xf32, #tpu.memory_space<vmem>>[vector<16xi32>, vector<16xi32>], vector<16xf32>,
        %gather3A_1103 = tpu.vector_load_idx %arg5[%add3A_961, %add3A_1070] : memref<64x128xf32, #tpu.memory_space<vmem>>[vector<16xi32>, vector<16xi32>], vector<16xf32>,
        %gather3A_1104 = tpu.vector_load_idx %arg5[%add3A_961, %add3A_1076] : memref<64x128xf32, #tpu.memory_space<vmem>>[vector<16xi32>, vector<16xi32>], vector<16xf32>,
        %gather3A_1105 = tpu.vector_load_idx %arg5[%add3A_961, %add3A_1082] : memref<64x128xf32, #tpu.memory_space<vmem>>[vector<16xi32>, vector<16xi32>], vector<16xf32>,
        %gather3A_1106 = tpu.vector_load_idx %arg5[%add3A_961, %add3A_1088] : memref<64x128xf32, #tpu.memory_space<vmem>>[vector<16xi32>, vector<16xi32>], vector<16xf32>,
        %gather3A_1107 = tpu.vector_load_idx %arg5[%add3A_961, %add3A_1094] : memref<64x128xf32, #tpu.memory_space<vmem>>[vector<16xi32>, vector<16xi32>], vector<16xf32>,
        %gather3A_1108 = tpu.vector_load_idx %arg5[%add3A_961, %add3A_1100] : memref<64x128xf32, #tpu.memory_space<vmem>>[vector<16xi32>, vector<16xi32>], vector<16xf32>,
        tpu.vector_store_idx %arg7[%add3A_1038, %add3A_964], %gather3A_1101 : memref<64x128xf32, #tpu.memory_space<vmem>>[vector<16xi32>, vector<16xi32>], vector<16xf32>,
        tpu.vector_store_idx %arg7[%add3A_1040, %add3A_964], %gather3A_1102 : memref<64x128xf32, #tpu.memory_space<vmem>>[vector<16xi32>, vector<16xi32>], vector<16xf32>,
        tpu.vector_store_idx %arg7[%add3A_1042, %add3A_964], %gather3A_1103 : memref<64x128xf32, #tpu.memory_space<vmem>>[vector<16xi32>, vector<16xi32>], vector<16xf32>,
        tpu.vector_store_idx %arg7[%add3A_1044, %add3A_964], %gather3A_1104 : memref<64x128xf32, #tpu.memory_space<vmem>>[vector<16xi32>, vector<16xi32>], vector<16xf32>,
        tpu.vector_store_idx %arg7[%add3A_1046, %add3A_964], %gather3A_1105 : memref<64x128xf32, #tpu.memory_space<vmem>>[vector<16xi32>, vector<16xi32>], vector<16xf32>,
        tpu.vector_store_idx %arg7[%add3A_1048, %add3A_964], %gather3A_1106 : memref<64x128xf32, #tpu.memory_space<vmem>>[vector<16xi32>, vector<16xi32>], vector<16xf32>,
        tpu.vector_store_idx %arg7[%add3A_1050, %add3A_964], %gather3A_1107 : memref<64x128xf32, #tpu.memory_space<vmem>>[vector<16xi32>, vector<16xi32>], vector<16xf32>,
        tpu.vector_store_idx %arg7[%add3A_1052, %add3A_964], %gather3A_1108 : memref<64x128xf32, #tpu.memory_space<vmem>>[vector<16xi32>, vector<16xi32>], vector<16xf32>,
        %add3A_1109 = arith.constant 32 : i32
        %add3A_1110 = vector.broadcast %add3A_1109 : i32 to vector<16xi32>
        %add3A_1111 = arith.addi %iota3A, %add3A_1110 : vector<16xi32>
        %add3A_1112 = arith.constant 64 : i32
        %add3A_1113 = vector.broadcast %add3A_1112 : i32 to vector<16xi32>
        %add3A_1114 = arith.addi %add3A_1111, %add3A_1113 : vector<16xi32>
        %add3A_1115 = vector.broadcast %mul3A_209 : i32 to vector<16xi32>
        %add3A_1116 = arith.addi %rem3A_5, %add3A_1115 : vector<16xi32>
        %add3A_1117 = vector.broadcast %mul3A_209 : i32 to vector<16xi32>
        %add3A_1118 = arith.addi %rem3A_11, %add3A_1117 : vector<16xi32>
        %add3A_1119 = vector.broadcast %mul3A_209 : i32 to vector<16xi32>
        %add3A_1120 = arith.addi %rem3A_17, %add3A_1119 : vector<16xi32>
        %add3A_1121 = vector.broadcast %mul3A_209 : i32 to vector<16xi32>
        %add3A_1122 = arith.addi %rem3A_23, %add3A_1121 : vector<16xi32>
        %add3A_1123 = vector.broadcast %mul3A_209 : i32 to vector<16xi32>
        %add3A_1124 = arith.addi %rem3A_29, %add3A_1123 : vector<16xi32>
        %add3A_1125 = vector.broadcast %mul3A_209 : i32 to vector<16xi32>
        %add3A_1126 = arith.addi %rem3A_35, %add3A_1125 : vector<16xi32>
        %add3A_1127 = vector.broadcast %mul3A_209 : i32 to vector<16xi32>
        %add3A_1128 = arith.addi %rem3A_41, %add3A_1127 : vector<16xi32>
        %add3A_1129 = vector.broadcast %mul3A_209 : i32 to vector<16xi32>
        %add3A_1130 = arith.addi %rem3A_47, %add3A_1129 : vector<16xi32>
        %mul3A_1131 = arith.constant 2 : i32
        %mul3A_1132 = vector.broadcast %mul3A_1131 : i32 to vector<16xi32>
        %mul3A_1133 = arith.muli %add3A_1116, %mul3A_1132 : vector<16xi32>
        %add3A_1134 = arith.constant 1 : i32
        %add3A_1135 = vector.broadcast %add3A_1134 : i32 to vector<16xi32>
        %add3A_1136 = arith.addi %mul3A_1133, %add3A_1135 : vector<16xi32>
        %mul3A_1137 = arith.constant 2 : i32
        %mul3A_1138 = vector.broadcast %mul3A_1137 : i32 to vector<16xi32>
        %mul3A_1139 = arith.muli %add3A_1118, %mul3A_1138 : vector<16xi32>
        %add3A_1140 = arith.constant 1 : i32
        %add3A_1141 = vector.broadcast %add3A_1140 : i32 to vector<16xi32>
        %add3A_1142 = arith.addi %mul3A_1139, %add3A_1141 : vector<16xi32>
        %mul3A_1143 = arith.constant 2 : i32
        %mul3A_1144 = vector.broadcast %mul3A_1143 : i32 to vector<16xi32>
        %mul3A_1145 = arith.muli %add3A_1120, %mul3A_1144 : vector<16xi32>
        %add3A_1146 = arith.constant 1 : i32
        %add3A_1147 = vector.broadcast %add3A_1146 : i32 to vector<16xi32>
        %add3A_1148 = arith.addi %mul3A_1145, %add3A_1147 : vector<16xi32>
        %mul3A_1149 = arith.constant 2 : i32
        %mul3A_1150 = vector.broadcast %mul3A_1149 : i32 to vector<16xi32>
        %mul3A_1151 = arith.muli %add3A_1122, %mul3A_1150 : vector<16xi32>
        %add3A_1152 = arith.constant 1 : i32
        %add3A_1153 = vector.broadcast %add3A_1152 : i32 to vector<16xi32>
        %add3A_1154 = arith.addi %mul3A_1151, %add3A_1153 : vector<16xi32>
        %mul3A_1155 = arith.constant 2 : i32
        %mul3A_1156 = vector.broadcast %mul3A_1155 : i32 to vector<16xi32>
        %mul3A_1157 = arith.muli %add3A_1124, %mul3A_1156 : vector<16xi32>
        %add3A_1158 = arith.constant 1 : i32
        %add3A_1159 = vector.broadcast %add3A_1158 : i32 to vector<16xi32>
        %add3A_1160 = arith.addi %mul3A_1157, %add3A_1159 : vector<16xi32>
        %mul3A_1161 = arith.constant 2 : i32
        %mul3A_1162 = vector.broadcast %mul3A_1161 : i32 to vector<16xi32>
        %mul3A_1163 = arith.muli %add3A_1126, %mul3A_1162 : vector<16xi32>
        %add3A_1164 = arith.constant 1 : i32
        %add3A_1165 = vector.broadcast %add3A_1164 : i32 to vector<16xi32>
        %add3A_1166 = arith.addi %mul3A_1163, %add3A_1165 : vector<16xi32>
        %mul3A_1167 = arith.constant 2 : i32
        %mul3A_1168 = vector.broadcast %mul3A_1167 : i32 to vector<16xi32>
        %mul3A_1169 = arith.muli %add3A_1128, %mul3A_1168 : vector<16xi32>
        %add3A_1170 = arith.constant 1 : i32
        %add3A_1171 = vector.broadcast %add3A_1170 : i32 to vector<16xi32>
        %add3A_1172 = arith.addi %mul3A_1169, %add3A_1171 : vector<16xi32>
        %mul3A_1173 = arith.constant 2 : i32
        %mul3A_1174 = vector.broadcast %mul3A_1173 : i32 to vector<16xi32>
        %mul3A_1175 = arith.muli %add3A_1130, %mul3A_1174 : vector<16xi32>
        %add3A_1176 = arith.constant 1 : i32
        %add3A_1177 = vector.broadcast %add3A_1176 : i32 to vector<16xi32>
        %add3A_1178 = arith.addi %mul3A_1175, %add3A_1177 : vector<16xi32>
        %gather3A_1179 = tpu.vector_load_idx %arg5[%add3A_1111, %add3A_1136] : memref<64x128xf32, #tpu.memory_space<vmem>>[vector<16xi32>, vector<16xi32>], vector<16xf32>,
        %gather3A_1180 = tpu.vector_load_idx %arg5[%add3A_1111, %add3A_1142] : memref<64x128xf32, #tpu.memory_space<vmem>>[vector<16xi32>, vector<16xi32>], vector<16xf32>,
        %gather3A_1181 = tpu.vector_load_idx %arg5[%add3A_1111, %add3A_1148] : memref<64x128xf32, #tpu.memory_space<vmem>>[vector<16xi32>, vector<16xi32>], vector<16xf32>,
        %gather3A_1182 = tpu.vector_load_idx %arg5[%add3A_1111, %add3A_1154] : memref<64x128xf32, #tpu.memory_space<vmem>>[vector<16xi32>, vector<16xi32>], vector<16xf32>,
        %gather3A_1183 = tpu.vector_load_idx %arg5[%add3A_1111, %add3A_1160] : memref<64x128xf32, #tpu.memory_space<vmem>>[vector<16xi32>, vector<16xi32>], vector<16xf32>,
        %gather3A_1184 = tpu.vector_load_idx %arg5[%add3A_1111, %add3A_1166] : memref<64x128xf32, #tpu.memory_space<vmem>>[vector<16xi32>, vector<16xi32>], vector<16xf32>,
        %gather3A_1185 = tpu.vector_load_idx %arg5[%add3A_1111, %add3A_1172] : memref<64x128xf32, #tpu.memory_space<vmem>>[vector<16xi32>, vector<16xi32>], vector<16xf32>,
        %gather3A_1186 = tpu.vector_load_idx %arg5[%add3A_1111, %add3A_1178] : memref<64x128xf32, #tpu.memory_space<vmem>>[vector<16xi32>, vector<16xi32>], vector<16xf32>,
        tpu.vector_store_idx %arg7[%add3A_1116, %add3A_1114], %gather3A_1179 : memref<64x128xf32, #tpu.memory_space<vmem>>[vector<16xi32>, vector<16xi32>], vector<16xf32>,
        tpu.vector_store_idx %arg7[%add3A_1118, %add3A_1114], %gather3A_1180 : memref<64x128xf32, #tpu.memory_space<vmem>>[vector<16xi32>, vector<16xi32>], vector<16xf32>,
        tpu.vector_store_idx %arg7[%add3A_1120, %add3A_1114], %gather3A_1181 : memref<64x128xf32, #tpu.memory_space<vmem>>[vector<16xi32>, vector<16xi32>], vector<16xf32>,
        tpu.vector_store_idx %arg7[%add3A_1122, %add3A_1114], %gather3A_1182 : memref<64x128xf32, #tpu.memory_space<vmem>>[vector<16xi32>, vector<16xi32>], vector<16xf32>,
        tpu.vector_store_idx %arg7[%add3A_1124, %add3A_1114], %gather3A_1183 : memref<64x128xf32, #tpu.memory_space<vmem>>[vector<16xi32>, vector<16xi32>], vector<16xf32>,
        tpu.vector_store_idx %arg7[%add3A_1126, %add3A_1114], %gather3A_1184 : memref<64x128xf32, #tpu.memory_space<vmem>>[vector<16xi32>, vector<16xi32>], vector<16xf32>,
        tpu.vector_store_idx %arg7[%add3A_1128, %add3A_1114], %gather3A_1185 : memref<64x128xf32, #tpu.memory_space<vmem>>[vector<16xi32>, vector<16xi32>], vector<16xf32>,
        tpu.vector_store_idx %arg7[%add3A_1130, %add3A_1114], %gather3A_1186 : memref<64x128xf32, #tpu.memory_space<vmem>>[vector<16xi32>, vector<16xi32>], vector<16xf32>,
        %add3A_1187 = vector.broadcast %mul3A_209 : i32 to vector<16xi32>
        %add3A_1188 = arith.addi %rem3A_53, %add3A_1187 : vector<16xi32>
        %add3A_1189 = vector.broadcast %mul3A_209 : i32 to vector<16xi32>
        %add3A_1190 = arith.addi %rem3A_59, %add3A_1189 : vector<16xi32>
        %add3A_1191 = vector.broadcast %mul3A_209 : i32 to vector<16xi32>
        %add3A_1192 = arith.addi %rem3A_65, %add3A_1191 : vector<16xi32>
        %add3A_1193 = vector.broadcast %mul3A_209 : i32 to vector<16xi32>
        %add3A_1194 = arith.addi %rem3A_71, %add3A_1193 : vector<16xi32>
        %add3A_1195 = vector.broadcast %mul3A_209 : i32 to vector<16xi32>
        %add3A_1196 = arith.addi %rem3A_77, %add3A_1195 : vector<16xi32>
        %add3A_1197 = vector.broadcast %mul3A_209 : i32 to vector<16xi32>
        %add3A_1198 = arith.addi %rem3A_83, %add3A_1197 : vector<16xi32>
        %add3A_1199 = vector.broadcast %mul3A_209 : i32 to vector<16xi32>
        %add3A_1200 = arith.addi %rem3A_89, %add3A_1199 : vector<16xi32>
        %add3A_1201 = vector.broadcast %mul3A_209 : i32 to vector<16xi32>
        %add3A_1202 = arith.addi %rem3A_95, %add3A_1201 : vector<16xi32>
        %mul3A_1203 = arith.constant 2 : i32
        %mul3A_1204 = vector.broadcast %mul3A_1203 : i32 to vector<16xi32>
        %mul3A_1205 = arith.muli %add3A_1188, %mul3A_1204 : vector<16xi32>
        %add3A_1206 = arith.constant 1 : i32
        %add3A_1207 = vector.broadcast %add3A_1206 : i32 to vector<16xi32>
        %add3A_1208 = arith.addi %mul3A_1205, %add3A_1207 : vector<16xi32>
        %mul3A_1209 = arith.constant 2 : i32
        %mul3A_1210 = vector.broadcast %mul3A_1209 : i32 to vector<16xi32>
        %mul3A_1211 = arith.muli %add3A_1190, %mul3A_1210 : vector<16xi32>
        %add3A_1212 = arith.constant 1 : i32
        %add3A_1213 = vector.broadcast %add3A_1212 : i32 to vector<16xi32>
        %add3A_1214 = arith.addi %mul3A_1211, %add3A_1213 : vector<16xi32>
        %mul3A_1215 = arith.constant 2 : i32
        %mul3A_1216 = vector.broadcast %mul3A_1215 : i32 to vector<16xi32>
        %mul3A_1217 = arith.muli %add3A_1192, %mul3A_1216 : vector<16xi32>
        %add3A_1218 = arith.constant 1 : i32
        %add3A_1219 = vector.broadcast %add3A_1218 : i32 to vector<16xi32>
        %add3A_1220 = arith.addi %mul3A_1217, %add3A_1219 : vector<16xi32>
        %mul3A_1221 = arith.constant 2 : i32
        %mul3A_1222 = vector.broadcast %mul3A_1221 : i32 to vector<16xi32>
        %mul3A_1223 = arith.muli %add3A_1194, %mul3A_1222 : vector<16xi32>
        %add3A_1224 = arith.constant 1 : i32
        %add3A_1225 = vector.broadcast %add3A_1224 : i32 to vector<16xi32>
        %add3A_1226 = arith.addi %mul3A_1223, %add3A_1225 : vector<16xi32>
        %mul3A_1227 = arith.constant 2 : i32
        %mul3A_1228 = vector.broadcast %mul3A_1227 : i32 to vector<16xi32>
        %mul3A_1229 = arith.muli %add3A_1196, %mul3A_1228 : vector<16xi32>
        %add3A_1230 = arith.constant 1 : i32
        %add3A_1231 = vector.broadcast %add3A_1230 : i32 to vector<16xi32>
        %add3A_1232 = arith.addi %mul3A_1229, %add3A_1231 : vector<16xi32>
        %mul3A_1233 = arith.constant 2 : i32
        %mul3A_1234 = vector.broadcast %mul3A_1233 : i32 to vector<16xi32>
        %mul3A_1235 = arith.muli %add3A_1198, %mul3A_1234 : vector<16xi32>
        %add3A_1236 = arith.constant 1 : i32
        %add3A_1237 = vector.broadcast %add3A_1236 : i32 to vector<16xi32>
        %add3A_1238 = arith.addi %mul3A_1235, %add3A_1237 : vector<16xi32>
        %mul3A_1239 = arith.constant 2 : i32
        %mul3A_1240 = vector.broadcast %mul3A_1239 : i32 to vector<16xi32>
        %mul3A_1241 = arith.muli %add3A_1200, %mul3A_1240 : vector<16xi32>
        %add3A_1242 = arith.constant 1 : i32
        %add3A_1243 = vector.broadcast %add3A_1242 : i32 to vector<16xi32>
        %add3A_1244 = arith.addi %mul3A_1241, %add3A_1243 : vector<16xi32>
        %mul3A_1245 = arith.constant 2 : i32
        %mul3A_1246 = vector.broadcast %mul3A_1245 : i32 to vector<16xi32>
        %mul3A_1247 = arith.muli %add3A_1202, %mul3A_1246 : vector<16xi32>
        %add3A_1248 = arith.constant 1 : i32
        %add3A_1249 = vector.broadcast %add3A_1248 : i32 to vector<16xi32>
        %add3A_1250 = arith.addi %mul3A_1247, %add3A_1249 : vector<16xi32>
        %gather3A_1251 = tpu.vector_load_idx %arg5[%add3A_1111, %add3A_1208] : memref<64x128xf32, #tpu.memory_space<vmem>>[vector<16xi32>, vector<16xi32>], vector<16xf32>,
        %gather3A_1252 = tpu.vector_load_idx %arg5[%add3A_1111, %add3A_1214] : memref<64x128xf32, #tpu.memory_space<vmem>>[vector<16xi32>, vector<16xi32>], vector<16xf32>,
        %gather3A_1253 = tpu.vector_load_idx %arg5[%add3A_1111, %add3A_1220] : memref<64x128xf32, #tpu.memory_space<vmem>>[vector<16xi32>, vector<16xi32>], vector<16xf32>,
        %gather3A_1254 = tpu.vector_load_idx %arg5[%add3A_1111, %add3A_1226] : memref<64x128xf32, #tpu.memory_space<vmem>>[vector<16xi32>, vector<16xi32>], vector<16xf32>,
        %gather3A_1255 = tpu.vector_load_idx %arg5[%add3A_1111, %add3A_1232] : memref<64x128xf32, #tpu.memory_space<vmem>>[vector<16xi32>, vector<16xi32>], vector<16xf32>,
        %gather3A_1256 = tpu.vector_load_idx %arg5[%add3A_1111, %add3A_1238] : memref<64x128xf32, #tpu.memory_space<vmem>>[vector<16xi32>, vector<16xi32>], vector<16xf32>,
        %gather3A_1257 = tpu.vector_load_idx %arg5[%add3A_1111, %add3A_1244] : memref<64x128xf32, #tpu.memory_space<vmem>>[vector<16xi32>, vector<16xi32>], vector<16xf32>,
        %gather3A_1258 = tpu.vector_load_idx %arg5[%add3A_1111, %add3A_1250] : memref<64x128xf32, #tpu.memory_space<vmem>>[vector<16xi32>, vector<16xi32>], vector<16xf32>,
        tpu.vector_store_idx %arg7[%add3A_1188, %add3A_1114], %gather3A_1251 : memref<64x128xf32, #tpu.memory_space<vmem>>[vector<16xi32>, vector<16xi32>], vector<16xf32>,
        tpu.vector_store_idx %arg7[%add3A_1190, %add3A_1114], %gather3A_1252 : memref<64x128xf32, #tpu.memory_space<vmem>>[vector<16xi32>, vector<16xi32>], vector<16xf32>,
        tpu.vector_store_idx %arg7[%add3A_1192, %add3A_1114], %gather3A_1253 : memref<64x128xf32, #tpu.memory_space<vmem>>[vector<16xi32>, vector<16xi32>], vector<16xf32>,
        tpu.vector_store_idx %arg7[%add3A_1194, %add3A_1114], %gather3A_1254 : memref<64x128xf32, #tpu.memory_space<vmem>>[vector<16xi32>, vector<16xi32>], vector<16xf32>,
        tpu.vector_store_idx %arg7[%add3A_1196, %add3A_1114], %gather3A_1255 : memref<64x128xf32, #tpu.memory_space<vmem>>[vector<16xi32>, vector<16xi32>], vector<16xf32>,
        tpu.vector_store_idx %arg7[%add3A_1198, %add3A_1114], %gather3A_1256 : memref<64x128xf32, #tpu.memory_space<vmem>>[vector<16xi32>, vector<16xi32>], vector<16xf32>,
        tpu.vector_store_idx %arg7[%add3A_1200, %add3A_1114], %gather3A_1257 : memref<64x128xf32, #tpu.memory_space<vmem>>[vector<16xi32>, vector<16xi32>], vector<16xf32>,
        tpu.vector_store_idx %arg7[%add3A_1202, %add3A_1114], %gather3A_1258 : memref<64x128xf32, #tpu.memory_space<vmem>>[vector<16xi32>, vector<16xi32>], vector<16xf32>,
        %add3A_1259 = arith.constant 48 : i32
        %add3A_1260 = vector.broadcast %add3A_1259 : i32 to vector<16xi32>
        %add3A_1261 = arith.addi %iota3A, %add3A_1260 : vector<16xi32>
        %add3A_1262 = arith.constant 64 : i32
        %add3A_1263 = vector.broadcast %add3A_1262 : i32 to vector<16xi32>
        %add3A_1264 = arith.addi %add3A_1261, %add3A_1263 : vector<16xi32>
        %add3A_1265 = vector.broadcast %mul3A_209 : i32 to vector<16xi32>
        %add3A_1266 = arith.addi %rem3A_5, %add3A_1265 : vector<16xi32>
        %add3A_1267 = vector.broadcast %mul3A_209 : i32 to vector<16xi32>
        %add3A_1268 = arith.addi %rem3A_11, %add3A_1267 : vector<16xi32>
        %add3A_1269 = vector.broadcast %mul3A_209 : i32 to vector<16xi32>
        %add3A_1270 = arith.addi %rem3A_17, %add3A_1269 : vector<16xi32>
        %add3A_1271 = vector.broadcast %mul3A_209 : i32 to vector<16xi32>
        %add3A_1272 = arith.addi %rem3A_23, %add3A_1271 : vector<16xi32>
        %add3A_1273 = vector.broadcast %mul3A_209 : i32 to vector<16xi32>
        %add3A_1274 = arith.addi %rem3A_29, %add3A_1273 : vector<16xi32>
        %add3A_1275 = vector.broadcast %mul3A_209 : i32 to vector<16xi32>
        %add3A_1276 = arith.addi %rem3A_35, %add3A_1275 : vector<16xi32>
        %add3A_1277 = vector.broadcast %mul3A_209 : i32 to vector<16xi32>
        %add3A_1278 = arith.addi %rem3A_41, %add3A_1277 : vector<16xi32>
        %add3A_1279 = vector.broadcast %mul3A_209 : i32 to vector<16xi32>
        %add3A_1280 = arith.addi %rem3A_47, %add3A_1279 : vector<16xi32>
        %mul3A_1281 = arith.constant 2 : i32
        %mul3A_1282 = vector.broadcast %mul3A_1281 : i32 to vector<16xi32>
        %mul3A_1283 = arith.muli %add3A_1266, %mul3A_1282 : vector<16xi32>
        %add3A_1284 = arith.constant 1 : i32
        %add3A_1285 = vector.broadcast %add3A_1284 : i32 to vector<16xi32>
        %add3A_1286 = arith.addi %mul3A_1283, %add3A_1285 : vector<16xi32>
        %mul3A_1287 = arith.constant 2 : i32
        %mul3A_1288 = vector.broadcast %mul3A_1287 : i32 to vector<16xi32>
        %mul3A_1289 = arith.muli %add3A_1268, %mul3A_1288 : vector<16xi32>
        %add3A_1290 = arith.constant 1 : i32
        %add3A_1291 = vector.broadcast %add3A_1290 : i32 to vector<16xi32>
        %add3A_1292 = arith.addi %mul3A_1289, %add3A_1291 : vector<16xi32>
        %mul3A_1293 = arith.constant 2 : i32
        %mul3A_1294 = vector.broadcast %mul3A_1293 : i32 to vector<16xi32>
        %mul3A_1295 = arith.muli %add3A_1270, %mul3A_1294 : vector<16xi32>
        %add3A_1296 = arith.constant 1 : i32
        %add3A_1297 = vector.broadcast %add3A_1296 : i32 to vector<16xi32>
        %add3A_1298 = arith.addi %mul3A_1295, %add3A_1297 : vector<16xi32>
        %mul3A_1299 = arith.constant 2 : i32
        %mul3A_1300 = vector.broadcast %mul3A_1299 : i32 to vector<16xi32>
        %mul3A_1301 = arith.muli %add3A_1272, %mul3A_1300 : vector<16xi32>
        %add3A_1302 = arith.constant 1 : i32
        %add3A_1303 = vector.broadcast %add3A_1302 : i32 to vector<16xi32>
        %add3A_1304 = arith.addi %mul3A_1301, %add3A_1303 : vector<16xi32>
        %mul3A_1305 = arith.constant 2 : i32
        %mul3A_1306 = vector.broadcast %mul3A_1305 : i32 to vector<16xi32>
        %mul3A_1307 = arith.muli %add3A_1274, %mul3A_1306 : vector<16xi32>
        %add3A_1308 = arith.constant 1 : i32
        %add3A_1309 = vector.broadcast %add3A_1308 : i32 to vector<16xi32>
        %add3A_1310 = arith.addi %mul3A_1307, %add3A_1309 : vector<16xi32>
        %mul3A_1311 = arith.constant 2 : i32
        %mul3A_1312 = vector.broadcast %mul3A_1311 : i32 to vector<16xi32>
        %mul3A_1313 = arith.muli %add3A_1276, %mul3A_1312 : vector<16xi32>
        %add3A_1314 = arith.constant 1 : i32
        %add3A_1315 = vector.broadcast %add3A_1314 : i32 to vector<16xi32>
        %add3A_1316 = arith.addi %mul3A_1313, %add3A_1315 : vector<16xi32>
        %mul3A_1317 = arith.constant 2 : i32
        %mul3A_1318 = vector.broadcast %mul3A_1317 : i32 to vector<16xi32>
        %mul3A_1319 = arith.muli %add3A_1278, %mul3A_1318 : vector<16xi32>
        %add3A_1320 = arith.constant 1 : i32
        %add3A_1321 = vector.broadcast %add3A_1320 : i32 to vector<16xi32>
        %add3A_1322 = arith.addi %mul3A_1319, %add3A_1321 : vector<16xi32>
        %mul3A_1323 = arith.constant 2 : i32
        %mul3A_1324 = vector.broadcast %mul3A_1323 : i32 to vector<16xi32>
        %mul3A_1325 = arith.muli %add3A_1280, %mul3A_1324 : vector<16xi32>
        %add3A_1326 = arith.constant 1 : i32
        %add3A_1327 = vector.broadcast %add3A_1326 : i32 to vector<16xi32>
        %add3A_1328 = arith.addi %mul3A_1325, %add3A_1327 : vector<16xi32>
        %gather3A_1329 = tpu.vector_load_idx %arg5[%add3A_1261, %add3A_1286] : memref<64x128xf32, #tpu.memory_space<vmem>>[vector<16xi32>, vector<16xi32>], vector<16xf32>,
        %gather3A_1330 = tpu.vector_load_idx %arg5[%add3A_1261, %add3A_1292] : memref<64x128xf32, #tpu.memory_space<vmem>>[vector<16xi32>, vector<16xi32>], vector<16xf32>,
        %gather3A_1331 = tpu.vector_load_idx %arg5[%add3A_1261, %add3A_1298] : memref<64x128xf32, #tpu.memory_space<vmem>>[vector<16xi32>, vector<16xi32>], vector<16xf32>,
        %gather3A_1332 = tpu.vector_load_idx %arg5[%add3A_1261, %add3A_1304] : memref<64x128xf32, #tpu.memory_space<vmem>>[vector<16xi32>, vector<16xi32>], vector<16xf32>,
        %gather3A_1333 = tpu.vector_load_idx %arg5[%add3A_1261, %add3A_1310] : memref<64x128xf32, #tpu.memory_space<vmem>>[vector<16xi32>, vector<16xi32>], vector<16xf32>,
        %gather3A_1334 = tpu.vector_load_idx %arg5[%add3A_1261, %add3A_1316] : memref<64x128xf32, #tpu.memory_space<vmem>>[vector<16xi32>, vector<16xi32>], vector<16xf32>,
        %gather3A_1335 = tpu.vector_load_idx %arg5[%add3A_1261, %add3A_1322] : memref<64x128xf32, #tpu.memory_space<vmem>>[vector<16xi32>, vector<16xi32>], vector<16xf32>,
        %gather3A_1336 = tpu.vector_load_idx %arg5[%add3A_1261, %add3A_1328] : memref<64x128xf32, #tpu.memory_space<vmem>>[vector<16xi32>, vector<16xi32>], vector<16xf32>,
        tpu.vector_store_idx %arg7[%add3A_1266, %add3A_1264], %gather3A_1329 : memref<64x128xf32, #tpu.memory_space<vmem>>[vector<16xi32>, vector<16xi32>], vector<16xf32>,
        tpu.vector_store_idx %arg7[%add3A_1268, %add3A_1264], %gather3A_1330 : memref<64x128xf32, #tpu.memory_space<vmem>>[vector<16xi32>, vector<16xi32>], vector<16xf32>,
        tpu.vector_store_idx %arg7[%add3A_1270, %add3A_1264], %gather3A_1331 : memref<64x128xf32, #tpu.memory_space<vmem>>[vector<16xi32>, vector<16xi32>], vector<16xf32>,
        tpu.vector_store_idx %arg7[%add3A_1272, %add3A_1264], %gather3A_1332 : memref<64x128xf32, #tpu.memory_space<vmem>>[vector<16xi32>, vector<16xi32>], vector<16xf32>,
        tpu.vector_store_idx %arg7[%add3A_1274, %add3A_1264], %gather3A_1333 : memref<64x128xf32, #tpu.memory_space<vmem>>[vector<16xi32>, vector<16xi32>], vector<16xf32>,
        tpu.vector_store_idx %arg7[%add3A_1276, %add3A_1264], %gather3A_1334 : memref<64x128xf32, #tpu.memory_space<vmem>>[vector<16xi32>, vector<16xi32>], vector<16xf32>,
        tpu.vector_store_idx %arg7[%add3A_1278, %add3A_1264], %gather3A_1335 : memref<64x128xf32, #tpu.memory_space<vmem>>[vector<16xi32>, vector<16xi32>], vector<16xf32>,
        tpu.vector_store_idx %arg7[%add3A_1280, %add3A_1264], %gather3A_1336 : memref<64x128xf32, #tpu.memory_space<vmem>>[vector<16xi32>, vector<16xi32>], vector<16xf32>,
        %add3A_1337 = vector.broadcast %mul3A_209 : i32 to vector<16xi32>
        %add3A_1338 = arith.addi %rem3A_53, %add3A_1337 : vector<16xi32>
        %add3A_1339 = vector.broadcast %mul3A_209 : i32 to vector<16xi32>
        %add3A_1340 = arith.addi %rem3A_59, %add3A_1339 : vector<16xi32>
        %add3A_1341 = vector.broadcast %mul3A_209 : i32 to vector<16xi32>
        %add3A_1342 = arith.addi %rem3A_65, %add3A_1341 : vector<16xi32>
        %add3A_1343 = vector.broadcast %mul3A_209 : i32 to vector<16xi32>
        %add3A_1344 = arith.addi %rem3A_71, %add3A_1343 : vector<16xi32>
        %add3A_1345 = vector.broadcast %mul3A_209 : i32 to vector<16xi32>
        %add3A_1346 = arith.addi %rem3A_77, %add3A_1345 : vector<16xi32>
        %add3A_1347 = vector.broadcast %mul3A_209 : i32 to vector<16xi32>
        %add3A_1348 = arith.addi %rem3A_83, %add3A_1347 : vector<16xi32>
        %add3A_1349 = vector.broadcast %mul3A_209 : i32 to vector<16xi32>
        %add3A_1350 = arith.addi %rem3A_89, %add3A_1349 : vector<16xi32>
        %add3A_1351 = vector.broadcast %mul3A_209 : i32 to vector<16xi32>
        %add3A_1352 = arith.addi %rem3A_95, %add3A_1351 : vector<16xi32>
        %mul3A_1353 = arith.constant 2 : i32
        %mul3A_1354 = vector.broadcast %mul3A_1353 : i32 to vector<16xi32>
        %mul3A_1355 = arith.muli %add3A_1338, %mul3A_1354 : vector<16xi32>
        %add3A_1356 = arith.constant 1 : i32
        %add3A_1357 = vector.broadcast %add3A_1356 : i32 to vector<16xi32>
        %add3A_1358 = arith.addi %mul3A_1355, %add3A_1357 : vector<16xi32>
        %mul3A_1359 = arith.constant 2 : i32
        %mul3A_1360 = vector.broadcast %mul3A_1359 : i32 to vector<16xi32>
        %mul3A_1361 = arith.muli %add3A_1340, %mul3A_1360 : vector<16xi32>
        %add3A_1362 = arith.constant 1 : i32
        %add3A_1363 = vector.broadcast %add3A_1362 : i32 to vector<16xi32>
        %add3A_1364 = arith.addi %mul3A_1361, %add3A_1363 : vector<16xi32>
        %mul3A_1365 = arith.constant 2 : i32
        %mul3A_1366 = vector.broadcast %mul3A_1365 : i32 to vector<16xi32>
        %mul3A_1367 = arith.muli %add3A_1342, %mul3A_1366 : vector<16xi32>
        %add3A_1368 = arith.constant 1 : i32
        %add3A_1369 = vector.broadcast %add3A_1368 : i32 to vector<16xi32>
        %add3A_1370 = arith.addi %mul3A_1367, %add3A_1369 : vector<16xi32>
        %mul3A_1371 = arith.constant 2 : i32
        %mul3A_1372 = vector.broadcast %mul3A_1371 : i32 to vector<16xi32>
        %mul3A_1373 = arith.muli %add3A_1344, %mul3A_1372 : vector<16xi32>
        %add3A_1374 = arith.constant 1 : i32
        %add3A_1375 = vector.broadcast %add3A_1374 : i32 to vector<16xi32>
        %add3A_1376 = arith.addi %mul3A_1373, %add3A_1375 : vector<16xi32>
        %mul3A_1377 = arith.constant 2 : i32
        %mul3A_1378 = vector.broadcast %mul3A_1377 : i32 to vector<16xi32>
        %mul3A_1379 = arith.muli %add3A_1346, %mul3A_1378 : vector<16xi32>
        %add3A_1380 = arith.constant 1 : i32
        %add3A_1381 = vector.broadcast %add3A_1380 : i32 to vector<16xi32>
        %add3A_1382 = arith.addi %mul3A_1379, %add3A_1381 : vector<16xi32>
        %mul3A_1383 = arith.constant 2 : i32
        %mul3A_1384 = vector.broadcast %mul3A_1383 : i32 to vector<16xi32>
        %mul3A_1385 = arith.muli %add3A_1348, %mul3A_1384 : vector<16xi32>
        %add3A_1386 = arith.constant 1 : i32
        %add3A_1387 = vector.broadcast %add3A_1386 : i32 to vector<16xi32>
        %add3A_1388 = arith.addi %mul3A_1385, %add3A_1387 : vector<16xi32>
        %mul3A_1389 = arith.constant 2 : i32
        %mul3A_1390 = vector.broadcast %mul3A_1389 : i32 to vector<16xi32>
        %mul3A_1391 = arith.muli %add3A_1350, %mul3A_1390 : vector<16xi32>
        %add3A_1392 = arith.constant 1 : i32
        %add3A_1393 = vector.broadcast %add3A_1392 : i32 to vector<16xi32>
        %add3A_1394 = arith.addi %mul3A_1391, %add3A_1393 : vector<16xi32>
        %mul3A_1395 = arith.constant 2 : i32
        %mul3A_1396 = vector.broadcast %mul3A_1395 : i32 to vector<16xi32>
        %mul3A_1397 = arith.muli %add3A_1352, %mul3A_1396 : vector<16xi32>
        %add3A_1398 = arith.constant 1 : i32
        %add3A_1399 = vector.broadcast %add3A_1398 : i32 to vector<16xi32>
        %add3A_1400 = arith.addi %mul3A_1397, %add3A_1399 : vector<16xi32>
        %gather3A_1401 = tpu.vector_load_idx %arg5[%add3A_1261, %add3A_1358] : memref<64x128xf32, #tpu.memory_space<vmem>>[vector<16xi32>, vector<16xi32>], vector<16xf32>,
        %gather3A_1402 = tpu.vector_load_idx %arg5[%add3A_1261, %add3A_1364] : memref<64x128xf32, #tpu.memory_space<vmem>>[vector<16xi32>, vector<16xi32>], vector<16xf32>,
        %gather3A_1403 = tpu.vector_load_idx %arg5[%add3A_1261, %add3A_1370] : memref<64x128xf32, #tpu.memory_space<vmem>>[vector<16xi32>, vector<16xi32>], vector<16xf32>,
        %gather3A_1404 = tpu.vector_load_idx %arg5[%add3A_1261, %add3A_1376] : memref<64x128xf32, #tpu.memory_space<vmem>>[vector<16xi32>, vector<16xi32>], vector<16xf32>,
        %gather3A_1405 = tpu.vector_load_idx %arg5[%add3A_1261, %add3A_1382] : memref<64x128xf32, #tpu.memory_space<vmem>>[vector<16xi32>, vector<16xi32>], vector<16xf32>,
        %gather3A_1406 = tpu.vector_load_idx %arg5[%add3A_1261, %add3A_1388] : memref<64x128xf32, #tpu.memory_space<vmem>>[vector<16xi32>, vector<16xi32>], vector<16xf32>,
        %gather3A_1407 = tpu.vector_load_idx %arg5[%add3A_1261, %add3A_1394] : memref<64x128xf32, #tpu.memory_space<vmem>>[vector<16xi32>, vector<16xi32>], vector<16xf32>,
        %gather3A_1408 = tpu.vector_load_idx %arg5[%add3A_1261, %add3A_1400] : memref<64x128xf32, #tpu.memory_space<vmem>>[vector<16xi32>, vector<16xi32>], vector<16xf32>,
        tpu.vector_store_idx %arg7[%add3A_1338, %add3A_1264], %gather3A_1401 : memref<64x128xf32, #tpu.memory_space<vmem>>[vector<16xi32>, vector<16xi32>], vector<16xf32>,
        tpu.vector_store_idx %arg7[%add3A_1340, %add3A_1264], %gather3A_1402 : memref<64x128xf32, #tpu.memory_space<vmem>>[vector<16xi32>, vector<16xi32>], vector<16xf32>,
        tpu.vector_store_idx %arg7[%add3A_1342, %add3A_1264], %gather3A_1403 : memref<64x128xf32, #tpu.memory_space<vmem>>[vector<16xi32>, vector<16xi32>], vector<16xf32>,
        tpu.vector_store_idx %arg7[%add3A_1344, %add3A_1264], %gather3A_1404 : memref<64x128xf32, #tpu.memory_space<vmem>>[vector<16xi32>, vector<16xi32>], vector<16xf32>,
        tpu.vector_store_idx %arg7[%add3A_1346, %add3A_1264], %gather3A_1405 : memref<64x128xf32, #tpu.memory_space<vmem>>[vector<16xi32>, vector<16xi32>], vector<16xf32>,
        tpu.vector_store_idx %arg7[%add3A_1348, %add3A_1264], %gather3A_1406 : memref<64x128xf32, #tpu.memory_space<vmem>>[vector<16xi32>, vector<16xi32>], vector<16xf32>,
        tpu.vector_store_idx %arg7[%add3A_1350, %add3A_1264], %gather3A_1407 : memref<64x128xf32, #tpu.memory_space<vmem>>[vector<16xi32>, vector<16xi32>], vector<16xf32>,
        tpu.vector_store_idx %arg7[%add3A_1352, %add3A_1264], %gather3A_1408 : memref<64x128xf32, #tpu.memory_space<vmem>>[vector<16xi32>, vector<16xi32>], vector<16xf32>,
      }
      %scan3A_153 = arith.constant 4 : i32
      %mul3A_154 = arith.constant 32 : i32
      %mul3A_155 = arith.muli %add3A_137, %mul3A_154 : i32
      %add3A_156 = arith.addi %mul3A_155, %add3A : i32
      %mul3A_157 = arith.constant 64 : i32
      %mul3A_158 = arith.muli %mul3A_157, %add3A_156 : i32
      %dma_start3A_159 = arith.constant 0 : i32
      %dma_start3A_160 = tpu.memref_slice %arg4[%mul3A_158, %dma_start3A_159] : memref<500000x128xf32, #tpu.memory_space<hbm>> -> memref<64x128xf32, #tpu.memory_space<hbm>>
      %dma_start3A_161 = arith.constant 0 : i32
      %dma_start3A_162 = tpu.memref_slice %arg4[%mul3A_158, %dma_start3A_161] : memref<500000x128xf32, #tpu.memory_space<hbm>> -> memref<64x128xf32, #tpu.memory_space<hbm>>
      tpu.enqueue_dma source(%arg7 : memref<64x128xf32, #tpu.memory_space<vmem>>) target(%dma_start3A_162 : memref<64x128xf32, #tpu.memory_space<hbm>>) target_semaphore(%arg11 : memref<!tpu.dma_semaphore, #tpu.memory_space<semaphore_mem>>)
      %add3A_163 = arith.constant 2 : i32
      %add3A_164 = arith.addi %add3A_137, %add3A_163 : i32
      %lt3A_165 = arith.constant 244 : i32
      %lt3A_166 = arith.cmpi slt, %add3A_164, %lt3A_165 : i32
      %convert_element_type3A_167 = arith.extui %lt3A_166 : i1 to i32
      %cond3A_168 = arith.constant 0 : i32
      %cond3A_169 = arith.cmpi ne, %convert_element_type3A_167, %cond3A_168 : i32
      scf.if %cond3A_169 {
        %add3A_207 = arith.constant 2 : i32
        %add3A_208 = arith.addi %add3A_137, %add3A_207 : i32
        %mul3A_209 = arith.constant 32 : i32
        %mul3A_210 = arith.muli %add3A_208, %mul3A_209 : i32
        %add3A_211 = arith.addi %mul3A_210, %add3A : i32
        %mul3A_212 = arith.constant 128 : i32
        %mul3A_213 = arith.muli %mul3A_212, %add3A_211 : i32
        %dma_start3A_214 = arith.constant 0 : i32
        %dma_start3A_215 = tpu.memref_slice %arg2[%dma_start3A_214, %mul3A_213] : memref<64x1000000xf32, #tpu.memory_space<hbm>> -> memref<64x128xf32, #tpu.memory_space<hbm>>
        %dma_start3A_216 = arith.constant 0 : i32
        %dma_start3A_217 = tpu.memref_slice %arg2[%dma_start3A_216, %mul3A_213] : memref<64x1000000xf32, #tpu.memory_space<hbm>> -> memref<64x128xf32, #tpu.memory_space<hbm>>
        tpu.enqueue_dma source(%dma_start3A_217 : memref<64x128xf32, #tpu.memory_space<hbm>>) target(%arg5 : memref<64x128xf32, #tpu.memory_space<vmem>>) target_semaphore(%arg9 : memref<!tpu.dma_semaphore, #tpu.memory_space<semaphore_mem>>)
      } else {
      }
      %mul3A_170 = arith.constant 2 : i32
      %mul3A_171 = arith.muli %mul3A_170, %scan3A_133 : i32
      %add3A_172 = arith.constant 1 : i32
      %add3A_173 = arith.addi %mul3A_171, %add3A_172 : i32
      %dma_wait3A_174 = arith.constant 0 : i32
      %dma_wait3A_175 = arith.constant 0 : i32
      %dma_wait3A_176 = tpu.memref_slice %arg2[%dma_wait3A_174, %dma_wait3A_175] : memref<64x1000000xf32, #tpu.memory_space<hbm>> -> memref<64x128xf32, #tpu.memory_space<hbm>>
      %dma_wait3A_177 = arith.constant 0 : i32
      %dma_wait3A_178 = arith.constant 0 : i32
      %dma_wait3A_179 = tpu.memref_slice %arg2[%dma_wait3A_177, %dma_wait3A_178] : memref<64x1000000xf32, #tpu.memory_space<hbm>> -> memref<64x128xf32, #tpu.memory_space<hbm>>
      tpu.wait_dma2 semaphore(%arg10 : memref<!tpu.dma_semaphore, #tpu.memory_space<semaphore_mem>>) src(%dma_wait3A_179 : memref<64x128xf32, #tpu.memory_space<hbm>>) dst(%arg6 : memref<64x128xf32, #tpu.memory_space<vmem>>)
      %ge3A_180 = arith.constant 2 : i32
      %ge3A_181 = arith.cmpi sge, %add3A_173, %ge3A_180 : i32
      %convert_element_type3A_182 = arith.extui %ge3A_181 : i1 to i32
      %cond3A_183 = arith.constant 0 : i32
      %cond3A_184 = arith.cmpi ne, %convert_element_type3A_182, %cond3A_183 : i32
      scf.if %cond3A_184 {
        %dma_wait3A_207 = arith.constant 0 : i32
        %dma_wait3A_208 = arith.constant 0 : i32
        %dma_wait3A_209 = tpu.memref_slice %arg4[%dma_wait3A_207, %dma_wait3A_208] : memref<500000x128xf32, #tpu.memory_space<hbm>> -> memref<64x128xf32, #tpu.memory_space<hbm>>
        %dma_wait3A_210 = arith.constant 0 : i32
        %dma_wait3A_211 = arith.constant 0 : i32
        %dma_wait3A_212 = tpu.memref_slice %arg4[%dma_wait3A_210, %dma_wait3A_211] : memref<500000x128xf32, #tpu.memory_space<hbm>> -> memref<64x128xf32, #tpu.memory_space<hbm>>
        tpu.wait_dma2 semaphore(%arg12 : memref<!tpu.dma_semaphore, #tpu.memory_space<semaphore_mem>>) src(%arg8 : memref<64x128xf32, #tpu.memory_space<vmem>>) dst(%dma_wait3A_212 : memref<64x128xf32, #tpu.memory_space<hbm>>)
      } else {
      }
      %scan3A_185 = arith.constant 0 : i32
      %scan3A_186 = arith.constant 0 : i32
      %scan3A_187 = arith.constant 4 : i32
      %scan3A_188 = arith.addi %scan3A_186, %scan3A_187 : i32
      %scan3A_189 = arith.constant 1 : i32
      scf.for %scan3A_207 = %scan3A_186 to %scan3A_188 step %scan3A_189  : i32 {
        %mul3A_208 = arith.constant 16 : i32
        %mul3A_209 = arith.muli %scan3A_207, %mul3A_208 : i32
        %add3A_210 = arith.constant 0 : i32
        %add3A_211 = vector.broadcast %add3A_210 : i32 to vector<16xi32>
        %add3A_212 = arith.addi %iota3A, %add3A_211 : vector<16xi32>
        %add3A_213 = arith.constant 0 : i32
        %add3A_214 = vector.broadcast %add3A_213 : i32 to vector<16xi32>
        %add3A_215 = arith.addi %add3A_212, %add3A_214 : vector<16xi32>
        %add3A_216 = vector.broadcast %mul3A_209 : i32 to vector<16xi32>
        %add3A_217 = arith.addi %rem3A_5, %add3A_216 : vector<16xi32>
        %add3A_218 = vector.broadcast %mul3A_209 : i32 to vector<16xi32>
        %add3A_219 = arith.addi %rem3A_11, %add3A_218 : vector<16xi32>
        %add3A_220 = vector.broadcast %mul3A_209 : i32 to vector<16xi32>
        %add3A_221 = arith.addi %rem3A_17, %add3A_220 : vector<16xi32>
        %add3A_222 = vector.broadcast %mul3A_209 : i32 to vector<16xi32>
        %add3A_223 = arith.addi %rem3A_23, %add3A_222 : vector<16xi32>
        %add3A_224 = vector.broadcast %mul3A_209 : i32 to vector<16xi32>
        %add3A_225 = arith.addi %rem3A_29, %add3A_224 : vector<16xi32>
        %add3A_226 = vector.broadcast %mul3A_209 : i32 to vector<16xi32>
        %add3A_227 = arith.addi %rem3A_35, %add3A_226 : vector<16xi32>
        %add3A_228 = vector.broadcast %mul3A_209 : i32 to vector<16xi32>
        %add3A_229 = arith.addi %rem3A_41, %add3A_228 : vector<16xi32>
        %add3A_230 = vector.broadcast %mul3A_209 : i32 to vector<16xi32>
        %add3A_231 = arith.addi %rem3A_47, %add3A_230 : vector<16xi32>
        %mul3A_232 = arith.constant 2 : i32
        %mul3A_233 = vector.broadcast %mul3A_232 : i32 to vector<16xi32>
        %mul3A_234 = arith.muli %add3A_217, %mul3A_233 : vector<16xi32>
        %add3A_235 = arith.constant 0 : i32
        %add3A_236 = vector.broadcast %add3A_235 : i32 to vector<16xi32>
        %add3A_237 = arith.addi %mul3A_234, %add3A_236 : vector<16xi32>
        %mul3A_238 = arith.constant 2 : i32
        %mul3A_239 = vector.broadcast %mul3A_238 : i32 to vector<16xi32>
        %mul3A_240 = arith.muli %add3A_219, %mul3A_239 : vector<16xi32>
        %add3A_241 = arith.constant 0 : i32
        %add3A_242 = vector.broadcast %add3A_241 : i32 to vector<16xi32>
        %add3A_243 = arith.addi %mul3A_240, %add3A_242 : vector<16xi32>
        %mul3A_244 = arith.constant 2 : i32
        %mul3A_245 = vector.broadcast %mul3A_244 : i32 to vector<16xi32>
        %mul3A_246 = arith.muli %add3A_221, %mul3A_245 : vector<16xi32>
        %add3A_247 = arith.constant 0 : i32
        %add3A_248 = vector.broadcast %add3A_247 : i32 to vector<16xi32>
        %add3A_249 = arith.addi %mul3A_246, %add3A_248 : vector<16xi32>
        %mul3A_250 = arith.constant 2 : i32
        %mul3A_251 = vector.broadcast %mul3A_250 : i32 to vector<16xi32>
        %mul3A_252 = arith.muli %add3A_223, %mul3A_251 : vector<16xi32>
        %add3A_253 = arith.constant 0 : i32
        %add3A_254 = vector.broadcast %add3A_253 : i32 to vector<16xi32>
        %add3A_255 = arith.addi %mul3A_252, %add3A_254 : vector<16xi32>
        %mul3A_256 = arith.constant 2 : i32
        %mul3A_257 = vector.broadcast %mul3A_256 : i32 to vector<16xi32>
        %mul3A_258 = arith.muli %add3A_225, %mul3A_257 : vector<16xi32>
        %add3A_259 = arith.constant 0 : i32
        %add3A_260 = vector.broadcast %add3A_259 : i32 to vector<16xi32>
        %add3A_261 = arith.addi %mul3A_258, %add3A_260 : vector<16xi32>
        %mul3A_262 = arith.constant 2 : i32
        %mul3A_263 = vector.broadcast %mul3A_262 : i32 to vector<16xi32>
        %mul3A_264 = arith.muli %add3A_227, %mul3A_263 : vector<16xi32>
        %add3A_265 = arith.constant 0 : i32
        %add3A_266 = vector.broadcast %add3A_265 : i32 to vector<16xi32>
        %add3A_267 = arith.addi %mul3A_264, %add3A_266 : vector<16xi32>
        %mul3A_268 = arith.constant 2 : i32
        %mul3A_269 = vector.broadcast %mul3A_268 : i32 to vector<16xi32>
        %mul3A_270 = arith.muli %add3A_229, %mul3A_269 : vector<16xi32>
        %add3A_271 = arith.constant 0 : i32
        %add3A_272 = vector.broadcast %add3A_271 : i32 to vector<16xi32>
        %add3A_273 = arith.addi %mul3A_270, %add3A_272 : vector<16xi32>
        %mul3A_274 = arith.constant 2 : i32
        %mul3A_275 = vector.broadcast %mul3A_274 : i32 to vector<16xi32>
        %mul3A_276 = arith.muli %add3A_231, %mul3A_275 : vector<16xi32>
        %add3A_277 = arith.constant 0 : i32
        %add3A_278 = vector.broadcast %add3A_277 : i32 to vector<16xi32>
        %add3A_279 = arith.addi %mul3A_276, %add3A_278 : vector<16xi32>
        %gather3A = tpu.vector_load_idx %arg6[%add3A_212, %add3A_237] : memref<64x128xf32, #tpu.memory_space<vmem>>[vector<16xi32>, vector<16xi32>], vector<16xf32>,
        %gather3A_280 = tpu.vector_load_idx %arg6[%add3A_212, %add3A_243] : memref<64x128xf32, #tpu.memory_space<vmem>>[vector<16xi32>, vector<16xi32>], vector<16xf32>,
        %gather3A_281 = tpu.vector_load_idx %arg6[%add3A_212, %add3A_249] : memref<64x128xf32, #tpu.memory_space<vmem>>[vector<16xi32>, vector<16xi32>], vector<16xf32>,
        %gather3A_282 = tpu.vector_load_idx %arg6[%add3A_212, %add3A_255] : memref<64x128xf32, #tpu.memory_space<vmem>>[vector<16xi32>, vector<16xi32>], vector<16xf32>,
        %gather3A_283 = tpu.vector_load_idx %arg6[%add3A_212, %add3A_261] : memref<64x128xf32, #tpu.memory_space<vmem>>[vector<16xi32>, vector<16xi32>], vector<16xf32>,
        %gather3A_284 = tpu.vector_load_idx %arg6[%add3A_212, %add3A_267] : memref<64x128xf32, #tpu.memory_space<vmem>>[vector<16xi32>, vector<16xi32>], vector<16xf32>,
        %gather3A_285 = tpu.vector_load_idx %arg6[%add3A_212, %add3A_273] : memref<64x128xf32, #tpu.memory_space<vmem>>[vector<16xi32>, vector<16xi32>], vector<16xf32>,
        %gather3A_286 = tpu.vector_load_idx %arg6[%add3A_212, %add3A_279] : memref<64x128xf32, #tpu.memory_space<vmem>>[vector<16xi32>, vector<16xi32>], vector<16xf32>,
        tpu.vector_store_idx %arg8[%add3A_217, %add3A_215], %gather3A : memref<64x128xf32, #tpu.memory_space<vmem>>[vector<16xi32>, vector<16xi32>], vector<16xf32>,
        tpu.vector_store_idx %arg8[%add3A_219, %add3A_215], %gather3A_280 : memref<64x128xf32, #tpu.memory_space<vmem>>[vector<16xi32>, vector<16xi32>], vector<16xf32>,
        tpu.vector_store_idx %arg8[%add3A_221, %add3A_215], %gather3A_281 : memref<64x128xf32, #tpu.memory_space<vmem>>[vector<16xi32>, vector<16xi32>], vector<16xf32>,
        tpu.vector_store_idx %arg8[%add3A_223, %add3A_215], %gather3A_282 : memref<64x128xf32, #tpu.memory_space<vmem>>[vector<16xi32>, vector<16xi32>], vector<16xf32>,
        tpu.vector_store_idx %arg8[%add3A_225, %add3A_215], %gather3A_283 : memref<64x128xf32, #tpu.memory_space<vmem>>[vector<16xi32>, vector<16xi32>], vector<16xf32>,
        tpu.vector_store_idx %arg8[%add3A_227, %add3A_215], %gather3A_284 : memref<64x128xf32, #tpu.memory_space<vmem>>[vector<16xi32>, vector<16xi32>], vector<16xf32>,
        tpu.vector_store_idx %arg8[%add3A_229, %add3A_215], %gather3A_285 : memref<64x128xf32, #tpu.memory_space<vmem>>[vector<16xi32>, vector<16xi32>], vector<16xf32>,
        tpu.vector_store_idx %arg8[%add3A_231, %add3A_215], %gather3A_286 : memref<64x128xf32, #tpu.memory_space<vmem>>[vector<16xi32>, vector<16xi32>], vector<16xf32>,
        %add3A_287 = vector.broadcast %mul3A_209 : i32 to vector<16xi32>
        %add3A_288 = arith.addi %rem3A_53, %add3A_287 : vector<16xi32>
        %add3A_289 = vector.broadcast %mul3A_209 : i32 to vector<16xi32>
        %add3A_290 = arith.addi %rem3A_59, %add3A_289 : vector<16xi32>
        %add3A_291 = vector.broadcast %mul3A_209 : i32 to vector<16xi32>
        %add3A_292 = arith.addi %rem3A_65, %add3A_291 : vector<16xi32>
        %add3A_293 = vector.broadcast %mul3A_209 : i32 to vector<16xi32>
        %add3A_294 = arith.addi %rem3A_71, %add3A_293 : vector<16xi32>
        %add3A_295 = vector.broadcast %mul3A_209 : i32 to vector<16xi32>
        %add3A_296 = arith.addi %rem3A_77, %add3A_295 : vector<16xi32>
        %add3A_297 = vector.broadcast %mul3A_209 : i32 to vector<16xi32>
        %add3A_298 = arith.addi %rem3A_83, %add3A_297 : vector<16xi32>
        %add3A_299 = vector.broadcast %mul3A_209 : i32 to vector<16xi32>
        %add3A_300 = arith.addi %rem3A_89, %add3A_299 : vector<16xi32>
        %add3A_301 = vector.broadcast %mul3A_209 : i32 to vector<16xi32>
        %add3A_302 = arith.addi %rem3A_95, %add3A_301 : vector<16xi32>
        %mul3A_303 = arith.constant 2 : i32
        %mul3A_304 = vector.broadcast %mul3A_303 : i32 to vector<16xi32>
        %mul3A_305 = arith.muli %add3A_288, %mul3A_304 : vector<16xi32>
        %add3A_306 = arith.constant 0 : i32
        %add3A_307 = vector.broadcast %add3A_306 : i32 to vector<16xi32>
        %add3A_308 = arith.addi %mul3A_305, %add3A_307 : vector<16xi32>
        %mul3A_309 = arith.constant 2 : i32
        %mul3A_310 = vector.broadcast %mul3A_309 : i32 to vector<16xi32>
        %mul3A_311 = arith.muli %add3A_290, %mul3A_310 : vector<16xi32>
        %add3A_312 = arith.constant 0 : i32
        %add3A_313 = vector.broadcast %add3A_312 : i32 to vector<16xi32>
        %add3A_314 = arith.addi %mul3A_311, %add3A_313 : vector<16xi32>
        %mul3A_315 = arith.constant 2 : i32
        %mul3A_316 = vector.broadcast %mul3A_315 : i32 to vector<16xi32>
        %mul3A_317 = arith.muli %add3A_292, %mul3A_316 : vector<16xi32>
        %add3A_318 = arith.constant 0 : i32
        %add3A_319 = vector.broadcast %add3A_318 : i32 to vector<16xi32>
        %add3A_320 = arith.addi %mul3A_317, %add3A_319 : vector<16xi32>
        %mul3A_321 = arith.constant 2 : i32
        %mul3A_322 = vector.broadcast %mul3A_321 : i32 to vector<16xi32>
        %mul3A_323 = arith.muli %add3A_294, %mul3A_322 : vector<16xi32>
        %add3A_324 = arith.constant 0 : i32
        %add3A_325 = vector.broadcast %add3A_324 : i32 to vector<16xi32>
        %add3A_326 = arith.addi %mul3A_323, %add3A_325 : vector<16xi32>
        %mul3A_327 = arith.constant 2 : i32
        %mul3A_328 = vector.broadcast %mul3A_327 : i32 to vector<16xi32>
        %mul3A_329 = arith.muli %add3A_296, %mul3A_328 : vector<16xi32>
        %add3A_330 = arith.constant 0 : i32
        %add3A_331 = vector.broadcast %add3A_330 : i32 to vector<16xi32>
        %add3A_332 = arith.addi %mul3A_329, %add3A_331 : vector<16xi32>
        %mul3A_333 = arith.constant 2 : i32
        %mul3A_334 = vector.broadcast %mul3A_333 : i32 to vector<16xi32>
        %mul3A_335 = arith.muli %add3A_298, %mul3A_334 : vector<16xi32>
        %add3A_336 = arith.constant 0 : i32
        %add3A_337 = vector.broadcast %add3A_336 : i32 to vector<16xi32>
        %add3A_338 = arith.addi %mul3A_335, %add3A_337 : vector<16xi32>
        %mul3A_339 = arith.constant 2 : i32
        %mul3A_340 = vector.broadcast %mul3A_339 : i32 to vector<16xi32>
        %mul3A_341 = arith.muli %add3A_300, %mul3A_340 : vector<16xi32>
        %add3A_342 = arith.constant 0 : i32
        %add3A_343 = vector.broadcast %add3A_342 : i32 to vector<16xi32>
        %add3A_344 = arith.addi %mul3A_341, %add3A_343 : vector<16xi32>
        %mul3A_345 = arith.constant 2 : i32
        %mul3A_346 = vector.broadcast %mul3A_345 : i32 to vector<16xi32>
        %mul3A_347 = arith.muli %add3A_302, %mul3A_346 : vector<16xi32>
        %add3A_348 = arith.constant 0 : i32
        %add3A_349 = vector.broadcast %add3A_348 : i32 to vector<16xi32>
        %add3A_350 = arith.addi %mul3A_347, %add3A_349 : vector<16xi32>
        %gather3A_351 = tpu.vector_load_idx %arg6[%add3A_212, %add3A_308] : memref<64x128xf32, #tpu.memory_space<vmem>>[vector<16xi32>, vector<16xi32>], vector<16xf32>,
        %gather3A_352 = tpu.vector_load_idx %arg6[%add3A_212, %add3A_314] : memref<64x128xf32, #tpu.memory_space<vmem>>[vector<16xi32>, vector<16xi32>], vector<16xf32>,
        %gather3A_353 = tpu.vector_load_idx %arg6[%add3A_212, %add3A_320] : memref<64x128xf32, #tpu.memory_space<vmem>>[vector<16xi32>, vector<16xi32>], vector<16xf32>,
        %gather3A_354 = tpu.vector_load_idx %arg6[%add3A_212, %add3A_326] : memref<64x128xf32, #tpu.memory_space<vmem>>[vector<16xi32>, vector<16xi32>], vector<16xf32>,
        %gather3A_355 = tpu.vector_load_idx %arg6[%add3A_212, %add3A_332] : memref<64x128xf32, #tpu.memory_space<vmem>>[vector<16xi32>, vector<16xi32>], vector<16xf32>,
        %gather3A_356 = tpu.vector_load_idx %arg6[%add3A_212, %add3A_338] : memref<64x128xf32, #tpu.memory_space<vmem>>[vector<16xi32>, vector<16xi32>], vector<16xf32>,
        %gather3A_357 = tpu.vector_load_idx %arg6[%add3A_212, %add3A_344] : memref<64x128xf32, #tpu.memory_space<vmem>>[vector<16xi32>, vector<16xi32>], vector<16xf32>,
        %gather3A_358 = tpu.vector_load_idx %arg6[%add3A_212, %add3A_350] : memref<64x128xf32, #tpu.memory_space<vmem>>[vector<16xi32>, vector<16xi32>], vector<16xf32>,
        tpu.vector_store_idx %arg8[%add3A_288, %add3A_215], %gather3A_351 : memref<64x128xf32, #tpu.memory_space<vmem>>[vector<16xi32>, vector<16xi32>], vector<16xf32>,
        tpu.vector_store_idx %arg8[%add3A_290, %add3A_215], %gather3A_352 : memref<64x128xf32, #tpu.memory_space<vmem>>[vector<16xi32>, vector<16xi32>], vector<16xf32>,
        tpu.vector_store_idx %arg8[%add3A_292, %add3A_215], %gather3A_353 : memref<64x128xf32, #tpu.memory_space<vmem>>[vector<16xi32>, vector<16xi32>], vector<16xf32>,
        tpu.vector_store_idx %arg8[%add3A_294, %add3A_215], %gather3A_354 : memref<64x128xf32, #tpu.memory_space<vmem>>[vector<16xi32>, vector<16xi32>], vector<16xf32>,
        tpu.vector_store_idx %arg8[%add3A_296, %add3A_215], %gather3A_355 : memref<64x128xf32, #tpu.memory_space<vmem>>[vector<16xi32>, vector<16xi32>], vector<16xf32>,
        tpu.vector_store_idx %arg8[%add3A_298, %add3A_215], %gather3A_356 : memref<64x128xf32, #tpu.memory_space<vmem>>[vector<16xi32>, vector<16xi32>], vector<16xf32>,
        tpu.vector_store_idx %arg8[%add3A_300, %add3A_215], %gather3A_357 : memref<64x128xf32, #tpu.memory_space<vmem>>[vector<16xi32>, vector<16xi32>], vector<16xf32>,
        tpu.vector_store_idx %arg8[%add3A_302, %add3A_215], %gather3A_358 : memref<64x128xf32, #tpu.memory_space<vmem>>[vector<16xi32>, vector<16xi32>], vector<16xf32>,
        %add3A_359 = arith.constant 16 : i32
        %add3A_360 = vector.broadcast %add3A_359 : i32 to vector<16xi32>
        %add3A_361 = arith.addi %iota3A, %add3A_360 : vector<16xi32>
        %add3A_362 = arith.constant 0 : i32
        %add3A_363 = vector.broadcast %add3A_362 : i32 to vector<16xi32>
        %add3A_364 = arith.addi %add3A_361, %add3A_363 : vector<16xi32>
        %add3A_365 = vector.broadcast %mul3A_209 : i32 to vector<16xi32>
        %add3A_366 = arith.addi %rem3A_5, %add3A_365 : vector<16xi32>
        %add3A_367 = vector.broadcast %mul3A_209 : i32 to vector<16xi32>
        %add3A_368 = arith.addi %rem3A_11, %add3A_367 : vector<16xi32>
        %add3A_369 = vector.broadcast %mul3A_209 : i32 to vector<16xi32>
        %add3A_370 = arith.addi %rem3A_17, %add3A_369 : vector<16xi32>
        %add3A_371 = vector.broadcast %mul3A_209 : i32 to vector<16xi32>
        %add3A_372 = arith.addi %rem3A_23, %add3A_371 : vector<16xi32>
        %add3A_373 = vector.broadcast %mul3A_209 : i32 to vector<16xi32>
        %add3A_374 = arith.addi %rem3A_29, %add3A_373 : vector<16xi32>
        %add3A_375 = vector.broadcast %mul3A_209 : i32 to vector<16xi32>
        %add3A_376 = arith.addi %rem3A_35, %add3A_375 : vector<16xi32>
        %add3A_377 = vector.broadcast %mul3A_209 : i32 to vector<16xi32>
        %add3A_378 = arith.addi %rem3A_41, %add3A_377 : vector<16xi32>
        %add3A_379 = vector.broadcast %mul3A_209 : i32 to vector<16xi32>
        %add3A_380 = arith.addi %rem3A_47, %add3A_379 : vector<16xi32>
        %mul3A_381 = arith.constant 2 : i32
        %mul3A_382 = vector.broadcast %mul3A_381 : i32 to vector<16xi32>
        %mul3A_383 = arith.muli %add3A_366, %mul3A_382 : vector<16xi32>
        %add3A_384 = arith.constant 0 : i32
        %add3A_385 = vector.broadcast %add3A_384 : i32 to vector<16xi32>
        %add3A_386 = arith.addi %mul3A_383, %add3A_385 : vector<16xi32>
        %mul3A_387 = arith.constant 2 : i32
        %mul3A_388 = vector.broadcast %mul3A_387 : i32 to vector<16xi32>
        %mul3A_389 = arith.muli %add3A_368, %mul3A_388 : vector<16xi32>
        %add3A_390 = arith.constant 0 : i32
        %add3A_391 = vector.broadcast %add3A_390 : i32 to vector<16xi32>
        %add3A_392 = arith.addi %mul3A_389, %add3A_391 : vector<16xi32>
        %mul3A_393 = arith.constant 2 : i32
        %mul3A_394 = vector.broadcast %mul3A_393 : i32 to vector<16xi32>
        %mul3A_395 = arith.muli %add3A_370, %mul3A_394 : vector<16xi32>
        %add3A_396 = arith.constant 0 : i32
        %add3A_397 = vector.broadcast %add3A_396 : i32 to vector<16xi32>
        %add3A_398 = arith.addi %mul3A_395, %add3A_397 : vector<16xi32>
        %mul3A_399 = arith.constant 2 : i32
        %mul3A_400 = vector.broadcast %mul3A_399 : i32 to vector<16xi32>
        %mul3A_401 = arith.muli %add3A_372, %mul3A_400 : vector<16xi32>
        %add3A_402 = arith.constant 0 : i32
        %add3A_403 = vector.broadcast %add3A_402 : i32 to vector<16xi32>
        %add3A_404 = arith.addi %mul3A_401, %add3A_403 : vector<16xi32>
        %mul3A_405 = arith.constant 2 : i32
        %mul3A_406 = vector.broadcast %mul3A_405 : i32 to vector<16xi32>
        %mul3A_407 = arith.muli %add3A_374, %mul3A_406 : vector<16xi32>
        %add3A_408 = arith.constant 0 : i32
        %add3A_409 = vector.broadcast %add3A_408 : i32 to vector<16xi32>
        %add3A_410 = arith.addi %mul3A_407, %add3A_409 : vector<16xi32>
        %mul3A_411 = arith.constant 2 : i32
        %mul3A_412 = vector.broadcast %mul3A_411 : i32 to vector<16xi32>
        %mul3A_413 = arith.muli %add3A_376, %mul3A_412 : vector<16xi32>
        %add3A_414 = arith.constant 0 : i32
        %add3A_415 = vector.broadcast %add3A_414 : i32 to vector<16xi32>
        %add3A_416 = arith.addi %mul3A_413, %add3A_415 : vector<16xi32>
        %mul3A_417 = arith.constant 2 : i32
        %mul3A_418 = vector.broadcast %mul3A_417 : i32 to vector<16xi32>
        %mul3A_419 = arith.muli %add3A_378, %mul3A_418 : vector<16xi32>
        %add3A_420 = arith.constant 0 : i32
        %add3A_421 = vector.broadcast %add3A_420 : i32 to vector<16xi32>
        %add3A_422 = arith.addi %mul3A_419, %add3A_421 : vector<16xi32>
        %mul3A_423 = arith.constant 2 : i32
        %mul3A_424 = vector.broadcast %mul3A_423 : i32 to vector<16xi32>
        %mul3A_425 = arith.muli %add3A_380, %mul3A_424 : vector<16xi32>
        %add3A_426 = arith.constant 0 : i32
        %add3A_427 = vector.broadcast %add3A_426 : i32 to vector<16xi32>
        %add3A_428 = arith.addi %mul3A_425, %add3A_427 : vector<16xi32>
        %gather3A_429 = tpu.vector_load_idx %arg6[%add3A_361, %add3A_386] : memref<64x128xf32, #tpu.memory_space<vmem>>[vector<16xi32>, vector<16xi32>], vector<16xf32>,
        %gather3A_430 = tpu.vector_load_idx %arg6[%add3A_361, %add3A_392] : memref<64x128xf32, #tpu.memory_space<vmem>>[vector<16xi32>, vector<16xi32>], vector<16xf32>,
        %gather3A_431 = tpu.vector_load_idx %arg6[%add3A_361, %add3A_398] : memref<64x128xf32, #tpu.memory_space<vmem>>[vector<16xi32>, vector<16xi32>], vector<16xf32>,
        %gather3A_432 = tpu.vector_load_idx %arg6[%add3A_361, %add3A_404] : memref<64x128xf32, #tpu.memory_space<vmem>>[vector<16xi32>, vector<16xi32>], vector<16xf32>,
        %gather3A_433 = tpu.vector_load_idx %arg6[%add3A_361, %add3A_410] : memref<64x128xf32, #tpu.memory_space<vmem>>[vector<16xi32>, vector<16xi32>], vector<16xf32>,
        %gather3A_434 = tpu.vector_load_idx %arg6[%add3A_361, %add3A_416] : memref<64x128xf32, #tpu.memory_space<vmem>>[vector<16xi32>, vector<16xi32>], vector<16xf32>,
        %gather3A_435 = tpu.vector_load_idx %arg6[%add3A_361, %add3A_422] : memref<64x128xf32, #tpu.memory_space<vmem>>[vector<16xi32>, vector<16xi32>], vector<16xf32>,
        %gather3A_436 = tpu.vector_load_idx %arg6[%add3A_361, %add3A_428] : memref<64x128xf32, #tpu.memory_space<vmem>>[vector<16xi32>, vector<16xi32>], vector<16xf32>,
        tpu.vector_store_idx %arg8[%add3A_366, %add3A_364], %gather3A_429 : memref<64x128xf32, #tpu.memory_space<vmem>>[vector<16xi32>, vector<16xi32>], vector<16xf32>,
        tpu.vector_store_idx %arg8[%add3A_368, %add3A_364], %gather3A_430 : memref<64x128xf32, #tpu.memory_space<vmem>>[vector<16xi32>, vector<16xi32>], vector<16xf32>,
        tpu.vector_store_idx %arg8[%add3A_370, %add3A_364], %gather3A_431 : memref<64x128xf32, #tpu.memory_space<vmem>>[vector<16xi32>, vector<16xi32>], vector<16xf32>,
        tpu.vector_store_idx %arg8[%add3A_372, %add3A_364], %gather3A_432 : memref<64x128xf32, #tpu.memory_space<vmem>>[vector<16xi32>, vector<16xi32>], vector<16xf32>,
        tpu.vector_store_idx %arg8[%add3A_374, %add3A_364], %gather3A_433 : memref<64x128xf32, #tpu.memory_space<vmem>>[vector<16xi32>, vector<16xi32>], vector<16xf32>,
        tpu.vector_store_idx %arg8[%add3A_376, %add3A_364], %gather3A_434 : memref<64x128xf32, #tpu.memory_space<vmem>>[vector<16xi32>, vector<16xi32>], vector<16xf32>,
        tpu.vector_store_idx %arg8[%add3A_378, %add3A_364], %gather3A_435 : memref<64x128xf32, #tpu.memory_space<vmem>>[vector<16xi32>, vector<16xi32>], vector<16xf32>,
        tpu.vector_store_idx %arg8[%add3A_380, %add3A_364], %gather3A_436 : memref<64x128xf32, #tpu.memory_space<vmem>>[vector<16xi32>, vector<16xi32>], vector<16xf32>,
        %add3A_437 = vector.broadcast %mul3A_209 : i32 to vector<16xi32>
        %add3A_438 = arith.addi %rem3A_53, %add3A_437 : vector<16xi32>
        %add3A_439 = vector.broadcast %mul3A_209 : i32 to vector<16xi32>
        %add3A_440 = arith.addi %rem3A_59, %add3A_439 : vector<16xi32>
        %add3A_441 = vector.broadcast %mul3A_209 : i32 to vector<16xi32>
        %add3A_442 = arith.addi %rem3A_65, %add3A_441 : vector<16xi32>
        %add3A_443 = vector.broadcast %mul3A_209 : i32 to vector<16xi32>
        %add3A_444 = arith.addi %rem3A_71, %add3A_443 : vector<16xi32>
        %add3A_445 = vector.broadcast %mul3A_209 : i32 to vector<16xi32>
        %add3A_446 = arith.addi %rem3A_77, %add3A_445 : vector<16xi32>
        %add3A_447 = vector.broadcast %mul3A_209 : i32 to vector<16xi32>
        %add3A_448 = arith.addi %rem3A_83, %add3A_447 : vector<16xi32>
        %add3A_449 = vector.broadcast %mul3A_209 : i32 to vector<16xi32>
        %add3A_450 = arith.addi %rem3A_89, %add3A_449 : vector<16xi32>
        %add3A_451 = vector.broadcast %mul3A_209 : i32 to vector<16xi32>
        %add3A_452 = arith.addi %rem3A_95, %add3A_451 : vector<16xi32>
        %mul3A_453 = arith.constant 2 : i32
        %mul3A_454 = vector.broadcast %mul3A_453 : i32 to vector<16xi32>
        %mul3A_455 = arith.muli %add3A_438, %mul3A_454 : vector<16xi32>
        %add3A_456 = arith.constant 0 : i32
        %add3A_457 = vector.broadcast %add3A_456 : i32 to vector<16xi32>
        %add3A_458 = arith.addi %mul3A_455, %add3A_457 : vector<16xi32>
        %mul3A_459 = arith.constant 2 : i32
        %mul3A_460 = vector.broadcast %mul3A_459 : i32 to vector<16xi32>
        %mul3A_461 = arith.muli %add3A_440, %mul3A_460 : vector<16xi32>
        %add3A_462 = arith.constant 0 : i32
        %add3A_463 = vector.broadcast %add3A_462 : i32 to vector<16xi32>
        %add3A_464 = arith.addi %mul3A_461, %add3A_463 : vector<16xi32>
        %mul3A_465 = arith.constant 2 : i32
        %mul3A_466 = vector.broadcast %mul3A_465 : i32 to vector<16xi32>
        %mul3A_467 = arith.muli %add3A_442, %mul3A_466 : vector<16xi32>
        %add3A_468 = arith.constant 0 : i32
        %add3A_469 = vector.broadcast %add3A_468 : i32 to vector<16xi32>
        %add3A_470 = arith.addi %mul3A_467, %add3A_469 : vector<16xi32>
        %mul3A_471 = arith.constant 2 : i32
        %mul3A_472 = vector.broadcast %mul3A_471 : i32 to vector<16xi32>
        %mul3A_473 = arith.muli %add3A_444, %mul3A_472 : vector<16xi32>
        %add3A_474 = arith.constant 0 : i32
        %add3A_475 = vector.broadcast %add3A_474 : i32 to vector<16xi32>
        %add3A_476 = arith.addi %mul3A_473, %add3A_475 : vector<16xi32>
        %mul3A_477 = arith.constant 2 : i32
        %mul3A_478 = vector.broadcast %mul3A_477 : i32 to vector<16xi32>
        %mul3A_479 = arith.muli %add3A_446, %mul3A_478 : vector<16xi32>
        %add3A_480 = arith.constant 0 : i32
        %add3A_481 = vector.broadcast %add3A_480 : i32 to vector<16xi32>
        %add3A_482 = arith.addi %mul3A_479, %add3A_481 : vector<16xi32>
        %mul3A_483 = arith.constant 2 : i32
        %mul3A_484 = vector.broadcast %mul3A_483 : i32 to vector<16xi32>
        %mul3A_485 = arith.muli %add3A_448, %mul3A_484 : vector<16xi32>
        %add3A_486 = arith.constant 0 : i32
        %add3A_487 = vector.broadcast %add3A_486 : i32 to vector<16xi32>
        %add3A_488 = arith.addi %mul3A_485, %add3A_487 : vector<16xi32>
        %mul3A_489 = arith.constant 2 : i32
        %mul3A_490 = vector.broadcast %mul3A_489 : i32 to vector<16xi32>
        %mul3A_491 = arith.muli %add3A_450, %mul3A_490 : vector<16xi32>
        %add3A_492 = arith.constant 0 : i32
        %add3A_493 = vector.broadcast %add3A_492 : i32 to vector<16xi32>
        %add3A_494 = arith.addi %mul3A_491, %add3A_493 : vector<16xi32>
        %mul3A_495 = arith.constant 2 : i32
        %mul3A_496 = vector.broadcast %mul3A_495 : i32 to vector<16xi32>
        %mul3A_497 = arith.muli %add3A_452, %mul3A_496 : vector<16xi32>
        %add3A_498 = arith.constant 0 : i32
        %add3A_499 = vector.broadcast %add3A_498 : i32 to vector<16xi32>
        %add3A_500 = arith.addi %mul3A_497, %add3A_499 : vector<16xi32>
        %gather3A_501 = tpu.vector_load_idx %arg6[%add3A_361, %add3A_458] : memref<64x128xf32, #tpu.memory_space<vmem>>[vector<16xi32>, vector<16xi32>], vector<16xf32>,
        %gather3A_502 = tpu.vector_load_idx %arg6[%add3A_361, %add3A_464] : memref<64x128xf32, #tpu.memory_space<vmem>>[vector<16xi32>, vector<16xi32>], vector<16xf32>,
        %gather3A_503 = tpu.vector_load_idx %arg6[%add3A_361, %add3A_470] : memref<64x128xf32, #tpu.memory_space<vmem>>[vector<16xi32>, vector<16xi32>], vector<16xf32>,
        %gather3A_504 = tpu.vector_load_idx %arg6[%add3A_361, %add3A_476] : memref<64x128xf32, #tpu.memory_space<vmem>>[vector<16xi32>, vector<16xi32>], vector<16xf32>,
        %gather3A_505 = tpu.vector_load_idx %arg6[%add3A_361, %add3A_482] : memref<64x128xf32, #tpu.memory_space<vmem>>[vector<16xi32>, vector<16xi32>], vector<16xf32>,
        %gather3A_506 = tpu.vector_load_idx %arg6[%add3A_361, %add3A_488] : memref<64x128xf32, #tpu.memory_space<vmem>>[vector<16xi32>, vector<16xi32>], vector<16xf32>,
        %gather3A_507 = tpu.vector_load_idx %arg6[%add3A_361, %add3A_494] : memref<64x128xf32, #tpu.memory_space<vmem>>[vector<16xi32>, vector<16xi32>], vector<16xf32>,
        %gather3A_508 = tpu.vector_load_idx %arg6[%add3A_361, %add3A_500] : memref<64x128xf32, #tpu.memory_space<vmem>>[vector<16xi32>, vector<16xi32>], vector<16xf32>,
        tpu.vector_store_idx %arg8[%add3A_438, %add3A_364], %gather3A_501 : memref<64x128xf32, #tpu.memory_space<vmem>>[vector<16xi32>, vector<16xi32>], vector<16xf32>,
        tpu.vector_store_idx %arg8[%add3A_440, %add3A_364], %gather3A_502 : memref<64x128xf32, #tpu.memory_space<vmem>>[vector<16xi32>, vector<16xi32>], vector<16xf32>,
        tpu.vector_store_idx %arg8[%add3A_442, %add3A_364], %gather3A_503 : memref<64x128xf32, #tpu.memory_space<vmem>>[vector<16xi32>, vector<16xi32>], vector<16xf32>,
        tpu.vector_store_idx %arg8[%add3A_444, %add3A_364], %gather3A_504 : memref<64x128xf32, #tpu.memory_space<vmem>>[vector<16xi32>, vector<16xi32>], vector<16xf32>,
        tpu.vector_store_idx %arg8[%add3A_446, %add3A_364], %gather3A_505 : memref<64x128xf32, #tpu.memory_space<vmem>>[vector<16xi32>, vector<16xi32>], vector<16xf32>,
        tpu.vector_store_idx %arg8[%add3A_448, %add3A_364], %gather3A_506 : memref<64x128xf32, #tpu.memory_space<vmem>>[vector<16xi32>, vector<16xi32>], vector<16xf32>,
        tpu.vector_store_idx %arg8[%add3A_450, %add3A_364], %gather3A_507 : memref<64x128xf32, #tpu.memory_space<vmem>>[vector<16xi32>, vector<16xi32>], vector<16xf32>,
        tpu.vector_store_idx %arg8[%add3A_452, %add3A_364], %gather3A_508 : memref<64x128xf32, #tpu.memory_space<vmem>>[vector<16xi32>, vector<16xi32>], vector<16xf32>,
        %add3A_509 = arith.constant 32 : i32
        %add3A_510 = vector.broadcast %add3A_509 : i32 to vector<16xi32>
        %add3A_511 = arith.addi %iota3A, %add3A_510 : vector<16xi32>
        %add3A_512 = arith.constant 0 : i32
        %add3A_513 = vector.broadcast %add3A_512 : i32 to vector<16xi32>
        %add3A_514 = arith.addi %add3A_511, %add3A_513 : vector<16xi32>
        %add3A_515 = vector.broadcast %mul3A_209 : i32 to vector<16xi32>
        %add3A_516 = arith.addi %rem3A_5, %add3A_515 : vector<16xi32>
        %add3A_517 = vector.broadcast %mul3A_209 : i32 to vector<16xi32>
        %add3A_518 = arith.addi %rem3A_11, %add3A_517 : vector<16xi32>
        %add3A_519 = vector.broadcast %mul3A_209 : i32 to vector<16xi32>
        %add3A_520 = arith.addi %rem3A_17, %add3A_519 : vector<16xi32>
        %add3A_521 = vector.broadcast %mul3A_209 : i32 to vector<16xi32>
        %add3A_522 = arith.addi %rem3A_23, %add3A_521 : vector<16xi32>
        %add3A_523 = vector.broadcast %mul3A_209 : i32 to vector<16xi32>
        %add3A_524 = arith.addi %rem3A_29, %add3A_523 : vector<16xi32>
        %add3A_525 = vector.broadcast %mul3A_209 : i32 to vector<16xi32>
        %add3A_526 = arith.addi %rem3A_35, %add3A_525 : vector<16xi32>
        %add3A_527 = vector.broadcast %mul3A_209 : i32 to vector<16xi32>
        %add3A_528 = arith.addi %rem3A_41, %add3A_527 : vector<16xi32>
        %add3A_529 = vector.broadcast %mul3A_209 : i32 to vector<16xi32>
        %add3A_530 = arith.addi %rem3A_47, %add3A_529 : vector<16xi32>
        %mul3A_531 = arith.constant 2 : i32
        %mul3A_532 = vector.broadcast %mul3A_531 : i32 to vector<16xi32>
        %mul3A_533 = arith.muli %add3A_516, %mul3A_532 : vector<16xi32>
        %add3A_534 = arith.constant 0 : i32
        %add3A_535 = vector.broadcast %add3A_534 : i32 to vector<16xi32>
        %add3A_536 = arith.addi %mul3A_533, %add3A_535 : vector<16xi32>
        %mul3A_537 = arith.constant 2 : i32
        %mul3A_538 = vector.broadcast %mul3A_537 : i32 to vector<16xi32>
        %mul3A_539 = arith.muli %add3A_518, %mul3A_538 : vector<16xi32>
        %add3A_540 = arith.constant 0 : i32
        %add3A_541 = vector.broadcast %add3A_540 : i32 to vector<16xi32>
        %add3A_542 = arith.addi %mul3A_539, %add3A_541 : vector<16xi32>
        %mul3A_543 = arith.constant 2 : i32
        %mul3A_544 = vector.broadcast %mul3A_543 : i32 to vector<16xi32>
        %mul3A_545 = arith.muli %add3A_520, %mul3A_544 : vector<16xi32>
        %add3A_546 = arith.constant 0 : i32
        %add3A_547 = vector.broadcast %add3A_546 : i32 to vector<16xi32>
        %add3A_548 = arith.addi %mul3A_545, %add3A_547 : vector<16xi32>
        %mul3A_549 = arith.constant 2 : i32
        %mul3A_550 = vector.broadcast %mul3A_549 : i32 to vector<16xi32>
        %mul3A_551 = arith.muli %add3A_522, %mul3A_550 : vector<16xi32>
        %add3A_552 = arith.constant 0 : i32
        %add3A_553 = vector.broadcast %add3A_552 : i32 to vector<16xi32>
        %add3A_554 = arith.addi %mul3A_551, %add3A_553 : vector<16xi32>
        %mul3A_555 = arith.constant 2 : i32
        %mul3A_556 = vector.broadcast %mul3A_555 : i32 to vector<16xi32>
        %mul3A_557 = arith.muli %add3A_524, %mul3A_556 : vector<16xi32>
        %add3A_558 = arith.constant 0 : i32
        %add3A_559 = vector.broadcast %add3A_558 : i32 to vector<16xi32>
        %add3A_560 = arith.addi %mul3A_557, %add3A_559 : vector<16xi32>
        %mul3A_561 = arith.constant 2 : i32
        %mul3A_562 = vector.broadcast %mul3A_561 : i32 to vector<16xi32>
        %mul3A_563 = arith.muli %add3A_526, %mul3A_562 : vector<16xi32>
        %add3A_564 = arith.constant 0 : i32
        %add3A_565 = vector.broadcast %add3A_564 : i32 to vector<16xi32>
        %add3A_566 = arith.addi %mul3A_563, %add3A_565 : vector<16xi32>
        %mul3A_567 = arith.constant 2 : i32
        %mul3A_568 = vector.broadcast %mul3A_567 : i32 to vector<16xi32>
        %mul3A_569 = arith.muli %add3A_528, %mul3A_568 : vector<16xi32>
        %add3A_570 = arith.constant 0 : i32
        %add3A_571 = vector.broadcast %add3A_570 : i32 to vector<16xi32>
        %add3A_572 = arith.addi %mul3A_569, %add3A_571 : vector<16xi32>
        %mul3A_573 = arith.constant 2 : i32
        %mul3A_574 = vector.broadcast %mul3A_573 : i32 to vector<16xi32>
        %mul3A_575 = arith.muli %add3A_530, %mul3A_574 : vector<16xi32>
        %add3A_576 = arith.constant 0 : i32
        %add3A_577 = vector.broadcast %add3A_576 : i32 to vector<16xi32>
        %add3A_578 = arith.addi %mul3A_575, %add3A_577 : vector<16xi32>
        %gather3A_579 = tpu.vector_load_idx %arg6[%add3A_511, %add3A_536] : memref<64x128xf32, #tpu.memory_space<vmem>>[vector<16xi32>, vector<16xi32>], vector<16xf32>,
        %gather3A_580 = tpu.vector_load_idx %arg6[%add3A_511, %add3A_542] : memref<64x128xf32, #tpu.memory_space<vmem>>[vector<16xi32>, vector<16xi32>], vector<16xf32>,
        %gather3A_581 = tpu.vector_load_idx %arg6[%add3A_511, %add3A_548] : memref<64x128xf32, #tpu.memory_space<vmem>>[vector<16xi32>, vector<16xi32>], vector<16xf32>,
        %gather3A_582 = tpu.vector_load_idx %arg6[%add3A_511, %add3A_554] : memref<64x128xf32, #tpu.memory_space<vmem>>[vector<16xi32>, vector<16xi32>], vector<16xf32>,
        %gather3A_583 = tpu.vector_load_idx %arg6[%add3A_511, %add3A_560] : memref<64x128xf32, #tpu.memory_space<vmem>>[vector<16xi32>, vector<16xi32>], vector<16xf32>,
        %gather3A_584 = tpu.vector_load_idx %arg6[%add3A_511, %add3A_566] : memref<64x128xf32, #tpu.memory_space<vmem>>[vector<16xi32>, vector<16xi32>], vector<16xf32>,
        %gather3A_585 = tpu.vector_load_idx %arg6[%add3A_511, %add3A_572] : memref<64x128xf32, #tpu.memory_space<vmem>>[vector<16xi32>, vector<16xi32>], vector<16xf32>,
        %gather3A_586 = tpu.vector_load_idx %arg6[%add3A_511, %add3A_578] : memref<64x128xf32, #tpu.memory_space<vmem>>[vector<16xi32>, vector<16xi32>], vector<16xf32>,
        tpu.vector_store_idx %arg8[%add3A_516, %add3A_514], %gather3A_579 : memref<64x128xf32, #tpu.memory_space<vmem>>[vector<16xi32>, vector<16xi32>], vector<16xf32>,
        tpu.vector_store_idx %arg8[%add3A_518, %add3A_514], %gather3A_580 : memref<64x128xf32, #tpu.memory_space<vmem>>[vector<16xi32>, vector<16xi32>], vector<16xf32>,
        tpu.vector_store_idx %arg8[%add3A_520, %add3A_514], %gather3A_581 : memref<64x128xf32, #tpu.memory_space<vmem>>[vector<16xi32>, vector<16xi32>], vector<16xf32>,
        tpu.vector_store_idx %arg8[%add3A_522, %add3A_514], %gather3A_582 : memref<64x128xf32, #tpu.memory_space<vmem>>[vector<16xi32>, vector<16xi32>], vector<16xf32>,
        tpu.vector_store_idx %arg8[%add3A_524, %add3A_514], %gather3A_583 : memref<64x128xf32, #tpu.memory_space<vmem>>[vector<16xi32>, vector<16xi32>], vector<16xf32>,
        tpu.vector_store_idx %arg8[%add3A_526, %add3A_514], %gather3A_584 : memref<64x128xf32, #tpu.memory_space<vmem>>[vector<16xi32>, vector<16xi32>], vector<16xf32>,
        tpu.vector_store_idx %arg8[%add3A_528, %add3A_514], %gather3A_585 : memref<64x128xf32, #tpu.memory_space<vmem>>[vector<16xi32>, vector<16xi32>], vector<16xf32>,
        tpu.vector_store_idx %arg8[%add3A_530, %add3A_514], %gather3A_586 : memref<64x128xf32, #tpu.memory_space<vmem>>[vector<16xi32>, vector<16xi32>], vector<16xf32>,
        %add3A_587 = vector.broadcast %mul3A_209 : i32 to vector<16xi32>
        %add3A_588 = arith.addi %rem3A_53, %add3A_587 : vector<16xi32>
        %add3A_589 = vector.broadcast %mul3A_209 : i32 to vector<16xi32>
        %add3A_590 = arith.addi %rem3A_59, %add3A_589 : vector<16xi32>
        %add3A_591 = vector.broadcast %mul3A_209 : i32 to vector<16xi32>
        %add3A_592 = arith.addi %rem3A_65, %add3A_591 : vector<16xi32>
        %add3A_593 = vector.broadcast %mul3A_209 : i32 to vector<16xi32>
        %add3A_594 = arith.addi %rem3A_71, %add3A_593 : vector<16xi32>
        %add3A_595 = vector.broadcast %mul3A_209 : i32 to vector<16xi32>
        %add3A_596 = arith.addi %rem3A_77, %add3A_595 : vector<16xi32>
        %add3A_597 = vector.broadcast %mul3A_209 : i32 to vector<16xi32>
        %add3A_598 = arith.addi %rem3A_83, %add3A_597 : vector<16xi32>
        %add3A_599 = vector.broadcast %mul3A_209 : i32 to vector<16xi32>
        %add3A_600 = arith.addi %rem3A_89, %add3A_599 : vector<16xi32>
        %add3A_601 = vector.broadcast %mul3A_209 : i32 to vector<16xi32>
        %add3A_602 = arith.addi %rem3A_95, %add3A_601 : vector<16xi32>
        %mul3A_603 = arith.constant 2 : i32
        %mul3A_604 = vector.broadcast %mul3A_603 : i32 to vector<16xi32>
        %mul3A_605 = arith.muli %add3A_588, %mul3A_604 : vector<16xi32>
        %add3A_606 = arith.constant 0 : i32
        %add3A_607 = vector.broadcast %add3A_606 : i32 to vector<16xi32>
        %add3A_608 = arith.addi %mul3A_605, %add3A_607 : vector<16xi32>
        %mul3A_609 = arith.constant 2 : i32
        %mul3A_610 = vector.broadcast %mul3A_609 : i32 to vector<16xi32>
        %mul3A_611 = arith.muli %add3A_590, %mul3A_610 : vector<16xi32>
        %add3A_612 = arith.constant 0 : i32
        %add3A_613 = vector.broadcast %add3A_612 : i32 to vector<16xi32>
        %add3A_614 = arith.addi %mul3A_611, %add3A_613 : vector<16xi32>
        %mul3A_615 = arith.constant 2 : i32
        %mul3A_616 = vector.broadcast %mul3A_615 : i32 to vector<16xi32>
        %mul3A_617 = arith.muli %add3A_592, %mul3A_616 : vector<16xi32>
        %add3A_618 = arith.constant 0 : i32
        %add3A_619 = vector.broadcast %add3A_618 : i32 to vector<16xi32>
        %add3A_620 = arith.addi %mul3A_617, %add3A_619 : vector<16xi32>
        %mul3A_621 = arith.constant 2 : i32
        %mul3A_622 = vector.broadcast %mul3A_621 : i32 to vector<16xi32>
        %mul3A_623 = arith.muli %add3A_594, %mul3A_622 : vector<16xi32>
        %add3A_624 = arith.constant 0 : i32
        %add3A_625 = vector.broadcast %add3A_624 : i32 to vector<16xi32>
        %add3A_626 = arith.addi %mul3A_623, %add3A_625 : vector<16xi32>
        %mul3A_627 = arith.constant 2 : i32
        %mul3A_628 = vector.broadcast %mul3A_627 : i32 to vector<16xi32>
        %mul3A_629 = arith.muli %add3A_596, %mul3A_628 : vector<16xi32>
        %add3A_630 = arith.constant 0 : i32
        %add3A_631 = vector.broadcast %add3A_630 : i32 to vector<16xi32>
        %add3A_632 = arith.addi %mul3A_629, %add3A_631 : vector<16xi32>
        %mul3A_633 = arith.constant 2 : i32
        %mul3A_634 = vector.broadcast %mul3A_633 : i32 to vector<16xi32>
        %mul3A_635 = arith.muli %add3A_598, %mul3A_634 : vector<16xi32>
        %add3A_636 = arith.constant 0 : i32
        %add3A_637 = vector.broadcast %add3A_636 : i32 to vector<16xi32>
        %add3A_638 = arith.addi %mul3A_635, %add3A_637 : vector<16xi32>
        %mul3A_639 = arith.constant 2 : i32
        %mul3A_640 = vector.broadcast %mul3A_639 : i32 to vector<16xi32>
        %mul3A_641 = arith.muli %add3A_600, %mul3A_640 : vector<16xi32>
        %add3A_642 = arith.constant 0 : i32
        %add3A_643 = vector.broadcast %add3A_642 : i32 to vector<16xi32>
        %add3A_644 = arith.addi %mul3A_641, %add3A_643 : vector<16xi32>
        %mul3A_645 = arith.constant 2 : i32
        %mul3A_646 = vector.broadcast %mul3A_645 : i32 to vector<16xi32>
        %mul3A_647 = arith.muli %add3A_602, %mul3A_646 : vector<16xi32>
        %add3A_648 = arith.constant 0 : i32
        %add3A_649 = vector.broadcast %add3A_648 : i32 to vector<16xi32>
        %add3A_650 = arith.addi %mul3A_647, %add3A_649 : vector<16xi32>
        %gather3A_651 = tpu.vector_load_idx %arg6[%add3A_511, %add3A_608] : memref<64x128xf32, #tpu.memory_space<vmem>>[vector<16xi32>, vector<16xi32>], vector<16xf32>,
        %gather3A_652 = tpu.vector_load_idx %arg6[%add3A_511, %add3A_614] : memref<64x128xf32, #tpu.memory_space<vmem>>[vector<16xi32>, vector<16xi32>], vector<16xf32>,
        %gather3A_653 = tpu.vector_load_idx %arg6[%add3A_511, %add3A_620] : memref<64x128xf32, #tpu.memory_space<vmem>>[vector<16xi32>, vector<16xi32>], vector<16xf32>,
        %gather3A_654 = tpu.vector_load_idx %arg6[%add3A_511, %add3A_626] : memref<64x128xf32, #tpu.memory_space<vmem>>[vector<16xi32>, vector<16xi32>], vector<16xf32>,
        %gather3A_655 = tpu.vector_load_idx %arg6[%add3A_511, %add3A_632] : memref<64x128xf32, #tpu.memory_space<vmem>>[vector<16xi32>, vector<16xi32>], vector<16xf32>,
        %gather3A_656 = tpu.vector_load_idx %arg6[%add3A_511, %add3A_638] : memref<64x128xf32, #tpu.memory_space<vmem>>[vector<16xi32>, vector<16xi32>], vector<16xf32>,
        %gather3A_657 = tpu.vector_load_idx %arg6[%add3A_511, %add3A_644] : memref<64x128xf32, #tpu.memory_space<vmem>>[vector<16xi32>, vector<16xi32>], vector<16xf32>,
        %gather3A_658 = tpu.vector_load_idx %arg6[%add3A_511, %add3A_650] : memref<64x128xf32, #tpu.memory_space<vmem>>[vector<16xi32>, vector<16xi32>], vector<16xf32>,
        tpu.vector_store_idx %arg8[%add3A_588, %add3A_514], %gather3A_651 : memref<64x128xf32, #tpu.memory_space<vmem>>[vector<16xi32>, vector<16xi32>], vector<16xf32>,
        tpu.vector_store_idx %arg8[%add3A_590, %add3A_514], %gather3A_652 : memref<64x128xf32, #tpu.memory_space<vmem>>[vector<16xi32>, vector<16xi32>], vector<16xf32>,
        tpu.vector_store_idx %arg8[%add3A_592, %add3A_514], %gather3A_653 : memref<64x128xf32, #tpu.memory_space<vmem>>[vector<16xi32>, vector<16xi32>], vector<16xf32>,
        tpu.vector_store_idx %arg8[%add3A_594, %add3A_514], %gather3A_654 : memref<64x128xf32, #tpu.memory_space<vmem>>[vector<16xi32>, vector<16xi32>], vector<16xf32>,
        tpu.vector_store_idx %arg8[%add3A_596, %add3A_514], %gather3A_655 : memref<64x128xf32, #tpu.memory_space<vmem>>[vector<16xi32>, vector<16xi32>], vector<16xf32>,
        tpu.vector_store_idx %arg8[%add3A_598, %add3A_514], %gather3A_656 : memref<64x128xf32, #tpu.memory_space<vmem>>[vector<16xi32>, vector<16xi32>], vector<16xf32>,
        tpu.vector_store_idx %arg8[%add3A_600, %add3A_514], %gather3A_657 : memref<64x128xf32, #tpu.memory_space<vmem>>[vector<16xi32>, vector<16xi32>], vector<16xf32>,
        tpu.vector_store_idx %arg8[%add3A_602, %add3A_514], %gather3A_658 : memref<64x128xf32, #tpu.memory_space<vmem>>[vector<16xi32>, vector<16xi32>], vector<16xf32>,
        %add3A_659 = arith.constant 48 : i32
        %add3A_660 = vector.broadcast %add3A_659 : i32 to vector<16xi32>
        %add3A_661 = arith.addi %iota3A, %add3A_660 : vector<16xi32>
        %add3A_662 = arith.constant 0 : i32
        %add3A_663 = vector.broadcast %add3A_662 : i32 to vector<16xi32>
        %add3A_664 = arith.addi %add3A_661, %add3A_663 : vector<16xi32>
        %add3A_665 = vector.broadcast %mul3A_209 : i32 to vector<16xi32>
        %add3A_666 = arith.addi %rem3A_5, %add3A_665 : vector<16xi32>
        %add3A_667 = vector.broadcast %mul3A_209 : i32 to vector<16xi32>
        %add3A_668 = arith.addi %rem3A_11, %add3A_667 : vector<16xi32>
        %add3A_669 = vector.broadcast %mul3A_209 : i32 to vector<16xi32>
        %add3A_670 = arith.addi %rem3A_17, %add3A_669 : vector<16xi32>
        %add3A_671 = vector.broadcast %mul3A_209 : i32 to vector<16xi32>
        %add3A_672 = arith.addi %rem3A_23, %add3A_671 : vector<16xi32>
        %add3A_673 = vector.broadcast %mul3A_209 : i32 to vector<16xi32>
        %add3A_674 = arith.addi %rem3A_29, %add3A_673 : vector<16xi32>
        %add3A_675 = vector.broadcast %mul3A_209 : i32 to vector<16xi32>
        %add3A_676 = arith.addi %rem3A_35, %add3A_675 : vector<16xi32>
        %add3A_677 = vector.broadcast %mul3A_209 : i32 to vector<16xi32>
        %add3A_678 = arith.addi %rem3A_41, %add3A_677 : vector<16xi32>
        %add3A_679 = vector.broadcast %mul3A_209 : i32 to vector<16xi32>
        %add3A_680 = arith.addi %rem3A_47, %add3A_679 : vector<16xi32>
        %mul3A_681 = arith.constant 2 : i32
        %mul3A_682 = vector.broadcast %mul3A_681 : i32 to vector<16xi32>
        %mul3A_683 = arith.muli %add3A_666, %mul3A_682 : vector<16xi32>
        %add3A_684 = arith.constant 0 : i32
        %add3A_685 = vector.broadcast %add3A_684 : i32 to vector<16xi32>
        %add3A_686 = arith.addi %mul3A_683, %add3A_685 : vector<16xi32>
        %mul3A_687 = arith.constant 2 : i32
        %mul3A_688 = vector.broadcast %mul3A_687 : i32 to vector<16xi32>
        %mul3A_689 = arith.muli %add3A_668, %mul3A_688 : vector<16xi32>
        %add3A_690 = arith.constant 0 : i32
        %add3A_691 = vector.broadcast %add3A_690 : i32 to vector<16xi32>
        %add3A_692 = arith.addi %mul3A_689, %add3A_691 : vector<16xi32>
        %mul3A_693 = arith.constant 2 : i32
        %mul3A_694 = vector.broadcast %mul3A_693 : i32 to vector<16xi32>
        %mul3A_695 = arith.muli %add3A_670, %mul3A_694 : vector<16xi32>
        %add3A_696 = arith.constant 0 : i32
        %add3A_697 = vector.broadcast %add3A_696 : i32 to vector<16xi32>
        %add3A_698 = arith.addi %mul3A_695, %add3A_697 : vector<16xi32>
        %mul3A_699 = arith.constant 2 : i32
        %mul3A_700 = vector.broadcast %mul3A_699 : i32 to vector<16xi32>
        %mul3A_701 = arith.muli %add3A_672, %mul3A_700 : vector<16xi32>
        %add3A_702 = arith.constant 0 : i32
        %add3A_703 = vector.broadcast %add3A_702 : i32 to vector<16xi32>
        %add3A_704 = arith.addi %mul3A_701, %add3A_703 : vector<16xi32>
        %mul3A_705 = arith.constant 2 : i32
        %mul3A_706 = vector.broadcast %mul3A_705 : i32 to vector<16xi32>
        %mul3A_707 = arith.muli %add3A_674, %mul3A_706 : vector<16xi32>
        %add3A_708 = arith.constant 0 : i32
        %add3A_709 = vector.broadcast %add3A_708 : i32 to vector<16xi32>
        %add3A_710 = arith.addi %mul3A_707, %add3A_709 : vector<16xi32>
        %mul3A_711 = arith.constant 2 : i32
        %mul3A_712 = vector.broadcast %mul3A_711 : i32 to vector<16xi32>
        %mul3A_713 = arith.muli %add3A_676, %mul3A_712 : vector<16xi32>
        %add3A_714 = arith.constant 0 : i32
        %add3A_715 = vector.broadcast %add3A_714 : i32 to vector<16xi32>
        %add3A_716 = arith.addi %mul3A_713, %add3A_715 : vector<16xi32>
        %mul3A_717 = arith.constant 2 : i32
        %mul3A_718 = vector.broadcast %mul3A_717 : i32 to vector<16xi32>
        %mul3A_719 = arith.muli %add3A_678, %mul3A_718 : vector<16xi32>
        %add3A_720 = arith.constant 0 : i32
        %add3A_721 = vector.broadcast %add3A_720 : i32 to vector<16xi32>
        %add3A_722 = arith.addi %mul3A_719, %add3A_721 : vector<16xi32>
        %mul3A_723 = arith.constant 2 : i32
        %mul3A_724 = vector.broadcast %mul3A_723 : i32 to vector<16xi32>
        %mul3A_725 = arith.muli %add3A_680, %mul3A_724 : vector<16xi32>
        %add3A_726 = arith.constant 0 : i32
        %add3A_727 = vector.broadcast %add3A_726 : i32 to vector<16xi32>
        %add3A_728 = arith.addi %mul3A_725, %add3A_727 : vector<16xi32>
        %gather3A_729 = tpu.vector_load_idx %arg6[%add3A_661, %add3A_686] : memref<64x128xf32, #tpu.memory_space<vmem>>[vector<16xi32>, vector<16xi32>], vector<16xf32>,
        %gather3A_730 = tpu.vector_load_idx %arg6[%add3A_661, %add3A_692] : memref<64x128xf32, #tpu.memory_space<vmem>>[vector<16xi32>, vector<16xi32>], vector<16xf32>,
        %gather3A_731 = tpu.vector_load_idx %arg6[%add3A_661, %add3A_698] : memref<64x128xf32, #tpu.memory_space<vmem>>[vector<16xi32>, vector<16xi32>], vector<16xf32>,
        %gather3A_732 = tpu.vector_load_idx %arg6[%add3A_661, %add3A_704] : memref<64x128xf32, #tpu.memory_space<vmem>>[vector<16xi32>, vector<16xi32>], vector<16xf32>,
        %gather3A_733 = tpu.vector_load_idx %arg6[%add3A_661, %add3A_710] : memref<64x128xf32, #tpu.memory_space<vmem>>[vector<16xi32>, vector<16xi32>], vector<16xf32>,
        %gather3A_734 = tpu.vector_load_idx %arg6[%add3A_661, %add3A_716] : memref<64x128xf32, #tpu.memory_space<vmem>>[vector<16xi32>, vector<16xi32>], vector<16xf32>,
        %gather3A_735 = tpu.vector_load_idx %arg6[%add3A_661, %add3A_722] : memref<64x128xf32, #tpu.memory_space<vmem>>[vector<16xi32>, vector<16xi32>], vector<16xf32>,
        %gather3A_736 = tpu.vector_load_idx %arg6[%add3A_661, %add3A_728] : memref<64x128xf32, #tpu.memory_space<vmem>>[vector<16xi32>, vector<16xi32>], vector<16xf32>,
        tpu.vector_store_idx %arg8[%add3A_666, %add3A_664], %gather3A_729 : memref<64x128xf32, #tpu.memory_space<vmem>>[vector<16xi32>, vector<16xi32>], vector<16xf32>,
        tpu.vector_store_idx %arg8[%add3A_668, %add3A_664], %gather3A_730 : memref<64x128xf32, #tpu.memory_space<vmem>>[vector<16xi32>, vector<16xi32>], vector<16xf32>,
        tpu.vector_store_idx %arg8[%add3A_670, %add3A_664], %gather3A_731 : memref<64x128xf32, #tpu.memory_space<vmem>>[vector<16xi32>, vector<16xi32>], vector<16xf32>,
        tpu.vector_store_idx %arg8[%add3A_672, %add3A_664], %gather3A_732 : memref<64x128xf32, #tpu.memory_space<vmem>>[vector<16xi32>, vector<16xi32>], vector<16xf32>,
        tpu.vector_store_idx %arg8[%add3A_674, %add3A_664], %gather3A_733 : memref<64x128xf32, #tpu.memory_space<vmem>>[vector<16xi32>, vector<16xi32>], vector<16xf32>,
        tpu.vector_store_idx %arg8[%add3A_676, %add3A_664], %gather3A_734 : memref<64x128xf32, #tpu.memory_space<vmem>>[vector<16xi32>, vector<16xi32>], vector<16xf32>,
        tpu.vector_store_idx %arg8[%add3A_678, %add3A_664], %gather3A_735 : memref<64x128xf32, #tpu.memory_space<vmem>>[vector<16xi32>, vector<16xi32>], vector<16xf32>,
        tpu.vector_store_idx %arg8[%add3A_680, %add3A_664], %gather3A_736 : memref<64x128xf32, #tpu.memory_space<vmem>>[vector<16xi32>, vector<16xi32>], vector<16xf32>,
        %add3A_737 = vector.broadcast %mul3A_209 : i32 to vector<16xi32>
        %add3A_738 = arith.addi %rem3A_53, %add3A_737 : vector<16xi32>
        %add3A_739 = vector.broadcast %mul3A_209 : i32 to vector<16xi32>
        %add3A_740 = arith.addi %rem3A_59, %add3A_739 : vector<16xi32>
        %add3A_741 = vector.broadcast %mul3A_209 : i32 to vector<16xi32>
        %add3A_742 = arith.addi %rem3A_65, %add3A_741 : vector<16xi32>
        %add3A_743 = vector.broadcast %mul3A_209 : i32 to vector<16xi32>
        %add3A_744 = arith.addi %rem3A_71, %add3A_743 : vector<16xi32>
        %add3A_745 = vector.broadcast %mul3A_209 : i32 to vector<16xi32>
        %add3A_746 = arith.addi %rem3A_77, %add3A_745 : vector<16xi32>
        %add3A_747 = vector.broadcast %mul3A_209 : i32 to vector<16xi32>
        %add3A_748 = arith.addi %rem3A_83, %add3A_747 : vector<16xi32>
        %add3A_749 = vector.broadcast %mul3A_209 : i32 to vector<16xi32>
        %add3A_750 = arith.addi %rem3A_89, %add3A_749 : vector<16xi32>
        %add3A_751 = vector.broadcast %mul3A_209 : i32 to vector<16xi32>
        %add3A_752 = arith.addi %rem3A_95, %add3A_751 : vector<16xi32>
        %mul3A_753 = arith.constant 2 : i32
        %mul3A_754 = vector.broadcast %mul3A_753 : i32 to vector<16xi32>
        %mul3A_755 = arith.muli %add3A_738, %mul3A_754 : vector<16xi32>
        %add3A_756 = arith.constant 0 : i32
        %add3A_757 = vector.broadcast %add3A_756 : i32 to vector<16xi32>
        %add3A_758 = arith.addi %mul3A_755, %add3A_757 : vector<16xi32>
        %mul3A_759 = arith.constant 2 : i32
        %mul3A_760 = vector.broadcast %mul3A_759 : i32 to vector<16xi32>
        %mul3A_761 = arith.muli %add3A_740, %mul3A_760 : vector<16xi32>
        %add3A_762 = arith.constant 0 : i32
        %add3A_763 = vector.broadcast %add3A_762 : i32 to vector<16xi32>
        %add3A_764 = arith.addi %mul3A_761, %add3A_763 : vector<16xi32>
        %mul3A_765 = arith.constant 2 : i32
        %mul3A_766 = vector.broadcast %mul3A_765 : i32 to vector<16xi32>
        %mul3A_767 = arith.muli %add3A_742, %mul3A_766 : vector<16xi32>
        %add3A_768 = arith.constant 0 : i32
        %add3A_769 = vector.broadcast %add3A_768 : i32 to vector<16xi32>
        %add3A_770 = arith.addi %mul3A_767, %add3A_769 : vector<16xi32>
        %mul3A_771 = arith.constant 2 : i32
        %mul3A_772 = vector.broadcast %mul3A_771 : i32 to vector<16xi32>
        %mul3A_773 = arith.muli %add3A_744, %mul3A_772 : vector<16xi32>
        %add3A_774 = arith.constant 0 : i32
        %add3A_775 = vector.broadcast %add3A_774 : i32 to vector<16xi32>
        %add3A_776 = arith.addi %mul3A_773, %add3A_775 : vector<16xi32>
        %mul3A_777 = arith.constant 2 : i32
        %mul3A_778 = vector.broadcast %mul3A_777 : i32 to vector<16xi32>
        %mul3A_779 = arith.muli %add3A_746, %mul3A_778 : vector<16xi32>
        %add3A_780 = arith.constant 0 : i32
        %add3A_781 = vector.broadcast %add3A_780 : i32 to vector<16xi32>
        %add3A_782 = arith.addi %mul3A_779, %add3A_781 : vector<16xi32>
        %mul3A_783 = arith.constant 2 : i32
        %mul3A_784 = vector.broadcast %mul3A_783 : i32 to vector<16xi32>
        %mul3A_785 = arith.muli %add3A_748, %mul3A_784 : vector<16xi32>
        %add3A_786 = arith.constant 0 : i32
        %add3A_787 = vector.broadcast %add3A_786 : i32 to vector<16xi32>
        %add3A_788 = arith.addi %mul3A_785, %add3A_787 : vector<16xi32>
        %mul3A_789 = arith.constant 2 : i32
        %mul3A_790 = vector.broadcast %mul3A_789 : i32 to vector<16xi32>
        %mul3A_791 = arith.muli %add3A_750, %mul3A_790 : vector<16xi32>
        %add3A_792 = arith.constant 0 : i32
        %add3A_793 = vector.broadcast %add3A_792 : i32 to vector<16xi32>
        %add3A_794 = arith.addi %mul3A_791, %add3A_793 : vector<16xi32>
        %mul3A_795 = arith.constant 2 : i32
        %mul3A_796 = vector.broadcast %mul3A_795 : i32 to vector<16xi32>
        %mul3A_797 = arith.muli %add3A_752, %mul3A_796 : vector<16xi32>
        %add3A_798 = arith.constant 0 : i32
        %add3A_799 = vector.broadcast %add3A_798 : i32 to vector<16xi32>
        %add3A_800 = arith.addi %mul3A_797, %add3A_799 : vector<16xi32>
        %gather3A_801 = tpu.vector_load_idx %arg6[%add3A_661, %add3A_758] : memref<64x128xf32, #tpu.memory_space<vmem>>[vector<16xi32>, vector<16xi32>], vector<16xf32>,
        %gather3A_802 = tpu.vector_load_idx %arg6[%add3A_661, %add3A_764] : memref<64x128xf32, #tpu.memory_space<vmem>>[vector<16xi32>, vector<16xi32>], vector<16xf32>,
        %gather3A_803 = tpu.vector_load_idx %arg6[%add3A_661, %add3A_770] : memref<64x128xf32, #tpu.memory_space<vmem>>[vector<16xi32>, vector<16xi32>], vector<16xf32>,
        %gather3A_804 = tpu.vector_load_idx %arg6[%add3A_661, %add3A_776] : memref<64x128xf32, #tpu.memory_space<vmem>>[vector<16xi32>, vector<16xi32>], vector<16xf32>,
        %gather3A_805 = tpu.vector_load_idx %arg6[%add3A_661, %add3A_782] : memref<64x128xf32, #tpu.memory_space<vmem>>[vector<16xi32>, vector<16xi32>], vector<16xf32>,
        %gather3A_806 = tpu.vector_load_idx %arg6[%add3A_661, %add3A_788] : memref<64x128xf32, #tpu.memory_space<vmem>>[vector<16xi32>, vector<16xi32>], vector<16xf32>,
        %gather3A_807 = tpu.vector_load_idx %arg6[%add3A_661, %add3A_794] : memref<64x128xf32, #tpu.memory_space<vmem>>[vector<16xi32>, vector<16xi32>], vector<16xf32>,
        %gather3A_808 = tpu.vector_load_idx %arg6[%add3A_661, %add3A_800] : memref<64x128xf32, #tpu.memory_space<vmem>>[vector<16xi32>, vector<16xi32>], vector<16xf32>,
        tpu.vector_store_idx %arg8[%add3A_738, %add3A_664], %gather3A_801 : memref<64x128xf32, #tpu.memory_space<vmem>>[vector<16xi32>, vector<16xi32>], vector<16xf32>,
        tpu.vector_store_idx %arg8[%add3A_740, %add3A_664], %gather3A_802 : memref<64x128xf32, #tpu.memory_space<vmem>>[vector<16xi32>, vector<16xi32>], vector<16xf32>,
        tpu.vector_store_idx %arg8[%add3A_742, %add3A_664], %gather3A_803 : memref<64x128xf32, #tpu.memory_space<vmem>>[vector<16xi32>, vector<16xi32>], vector<16xf32>,
        tpu.vector_store_idx %arg8[%add3A_744, %add3A_664], %gather3A_804 : memref<64x128xf32, #tpu.memory_space<vmem>>[vector<16xi32>, vector<16xi32>], vector<16xf32>,
        tpu.vector_store_idx %arg8[%add3A_746, %add3A_664], %gather3A_805 : memref<64x128xf32, #tpu.memory_space<vmem>>[vector<16xi32>, vector<16xi32>], vector<16xf32>,
        tpu.vector_store_idx %arg8[%add3A_748, %add3A_664], %gather3A_806 : memref<64x128xf32, #tpu.memory_space<vmem>>[vector<16xi32>, vector<16xi32>], vector<16xf32>,
        tpu.vector_store_idx %arg8[%add3A_750, %add3A_664], %gather3A_807 : memref<64x128xf32, #tpu.memory_space<vmem>>[vector<16xi32>, vector<16xi32>], vector<16xf32>,
        tpu.vector_store_idx %arg8[%add3A_752, %add3A_664], %gather3A_808 : memref<64x128xf32, #tpu.memory_space<vmem>>[vector<16xi32>, vector<16xi32>], vector<16xf32>,
        %add3A_809 = arith.constant 0 : i32
        %add3A_810 = vector.broadcast %add3A_809 : i32 to vector<16xi32>
        %add3A_811 = arith.addi %iota3A, %add3A_810 : vector<16xi32>
        %add3A_812 = arith.constant 64 : i32
        %add3A_813 = vector.broadcast %add3A_812 : i32 to vector<16xi32>
        %add3A_814 = arith.addi %add3A_811, %add3A_813 : vector<16xi32>
        %add3A_815 = vector.broadcast %mul3A_209 : i32 to vector<16xi32>
        %add3A_816 = arith.addi %rem3A_5, %add3A_815 : vector<16xi32>
        %add3A_817 = vector.broadcast %mul3A_209 : i32 to vector<16xi32>
        %add3A_818 = arith.addi %rem3A_11, %add3A_817 : vector<16xi32>
        %add3A_819 = vector.broadcast %mul3A_209 : i32 to vector<16xi32>
        %add3A_820 = arith.addi %rem3A_17, %add3A_819 : vector<16xi32>
        %add3A_821 = vector.broadcast %mul3A_209 : i32 to vector<16xi32>
        %add3A_822 = arith.addi %rem3A_23, %add3A_821 : vector<16xi32>
        %add3A_823 = vector.broadcast %mul3A_209 : i32 to vector<16xi32>
        %add3A_824 = arith.addi %rem3A_29, %add3A_823 : vector<16xi32>
        %add3A_825 = vector.broadcast %mul3A_209 : i32 to vector<16xi32>
        %add3A_826 = arith.addi %rem3A_35, %add3A_825 : vector<16xi32>
        %add3A_827 = vector.broadcast %mul3A_209 : i32 to vector<16xi32>
        %add3A_828 = arith.addi %rem3A_41, %add3A_827 : vector<16xi32>
        %add3A_829 = vector.broadcast %mul3A_209 : i32 to vector<16xi32>
        %add3A_830 = arith.addi %rem3A_47, %add3A_829 : vector<16xi32>
        %mul3A_831 = arith.constant 2 : i32
        %mul3A_832 = vector.broadcast %mul3A_831 : i32 to vector<16xi32>
        %mul3A_833 = arith.muli %add3A_816, %mul3A_832 : vector<16xi32>
        %add3A_834 = arith.constant 1 : i32
        %add3A_835 = vector.broadcast %add3A_834 : i32 to vector<16xi32>
        %add3A_836 = arith.addi %mul3A_833, %add3A_835 : vector<16xi32>
        %mul3A_837 = arith.constant 2 : i32
        %mul3A_838 = vector.broadcast %mul3A_837 : i32 to vector<16xi32>
        %mul3A_839 = arith.muli %add3A_818, %mul3A_838 : vector<16xi32>
        %add3A_840 = arith.constant 1 : i32
        %add3A_841 = vector.broadcast %add3A_840 : i32 to vector<16xi32>
        %add3A_842 = arith.addi %mul3A_839, %add3A_841 : vector<16xi32>
        %mul3A_843 = arith.constant 2 : i32
        %mul3A_844 = vector.broadcast %mul3A_843 : i32 to vector<16xi32>
        %mul3A_845 = arith.muli %add3A_820, %mul3A_844 : vector<16xi32>
        %add3A_846 = arith.constant 1 : i32
        %add3A_847 = vector.broadcast %add3A_846 : i32 to vector<16xi32>
        %add3A_848 = arith.addi %mul3A_845, %add3A_847 : vector<16xi32>
        %mul3A_849 = arith.constant 2 : i32
        %mul3A_850 = vector.broadcast %mul3A_849 : i32 to vector<16xi32>
        %mul3A_851 = arith.muli %add3A_822, %mul3A_850 : vector<16xi32>
        %add3A_852 = arith.constant 1 : i32
        %add3A_853 = vector.broadcast %add3A_852 : i32 to vector<16xi32>
        %add3A_854 = arith.addi %mul3A_851, %add3A_853 : vector<16xi32>
        %mul3A_855 = arith.constant 2 : i32
        %mul3A_856 = vector.broadcast %mul3A_855 : i32 to vector<16xi32>
        %mul3A_857 = arith.muli %add3A_824, %mul3A_856 : vector<16xi32>
        %add3A_858 = arith.constant 1 : i32
        %add3A_859 = vector.broadcast %add3A_858 : i32 to vector<16xi32>
        %add3A_860 = arith.addi %mul3A_857, %add3A_859 : vector<16xi32>
        %mul3A_861 = arith.constant 2 : i32
        %mul3A_862 = vector.broadcast %mul3A_861 : i32 to vector<16xi32>
        %mul3A_863 = arith.muli %add3A_826, %mul3A_862 : vector<16xi32>
        %add3A_864 = arith.constant 1 : i32
        %add3A_865 = vector.broadcast %add3A_864 : i32 to vector<16xi32>
        %add3A_866 = arith.addi %mul3A_863, %add3A_865 : vector<16xi32>
        %mul3A_867 = arith.constant 2 : i32
        %mul3A_868 = vector.broadcast %mul3A_867 : i32 to vector<16xi32>
        %mul3A_869 = arith.muli %add3A_828, %mul3A_868 : vector<16xi32>
        %add3A_870 = arith.constant 1 : i32
        %add3A_871 = vector.broadcast %add3A_870 : i32 to vector<16xi32>
        %add3A_872 = arith.addi %mul3A_869, %add3A_871 : vector<16xi32>
        %mul3A_873 = arith.constant 2 : i32
        %mul3A_874 = vector.broadcast %mul3A_873 : i32 to vector<16xi32>
        %mul3A_875 = arith.muli %add3A_830, %mul3A_874 : vector<16xi32>
        %add3A_876 = arith.constant 1 : i32
        %add3A_877 = vector.broadcast %add3A_876 : i32 to vector<16xi32>
        %add3A_878 = arith.addi %mul3A_875, %add3A_877 : vector<16xi32>
        %gather3A_879 = tpu.vector_load_idx %arg6[%add3A_811, %add3A_836] : memref<64x128xf32, #tpu.memory_space<vmem>>[vector<16xi32>, vector<16xi32>], vector<16xf32>,
        %gather3A_880 = tpu.vector_load_idx %arg6[%add3A_811, %add3A_842] : memref<64x128xf32, #tpu.memory_space<vmem>>[vector<16xi32>, vector<16xi32>], vector<16xf32>,
        %gather3A_881 = tpu.vector_load_idx %arg6[%add3A_811, %add3A_848] : memref<64x128xf32, #tpu.memory_space<vmem>>[vector<16xi32>, vector<16xi32>], vector<16xf32>,
        %gather3A_882 = tpu.vector_load_idx %arg6[%add3A_811, %add3A_854] : memref<64x128xf32, #tpu.memory_space<vmem>>[vector<16xi32>, vector<16xi32>], vector<16xf32>,
        %gather3A_883 = tpu.vector_load_idx %arg6[%add3A_811, %add3A_860] : memref<64x128xf32, #tpu.memory_space<vmem>>[vector<16xi32>, vector<16xi32>], vector<16xf32>,
        %gather3A_884 = tpu.vector_load_idx %arg6[%add3A_811, %add3A_866] : memref<64x128xf32, #tpu.memory_space<vmem>>[vector<16xi32>, vector<16xi32>], vector<16xf32>,
        %gather3A_885 = tpu.vector_load_idx %arg6[%add3A_811, %add3A_872] : memref<64x128xf32, #tpu.memory_space<vmem>>[vector<16xi32>, vector<16xi32>], vector<16xf32>,
        %gather3A_886 = tpu.vector_load_idx %arg6[%add3A_811, %add3A_878] : memref<64x128xf32, #tpu.memory_space<vmem>>[vector<16xi32>, vector<16xi32>], vector<16xf32>,
        tpu.vector_store_idx %arg8[%add3A_816, %add3A_814], %gather3A_879 : memref<64x128xf32, #tpu.memory_space<vmem>>[vector<16xi32>, vector<16xi32>], vector<16xf32>,
        tpu.vector_store_idx %arg8[%add3A_818, %add3A_814], %gather3A_880 : memref<64x128xf32, #tpu.memory_space<vmem>>[vector<16xi32>, vector<16xi32>], vector<16xf32>,
        tpu.vector_store_idx %arg8[%add3A_820, %add3A_814], %gather3A_881 : memref<64x128xf32, #tpu.memory_space<vmem>>[vector<16xi32>, vector<16xi32>], vector<16xf32>,
        tpu.vector_store_idx %arg8[%add3A_822, %add3A_814], %gather3A_882 : memref<64x128xf32, #tpu.memory_space<vmem>>[vector<16xi32>, vector<16xi32>], vector<16xf32>,
        tpu.vector_store_idx %arg8[%add3A_824, %add3A_814], %gather3A_883 : memref<64x128xf32, #tpu.memory_space<vmem>>[vector<16xi32>, vector<16xi32>], vector<16xf32>,
        tpu.vector_store_idx %arg8[%add3A_826, %add3A_814], %gather3A_884 : memref<64x128xf32, #tpu.memory_space<vmem>>[vector<16xi32>, vector<16xi32>], vector<16xf32>,
        tpu.vector_store_idx %arg8[%add3A_828, %add3A_814], %gather3A_885 : memref<64x128xf32, #tpu.memory_space<vmem>>[vector<16xi32>, vector<16xi32>], vector<16xf32>,
        tpu.vector_store_idx %arg8[%add3A_830, %add3A_814], %gather3A_886 : memref<64x128xf32, #tpu.memory_space<vmem>>[vector<16xi32>, vector<16xi32>], vector<16xf32>,
        %add3A_887 = vector.broadcast %mul3A_209 : i32 to vector<16xi32>
        %add3A_888 = arith.addi %rem3A_53, %add3A_887 : vector<16xi32>
        %add3A_889 = vector.broadcast %mul3A_209 : i32 to vector<16xi32>
        %add3A_890 = arith.addi %rem3A_59, %add3A_889 : vector<16xi32>
        %add3A_891 = vector.broadcast %mul3A_209 : i32 to vector<16xi32>
        %add3A_892 = arith.addi %rem3A_65, %add3A_891 : vector<16xi32>
        %add3A_893 = vector.broadcast %mul3A_209 : i32 to vector<16xi32>
        %add3A_894 = arith.addi %rem3A_71, %add3A_893 : vector<16xi32>
        %add3A_895 = vector.broadcast %mul3A_209 : i32 to vector<16xi32>
        %add3A_896 = arith.addi %rem3A_77, %add3A_895 : vector<16xi32>
        %add3A_897 = vector.broadcast %mul3A_209 : i32 to vector<16xi32>
        %add3A_898 = arith.addi %rem3A_83, %add3A_897 : vector<16xi32>
        %add3A_899 = vector.broadcast %mul3A_209 : i32 to vector<16xi32>
        %add3A_900 = arith.addi %rem3A_89, %add3A_899 : vector<16xi32>
        %add3A_901 = vector.broadcast %mul3A_209 : i32 to vector<16xi32>
        %add3A_902 = arith.addi %rem3A_95, %add3A_901 : vector<16xi32>
        %mul3A_903 = arith.constant 2 : i32
        %mul3A_904 = vector.broadcast %mul3A_903 : i32 to vector<16xi32>
        %mul3A_905 = arith.muli %add3A_888, %mul3A_904 : vector<16xi32>
        %add3A_906 = arith.constant 1 : i32
        %add3A_907 = vector.broadcast %add3A_906 : i32 to vector<16xi32>
        %add3A_908 = arith.addi %mul3A_905, %add3A_907 : vector<16xi32>
        %mul3A_909 = arith.constant 2 : i32
        %mul3A_910 = vector.broadcast %mul3A_909 : i32 to vector<16xi32>
        %mul3A_911 = arith.muli %add3A_890, %mul3A_910 : vector<16xi32>
        %add3A_912 = arith.constant 1 : i32
        %add3A_913 = vector.broadcast %add3A_912 : i32 to vector<16xi32>
        %add3A_914 = arith.addi %mul3A_911, %add3A_913 : vector<16xi32>
        %mul3A_915 = arith.constant 2 : i32
        %mul3A_916 = vector.broadcast %mul3A_915 : i32 to vector<16xi32>
        %mul3A_917 = arith.muli %add3A_892, %mul3A_916 : vector<16xi32>
        %add3A_918 = arith.constant 1 : i32
        %add3A_919 = vector.broadcast %add3A_918 : i32 to vector<16xi32>
        %add3A_920 = arith.addi %mul3A_917, %add3A_919 : vector<16xi32>
        %mul3A_921 = arith.constant 2 : i32
        %mul3A_922 = vector.broadcast %mul3A_921 : i32 to vector<16xi32>
        %mul3A_923 = arith.muli %add3A_894, %mul3A_922 : vector<16xi32>
        %add3A_924 = arith.constant 1 : i32
        %add3A_925 = vector.broadcast %add3A_924 : i32 to vector<16xi32>
        %add3A_926 = arith.addi %mul3A_923, %add3A_925 : vector<16xi32>
        %mul3A_927 = arith.constant 2 : i32
        %mul3A_928 = vector.broadcast %mul3A_927 : i32 to vector<16xi32>
        %mul3A_929 = arith.muli %add3A_896, %mul3A_928 : vector<16xi32>
        %add3A_930 = arith.constant 1 : i32
        %add3A_931 = vector.broadcast %add3A_930 : i32 to vector<16xi32>
        %add3A_932 = arith.addi %mul3A_929, %add3A_931 : vector<16xi32>
        %mul3A_933 = arith.constant 2 : i32
        %mul3A_934 = vector.broadcast %mul3A_933 : i32 to vector<16xi32>
        %mul3A_935 = arith.muli %add3A_898, %mul3A_934 : vector<16xi32>
        %add3A_936 = arith.constant 1 : i32
        %add3A_937 = vector.broadcast %add3A_936 : i32 to vector<16xi32>
        %add3A_938 = arith.addi %mul3A_935, %add3A_937 : vector<16xi32>
        %mul3A_939 = arith.constant 2 : i32
        %mul3A_940 = vector.broadcast %mul3A_939 : i32 to vector<16xi32>
        %mul3A_941 = arith.muli %add3A_900, %mul3A_940 : vector<16xi32>
        %add3A_942 = arith.constant 1 : i32
        %add3A_943 = vector.broadcast %add3A_942 : i32 to vector<16xi32>
        %add3A_944 = arith.addi %mul3A_941, %add3A_943 : vector<16xi32>
        %mul3A_945 = arith.constant 2 : i32
        %mul3A_946 = vector.broadcast %mul3A_945 : i32 to vector<16xi32>
        %mul3A_947 = arith.muli %add3A_902, %mul3A_946 : vector<16xi32>
        %add3A_948 = arith.constant 1 : i32
        %add3A_949 = vector.broadcast %add3A_948 : i32 to vector<16xi32>
        %add3A_950 = arith.addi %mul3A_947, %add3A_949 : vector<16xi32>
        %gather3A_951 = tpu.vector_load_idx %arg6[%add3A_811, %add3A_908] : memref<64x128xf32, #tpu.memory_space<vmem>>[vector<16xi32>, vector<16xi32>], vector<16xf32>,
        %gather3A_952 = tpu.vector_load_idx %arg6[%add3A_811, %add3A_914] : memref<64x128xf32, #tpu.memory_space<vmem>>[vector<16xi32>, vector<16xi32>], vector<16xf32>,
        %gather3A_953 = tpu.vector_load_idx %arg6[%add3A_811, %add3A_920] : memref<64x128xf32, #tpu.memory_space<vmem>>[vector<16xi32>, vector<16xi32>], vector<16xf32>,
        %gather3A_954 = tpu.vector_load_idx %arg6[%add3A_811, %add3A_926] : memref<64x128xf32, #tpu.memory_space<vmem>>[vector<16xi32>, vector<16xi32>], vector<16xf32>,
        %gather3A_955 = tpu.vector_load_idx %arg6[%add3A_811, %add3A_932] : memref<64x128xf32, #tpu.memory_space<vmem>>[vector<16xi32>, vector<16xi32>], vector<16xf32>,
        %gather3A_956 = tpu.vector_load_idx %arg6[%add3A_811, %add3A_938] : memref<64x128xf32, #tpu.memory_space<vmem>>[vector<16xi32>, vector<16xi32>], vector<16xf32>,
        %gather3A_957 = tpu.vector_load_idx %arg6[%add3A_811, %add3A_944] : memref<64x128xf32, #tpu.memory_space<vmem>>[vector<16xi32>, vector<16xi32>], vector<16xf32>,
        %gather3A_958 = tpu.vector_load_idx %arg6[%add3A_811, %add3A_950] : memref<64x128xf32, #tpu.memory_space<vmem>>[vector<16xi32>, vector<16xi32>], vector<16xf32>,
        tpu.vector_store_idx %arg8[%add3A_888, %add3A_814], %gather3A_951 : memref<64x128xf32, #tpu.memory_space<vmem>>[vector<16xi32>, vector<16xi32>], vector<16xf32>,
        tpu.vector_store_idx %arg8[%add3A_890, %add3A_814], %gather3A_952 : memref<64x128xf32, #tpu.memory_space<vmem>>[vector<16xi32>, vector<16xi32>], vector<16xf32>,
        tpu.vector_store_idx %arg8[%add3A_892, %add3A_814], %gather3A_953 : memref<64x128xf32, #tpu.memory_space<vmem>>[vector<16xi32>, vector<16xi32>], vector<16xf32>,
        tpu.vector_store_idx %arg8[%add3A_894, %add3A_814], %gather3A_954 : memref<64x128xf32, #tpu.memory_space<vmem>>[vector<16xi32>, vector<16xi32>], vector<16xf32>,
        tpu.vector_store_idx %arg8[%add3A_896, %add3A_814], %gather3A_955 : memref<64x128xf32, #tpu.memory_space<vmem>>[vector<16xi32>, vector<16xi32>], vector<16xf32>,
        tpu.vector_store_idx %arg8[%add3A_898, %add3A_814], %gather3A_956 : memref<64x128xf32, #tpu.memory_space<vmem>>[vector<16xi32>, vector<16xi32>], vector<16xf32>,
        tpu.vector_store_idx %arg8[%add3A_900, %add3A_814], %gather3A_957 : memref<64x128xf32, #tpu.memory_space<vmem>>[vector<16xi32>, vector<16xi32>], vector<16xf32>,
        tpu.vector_store_idx %arg8[%add3A_902, %add3A_814], %gather3A_958 : memref<64x128xf32, #tpu.memory_space<vmem>>[vector<16xi32>, vector<16xi32>], vector<16xf32>,
        %add3A_959 = arith.constant 16 : i32
        %add3A_960 = vector.broadcast %add3A_959 : i32 to vector<16xi32>
        %add3A_961 = arith.addi %iota3A, %add3A_960 : vector<16xi32>
        %add3A_962 = arith.constant 64 : i32
        %add3A_963 = vector.broadcast %add3A_962 : i32 to vector<16xi32>
        %add3A_964 = arith.addi %add3A_961, %add3A_963 : vector<16xi32>
        %add3A_965 = vector.broadcast %mul3A_209 : i32 to vector<16xi32>
        %add3A_966 = arith.addi %rem3A_5, %add3A_965 : vector<16xi32>
        %add3A_967 = vector.broadcast %mul3A_209 : i32 to vector<16xi32>
        %add3A_968 = arith.addi %rem3A_11, %add3A_967 : vector<16xi32>
        %add3A_969 = vector.broadcast %mul3A_209 : i32 to vector<16xi32>
        %add3A_970 = arith.addi %rem3A_17, %add3A_969 : vector<16xi32>
        %add3A_971 = vector.broadcast %mul3A_209 : i32 to vector<16xi32>
        %add3A_972 = arith.addi %rem3A_23, %add3A_971 : vector<16xi32>
        %add3A_973 = vector.broadcast %mul3A_209 : i32 to vector<16xi32>
        %add3A_974 = arith.addi %rem3A_29, %add3A_973 : vector<16xi32>
        %add3A_975 = vector.broadcast %mul3A_209 : i32 to vector<16xi32>
        %add3A_976 = arith.addi %rem3A_35, %add3A_975 : vector<16xi32>
        %add3A_977 = vector.broadcast %mul3A_209 : i32 to vector<16xi32>
        %add3A_978 = arith.addi %rem3A_41, %add3A_977 : vector<16xi32>
        %add3A_979 = vector.broadcast %mul3A_209 : i32 to vector<16xi32>
        %add3A_980 = arith.addi %rem3A_47, %add3A_979 : vector<16xi32>
        %mul3A_981 = arith.constant 2 : i32
        %mul3A_982 = vector.broadcast %mul3A_981 : i32 to vector<16xi32>
        %mul3A_983 = arith.muli %add3A_966, %mul3A_982 : vector<16xi32>
        %add3A_984 = arith.constant 1 : i32
        %add3A_985 = vector.broadcast %add3A_984 : i32 to vector<16xi32>
        %add3A_986 = arith.addi %mul3A_983, %add3A_985 : vector<16xi32>
        %mul3A_987 = arith.constant 2 : i32
        %mul3A_988 = vector.broadcast %mul3A_987 : i32 to vector<16xi32>
        %mul3A_989 = arith.muli %add3A_968, %mul3A_988 : vector<16xi32>
        %add3A_990 = arith.constant 1 : i32
        %add3A_991 = vector.broadcast %add3A_990 : i32 to vector<16xi32>
        %add3A_992 = arith.addi %mul3A_989, %add3A_991 : vector<16xi32>
        %mul3A_993 = arith.constant 2 : i32
        %mul3A_994 = vector.broadcast %mul3A_993 : i32 to vector<16xi32>
        %mul3A_995 = arith.muli %add3A_970, %mul3A_994 : vector<16xi32>
        %add3A_996 = arith.constant 1 : i32
        %add3A_997 = vector.broadcast %add3A_996 : i32 to vector<16xi32>
        %add3A_998 = arith.addi %mul3A_995, %add3A_997 : vector<16xi32>
        %mul3A_999 = arith.constant 2 : i32
        %mul3A_1000 = vector.broadcast %mul3A_999 : i32 to vector<16xi32>
        %mul3A_1001 = arith.muli %add3A_972, %mul3A_1000 : vector<16xi32>
        %add3A_1002 = arith.constant 1 : i32
        %add3A_1003 = vector.broadcast %add3A_1002 : i32 to vector<16xi32>
        %add3A_1004 = arith.addi %mul3A_1001, %add3A_1003 : vector<16xi32>
        %mul3A_1005 = arith.constant 2 : i32
        %mul3A_1006 = vector.broadcast %mul3A_1005 : i32 to vector<16xi32>
        %mul3A_1007 = arith.muli %add3A_974, %mul3A_1006 : vector<16xi32>
        %add3A_1008 = arith.constant 1 : i32
        %add3A_1009 = vector.broadcast %add3A_1008 : i32 to vector<16xi32>
        %add3A_1010 = arith.addi %mul3A_1007, %add3A_1009 : vector<16xi32>
        %mul3A_1011 = arith.constant 2 : i32
        %mul3A_1012 = vector.broadcast %mul3A_1011 : i32 to vector<16xi32>
        %mul3A_1013 = arith.muli %add3A_976, %mul3A_1012 : vector<16xi32>
        %add3A_1014 = arith.constant 1 : i32
        %add3A_1015 = vector.broadcast %add3A_1014 : i32 to vector<16xi32>
        %add3A_1016 = arith.addi %mul3A_1013, %add3A_1015 : vector<16xi32>
        %mul3A_1017 = arith.constant 2 : i32
        %mul3A_1018 = vector.broadcast %mul3A_1017 : i32 to vector<16xi32>
        %mul3A_1019 = arith.muli %add3A_978, %mul3A_1018 : vector<16xi32>
        %add3A_1020 = arith.constant 1 : i32
        %add3A_1021 = vector.broadcast %add3A_1020 : i32 to vector<16xi32>
        %add3A_1022 = arith.addi %mul3A_1019, %add3A_1021 : vector<16xi32>
        %mul3A_1023 = arith.constant 2 : i32
        %mul3A_1024 = vector.broadcast %mul3A_1023 : i32 to vector<16xi32>
        %mul3A_1025 = arith.muli %add3A_980, %mul3A_1024 : vector<16xi32>
        %add3A_1026 = arith.constant 1 : i32
        %add3A_1027 = vector.broadcast %add3A_1026 : i32 to vector<16xi32>
        %add3A_1028 = arith.addi %mul3A_1025, %add3A_1027 : vector<16xi32>
        %gather3A_1029 = tpu.vector_load_idx %arg6[%add3A_961, %add3A_986] : memref<64x128xf32, #tpu.memory_space<vmem>>[vector<16xi32>, vector<16xi32>], vector<16xf32>,
        %gather3A_1030 = tpu.vector_load_idx %arg6[%add3A_961, %add3A_992] : memref<64x128xf32, #tpu.memory_space<vmem>>[vector<16xi32>, vector<16xi32>], vector<16xf32>,
        %gather3A_1031 = tpu.vector_load_idx %arg6[%add3A_961, %add3A_998] : memref<64x128xf32, #tpu.memory_space<vmem>>[vector<16xi32>, vector<16xi32>], vector<16xf32>,
        %gather3A_1032 = tpu.vector_load_idx %arg6[%add3A_961, %add3A_1004] : memref<64x128xf32, #tpu.memory_space<vmem>>[vector<16xi32>, vector<16xi32>], vector<16xf32>,
        %gather3A_1033 = tpu.vector_load_idx %arg6[%add3A_961, %add3A_1010] : memref<64x128xf32, #tpu.memory_space<vmem>>[vector<16xi32>, vector<16xi32>], vector<16xf32>,
        %gather3A_1034 = tpu.vector_load_idx %arg6[%add3A_961, %add3A_1016] : memref<64x128xf32, #tpu.memory_space<vmem>>[vector<16xi32>, vector<16xi32>], vector<16xf32>,
        %gather3A_1035 = tpu.vector_load_idx %arg6[%add3A_961, %add3A_1022] : memref<64x128xf32, #tpu.memory_space<vmem>>[vector<16xi32>, vector<16xi32>], vector<16xf32>,
        %gather3A_1036 = tpu.vector_load_idx %arg6[%add3A_961, %add3A_1028] : memref<64x128xf32, #tpu.memory_space<vmem>>[vector<16xi32>, vector<16xi32>], vector<16xf32>,
        tpu.vector_store_idx %arg8[%add3A_966, %add3A_964], %gather3A_1029 : memref<64x128xf32, #tpu.memory_space<vmem>>[vector<16xi32>, vector<16xi32>], vector<16xf32>,
        tpu.vector_store_idx %arg8[%add3A_968, %add3A_964], %gather3A_1030 : memref<64x128xf32, #tpu.memory_space<vmem>>[vector<16xi32>, vector<16xi32>], vector<16xf32>,
        tpu.vector_store_idx %arg8[%add3A_970, %add3A_964], %gather3A_1031 : memref<64x128xf32, #tpu.memory_space<vmem>>[vector<16xi32>, vector<16xi32>], vector<16xf32>,
        tpu.vector_store_idx %arg8[%add3A_972, %add3A_964], %gather3A_1032 : memref<64x128xf32, #tpu.memory_space<vmem>>[vector<16xi32>, vector<16xi32>], vector<16xf32>,
        tpu.vector_store_idx %arg8[%add3A_974, %add3A_964], %gather3A_1033 : memref<64x128xf32, #tpu.memory_space<vmem>>[vector<16xi32>, vector<16xi32>], vector<16xf32>,
        tpu.vector_store_idx %arg8[%add3A_976, %add3A_964], %gather3A_1034 : memref<64x128xf32, #tpu.memory_space<vmem>>[vector<16xi32>, vector<16xi32>], vector<16xf32>,
        tpu.vector_store_idx %arg8[%add3A_978, %add3A_964], %gather3A_1035 : memref<64x128xf32, #tpu.memory_space<vmem>>[vector<16xi32>, vector<16xi32>], vector<16xf32>,
        tpu.vector_store_idx %arg8[%add3A_980, %add3A_964], %gather3A_1036 : memref<64x128xf32, #tpu.memory_space<vmem>>[vector<16xi32>, vector<16xi32>], vector<16xf32>,
        %add3A_1037 = vector.broadcast %mul3A_209 : i32 to vector<16xi32>
        %add3A_1038 = arith.addi %rem3A_53, %add3A_1037 : vector<16xi32>
        %add3A_1039 = vector.broadcast %mul3A_209 : i32 to vector<16xi32>
        %add3A_1040 = arith.addi %rem3A_59, %add3A_1039 : vector<16xi32>
        %add3A_1041 = vector.broadcast %mul3A_209 : i32 to vector<16xi32>
        %add3A_1042 = arith.addi %rem3A_65, %add3A_1041 : vector<16xi32>
        %add3A_1043 = vector.broadcast %mul3A_209 : i32 to vector<16xi32>
        %add3A_1044 = arith.addi %rem3A_71, %add3A_1043 : vector<16xi32>
        %add3A_1045 = vector.broadcast %mul3A_209 : i32 to vector<16xi32>
        %add3A_1046 = arith.addi %rem3A_77, %add3A_1045 : vector<16xi32>
        %add3A_1047 = vector.broadcast %mul3A_209 : i32 to vector<16xi32>
        %add3A_1048 = arith.addi %rem3A_83, %add3A_1047 : vector<16xi32>
        %add3A_1049 = vector.broadcast %mul3A_209 : i32 to vector<16xi32>
        %add3A_1050 = arith.addi %rem3A_89, %add3A_1049 : vector<16xi32>
        %add3A_1051 = vector.broadcast %mul3A_209 : i32 to vector<16xi32>
        %add3A_1052 = arith.addi %rem3A_95, %add3A_1051 : vector<16xi32>
        %mul3A_1053 = arith.constant 2 : i32
        %mul3A_1054 = vector.broadcast %mul3A_1053 : i32 to vector<16xi32>
        %mul3A_1055 = arith.muli %add3A_1038, %mul3A_1054 : vector<16xi32>
        %add3A_1056 = arith.constant 1 : i32
        %add3A_1057 = vector.broadcast %add3A_1056 : i32 to vector<16xi32>
        %add3A_1058 = arith.addi %mul3A_1055, %add3A_1057 : vector<16xi32>
        %mul3A_1059 = arith.constant 2 : i32
        %mul3A_1060 = vector.broadcast %mul3A_1059 : i32 to vector<16xi32>
        %mul3A_1061 = arith.muli %add3A_1040, %mul3A_1060 : vector<16xi32>
        %add3A_1062 = arith.constant 1 : i32
        %add3A_1063 = vector.broadcast %add3A_1062 : i32 to vector<16xi32>
        %add3A_1064 = arith.addi %mul3A_1061, %add3A_1063 : vector<16xi32>
        %mul3A_1065 = arith.constant 2 : i32
        %mul3A_1066 = vector.broadcast %mul3A_1065 : i32 to vector<16xi32>
        %mul3A_1067 = arith.muli %add3A_1042, %mul3A_1066 : vector<16xi32>
        %add3A_1068 = arith.constant 1 : i32
        %add3A_1069 = vector.broadcast %add3A_1068 : i32 to vector<16xi32>
        %add3A_1070 = arith.addi %mul3A_1067, %add3A_1069 : vector<16xi32>
        %mul3A_1071 = arith.constant 2 : i32
        %mul3A_1072 = vector.broadcast %mul3A_1071 : i32 to vector<16xi32>
        %mul3A_1073 = arith.muli %add3A_1044, %mul3A_1072 : vector<16xi32>
        %add3A_1074 = arith.constant 1 : i32
        %add3A_1075 = vector.broadcast %add3A_1074 : i32 to vector<16xi32>
        %add3A_1076 = arith.addi %mul3A_1073, %add3A_1075 : vector<16xi32>
        %mul3A_1077 = arith.constant 2 : i32
        %mul3A_1078 = vector.broadcast %mul3A_1077 : i32 to vector<16xi32>
        %mul3A_1079 = arith.muli %add3A_1046, %mul3A_1078 : vector<16xi32>
        %add3A_1080 = arith.constant 1 : i32
        %add3A_1081 = vector.broadcast %add3A_1080 : i32 to vector<16xi32>
        %add3A_1082 = arith.addi %mul3A_1079, %add3A_1081 : vector<16xi32>
        %mul3A_1083 = arith.constant 2 : i32
        %mul3A_1084 = vector.broadcast %mul3A_1083 : i32 to vector<16xi32>
        %mul3A_1085 = arith.muli %add3A_1048, %mul3A_1084 : vector<16xi32>
        %add3A_1086 = arith.constant 1 : i32
        %add3A_1087 = vector.broadcast %add3A_1086 : i32 to vector<16xi32>
        %add3A_1088 = arith.addi %mul3A_1085, %add3A_1087 : vector<16xi32>
        %mul3A_1089 = arith.constant 2 : i32
        %mul3A_1090 = vector.broadcast %mul3A_1089 : i32 to vector<16xi32>
        %mul3A_1091 = arith.muli %add3A_1050, %mul3A_1090 : vector<16xi32>
        %add3A_1092 = arith.constant 1 : i32
        %add3A_1093 = vector.broadcast %add3A_1092 : i32 to vector<16xi32>
        %add3A_1094 = arith.addi %mul3A_1091, %add3A_1093 : vector<16xi32>
        %mul3A_1095 = arith.constant 2 : i32
        %mul3A_1096 = vector.broadcast %mul3A_1095 : i32 to vector<16xi32>
        %mul3A_1097 = arith.muli %add3A_1052, %mul3A_1096 : vector<16xi32>
        %add3A_1098 = arith.constant 1 : i32
        %add3A_1099 = vector.broadcast %add3A_1098 : i32 to vector<16xi32>
        %add3A_1100 = arith.addi %mul3A_1097, %add3A_1099 : vector<16xi32>
        %gather3A_1101 = tpu.vector_load_idx %arg6[%add3A_961, %add3A_1058] : memref<64x128xf32, #tpu.memory_space<vmem>>[vector<16xi32>, vector<16xi32>], vector<16xf32>,
        %gather3A_1102 = tpu.vector_load_idx %arg6[%add3A_961, %add3A_1064] : memref<64x128xf32, #tpu.memory_space<vmem>>[vector<16xi32>, vector<16xi32>], vector<16xf32>,
        %gather3A_1103 = tpu.vector_load_idx %arg6[%add3A_961, %add3A_1070] : memref<64x128xf32, #tpu.memory_space<vmem>>[vector<16xi32>, vector<16xi32>], vector<16xf32>,
        %gather3A_1104 = tpu.vector_load_idx %arg6[%add3A_961, %add3A_1076] : memref<64x128xf32, #tpu.memory_space<vmem>>[vector<16xi32>, vector<16xi32>], vector<16xf32>,
        %gather3A_1105 = tpu.vector_load_idx %arg6[%add3A_961, %add3A_1082] : memref<64x128xf32, #tpu.memory_space<vmem>>[vector<16xi32>, vector<16xi32>], vector<16xf32>,
        %gather3A_1106 = tpu.vector_load_idx %arg6[%add3A_961, %add3A_1088] : memref<64x128xf32, #tpu.memory_space<vmem>>[vector<16xi32>, vector<16xi32>], vector<16xf32>,
        %gather3A_1107 = tpu.vector_load_idx %arg6[%add3A_961, %add3A_1094] : memref<64x128xf32, #tpu.memory_space<vmem>>[vector<16xi32>, vector<16xi32>], vector<16xf32>,
        %gather3A_1108 = tpu.vector_load_idx %arg6[%add3A_961, %add3A_1100] : memref<64x128xf32, #tpu.memory_space<vmem>>[vector<16xi32>, vector<16xi32>], vector<16xf32>,
        tpu.vector_store_idx %arg8[%add3A_1038, %add3A_964], %gather3A_1101 : memref<64x128xf32, #tpu.memory_space<vmem>>[vector<16xi32>, vector<16xi32>], vector<16xf32>,
        tpu.vector_store_idx %arg8[%add3A_1040, %add3A_964], %gather3A_1102 : memref<64x128xf32, #tpu.memory_space<vmem>>[vector<16xi32>, vector<16xi32>], vector<16xf32>,
        tpu.vector_store_idx %arg8[%add3A_1042, %add3A_964], %gather3A_1103 : memref<64x128xf32, #tpu.memory_space<vmem>>[vector<16xi32>, vector<16xi32>], vector<16xf32>,
        tpu.vector_store_idx %arg8[%add3A_1044, %add3A_964], %gather3A_1104 : memref<64x128xf32, #tpu.memory_space<vmem>>[vector<16xi32>, vector<16xi32>], vector<16xf32>,
        tpu.vector_store_idx %arg8[%add3A_1046, %add3A_964], %gather3A_1105 : memref<64x128xf32, #tpu.memory_space<vmem>>[vector<16xi32>, vector<16xi32>], vector<16xf32>,
        tpu.vector_store_idx %arg8[%add3A_1048, %add3A_964], %gather3A_1106 : memref<64x128xf32, #tpu.memory_space<vmem>>[vector<16xi32>, vector<16xi32>], vector<16xf32>,
        tpu.vector_store_idx %arg8[%add3A_1050, %add3A_964], %gather3A_1107 : memref<64x128xf32, #tpu.memory_space<vmem>>[vector<16xi32>, vector<16xi32>], vector<16xf32>,
        tpu.vector_store_idx %arg8[%add3A_1052, %add3A_964], %gather3A_1108 : memref<64x128xf32, #tpu.memory_space<vmem>>[vector<16xi32>, vector<16xi32>], vector<16xf32>,
        %add3A_1109 = arith.constant 32 : i32
        %add3A_1110 = vector.broadcast %add3A_1109 : i32 to vector<16xi32>
        %add3A_1111 = arith.addi %iota3A, %add3A_1110 : vector<16xi32>
        %add3A_1112 = arith.constant 64 : i32
        %add3A_1113 = vector.broadcast %add3A_1112 : i32 to vector<16xi32>
        %add3A_1114 = arith.addi %add3A_1111, %add3A_1113 : vector<16xi32>
        %add3A_1115 = vector.broadcast %mul3A_209 : i32 to vector<16xi32>
        %add3A_1116 = arith.addi %rem3A_5, %add3A_1115 : vector<16xi32>
        %add3A_1117 = vector.broadcast %mul3A_209 : i32 to vector<16xi32>
        %add3A_1118 = arith.addi %rem3A_11, %add3A_1117 : vector<16xi32>
        %add3A_1119 = vector.broadcast %mul3A_209 : i32 to vector<16xi32>
        %add3A_1120 = arith.addi %rem3A_17, %add3A_1119 : vector<16xi32>
        %add3A_1121 = vector.broadcast %mul3A_209 : i32 to vector<16xi32>
        %add3A_1122 = arith.addi %rem3A_23, %add3A_1121 : vector<16xi32>
        %add3A_1123 = vector.broadcast %mul3A_209 : i32 to vector<16xi32>
        %add3A_1124 = arith.addi %rem3A_29, %add3A_1123 : vector<16xi32>
        %add3A_1125 = vector.broadcast %mul3A_209 : i32 to vector<16xi32>
        %add3A_1126 = arith.addi %rem3A_35, %add3A_1125 : vector<16xi32>
        %add3A_1127 = vector.broadcast %mul3A_209 : i32 to vector<16xi32>
        %add3A_1128 = arith.addi %rem3A_41, %add3A_1127 : vector<16xi32>
        %add3A_1129 = vector.broadcast %mul3A_209 : i32 to vector<16xi32>
        %add3A_1130 = arith.addi %rem3A_47, %add3A_1129 : vector<16xi32>
        %mul3A_1131 = arith.constant 2 : i32
        %mul3A_1132 = vector.broadcast %mul3A_1131 : i32 to vector<16xi32>
        %mul3A_1133 = arith.muli %add3A_1116, %mul3A_1132 : vector<16xi32>
        %add3A_1134 = arith.constant 1 : i32
        %add3A_1135 = vector.broadcast %add3A_1134 : i32 to vector<16xi32>
        %add3A_1136 = arith.addi %mul3A_1133, %add3A_1135 : vector<16xi32>
        %mul3A_1137 = arith.constant 2 : i32
        %mul3A_1138 = vector.broadcast %mul3A_1137 : i32 to vector<16xi32>
        %mul3A_1139 = arith.muli %add3A_1118, %mul3A_1138 : vector<16xi32>
        %add3A_1140 = arith.constant 1 : i32
        %add3A_1141 = vector.broadcast %add3A_1140 : i32 to vector<16xi32>
        %add3A_1142 = arith.addi %mul3A_1139, %add3A_1141 : vector<16xi32>
        %mul3A_1143 = arith.constant 2 : i32
        %mul3A_1144 = vector.broadcast %mul3A_1143 : i32 to vector<16xi32>
        %mul3A_1145 = arith.muli %add3A_1120, %mul3A_1144 : vector<16xi32>
        %add3A_1146 = arith.constant 1 : i32
        %add3A_1147 = vector.broadcast %add3A_1146 : i32 to vector<16xi32>
        %add3A_1148 = arith.addi %mul3A_1145, %add3A_1147 : vector<16xi32>
        %mul3A_1149 = arith.constant 2 : i32
        %mul3A_1150 = vector.broadcast %mul3A_1149 : i32 to vector<16xi32>
        %mul3A_1151 = arith.muli %add3A_1122, %mul3A_1150 : vector<16xi32>
        %add3A_1152 = arith.constant 1 : i32
        %add3A_1153 = vector.broadcast %add3A_1152 : i32 to vector<16xi32>
        %add3A_1154 = arith.addi %mul3A_1151, %add3A_1153 : vector<16xi32>
        %mul3A_1155 = arith.constant 2 : i32
        %mul3A_1156 = vector.broadcast %mul3A_1155 : i32 to vector<16xi32>
        %mul3A_1157 = arith.muli %add3A_1124, %mul3A_1156 : vector<16xi32>
        %add3A_1158 = arith.constant 1 : i32
        %add3A_1159 = vector.broadcast %add3A_1158 : i32 to vector<16xi32>
        %add3A_1160 = arith.addi %mul3A_1157, %add3A_1159 : vector<16xi32>
        %mul3A_1161 = arith.constant 2 : i32
        %mul3A_1162 = vector.broadcast %mul3A_1161 : i32 to vector<16xi32>
        %mul3A_1163 = arith.muli %add3A_1126, %mul3A_1162 : vector<16xi32>
        %add3A_1164 = arith.constant 1 : i32
        %add3A_1165 = vector.broadcast %add3A_1164 : i32 to vector<16xi32>
        %add3A_1166 = arith.addi %mul3A_1163, %add3A_1165 : vector<16xi32>
        %mul3A_1167 = arith.constant 2 : i32
        %mul3A_1168 = vector.broadcast %mul3A_1167 : i32 to vector<16xi32>
        %mul3A_1169 = arith.muli %add3A_1128, %mul3A_1168 : vector<16xi32>
        %add3A_1170 = arith.constant 1 : i32
        %add3A_1171 = vector.broadcast %add3A_1170 : i32 to vector<16xi32>
        %add3A_1172 = arith.addi %mul3A_1169, %add3A_1171 : vector<16xi32>
        %mul3A_1173 = arith.constant 2 : i32
        %mul3A_1174 = vector.broadcast %mul3A_1173 : i32 to vector<16xi32>
        %mul3A_1175 = arith.muli %add3A_1130, %mul3A_1174 : vector<16xi32>
        %add3A_1176 = arith.constant 1 : i32
        %add3A_1177 = vector.broadcast %add3A_1176 : i32 to vector<16xi32>
        %add3A_1178 = arith.addi %mul3A_1175, %add3A_1177 : vector<16xi32>
        %gather3A_1179 = tpu.vector_load_idx %arg6[%add3A_1111, %add3A_1136] : memref<64x128xf32, #tpu.memory_space<vmem>>[vector<16xi32>, vector<16xi32>], vector<16xf32>,
        %gather3A_1180 = tpu.vector_load_idx %arg6[%add3A_1111, %add3A_1142] : memref<64x128xf32, #tpu.memory_space<vmem>>[vector<16xi32>, vector<16xi32>], vector<16xf32>,
        %gather3A_1181 = tpu.vector_load_idx %arg6[%add3A_1111, %add3A_1148] : memref<64x128xf32, #tpu.memory_space<vmem>>[vector<16xi32>, vector<16xi32>], vector<16xf32>,
        %gather3A_1182 = tpu.vector_load_idx %arg6[%add3A_1111, %add3A_1154] : memref<64x128xf32, #tpu.memory_space<vmem>>[vector<16xi32>, vector<16xi32>], vector<16xf32>,
        %gather3A_1183 = tpu.vector_load_idx %arg6[%add3A_1111, %add3A_1160] : memref<64x128xf32, #tpu.memory_space<vmem>>[vector<16xi32>, vector<16xi32>], vector<16xf32>,
        %gather3A_1184 = tpu.vector_load_idx %arg6[%add3A_1111, %add3A_1166] : memref<64x128xf32, #tpu.memory_space<vmem>>[vector<16xi32>, vector<16xi32>], vector<16xf32>,
        %gather3A_1185 = tpu.vector_load_idx %arg6[%add3A_1111, %add3A_1172] : memref<64x128xf32, #tpu.memory_space<vmem>>[vector<16xi32>, vector<16xi32>], vector<16xf32>,
        %gather3A_1186 = tpu.vector_load_idx %arg6[%add3A_1111, %add3A_1178] : memref<64x128xf32, #tpu.memory_space<vmem>>[vector<16xi32>, vector<16xi32>], vector<16xf32>,
        tpu.vector_store_idx %arg8[%add3A_1116, %add3A_1114], %gather3A_1179 : memref<64x128xf32, #tpu.memory_space<vmem>>[vector<16xi32>, vector<16xi32>], vector<16xf32>,
        tpu.vector_store_idx %arg8[%add3A_1118, %add3A_1114], %gather3A_1180 : memref<64x128xf32, #tpu.memory_space<vmem>>[vector<16xi32>, vector<16xi32>], vector<16xf32>,
        tpu.vector_store_idx %arg8[%add3A_1120, %add3A_1114], %gather3A_1181 : memref<64x128xf32, #tpu.memory_space<vmem>>[vector<16xi32>, vector<16xi32>], vector<16xf32>,
        tpu.vector_store_idx %arg8[%add3A_1122, %add3A_1114], %gather3A_1182 : memref<64x128xf32, #tpu.memory_space<vmem>>[vector<16xi32>, vector<16xi32>], vector<16xf32>,
        tpu.vector_store_idx %arg8[%add3A_1124, %add3A_1114], %gather3A_1183 : memref<64x128xf32, #tpu.memory_space<vmem>>[vector<16xi32>, vector<16xi32>], vector<16xf32>,
        tpu.vector_store_idx %arg8[%add3A_1126, %add3A_1114], %gather3A_1184 : memref<64x128xf32, #tpu.memory_space<vmem>>[vector<16xi32>, vector<16xi32>], vector<16xf32>,
        tpu.vector_store_idx %arg8[%add3A_1128, %add3A_1114], %gather3A_1185 : memref<64x128xf32, #tpu.memory_space<vmem>>[vector<16xi32>, vector<16xi32>], vector<16xf32>,
        tpu.vector_store_idx %arg8[%add3A_1130, %add3A_1114], %gather3A_1186 : memref<64x128xf32, #tpu.memory_space<vmem>>[vector<16xi32>, vector<16xi32>], vector<16xf32>,
        %add3A_1187 = vector.broadcast %mul3A_209 : i32 to vector<16xi32>
        %add3A_1188 = arith.addi %rem3A_53, %add3A_1187 : vector<16xi32>
        %add3A_1189 = vector.broadcast %mul3A_209 : i32 to vector<16xi32>
        %add3A_1190 = arith.addi %rem3A_59, %add3A_1189 : vector<16xi32>
        %add3A_1191 = vector.broadcast %mul3A_209 : i32 to vector<16xi32>
        %add3A_1192 = arith.addi %rem3A_65, %add3A_1191 : vector<16xi32>
        %add3A_1193 = vector.broadcast %mul3A_209 : i32 to vector<16xi32>
        %add3A_1194 = arith.addi %rem3A_71, %add3A_1193 : vector<16xi32>
        %add3A_1195 = vector.broadcast %mul3A_209 : i32 to vector<16xi32>
        %add3A_1196 = arith.addi %rem3A_77, %add3A_1195 : vector<16xi32>
        %add3A_1197 = vector.broadcast %mul3A_209 : i32 to vector<16xi32>
        %add3A_1198 = arith.addi %rem3A_83, %add3A_1197 : vector<16xi32>
        %add3A_1199 = vector.broadcast %mul3A_209 : i32 to vector<16xi32>
        %add3A_1200 = arith.addi %rem3A_89, %add3A_1199 : vector<16xi32>
        %add3A_1201 = vector.broadcast %mul3A_209 : i32 to vector<16xi32>
        %add3A_1202 = arith.addi %rem3A_95, %add3A_1201 : vector<16xi32>
        %mul3A_1203 = arith.constant 2 : i32
        %mul3A_1204 = vector.broadcast %mul3A_1203 : i32 to vector<16xi32>
        %mul3A_1205 = arith.muli %add3A_1188, %mul3A_1204 : vector<16xi32>
        %add3A_1206 = arith.constant 1 : i32
        %add3A_1207 = vector.broadcast %add3A_1206 : i32 to vector<16xi32>
        %add3A_1208 = arith.addi %mul3A_1205, %add3A_1207 : vector<16xi32>
        %mul3A_1209 = arith.constant 2 : i32
        %mul3A_1210 = vector.broadcast %mul3A_1209 : i32 to vector<16xi32>
        %mul3A_1211 = arith.muli %add3A_1190, %mul3A_1210 : vector<16xi32>
        %add3A_1212 = arith.constant 1 : i32
        %add3A_1213 = vector.broadcast %add3A_1212 : i32 to vector<16xi32>
        %add3A_1214 = arith.addi %mul3A_1211, %add3A_1213 : vector<16xi32>
        %mul3A_1215 = arith.constant 2 : i32
        %mul3A_1216 = vector.broadcast %mul3A_1215 : i32 to vector<16xi32>
        %mul3A_1217 = arith.muli %add3A_1192, %mul3A_1216 : vector<16xi32>
        %add3A_1218 = arith.constant 1 : i32
        %add3A_1219 = vector.broadcast %add3A_1218 : i32 to vector<16xi32>
        %add3A_1220 = arith.addi %mul3A_1217, %add3A_1219 : vector<16xi32>
        %mul3A_1221 = arith.constant 2 : i32
        %mul3A_1222 = vector.broadcast %mul3A_1221 : i32 to vector<16xi32>
        %mul3A_1223 = arith.muli %add3A_1194, %mul3A_1222 : vector<16xi32>
        %add3A_1224 = arith.constant 1 : i32
        %add3A_1225 = vector.broadcast %add3A_1224 : i32 to vector<16xi32>
        %add3A_1226 = arith.addi %mul3A_1223, %add3A_1225 : vector<16xi32>
        %mul3A_1227 = arith.constant 2 : i32
        %mul3A_1228 = vector.broadcast %mul3A_1227 : i32 to vector<16xi32>
        %mul3A_1229 = arith.muli %add3A_1196, %mul3A_1228 : vector<16xi32>
        %add3A_1230 = arith.constant 1 : i32
        %add3A_1231 = vector.broadcast %add3A_1230 : i32 to vector<16xi32>
        %add3A_1232 = arith.addi %mul3A_1229, %add3A_1231 : vector<16xi32>
        %mul3A_1233 = arith.constant 2 : i32
        %mul3A_1234 = vector.broadcast %mul3A_1233 : i32 to vector<16xi32>
        %mul3A_1235 = arith.muli %add3A_1198, %mul3A_1234 : vector<16xi32>
        %add3A_1236 = arith.constant 1 : i32
        %add3A_1237 = vector.broadcast %add3A_1236 : i32 to vector<16xi32>
        %add3A_1238 = arith.addi %mul3A_1235, %add3A_1237 : vector<16xi32>
        %mul3A_1239 = arith.constant 2 : i32
        %mul3A_1240 = vector.broadcast %mul3A_1239 : i32 to vector<16xi32>
        %mul3A_1241 = arith.muli %add3A_1200, %mul3A_1240 : vector<16xi32>
        %add3A_1242 = arith.constant 1 : i32
        %add3A_1243 = vector.broadcast %add3A_1242 : i32 to vector<16xi32>
        %add3A_1244 = arith.addi %mul3A_1241, %add3A_1243 : vector<16xi32>
        %mul3A_1245 = arith.constant 2 : i32
        %mul3A_1246 = vector.broadcast %mul3A_1245 : i32 to vector<16xi32>
        %mul3A_1247 = arith.muli %add3A_1202, %mul3A_1246 : vector<16xi32>
        %add3A_1248 = arith.constant 1 : i32
        %add3A_1249 = vector.broadcast %add3A_1248 : i32 to vector<16xi32>
        %add3A_1250 = arith.addi %mul3A_1247, %add3A_1249 : vector<16xi32>
        %gather3A_1251 = tpu.vector_load_idx %arg6[%add3A_1111, %add3A_1208] : memref<64x128xf32, #tpu.memory_space<vmem>>[vector<16xi32>, vector<16xi32>], vector<16xf32>,
        %gather3A_1252 = tpu.vector_load_idx %arg6[%add3A_1111, %add3A_1214] : memref<64x128xf32, #tpu.memory_space<vmem>>[vector<16xi32>, vector<16xi32>], vector<16xf32>,
        %gather3A_1253 = tpu.vector_load_idx %arg6[%add3A_1111, %add3A_1220] : memref<64x128xf32, #tpu.memory_space<vmem>>[vector<16xi32>, vector<16xi32>], vector<16xf32>,
        %gather3A_1254 = tpu.vector_load_idx %arg6[%add3A_1111, %add3A_1226] : memref<64x128xf32, #tpu.memory_space<vmem>>[vector<16xi32>, vector<16xi32>], vector<16xf32>,
        %gather3A_1255 = tpu.vector_load_idx %arg6[%add3A_1111, %add3A_1232] : memref<64x128xf32, #tpu.memory_space<vmem>>[vector<16xi32>, vector<16xi32>], vector<16xf32>,
        %gather3A_1256 = tpu.vector_load_idx %arg6[%add3A_1111, %add3A_1238] : memref<64x128xf32, #tpu.memory_space<vmem>>[vector<16xi32>, vector<16xi32>], vector<16xf32>,
        %gather3A_1257 = tpu.vector_load_idx %arg6[%add3A_1111, %add3A_1244] : memref<64x128xf32, #tpu.memory_space<vmem>>[vector<16xi32>, vector<16xi32>], vector<16xf32>,
        %gather3A_1258 = tpu.vector_load_idx %arg6[%add3A_1111, %add3A_1250] : memref<64x128xf32, #tpu.memory_space<vmem>>[vector<16xi32>, vector<16xi32>], vector<16xf32>,
        tpu.vector_store_idx %arg8[%add3A_1188, %add3A_1114], %gather3A_1251 : memref<64x128xf32, #tpu.memory_space<vmem>>[vector<16xi32>, vector<16xi32>], vector<16xf32>,
        tpu.vector_store_idx %arg8[%add3A_1190, %add3A_1114], %gather3A_1252 : memref<64x128xf32, #tpu.memory_space<vmem>>[vector<16xi32>, vector<16xi32>], vector<16xf32>,
        tpu.vector_store_idx %arg8[%add3A_1192, %add3A_1114], %gather3A_1253 : memref<64x128xf32, #tpu.memory_space<vmem>>[vector<16xi32>, vector<16xi32>], vector<16xf32>,
        tpu.vector_store_idx %arg8[%add3A_1194, %add3A_1114], %gather3A_1254 : memref<64x128xf32, #tpu.memory_space<vmem>>[vector<16xi32>, vector<16xi32>], vector<16xf32>,
        tpu.vector_store_idx %arg8[%add3A_1196, %add3A_1114], %gather3A_1255 : memref<64x128xf32, #tpu.memory_space<vmem>>[vector<16xi32>, vector<16xi32>], vector<16xf32>,
        tpu.vector_store_idx %arg8[%add3A_1198, %add3A_1114], %gather3A_1256 : memref<64x128xf32, #tpu.memory_space<vmem>>[vector<16xi32>, vector<16xi32>], vector<16xf32>,
        tpu.vector_store_idx %arg8[%add3A_1200, %add3A_1114], %gather3A_1257 : memref<64x128xf32, #tpu.memory_space<vmem>>[vector<16xi32>, vector<16xi32>], vector<16xf32>,
        tpu.vector_store_idx %arg8[%add3A_1202, %add3A_1114], %gather3A_1258 : memref<64x128xf32, #tpu.memory_space<vmem>>[vector<16xi32>, vector<16xi32>], vector<16xf32>,
        %add3A_1259 = arith.constant 48 : i32
        %add3A_1260 = vector.broadcast %add3A_1259 : i32 to vector<16xi32>
        %add3A_1261 = arith.addi %iota3A, %add3A_1260 : vector<16xi32>
        %add3A_1262 = arith.constant 64 : i32
        %add3A_1263 = vector.broadcast %add3A_1262 : i32 to vector<16xi32>
        %add3A_1264 = arith.addi %add3A_1261, %add3A_1263 : vector<16xi32>
        %add3A_1265 = vector.broadcast %mul3A_209 : i32 to vector<16xi32>
        %add3A_1266 = arith.addi %rem3A_5, %add3A_1265 : vector<16xi32>
        %add3A_1267 = vector.broadcast %mul3A_209 : i32 to vector<16xi32>
        %add3A_1268 = arith.addi %rem3A_11, %add3A_1267 : vector<16xi32>
        %add3A_1269 = vector.broadcast %mul3A_209 : i32 to vector<16xi32>
        %add3A_1270 = arith.addi %rem3A_17, %add3A_1269 : vector<16xi32>
        %add3A_1271 = vector.broadcast %mul3A_209 : i32 to vector<16xi32>
        %add3A_1272 = arith.addi %rem3A_23, %add3A_1271 : vector<16xi32>
        %add3A_1273 = vector.broadcast %mul3A_209 : i32 to vector<16xi32>
        %add3A_1274 = arith.addi %rem3A_29, %add3A_1273 : vector<16xi32>
        %add3A_1275 = vector.broadcast %mul3A_209 : i32 to vector<16xi32>
        %add3A_1276 = arith.addi %rem3A_35, %add3A_1275 : vector<16xi32>
        %add3A_1277 = vector.broadcast %mul3A_209 : i32 to vector<16xi32>
        %add3A_1278 = arith.addi %rem3A_41, %add3A_1277 : vector<16xi32>
        %add3A_1279 = vector.broadcast %mul3A_209 : i32 to vector<16xi32>
        %add3A_1280 = arith.addi %rem3A_47, %add3A_1279 : vector<16xi32>
        %mul3A_1281 = arith.constant 2 : i32
        %mul3A_1282 = vector.broadcast %mul3A_1281 : i32 to vector<16xi32>
        %mul3A_1283 = arith.muli %add3A_1266, %mul3A_1282 : vector<16xi32>
        %add3A_1284 = arith.constant 1 : i32
        %add3A_1285 = vector.broadcast %add3A_1284 : i32 to vector<16xi32>
        %add3A_1286 = arith.addi %mul3A_1283, %add3A_1285 : vector<16xi32>
        %mul3A_1287 = arith.constant 2 : i32
        %mul3A_1288 = vector.broadcast %mul3A_1287 : i32 to vector<16xi32>
        %mul3A_1289 = arith.muli %add3A_1268, %mul3A_1288 : vector<16xi32>
        %add3A_1290 = arith.constant 1 : i32
        %add3A_1291 = vector.broadcast %add3A_1290 : i32 to vector<16xi32>
        %add3A_1292 = arith.addi %mul3A_1289, %add3A_1291 : vector<16xi32>
        %mul3A_1293 = arith.constant 2 : i32
        %mul3A_1294 = vector.broadcast %mul3A_1293 : i32 to vector<16xi32>
        %mul3A_1295 = arith.muli %add3A_1270, %mul3A_1294 : vector<16xi32>
        %add3A_1296 = arith.constant 1 : i32
        %add3A_1297 = vector.broadcast %add3A_1296 : i32 to vector<16xi32>
        %add3A_1298 = arith.addi %mul3A_1295, %add3A_1297 : vector<16xi32>
        %mul3A_1299 = arith.constant 2 : i32
        %mul3A_1300 = vector.broadcast %mul3A_1299 : i32 to vector<16xi32>
        %mul3A_1301 = arith.muli %add3A_1272, %mul3A_1300 : vector<16xi32>
        %add3A_1302 = arith.constant 1 : i32
        %add3A_1303 = vector.broadcast %add3A_1302 : i32 to vector<16xi32>
        %add3A_1304 = arith.addi %mul3A_1301, %add3A_1303 : vector<16xi32>
        %mul3A_1305 = arith.constant 2 : i32
        %mul3A_1306 = vector.broadcast %mul3A_1305 : i32 to vector<16xi32>
        %mul3A_1307 = arith.muli %add3A_1274, %mul3A_1306 : vector<16xi32>
        %add3A_1308 = arith.constant 1 : i32
        %add3A_1309 = vector.broadcast %add3A_1308 : i32 to vector<16xi32>
        %add3A_1310 = arith.addi %mul3A_1307, %add3A_1309 : vector<16xi32>
        %mul3A_1311 = arith.constant 2 : i32
        %mul3A_1312 = vector.broadcast %mul3A_1311 : i32 to vector<16xi32>
        %mul3A_1313 = arith.muli %add3A_1276, %mul3A_1312 : vector<16xi32>
        %add3A_1314 = arith.constant 1 : i32
        %add3A_1315 = vector.broadcast %add3A_1314 : i32 to vector<16xi32>
        %add3A_1316 = arith.addi %mul3A_1313, %add3A_1315 : vector<16xi32>
        %mul3A_1317 = arith.constant 2 : i32
        %mul3A_1318 = vector.broadcast %mul3A_1317 : i32 to vector<16xi32>
        %mul3A_1319 = arith.muli %add3A_1278, %mul3A_1318 : vector<16xi32>
        %add3A_1320 = arith.constant 1 : i32
        %add3A_1321 = vector.broadcast %add3A_1320 : i32 to vector<16xi32>
        %add3A_1322 = arith.addi %mul3A_1319, %add3A_1321 : vector<16xi32>
        %mul3A_1323 = arith.constant 2 : i32
        %mul3A_1324 = vector.broadcast %mul3A_1323 : i32 to vector<16xi32>
        %mul3A_1325 = arith.muli %add3A_1280, %mul3A_1324 : vector<16xi32>
        %add3A_1326 = arith.constant 1 : i32
        %add3A_1327 = vector.broadcast %add3A_1326 : i32 to vector<16xi32>
        %add3A_1328 = arith.addi %mul3A_1325, %add3A_1327 : vector<16xi32>
        %gather3A_1329 = tpu.vector_load_idx %arg6[%add3A_1261, %add3A_1286] : memref<64x128xf32, #tpu.memory_space<vmem>>[vector<16xi32>, vector<16xi32>], vector<16xf32>,
        %gather3A_1330 = tpu.vector_load_idx %arg6[%add3A_1261, %add3A_1292] : memref<64x128xf32, #tpu.memory_space<vmem>>[vector<16xi32>, vector<16xi32>], vector<16xf32>,
        %gather3A_1331 = tpu.vector_load_idx %arg6[%add3A_1261, %add3A_1298] : memref<64x128xf32, #tpu.memory_space<vmem>>[vector<16xi32>, vector<16xi32>], vector<16xf32>,
        %gather3A_1332 = tpu.vector_load_idx %arg6[%add3A_1261, %add3A_1304] : memref<64x128xf32, #tpu.memory_space<vmem>>[vector<16xi32>, vector<16xi32>], vector<16xf32>,
        %gather3A_1333 = tpu.vector_load_idx %arg6[%add3A_1261, %add3A_1310] : memref<64x128xf32, #tpu.memory_space<vmem>>[vector<16xi32>, vector<16xi32>], vector<16xf32>,
        %gather3A_1334 = tpu.vector_load_idx %arg6[%add3A_1261, %add3A_1316] : memref<64x128xf32, #tpu.memory_space<vmem>>[vector<16xi32>, vector<16xi32>], vector<16xf32>,
        %gather3A_1335 = tpu.vector_load_idx %arg6[%add3A_1261, %add3A_1322] : memref<64x128xf32, #tpu.memory_space<vmem>>[vector<16xi32>, vector<16xi32>], vector<16xf32>,
        %gather3A_1336 = tpu.vector_load_idx %arg6[%add3A_1261, %add3A_1328] : memref<64x128xf32, #tpu.memory_space<vmem>>[vector<16xi32>, vector<16xi32>], vector<16xf32>,
        tpu.vector_store_idx %arg8[%add3A_1266, %add3A_1264], %gather3A_1329 : memref<64x128xf32, #tpu.memory_space<vmem>>[vector<16xi32>, vector<16xi32>], vector<16xf32>,
        tpu.vector_store_idx %arg8[%add3A_1268, %add3A_1264], %gather3A_1330 : memref<64x128xf32, #tpu.memory_space<vmem>>[vector<16xi32>, vector<16xi32>], vector<16xf32>,
        tpu.vector_store_idx %arg8[%add3A_1270, %add3A_1264], %gather3A_1331 : memref<64x128xf32, #tpu.memory_space<vmem>>[vector<16xi32>, vector<16xi32>], vector<16xf32>,
        tpu.vector_store_idx %arg8[%add3A_1272, %add3A_1264], %gather3A_1332 : memref<64x128xf32, #tpu.memory_space<vmem>>[vector<16xi32>, vector<16xi32>], vector<16xf32>,
        tpu.vector_store_idx %arg8[%add3A_1274, %add3A_1264], %gather3A_1333 : memref<64x128xf32, #tpu.memory_space<vmem>>[vector<16xi32>, vector<16xi32>], vector<16xf32>,
        tpu.vector_store_idx %arg8[%add3A_1276, %add3A_1264], %gather3A_1334 : memref<64x128xf32, #tpu.memory_space<vmem>>[vector<16xi32>, vector<16xi32>], vector<16xf32>,
        tpu.vector_store_idx %arg8[%add3A_1278, %add3A_1264], %gather3A_1335 : memref<64x128xf32, #tpu.memory_space<vmem>>[vector<16xi32>, vector<16xi32>], vector<16xf32>,
        tpu.vector_store_idx %arg8[%add3A_1280, %add3A_1264], %gather3A_1336 : memref<64x128xf32, #tpu.memory_space<vmem>>[vector<16xi32>, vector<16xi32>], vector<16xf32>,
        %add3A_1337 = vector.broadcast %mul3A_209 : i32 to vector<16xi32>
        %add3A_1338 = arith.addi %rem3A_53, %add3A_1337 : vector<16xi32>
        %add3A_1339 = vector.broadcast %mul3A_209 : i32 to vector<16xi32>
        %add3A_1340 = arith.addi %rem3A_59, %add3A_1339 : vector<16xi32>
        %add3A_1341 = vector.broadcast %mul3A_209 : i32 to vector<16xi32>
        %add3A_1342 = arith.addi %rem3A_65, %add3A_1341 : vector<16xi32>
        %add3A_1343 = vector.broadcast %mul3A_209 : i32 to vector<16xi32>
        %add3A_1344 = arith.addi %rem3A_71, %add3A_1343 : vector<16xi32>
        %add3A_1345 = vector.broadcast %mul3A_209 : i32 to vector<16xi32>
        %add3A_1346 = arith.addi %rem3A_77, %add3A_1345 : vector<16xi32>
        %add3A_1347 = vector.broadcast %mul3A_209 : i32 to vector<16xi32>
        %add3A_1348 = arith.addi %rem3A_83, %add3A_1347 : vector<16xi32>
        %add3A_1349 = vector.broadcast %mul3A_209 : i32 to vector<16xi32>
        %add3A_1350 = arith.addi %rem3A_89, %add3A_1349 : vector<16xi32>
        %add3A_1351 = vector.broadcast %mul3A_209 : i32 to vector<16xi32>
        %add3A_1352 = arith.addi %rem3A_95, %add3A_1351 : vector<16xi32>
        %mul3A_1353 = arith.constant 2 : i32
        %mul3A_1354 = vector.broadcast %mul3A_1353 : i32 to vector<16xi32>
        %mul3A_1355 = arith.muli %add3A_1338, %mul3A_1354 : vector<16xi32>
        %add3A_1356 = arith.constant 1 : i32
        %add3A_1357 = vector.broadcast %add3A_1356 : i32 to vector<16xi32>
        %add3A_1358 = arith.addi %mul3A_1355, %add3A_1357 : vector<16xi32>
        %mul3A_1359 = arith.constant 2 : i32
        %mul3A_1360 = vector.broadcast %mul3A_1359 : i32 to vector<16xi32>
        %mul3A_1361 = arith.muli %add3A_1340, %mul3A_1360 : vector<16xi32>
        %add3A_1362 = arith.constant 1 : i32
        %add3A_1363 = vector.broadcast %add3A_1362 : i32 to vector<16xi32>
        %add3A_1364 = arith.addi %mul3A_1361, %add3A_1363 : vector<16xi32>
        %mul3A_1365 = arith.constant 2 : i32
        %mul3A_1366 = vector.broadcast %mul3A_1365 : i32 to vector<16xi32>
        %mul3A_1367 = arith.muli %add3A_1342, %mul3A_1366 : vector<16xi32>
        %add3A_1368 = arith.constant 1 : i32
        %add3A_1369 = vector.broadcast %add3A_1368 : i32 to vector<16xi32>
        %add3A_1370 = arith.addi %mul3A_1367, %add3A_1369 : vector<16xi32>
        %mul3A_1371 = arith.constant 2 : i32
        %mul3A_1372 = vector.broadcast %mul3A_1371 : i32 to vector<16xi32>
        %mul3A_1373 = arith.muli %add3A_1344, %mul3A_1372 : vector<16xi32>
        %add3A_1374 = arith.constant 1 : i32
        %add3A_1375 = vector.broadcast %add3A_1374 : i32 to vector<16xi32>
        %add3A_1376 = arith.addi %mul3A_1373, %add3A_1375 : vector<16xi32>
        %mul3A_1377 = arith.constant 2 : i32
        %mul3A_1378 = vector.broadcast %mul3A_1377 : i32 to vector<16xi32>
        %mul3A_1379 = arith.muli %add3A_1346, %mul3A_1378 : vector<16xi32>
        %add3A_1380 = arith.constant 1 : i32
        %add3A_1381 = vector.broadcast %add3A_1380 : i32 to vector<16xi32>
        %add3A_1382 = arith.addi %mul3A_1379, %add3A_1381 : vector<16xi32>
        %mul3A_1383 = arith.constant 2 : i32
        %mul3A_1384 = vector.broadcast %mul3A_1383 : i32 to vector<16xi32>
        %mul3A_1385 = arith.muli %add3A_1348, %mul3A_1384 : vector<16xi32>
        %add3A_1386 = arith.constant 1 : i32
        %add3A_1387 = vector.broadcast %add3A_1386 : i32 to vector<16xi32>
        %add3A_1388 = arith.addi %mul3A_1385, %add3A_1387 : vector<16xi32>
        %mul3A_1389 = arith.constant 2 : i32
        %mul3A_1390 = vector.broadcast %mul3A_1389 : i32 to vector<16xi32>
        %mul3A_1391 = arith.muli %add3A_1350, %mul3A_1390 : vector<16xi32>
        %add3A_1392 = arith.constant 1 : i32
        %add3A_1393 = vector.broadcast %add3A_1392 : i32 to vector<16xi32>
        %add3A_1394 = arith.addi %mul3A_1391, %add3A_1393 : vector<16xi32>
        %mul3A_1395 = arith.constant 2 : i32
        %mul3A_1396 = vector.broadcast %mul3A_1395 : i32 to vector<16xi32>
        %mul3A_1397 = arith.muli %add3A_1352, %mul3A_1396 : vector<16xi32>
        %add3A_1398 = arith.constant 1 : i32
        %add3A_1399 = vector.broadcast %add3A_1398 : i32 to vector<16xi32>
        %add3A_1400 = arith.addi %mul3A_1397, %add3A_1399 : vector<16xi32>
        %gather3A_1401 = tpu.vector_load_idx %arg6[%add3A_1261, %add3A_1358] : memref<64x128xf32, #tpu.memory_space<vmem>>[vector<16xi32>, vector<16xi32>], vector<16xf32>,
        %gather3A_1402 = tpu.vector_load_idx %arg6[%add3A_1261, %add3A_1364] : memref<64x128xf32, #tpu.memory_space<vmem>>[vector<16xi32>, vector<16xi32>], vector<16xf32>,
        %gather3A_1403 = tpu.vector_load_idx %arg6[%add3A_1261, %add3A_1370] : memref<64x128xf32, #tpu.memory_space<vmem>>[vector<16xi32>, vector<16xi32>], vector<16xf32>,
        %gather3A_1404 = tpu.vector_load_idx %arg6[%add3A_1261, %add3A_1376] : memref<64x128xf32, #tpu.memory_space<vmem>>[vector<16xi32>, vector<16xi32>], vector<16xf32>,
        %gather3A_1405 = tpu.vector_load_idx %arg6[%add3A_1261, %add3A_1382] : memref<64x128xf32, #tpu.memory_space<vmem>>[vector<16xi32>, vector<16xi32>], vector<16xf32>,
        %gather3A_1406 = tpu.vector_load_idx %arg6[%add3A_1261, %add3A_1388] : memref<64x128xf32, #tpu.memory_space<vmem>>[vector<16xi32>, vector<16xi32>], vector<16xf32>,
        %gather3A_1407 = tpu.vector_load_idx %arg6[%add3A_1261, %add3A_1394] : memref<64x128xf32, #tpu.memory_space<vmem>>[vector<16xi32>, vector<16xi32>], vector<16xf32>,
        %gather3A_1408 = tpu.vector_load_idx %arg6[%add3A_1261, %add3A_1400] : memref<64x128xf32, #tpu.memory_space<vmem>>[vector<16xi32>, vector<16xi32>], vector<16xf32>,
        tpu.vector_store_idx %arg8[%add3A_1338, %add3A_1264], %gather3A_1401 : memref<64x128xf32, #tpu.memory_space<vmem>>[vector<16xi32>, vector<16xi32>], vector<16xf32>,
        tpu.vector_store_idx %arg8[%add3A_1340, %add3A_1264], %gather3A_1402 : memref<64x128xf32, #tpu.memory_space<vmem>>[vector<16xi32>, vector<16xi32>], vector<16xf32>,
        tpu.vector_store_idx %arg8[%add3A_1342, %add3A_1264], %gather3A_1403 : memref<64x128xf32, #tpu.memory_space<vmem>>[vector<16xi32>, vector<16xi32>], vector<16xf32>,
        tpu.vector_store_idx %arg8[%add3A_1344, %add3A_1264], %gather3A_1404 : memref<64x128xf32, #tpu.memory_space<vmem>>[vector<16xi32>, vector<16xi32>], vector<16xf32>,
        tpu.vector_store_idx %arg8[%add3A_1346, %add3A_1264], %gather3A_1405 : memref<64x128xf32, #tpu.memory_space<vmem>>[vector<16xi32>, vector<16xi32>], vector<16xf32>,
        tpu.vector_store_idx %arg8[%add3A_1348, %add3A_1264], %gather3A_1406 : memref<64x128xf32, #tpu.memory_space<vmem>>[vector<16xi32>, vector<16xi32>], vector<16xf32>,
        tpu.vector_store_idx %arg8[%add3A_1350, %add3A_1264], %gather3A_1407 : memref<64x128xf32, #tpu.memory_space<vmem>>[vector<16xi32>, vector<16xi32>], vector<16xf32>,
        tpu.vector_store_idx %arg8[%add3A_1352, %add3A_1264], %gather3A_1408 : memref<64x128xf32, #tpu.memory_space<vmem>>[vector<16xi32>, vector<16xi32>], vector<16xf32>,
      }
      %scan3A_190 = arith.constant 4 : i32
      %mul3A_191 = arith.constant 32 : i32
      %mul3A_192 = arith.muli %add3A_173, %mul3A_191 : i32
      %add3A_193 = arith.addi %mul3A_192, %add3A : i32
      %mul3A_194 = arith.constant 64 : i32
      %mul3A_195 = arith.muli %mul3A_194, %add3A_193 : i32
      %dma_start3A_196 = arith.constant 0 : i32
      %dma_start3A_197 = tpu.memref_slice %arg4[%mul3A_195, %dma_start3A_196] : memref<500000x128xf32, #tpu.memory_space<hbm>> -> memref<64x128xf32, #tpu.memory_space<hbm>>
      %dma_start3A_198 = arith.constant 0 : i32
      %dma_start3A_199 = tpu.memref_slice %arg4[%mul3A_195, %dma_start3A_198] : memref<500000x128xf32, #tpu.memory_space<hbm>> -> memref<64x128xf32, #tpu.memory_space<hbm>>
      tpu.enqueue_dma source(%arg8 : memref<64x128xf32, #tpu.memory_space<vmem>>) target(%dma_start3A_199 : memref<64x128xf32, #tpu.memory_space<hbm>>) target_semaphore(%arg12 : memref<!tpu.dma_semaphore, #tpu.memory_space<semaphore_mem>>)
      %add3A_200 = arith.constant 2 : i32
      %add3A_201 = arith.addi %add3A_173, %add3A_200 : i32
      %lt3A_202 = arith.constant 244 : i32
      %lt3A_203 = arith.cmpi slt, %add3A_201, %lt3A_202 : i32
      %convert_element_type3A_204 = arith.extui %lt3A_203 : i1 to i32
      %cond3A_205 = arith.constant 0 : i32
      %cond3A_206 = arith.cmpi ne, %convert_element_type3A_204, %cond3A_205 : i32
      scf.if %cond3A_206 {
        %add3A_207 = arith.constant 2 : i32
        %add3A_208 = arith.addi %add3A_173, %add3A_207 : i32
        %mul3A_209 = arith.constant 32 : i32
        %mul3A_210 = arith.muli %add3A_208, %mul3A_209 : i32
        %add3A_211 = arith.addi %mul3A_210, %add3A : i32
        %mul3A_212 = arith.constant 128 : i32
        %mul3A_213 = arith.muli %mul3A_212, %add3A_211 : i32
        %dma_start3A_214 = arith.constant 0 : i32
        %dma_start3A_215 = tpu.memref_slice %arg2[%dma_start3A_214, %mul3A_213] : memref<64x1000000xf32, #tpu.memory_space<hbm>> -> memref<64x128xf32, #tpu.memory_space<hbm>>
        %dma_start3A_216 = arith.constant 0 : i32
        %dma_start3A_217 = tpu.memref_slice %arg2[%dma_start3A_216, %mul3A_213] : memref<64x1000000xf32, #tpu.memory_space<hbm>> -> memref<64x128xf32, #tpu.memory_space<hbm>>
        tpu.enqueue_dma source(%dma_start3A_217 : memref<64x128xf32, #tpu.memory_space<hbm>>) target(%arg6 : memref<64x128xf32, #tpu.memory_space<vmem>>) target_semaphore(%arg10 : memref<!tpu.dma_semaphore, #tpu.memory_space<semaphore_mem>>)
      } else {
      }
    }
    %scan3A_115 = arith.constant 122 : i32
    %dma_wait3A = arith.constant 0 : i32
    %dma_wait3A_116 = arith.constant 0 : i32
    %dma_wait3A_117 = tpu.memref_slice %arg4[%dma_wait3A, %dma_wait3A_116] : memref<500000x128xf32, #tpu.memory_space<hbm>> -> memref<64x128xf32, #tpu.memory_space<hbm>>
    %dma_wait3A_118 = arith.constant 0 : i32
    %dma_wait3A_119 = arith.constant 0 : i32
    %dma_wait3A_120 = tpu.memref_slice %arg4[%dma_wait3A_118, %dma_wait3A_119] : memref<500000x128xf32, #tpu.memory_space<hbm>> -> memref<64x128xf32, #tpu.memory_space<hbm>>
    tpu.wait_dma2 semaphore(%arg11 : memref<!tpu.dma_semaphore, #tpu.memory_space<semaphore_mem>>) src(%arg7 : memref<64x128xf32, #tpu.memory_space<vmem>>) dst(%dma_wait3A_120 : memref<64x128xf32, #tpu.memory_space<hbm>>)
    %dma_wait3A_121 = arith.constant 0 : i32
    %dma_wait3A_122 = arith.constant 0 : i32
    %dma_wait3A_123 = tpu.memref_slice %arg4[%dma_wait3A_121, %dma_wait3A_122] : memref<500000x128xf32, #tpu.memory_space<hbm>> -> memref<64x128xf32, #tpu.memory_space<hbm>>
    %dma_wait3A_124 = arith.constant 0 : i32
    %dma_wait3A_125 = arith.constant 0 : i32
    %dma_wait3A_126 = tpu.memref_slice %arg4[%dma_wait3A_124, %dma_wait3A_125] : memref<500000x128xf32, #tpu.memory_space<hbm>> -> memref<64x128xf32, #tpu.memory_space<hbm>>
    tpu.wait_dma2 semaphore(%arg12 : memref<!tpu.dma_semaphore, #tpu.memory_space<semaphore_mem>>) src(%arg8 : memref<64x128xf32, #tpu.memory_space<vmem>>) dst(%dma_wait3A_126 : memref<64x128xf32, #tpu.memory_space<hbm>>)
    %lt3A = arith.constant 4 : i32
    %lt3A_127 = arith.cmpi slt, %add3A, %lt3A : i32
    %convert_element_type3A = arith.extui %lt3A_127 : i1 to i32
    %cond3A = arith.constant 0 : i32
    %cond3A_128 = arith.cmpi ne, %convert_element_type3A, %cond3A : i32
    scf.if %cond3A_128 {
      %add3A_133 = arith.constant 7808 : i32
      %add3A_134 = arith.addi %add3A_133, %add3A : i32
      %mul3A_135 = arith.constant 128 : i32
      %mul3A_136 = arith.muli %mul3A_135, %add3A_134 : i32
      %dma_start3A_137 = arith.constant 0 : i32
      %dma_start3A_138 = tpu.memref_slice %arg2[%dma_start3A_137, %mul3A_136] : memref<64x1000000xf32, #tpu.memory_space<hbm>> -> memref<64x128xf32, #tpu.memory_space<hbm>>
      %dma_start3A_139 = arith.constant 0 : i32
      %dma_start3A_140 = tpu.memref_slice %arg2[%dma_start3A_139, %mul3A_136] : memref<64x1000000xf32, #tpu.memory_space<hbm>> -> memref<64x128xf32, #tpu.memory_space<hbm>>
      tpu.enqueue_dma source(%dma_start3A_140 : memref<64x128xf32, #tpu.memory_space<hbm>>) target(%arg5 : memref<64x128xf32, #tpu.memory_space<vmem>>) target_semaphore(%arg9 : memref<!tpu.dma_semaphore, #tpu.memory_space<semaphore_mem>>)
      %dma_wait3A_141 = arith.constant 0 : i32
      %dma_wait3A_142 = arith.constant 0 : i32
      %dma_wait3A_143 = tpu.memref_slice %arg2[%dma_wait3A_141, %dma_wait3A_142] : memref<64x1000000xf32, #tpu.memory_space<hbm>> -> memref<64x128xf32, #tpu.memory_space<hbm>>
      %dma_wait3A_144 = arith.constant 0 : i32
      %dma_wait3A_145 = arith.constant 0 : i32
      %dma_wait3A_146 = tpu.memref_slice %arg2[%dma_wait3A_144, %dma_wait3A_145] : memref<64x1000000xf32, #tpu.memory_space<hbm>> -> memref<64x128xf32, #tpu.memory_space<hbm>>
      tpu.wait_dma2 semaphore(%arg9 : memref<!tpu.dma_semaphore, #tpu.memory_space<semaphore_mem>>) src(%dma_wait3A_146 : memref<64x128xf32, #tpu.memory_space<hbm>>) dst(%arg5 : memref<64x128xf32, #tpu.memory_space<vmem>>)
      %scan3A_147 = arith.constant 0 : i32
      %scan3A_148 = arith.constant 0 : i32
      %scan3A_149 = arith.constant 4 : i32
      %scan3A_150 = arith.addi %scan3A_148, %scan3A_149 : i32
      %scan3A_151 = arith.constant 1 : i32
      scf.for %scan3A_165 = %scan3A_148 to %scan3A_150 step %scan3A_151  : i32 {
        %mul3A_166 = arith.constant 16 : i32
        %mul3A_167 = arith.muli %scan3A_165, %mul3A_166 : i32
        %add3A_168 = arith.constant 0 : i32
        %add3A_169 = vector.broadcast %add3A_168 : i32 to vector<16xi32>
        %add3A_170 = arith.addi %iota3A, %add3A_169 : vector<16xi32>
        %add3A_171 = arith.constant 0 : i32
        %add3A_172 = vector.broadcast %add3A_171 : i32 to vector<16xi32>
        %add3A_173 = arith.addi %add3A_170, %add3A_172 : vector<16xi32>
        %add3A_174 = vector.broadcast %mul3A_167 : i32 to vector<16xi32>
        %add3A_175 = arith.addi %rem3A_5, %add3A_174 : vector<16xi32>
        %add3A_176 = vector.broadcast %mul3A_167 : i32 to vector<16xi32>
        %add3A_177 = arith.addi %rem3A_11, %add3A_176 : vector<16xi32>
        %add3A_178 = vector.broadcast %mul3A_167 : i32 to vector<16xi32>
        %add3A_179 = arith.addi %rem3A_17, %add3A_178 : vector<16xi32>
        %add3A_180 = vector.broadcast %mul3A_167 : i32 to vector<16xi32>
        %add3A_181 = arith.addi %rem3A_23, %add3A_180 : vector<16xi32>
        %add3A_182 = vector.broadcast %mul3A_167 : i32 to vector<16xi32>
        %add3A_183 = arith.addi %rem3A_29, %add3A_182 : vector<16xi32>
        %add3A_184 = vector.broadcast %mul3A_167 : i32 to vector<16xi32>
        %add3A_185 = arith.addi %rem3A_35, %add3A_184 : vector<16xi32>
        %add3A_186 = vector.broadcast %mul3A_167 : i32 to vector<16xi32>
        %add3A_187 = arith.addi %rem3A_41, %add3A_186 : vector<16xi32>
        %add3A_188 = vector.broadcast %mul3A_167 : i32 to vector<16xi32>
        %add3A_189 = arith.addi %rem3A_47, %add3A_188 : vector<16xi32>
        %mul3A_190 = arith.constant 2 : i32
        %mul3A_191 = vector.broadcast %mul3A_190 : i32 to vector<16xi32>
        %mul3A_192 = arith.muli %add3A_175, %mul3A_191 : vector<16xi32>
        %add3A_193 = arith.constant 0 : i32
        %add3A_194 = vector.broadcast %add3A_193 : i32 to vector<16xi32>
        %add3A_195 = arith.addi %mul3A_192, %add3A_194 : vector<16xi32>
        %mul3A_196 = arith.constant 2 : i32
        %mul3A_197 = vector.broadcast %mul3A_196 : i32 to vector<16xi32>
        %mul3A_198 = arith.muli %add3A_177, %mul3A_197 : vector<16xi32>
        %add3A_199 = arith.constant 0 : i32
        %add3A_200 = vector.broadcast %add3A_199 : i32 to vector<16xi32>
        %add3A_201 = arith.addi %mul3A_198, %add3A_200 : vector<16xi32>
        %mul3A_202 = arith.constant 2 : i32
        %mul3A_203 = vector.broadcast %mul3A_202 : i32 to vector<16xi32>
        %mul3A_204 = arith.muli %add3A_179, %mul3A_203 : vector<16xi32>
        %add3A_205 = arith.constant 0 : i32
        %add3A_206 = vector.broadcast %add3A_205 : i32 to vector<16xi32>
        %add3A_207 = arith.addi %mul3A_204, %add3A_206 : vector<16xi32>
        %mul3A_208 = arith.constant 2 : i32
        %mul3A_209 = vector.broadcast %mul3A_208 : i32 to vector<16xi32>
        %mul3A_210 = arith.muli %add3A_181, %mul3A_209 : vector<16xi32>
        %add3A_211 = arith.constant 0 : i32
        %add3A_212 = vector.broadcast %add3A_211 : i32 to vector<16xi32>
        %add3A_213 = arith.addi %mul3A_210, %add3A_212 : vector<16xi32>
        %mul3A_214 = arith.constant 2 : i32
        %mul3A_215 = vector.broadcast %mul3A_214 : i32 to vector<16xi32>
        %mul3A_216 = arith.muli %add3A_183, %mul3A_215 : vector<16xi32>
        %add3A_217 = arith.constant 0 : i32
        %add3A_218 = vector.broadcast %add3A_217 : i32 to vector<16xi32>
        %add3A_219 = arith.addi %mul3A_216, %add3A_218 : vector<16xi32>
        %mul3A_220 = arith.constant 2 : i32
        %mul3A_221 = vector.broadcast %mul3A_220 : i32 to vector<16xi32>
        %mul3A_222 = arith.muli %add3A_185, %mul3A_221 : vector<16xi32>
        %add3A_223 = arith.constant 0 : i32
        %add3A_224 = vector.broadcast %add3A_223 : i32 to vector<16xi32>
        %add3A_225 = arith.addi %mul3A_222, %add3A_224 : vector<16xi32>
        %mul3A_226 = arith.constant 2 : i32
        %mul3A_227 = vector.broadcast %mul3A_226 : i32 to vector<16xi32>
        %mul3A_228 = arith.muli %add3A_187, %mul3A_227 : vector<16xi32>
        %add3A_229 = arith.constant 0 : i32
        %add3A_230 = vector.broadcast %add3A_229 : i32 to vector<16xi32>
        %add3A_231 = arith.addi %mul3A_228, %add3A_230 : vector<16xi32>
        %mul3A_232 = arith.constant 2 : i32
        %mul3A_233 = vector.broadcast %mul3A_232 : i32 to vector<16xi32>
        %mul3A_234 = arith.muli %add3A_189, %mul3A_233 : vector<16xi32>
        %add3A_235 = arith.constant 0 : i32
        %add3A_236 = vector.broadcast %add3A_235 : i32 to vector<16xi32>
        %add3A_237 = arith.addi %mul3A_234, %add3A_236 : vector<16xi32>
        %gather3A = tpu.vector_load_idx %arg5[%add3A_170, %add3A_195] : memref<64x128xf32, #tpu.memory_space<vmem>>[vector<16xi32>, vector<16xi32>], vector<16xf32>,
        %gather3A_238 = tpu.vector_load_idx %arg5[%add3A_170, %add3A_201] : memref<64x128xf32, #tpu.memory_space<vmem>>[vector<16xi32>, vector<16xi32>], vector<16xf32>,
        %gather3A_239 = tpu.vector_load_idx %arg5[%add3A_170, %add3A_207] : memref<64x128xf32, #tpu.memory_space<vmem>>[vector<16xi32>, vector<16xi32>], vector<16xf32>,
        %gather3A_240 = tpu.vector_load_idx %arg5[%add3A_170, %add3A_213] : memref<64x128xf32, #tpu.memory_space<vmem>>[vector<16xi32>, vector<16xi32>], vector<16xf32>,
        %gather3A_241 = tpu.vector_load_idx %arg5[%add3A_170, %add3A_219] : memref<64x128xf32, #tpu.memory_space<vmem>>[vector<16xi32>, vector<16xi32>], vector<16xf32>,
        %gather3A_242 = tpu.vector_load_idx %arg5[%add3A_170, %add3A_225] : memref<64x128xf32, #tpu.memory_space<vmem>>[vector<16xi32>, vector<16xi32>], vector<16xf32>,
        %gather3A_243 = tpu.vector_load_idx %arg5[%add3A_170, %add3A_231] : memref<64x128xf32, #tpu.memory_space<vmem>>[vector<16xi32>, vector<16xi32>], vector<16xf32>,
        %gather3A_244 = tpu.vector_load_idx %arg5[%add3A_170, %add3A_237] : memref<64x128xf32, #tpu.memory_space<vmem>>[vector<16xi32>, vector<16xi32>], vector<16xf32>,
        tpu.vector_store_idx %arg7[%add3A_175, %add3A_173], %gather3A : memref<64x128xf32, #tpu.memory_space<vmem>>[vector<16xi32>, vector<16xi32>], vector<16xf32>,
        tpu.vector_store_idx %arg7[%add3A_177, %add3A_173], %gather3A_238 : memref<64x128xf32, #tpu.memory_space<vmem>>[vector<16xi32>, vector<16xi32>], vector<16xf32>,
        tpu.vector_store_idx %arg7[%add3A_179, %add3A_173], %gather3A_239 : memref<64x128xf32, #tpu.memory_space<vmem>>[vector<16xi32>, vector<16xi32>], vector<16xf32>,
        tpu.vector_store_idx %arg7[%add3A_181, %add3A_173], %gather3A_240 : memref<64x128xf32, #tpu.memory_space<vmem>>[vector<16xi32>, vector<16xi32>], vector<16xf32>,
        tpu.vector_store_idx %arg7[%add3A_183, %add3A_173], %gather3A_241 : memref<64x128xf32, #tpu.memory_space<vmem>>[vector<16xi32>, vector<16xi32>], vector<16xf32>,
        tpu.vector_store_idx %arg7[%add3A_185, %add3A_173], %gather3A_242 : memref<64x128xf32, #tpu.memory_space<vmem>>[vector<16xi32>, vector<16xi32>], vector<16xf32>,
        tpu.vector_store_idx %arg7[%add3A_187, %add3A_173], %gather3A_243 : memref<64x128xf32, #tpu.memory_space<vmem>>[vector<16xi32>, vector<16xi32>], vector<16xf32>,
        tpu.vector_store_idx %arg7[%add3A_189, %add3A_173], %gather3A_244 : memref<64x128xf32, #tpu.memory_space<vmem>>[vector<16xi32>, vector<16xi32>], vector<16xf32>,
        %add3A_245 = vector.broadcast %mul3A_167 : i32 to vector<16xi32>
        %add3A_246 = arith.addi %rem3A_53, %add3A_245 : vector<16xi32>
        %add3A_247 = vector.broadcast %mul3A_167 : i32 to vector<16xi32>
        %add3A_248 = arith.addi %rem3A_59, %add3A_247 : vector<16xi32>
        %add3A_249 = vector.broadcast %mul3A_167 : i32 to vector<16xi32>
        %add3A_250 = arith.addi %rem3A_65, %add3A_249 : vector<16xi32>
        %add3A_251 = vector.broadcast %mul3A_167 : i32 to vector<16xi32>
        %add3A_252 = arith.addi %rem3A_71, %add3A_251 : vector<16xi32>
        %add3A_253 = vector.broadcast %mul3A_167 : i32 to vector<16xi32>
        %add3A_254 = arith.addi %rem3A_77, %add3A_253 : vector<16xi32>
        %add3A_255 = vector.broadcast %mul3A_167 : i32 to vector<16xi32>
        %add3A_256 = arith.addi %rem3A_83, %add3A_255 : vector<16xi32>
        %add3A_257 = vector.broadcast %mul3A_167 : i32 to vector<16xi32>
        %add3A_258 = arith.addi %rem3A_89, %add3A_257 : vector<16xi32>
        %add3A_259 = vector.broadcast %mul3A_167 : i32 to vector<16xi32>
        %add3A_260 = arith.addi %rem3A_95, %add3A_259 : vector<16xi32>
        %mul3A_261 = arith.constant 2 : i32
        %mul3A_262 = vector.broadcast %mul3A_261 : i32 to vector<16xi32>
        %mul3A_263 = arith.muli %add3A_246, %mul3A_262 : vector<16xi32>
        %add3A_264 = arith.constant 0 : i32
        %add3A_265 = vector.broadcast %add3A_264 : i32 to vector<16xi32>
        %add3A_266 = arith.addi %mul3A_263, %add3A_265 : vector<16xi32>
        %mul3A_267 = arith.constant 2 : i32
        %mul3A_268 = vector.broadcast %mul3A_267 : i32 to vector<16xi32>
        %mul3A_269 = arith.muli %add3A_248, %mul3A_268 : vector<16xi32>
        %add3A_270 = arith.constant 0 : i32
        %add3A_271 = vector.broadcast %add3A_270 : i32 to vector<16xi32>
        %add3A_272 = arith.addi %mul3A_269, %add3A_271 : vector<16xi32>
        %mul3A_273 = arith.constant 2 : i32
        %mul3A_274 = vector.broadcast %mul3A_273 : i32 to vector<16xi32>
        %mul3A_275 = arith.muli %add3A_250, %mul3A_274 : vector<16xi32>
        %add3A_276 = arith.constant 0 : i32
        %add3A_277 = vector.broadcast %add3A_276 : i32 to vector<16xi32>
        %add3A_278 = arith.addi %mul3A_275, %add3A_277 : vector<16xi32>
        %mul3A_279 = arith.constant 2 : i32
        %mul3A_280 = vector.broadcast %mul3A_279 : i32 to vector<16xi32>
        %mul3A_281 = arith.muli %add3A_252, %mul3A_280 : vector<16xi32>
        %add3A_282 = arith.constant 0 : i32
        %add3A_283 = vector.broadcast %add3A_282 : i32 to vector<16xi32>
        %add3A_284 = arith.addi %mul3A_281, %add3A_283 : vector<16xi32>
        %mul3A_285 = arith.constant 2 : i32
        %mul3A_286 = vector.broadcast %mul3A_285 : i32 to vector<16xi32>
        %mul3A_287 = arith.muli %add3A_254, %mul3A_286 : vector<16xi32>
        %add3A_288 = arith.constant 0 : i32
        %add3A_289 = vector.broadcast %add3A_288 : i32 to vector<16xi32>
        %add3A_290 = arith.addi %mul3A_287, %add3A_289 : vector<16xi32>
        %mul3A_291 = arith.constant 2 : i32
        %mul3A_292 = vector.broadcast %mul3A_291 : i32 to vector<16xi32>
        %mul3A_293 = arith.muli %add3A_256, %mul3A_292 : vector<16xi32>
        %add3A_294 = arith.constant 0 : i32
        %add3A_295 = vector.broadcast %add3A_294 : i32 to vector<16xi32>
        %add3A_296 = arith.addi %mul3A_293, %add3A_295 : vector<16xi32>
        %mul3A_297 = arith.constant 2 : i32
        %mul3A_298 = vector.broadcast %mul3A_297 : i32 to vector<16xi32>
        %mul3A_299 = arith.muli %add3A_258, %mul3A_298 : vector<16xi32>
        %add3A_300 = arith.constant 0 : i32
        %add3A_301 = vector.broadcast %add3A_300 : i32 to vector<16xi32>
        %add3A_302 = arith.addi %mul3A_299, %add3A_301 : vector<16xi32>
        %mul3A_303 = arith.constant 2 : i32
        %mul3A_304 = vector.broadcast %mul3A_303 : i32 to vector<16xi32>
        %mul3A_305 = arith.muli %add3A_260, %mul3A_304 : vector<16xi32>
        %add3A_306 = arith.constant 0 : i32
        %add3A_307 = vector.broadcast %add3A_306 : i32 to vector<16xi32>
        %add3A_308 = arith.addi %mul3A_305, %add3A_307 : vector<16xi32>
        %gather3A_309 = tpu.vector_load_idx %arg5[%add3A_170, %add3A_266] : memref<64x128xf32, #tpu.memory_space<vmem>>[vector<16xi32>, vector<16xi32>], vector<16xf32>,
        %gather3A_310 = tpu.vector_load_idx %arg5[%add3A_170, %add3A_272] : memref<64x128xf32, #tpu.memory_space<vmem>>[vector<16xi32>, vector<16xi32>], vector<16xf32>,
        %gather3A_311 = tpu.vector_load_idx %arg5[%add3A_170, %add3A_278] : memref<64x128xf32, #tpu.memory_space<vmem>>[vector<16xi32>, vector<16xi32>], vector<16xf32>,
        %gather3A_312 = tpu.vector_load_idx %arg5[%add3A_170, %add3A_284] : memref<64x128xf32, #tpu.memory_space<vmem>>[vector<16xi32>, vector<16xi32>], vector<16xf32>,
        %gather3A_313 = tpu.vector_load_idx %arg5[%add3A_170, %add3A_290] : memref<64x128xf32, #tpu.memory_space<vmem>>[vector<16xi32>, vector<16xi32>], vector<16xf32>,
        %gather3A_314 = tpu.vector_load_idx %arg5[%add3A_170, %add3A_296] : memref<64x128xf32, #tpu.memory_space<vmem>>[vector<16xi32>, vector<16xi32>], vector<16xf32>,
        %gather3A_315 = tpu.vector_load_idx %arg5[%add3A_170, %add3A_302] : memref<64x128xf32, #tpu.memory_space<vmem>>[vector<16xi32>, vector<16xi32>], vector<16xf32>,
        %gather3A_316 = tpu.vector_load_idx %arg5[%add3A_170, %add3A_308] : memref<64x128xf32, #tpu.memory_space<vmem>>[vector<16xi32>, vector<16xi32>], vector<16xf32>,
        tpu.vector_store_idx %arg7[%add3A_246, %add3A_173], %gather3A_309 : memref<64x128xf32, #tpu.memory_space<vmem>>[vector<16xi32>, vector<16xi32>], vector<16xf32>,
        tpu.vector_store_idx %arg7[%add3A_248, %add3A_173], %gather3A_310 : memref<64x128xf32, #tpu.memory_space<vmem>>[vector<16xi32>, vector<16xi32>], vector<16xf32>,
        tpu.vector_store_idx %arg7[%add3A_250, %add3A_173], %gather3A_311 : memref<64x128xf32, #tpu.memory_space<vmem>>[vector<16xi32>, vector<16xi32>], vector<16xf32>,
        tpu.vector_store_idx %arg7[%add3A_252, %add3A_173], %gather3A_312 : memref<64x128xf32, #tpu.memory_space<vmem>>[vector<16xi32>, vector<16xi32>], vector<16xf32>,
        tpu.vector_store_idx %arg7[%add3A_254, %add3A_173], %gather3A_313 : memref<64x128xf32, #tpu.memory_space<vmem>>[vector<16xi32>, vector<16xi32>], vector<16xf32>,
        tpu.vector_store_idx %arg7[%add3A_256, %add3A_173], %gather3A_314 : memref<64x128xf32, #tpu.memory_space<vmem>>[vector<16xi32>, vector<16xi32>], vector<16xf32>,
        tpu.vector_store_idx %arg7[%add3A_258, %add3A_173], %gather3A_315 : memref<64x128xf32, #tpu.memory_space<vmem>>[vector<16xi32>, vector<16xi32>], vector<16xf32>,
        tpu.vector_store_idx %arg7[%add3A_260, %add3A_173], %gather3A_316 : memref<64x128xf32, #tpu.memory_space<vmem>>[vector<16xi32>, vector<16xi32>], vector<16xf32>,
        %add3A_317 = arith.constant 16 : i32
        %add3A_318 = vector.broadcast %add3A_317 : i32 to vector<16xi32>
        %add3A_319 = arith.addi %iota3A, %add3A_318 : vector<16xi32>
        %add3A_320 = arith.constant 0 : i32
        %add3A_321 = vector.broadcast %add3A_320 : i32 to vector<16xi32>
        %add3A_322 = arith.addi %add3A_319, %add3A_321 : vector<16xi32>
        %add3A_323 = vector.broadcast %mul3A_167 : i32 to vector<16xi32>
        %add3A_324 = arith.addi %rem3A_5, %add3A_323 : vector<16xi32>
        %add3A_325 = vector.broadcast %mul3A_167 : i32 to vector<16xi32>
        %add3A_326 = arith.addi %rem3A_11, %add3A_325 : vector<16xi32>
        %add3A_327 = vector.broadcast %mul3A_167 : i32 to vector<16xi32>
        %add3A_328 = arith.addi %rem3A_17, %add3A_327 : vector<16xi32>
        %add3A_329 = vector.broadcast %mul3A_167 : i32 to vector<16xi32>
        %add3A_330 = arith.addi %rem3A_23, %add3A_329 : vector<16xi32>
        %add3A_331 = vector.broadcast %mul3A_167 : i32 to vector<16xi32>
        %add3A_332 = arith.addi %rem3A_29, %add3A_331 : vector<16xi32>
        %add3A_333 = vector.broadcast %mul3A_167 : i32 to vector<16xi32>
        %add3A_334 = arith.addi %rem3A_35, %add3A_333 : vector<16xi32>
        %add3A_335 = vector.broadcast %mul3A_167 : i32 to vector<16xi32>
        %add3A_336 = arith.addi %rem3A_41, %add3A_335 : vector<16xi32>
        %add3A_337 = vector.broadcast %mul3A_167 : i32 to vector<16xi32>
        %add3A_338 = arith.addi %rem3A_47, %add3A_337 : vector<16xi32>
        %mul3A_339 = arith.constant 2 : i32
        %mul3A_340 = vector.broadcast %mul3A_339 : i32 to vector<16xi32>
        %mul3A_341 = arith.muli %add3A_324, %mul3A_340 : vector<16xi32>
        %add3A_342 = arith.constant 0 : i32
        %add3A_343 = vector.broadcast %add3A_342 : i32 to vector<16xi32>
        %add3A_344 = arith.addi %mul3A_341, %add3A_343 : vector<16xi32>
        %mul3A_345 = arith.constant 2 : i32
        %mul3A_346 = vector.broadcast %mul3A_345 : i32 to vector<16xi32>
        %mul3A_347 = arith.muli %add3A_326, %mul3A_346 : vector<16xi32>
        %add3A_348 = arith.constant 0 : i32
        %add3A_349 = vector.broadcast %add3A_348 : i32 to vector<16xi32>
        %add3A_350 = arith.addi %mul3A_347, %add3A_349 : vector<16xi32>
        %mul3A_351 = arith.constant 2 : i32
        %mul3A_352 = vector.broadcast %mul3A_351 : i32 to vector<16xi32>
        %mul3A_353 = arith.muli %add3A_328, %mul3A_352 : vector<16xi32>
        %add3A_354 = arith.constant 0 : i32
        %add3A_355 = vector.broadcast %add3A_354 : i32 to vector<16xi32>
        %add3A_356 = arith.addi %mul3A_353, %add3A_355 : vector<16xi32>
        %mul3A_357 = arith.constant 2 : i32
        %mul3A_358 = vector.broadcast %mul3A_357 : i32 to vector<16xi32>
        %mul3A_359 = arith.muli %add3A_330, %mul3A_358 : vector<16xi32>
        %add3A_360 = arith.constant 0 : i32
        %add3A_361 = vector.broadcast %add3A_360 : i32 to vector<16xi32>
        %add3A_362 = arith.addi %mul3A_359, %add3A_361 : vector<16xi32>
        %mul3A_363 = arith.constant 2 : i32
        %mul3A_364 = vector.broadcast %mul3A_363 : i32 to vector<16xi32>
        %mul3A_365 = arith.muli %add3A_332, %mul3A_364 : vector<16xi32>
        %add3A_366 = arith.constant 0 : i32
        %add3A_367 = vector.broadcast %add3A_366 : i32 to vector<16xi32>
        %add3A_368 = arith.addi %mul3A_365, %add3A_367 : vector<16xi32>
        %mul3A_369 = arith.constant 2 : i32
        %mul3A_370 = vector.broadcast %mul3A_369 : i32 to vector<16xi32>
        %mul3A_371 = arith.muli %add3A_334, %mul3A_370 : vector<16xi32>
        %add3A_372 = arith.constant 0 : i32
        %add3A_373 = vector.broadcast %add3A_372 : i32 to vector<16xi32>
        %add3A_374 = arith.addi %mul3A_371, %add3A_373 : vector<16xi32>
        %mul3A_375 = arith.constant 2 : i32
        %mul3A_376 = vector.broadcast %mul3A_375 : i32 to vector<16xi32>
        %mul3A_377 = arith.muli %add3A_336, %mul3A_376 : vector<16xi32>
        %add3A_378 = arith.constant 0 : i32
        %add3A_379 = vector.broadcast %add3A_378 : i32 to vector<16xi32>
        %add3A_380 = arith.addi %mul3A_377, %add3A_379 : vector<16xi32>
        %mul3A_381 = arith.constant 2 : i32
        %mul3A_382 = vector.broadcast %mul3A_381 : i32 to vector<16xi32>
        %mul3A_383 = arith.muli %add3A_338, %mul3A_382 : vector<16xi32>
        %add3A_384 = arith.constant 0 : i32
        %add3A_385 = vector.broadcast %add3A_384 : i32 to vector<16xi32>
        %add3A_386 = arith.addi %mul3A_383, %add3A_385 : vector<16xi32>
        %gather3A_387 = tpu.vector_load_idx %arg5[%add3A_319, %add3A_344] : memref<64x128xf32, #tpu.memory_space<vmem>>[vector<16xi32>, vector<16xi32>], vector<16xf32>,
        %gather3A_388 = tpu.vector_load_idx %arg5[%add3A_319, %add3A_350] : memref<64x128xf32, #tpu.memory_space<vmem>>[vector<16xi32>, vector<16xi32>], vector<16xf32>,
        %gather3A_389 = tpu.vector_load_idx %arg5[%add3A_319, %add3A_356] : memref<64x128xf32, #tpu.memory_space<vmem>>[vector<16xi32>, vector<16xi32>], vector<16xf32>,
        %gather3A_390 = tpu.vector_load_idx %arg5[%add3A_319, %add3A_362] : memref<64x128xf32, #tpu.memory_space<vmem>>[vector<16xi32>, vector<16xi32>], vector<16xf32>,
        %gather3A_391 = tpu.vector_load_idx %arg5[%add3A_319, %add3A_368] : memref<64x128xf32, #tpu.memory_space<vmem>>[vector<16xi32>, vector<16xi32>], vector<16xf32>,
        %gather3A_392 = tpu.vector_load_idx %arg5[%add3A_319, %add3A_374] : memref<64x128xf32, #tpu.memory_space<vmem>>[vector<16xi32>, vector<16xi32>], vector<16xf32>,
        %gather3A_393 = tpu.vector_load_idx %arg5[%add3A_319, %add3A_380] : memref<64x128xf32, #tpu.memory_space<vmem>>[vector<16xi32>, vector<16xi32>], vector<16xf32>,
        %gather3A_394 = tpu.vector_load_idx %arg5[%add3A_319, %add3A_386] : memref<64x128xf32, #tpu.memory_space<vmem>>[vector<16xi32>, vector<16xi32>], vector<16xf32>,
        tpu.vector_store_idx %arg7[%add3A_324, %add3A_322], %gather3A_387 : memref<64x128xf32, #tpu.memory_space<vmem>>[vector<16xi32>, vector<16xi32>], vector<16xf32>,
        tpu.vector_store_idx %arg7[%add3A_326, %add3A_322], %gather3A_388 : memref<64x128xf32, #tpu.memory_space<vmem>>[vector<16xi32>, vector<16xi32>], vector<16xf32>,
        tpu.vector_store_idx %arg7[%add3A_328, %add3A_322], %gather3A_389 : memref<64x128xf32, #tpu.memory_space<vmem>>[vector<16xi32>, vector<16xi32>], vector<16xf32>,
        tpu.vector_store_idx %arg7[%add3A_330, %add3A_322], %gather3A_390 : memref<64x128xf32, #tpu.memory_space<vmem>>[vector<16xi32>, vector<16xi32>], vector<16xf32>,
        tpu.vector_store_idx %arg7[%add3A_332, %add3A_322], %gather3A_391 : memref<64x128xf32, #tpu.memory_space<vmem>>[vector<16xi32>, vector<16xi32>], vector<16xf32>,
        tpu.vector_store_idx %arg7[%add3A_334, %add3A_322], %gather3A_392 : memref<64x128xf32, #tpu.memory_space<vmem>>[vector<16xi32>, vector<16xi32>], vector<16xf32>,
        tpu.vector_store_idx %arg7[%add3A_336, %add3A_322], %gather3A_393 : memref<64x128xf32, #tpu.memory_space<vmem>>[vector<16xi32>, vector<16xi32>], vector<16xf32>,
        tpu.vector_store_idx %arg7[%add3A_338, %add3A_322], %gather3A_394 : memref<64x128xf32, #tpu.memory_space<vmem>>[vector<16xi32>, vector<16xi32>], vector<16xf32>,
        %add3A_395 = vector.broadcast %mul3A_167 : i32 to vector<16xi32>
        %add3A_396 = arith.addi %rem3A_53, %add3A_395 : vector<16xi32>
        %add3A_397 = vector.broadcast %mul3A_167 : i32 to vector<16xi32>
        %add3A_398 = arith.addi %rem3A_59, %add3A_397 : vector<16xi32>
        %add3A_399 = vector.broadcast %mul3A_167 : i32 to vector<16xi32>
        %add3A_400 = arith.addi %rem3A_65, %add3A_399 : vector<16xi32>
        %add3A_401 = vector.broadcast %mul3A_167 : i32 to vector<16xi32>
        %add3A_402 = arith.addi %rem3A_71, %add3A_401 : vector<16xi32>
        %add3A_403 = vector.broadcast %mul3A_167 : i32 to vector<16xi32>
        %add3A_404 = arith.addi %rem3A_77, %add3A_403 : vector<16xi32>
        %add3A_405 = vector.broadcast %mul3A_167 : i32 to vector<16xi32>
        %add3A_406 = arith.addi %rem3A_83, %add3A_405 : vector<16xi32>
        %add3A_407 = vector.broadcast %mul3A_167 : i32 to vector<16xi32>
        %add3A_408 = arith.addi %rem3A_89, %add3A_407 : vector<16xi32>
        %add3A_409 = vector.broadcast %mul3A_167 : i32 to vector<16xi32>
        %add3A_410 = arith.addi %rem3A_95, %add3A_409 : vector<16xi32>
        %mul3A_411 = arith.constant 2 : i32
        %mul3A_412 = vector.broadcast %mul3A_411 : i32 to vector<16xi32>
        %mul3A_413 = arith.muli %add3A_396, %mul3A_412 : vector<16xi32>
        %add3A_414 = arith.constant 0 : i32
        %add3A_415 = vector.broadcast %add3A_414 : i32 to vector<16xi32>
        %add3A_416 = arith.addi %mul3A_413, %add3A_415 : vector<16xi32>
        %mul3A_417 = arith.constant 2 : i32
        %mul3A_418 = vector.broadcast %mul3A_417 : i32 to vector<16xi32>
        %mul3A_419 = arith.muli %add3A_398, %mul3A_418 : vector<16xi32>
        %add3A_420 = arith.constant 0 : i32
        %add3A_421 = vector.broadcast %add3A_420 : i32 to vector<16xi32>
        %add3A_422 = arith.addi %mul3A_419, %add3A_421 : vector<16xi32>
        %mul3A_423 = arith.constant 2 : i32
        %mul3A_424 = vector.broadcast %mul3A_423 : i32 to vector<16xi32>
        %mul3A_425 = arith.muli %add3A_400, %mul3A_424 : vector<16xi32>
        %add3A_426 = arith.constant 0 : i32
        %add3A_427 = vector.broadcast %add3A_426 : i32 to vector<16xi32>
        %add3A_428 = arith.addi %mul3A_425, %add3A_427 : vector<16xi32>
        %mul3A_429 = arith.constant 2 : i32
        %mul3A_430 = vector.broadcast %mul3A_429 : i32 to vector<16xi32>
        %mul3A_431 = arith.muli %add3A_402, %mul3A_430 : vector<16xi32>
        %add3A_432 = arith.constant 0 : i32
        %add3A_433 = vector.broadcast %add3A_432 : i32 to vector<16xi32>
        %add3A_434 = arith.addi %mul3A_431, %add3A_433 : vector<16xi32>
        %mul3A_435 = arith.constant 2 : i32
        %mul3A_436 = vector.broadcast %mul3A_435 : i32 to vector<16xi32>
        %mul3A_437 = arith.muli %add3A_404, %mul3A_436 : vector<16xi32>
        %add3A_438 = arith.constant 0 : i32
        %add3A_439 = vector.broadcast %add3A_438 : i32 to vector<16xi32>
        %add3A_440 = arith.addi %mul3A_437, %add3A_439 : vector<16xi32>
        %mul3A_441 = arith.constant 2 : i32
        %mul3A_442 = vector.broadcast %mul3A_441 : i32 to vector<16xi32>
        %mul3A_443 = arith.muli %add3A_406, %mul3A_442 : vector<16xi32>
        %add3A_444 = arith.constant 0 : i32
        %add3A_445 = vector.broadcast %add3A_444 : i32 to vector<16xi32>
        %add3A_446 = arith.addi %mul3A_443, %add3A_445 : vector<16xi32>
        %mul3A_447 = arith.constant 2 : i32
        %mul3A_448 = vector.broadcast %mul3A_447 : i32 to vector<16xi32>
        %mul3A_449 = arith.muli %add3A_408, %mul3A_448 : vector<16xi32>
        %add3A_450 = arith.constant 0 : i32
        %add3A_451 = vector.broadcast %add3A_450 : i32 to vector<16xi32>
        %add3A_452 = arith.addi %mul3A_449, %add3A_451 : vector<16xi32>
        %mul3A_453 = arith.constant 2 : i32
        %mul3A_454 = vector.broadcast %mul3A_453 : i32 to vector<16xi32>
        %mul3A_455 = arith.muli %add3A_410, %mul3A_454 : vector<16xi32>
        %add3A_456 = arith.constant 0 : i32
        %add3A_457 = vector.broadcast %add3A_456 : i32 to vector<16xi32>
        %add3A_458 = arith.addi %mul3A_455, %add3A_457 : vector<16xi32>
        %gather3A_459 = tpu.vector_load_idx %arg5[%add3A_319, %add3A_416] : memref<64x128xf32, #tpu.memory_space<vmem>>[vector<16xi32>, vector<16xi32>], vector<16xf32>,
        %gather3A_460 = tpu.vector_load_idx %arg5[%add3A_319, %add3A_422] : memref<64x128xf32, #tpu.memory_space<vmem>>[vector<16xi32>, vector<16xi32>], vector<16xf32>,
        %gather3A_461 = tpu.vector_load_idx %arg5[%add3A_319, %add3A_428] : memref<64x128xf32, #tpu.memory_space<vmem>>[vector<16xi32>, vector<16xi32>], vector<16xf32>,
        %gather3A_462 = tpu.vector_load_idx %arg5[%add3A_319, %add3A_434] : memref<64x128xf32, #tpu.memory_space<vmem>>[vector<16xi32>, vector<16xi32>], vector<16xf32>,
        %gather3A_463 = tpu.vector_load_idx %arg5[%add3A_319, %add3A_440] : memref<64x128xf32, #tpu.memory_space<vmem>>[vector<16xi32>, vector<16xi32>], vector<16xf32>,
        %gather3A_464 = tpu.vector_load_idx %arg5[%add3A_319, %add3A_446] : memref<64x128xf32, #tpu.memory_space<vmem>>[vector<16xi32>, vector<16xi32>], vector<16xf32>,
        %gather3A_465 = tpu.vector_load_idx %arg5[%add3A_319, %add3A_452] : memref<64x128xf32, #tpu.memory_space<vmem>>[vector<16xi32>, vector<16xi32>], vector<16xf32>,
        %gather3A_466 = tpu.vector_load_idx %arg5[%add3A_319, %add3A_458] : memref<64x128xf32, #tpu.memory_space<vmem>>[vector<16xi32>, vector<16xi32>], vector<16xf32>,
        tpu.vector_store_idx %arg7[%add3A_396, %add3A_322], %gather3A_459 : memref<64x128xf32, #tpu.memory_space<vmem>>[vector<16xi32>, vector<16xi32>], vector<16xf32>,
        tpu.vector_store_idx %arg7[%add3A_398, %add3A_322], %gather3A_460 : memref<64x128xf32, #tpu.memory_space<vmem>>[vector<16xi32>, vector<16xi32>], vector<16xf32>,
        tpu.vector_store_idx %arg7[%add3A_400, %add3A_322], %gather3A_461 : memref<64x128xf32, #tpu.memory_space<vmem>>[vector<16xi32>, vector<16xi32>], vector<16xf32>,
        tpu.vector_store_idx %arg7[%add3A_402, %add3A_322], %gather3A_462 : memref<64x128xf32, #tpu.memory_space<vmem>>[vector<16xi32>, vector<16xi32>], vector<16xf32>,
        tpu.vector_store_idx %arg7[%add3A_404, %add3A_322], %gather3A_463 : memref<64x128xf32, #tpu.memory_space<vmem>>[vector<16xi32>, vector<16xi32>], vector<16xf32>,
        tpu.vector_store_idx %arg7[%add3A_406, %add3A_322], %gather3A_464 : memref<64x128xf32, #tpu.memory_space<vmem>>[vector<16xi32>, vector<16xi32>], vector<16xf32>,
        tpu.vector_store_idx %arg7[%add3A_408, %add3A_322], %gather3A_465 : memref<64x128xf32, #tpu.memory_space<vmem>>[vector<16xi32>, vector<16xi32>], vector<16xf32>,
        tpu.vector_store_idx %arg7[%add3A_410, %add3A_322], %gather3A_466 : memref<64x128xf32, #tpu.memory_space<vmem>>[vector<16xi32>, vector<16xi32>], vector<16xf32>,
        %add3A_467 = arith.constant 32 : i32
        %add3A_468 = vector.broadcast %add3A_467 : i32 to vector<16xi32>
        %add3A_469 = arith.addi %iota3A, %add3A_468 : vector<16xi32>
        %add3A_470 = arith.constant 0 : i32
        %add3A_471 = vector.broadcast %add3A_470 : i32 to vector<16xi32>
        %add3A_472 = arith.addi %add3A_469, %add3A_471 : vector<16xi32>
        %add3A_473 = vector.broadcast %mul3A_167 : i32 to vector<16xi32>
        %add3A_474 = arith.addi %rem3A_5, %add3A_473 : vector<16xi32>
        %add3A_475 = vector.broadcast %mul3A_167 : i32 to vector<16xi32>
        %add3A_476 = arith.addi %rem3A_11, %add3A_475 : vector<16xi32>
        %add3A_477 = vector.broadcast %mul3A_167 : i32 to vector<16xi32>
        %add3A_478 = arith.addi %rem3A_17, %add3A_477 : vector<16xi32>
        %add3A_479 = vector.broadcast %mul3A_167 : i32 to vector<16xi32>
        %add3A_480 = arith.addi %rem3A_23, %add3A_479 : vector<16xi32>
        %add3A_481 = vector.broadcast %mul3A_167 : i32 to vector<16xi32>
        %add3A_482 = arith.addi %rem3A_29, %add3A_481 : vector<16xi32>
        %add3A_483 = vector.broadcast %mul3A_167 : i32 to vector<16xi32>
        %add3A_484 = arith.addi %rem3A_35, %add3A_483 : vector<16xi32>
        %add3A_485 = vector.broadcast %mul3A_167 : i32 to vector<16xi32>
        %add3A_486 = arith.addi %rem3A_41, %add3A_485 : vector<16xi32>
        %add3A_487 = vector.broadcast %mul3A_167 : i32 to vector<16xi32>
        %add3A_488 = arith.addi %rem3A_47, %add3A_487 : vector<16xi32>
        %mul3A_489 = arith.constant 2 : i32
        %mul3A_490 = vector.broadcast %mul3A_489 : i32 to vector<16xi32>
        %mul3A_491 = arith.muli %add3A_474, %mul3A_490 : vector<16xi32>
        %add3A_492 = arith.constant 0 : i32
        %add3A_493 = vector.broadcast %add3A_492 : i32 to vector<16xi32>
        %add3A_494 = arith.addi %mul3A_491, %add3A_493 : vector<16xi32>
        %mul3A_495 = arith.constant 2 : i32
        %mul3A_496 = vector.broadcast %mul3A_495 : i32 to vector<16xi32>
        %mul3A_497 = arith.muli %add3A_476, %mul3A_496 : vector<16xi32>
        %add3A_498 = arith.constant 0 : i32
        %add3A_499 = vector.broadcast %add3A_498 : i32 to vector<16xi32>
        %add3A_500 = arith.addi %mul3A_497, %add3A_499 : vector<16xi32>
        %mul3A_501 = arith.constant 2 : i32
        %mul3A_502 = vector.broadcast %mul3A_501 : i32 to vector<16xi32>
        %mul3A_503 = arith.muli %add3A_478, %mul3A_502 : vector<16xi32>
        %add3A_504 = arith.constant 0 : i32
        %add3A_505 = vector.broadcast %add3A_504 : i32 to vector<16xi32>
        %add3A_506 = arith.addi %mul3A_503, %add3A_505 : vector<16xi32>
        %mul3A_507 = arith.constant 2 : i32
        %mul3A_508 = vector.broadcast %mul3A_507 : i32 to vector<16xi32>
        %mul3A_509 = arith.muli %add3A_480, %mul3A_508 : vector<16xi32>
        %add3A_510 = arith.constant 0 : i32
        %add3A_511 = vector.broadcast %add3A_510 : i32 to vector<16xi32>
        %add3A_512 = arith.addi %mul3A_509, %add3A_511 : vector<16xi32>
        %mul3A_513 = arith.constant 2 : i32
        %mul3A_514 = vector.broadcast %mul3A_513 : i32 to vector<16xi32>
        %mul3A_515 = arith.muli %add3A_482, %mul3A_514 : vector<16xi32>
        %add3A_516 = arith.constant 0 : i32
        %add3A_517 = vector.broadcast %add3A_516 : i32 to vector<16xi32>
        %add3A_518 = arith.addi %mul3A_515, %add3A_517 : vector<16xi32>
        %mul3A_519 = arith.constant 2 : i32
        %mul3A_520 = vector.broadcast %mul3A_519 : i32 to vector<16xi32>
        %mul3A_521 = arith.muli %add3A_484, %mul3A_520 : vector<16xi32>
        %add3A_522 = arith.constant 0 : i32
        %add3A_523 = vector.broadcast %add3A_522 : i32 to vector<16xi32>
        %add3A_524 = arith.addi %mul3A_521, %add3A_523 : vector<16xi32>
        %mul3A_525 = arith.constant 2 : i32
        %mul3A_526 = vector.broadcast %mul3A_525 : i32 to vector<16xi32>
        %mul3A_527 = arith.muli %add3A_486, %mul3A_526 : vector<16xi32>
        %add3A_528 = arith.constant 0 : i32
        %add3A_529 = vector.broadcast %add3A_528 : i32 to vector<16xi32>
        %add3A_530 = arith.addi %mul3A_527, %add3A_529 : vector<16xi32>
        %mul3A_531 = arith.constant 2 : i32
        %mul3A_532 = vector.broadcast %mul3A_531 : i32 to vector<16xi32>
        %mul3A_533 = arith.muli %add3A_488, %mul3A_532 : vector<16xi32>
        %add3A_534 = arith.constant 0 : i32
        %add3A_535 = vector.broadcast %add3A_534 : i32 to vector<16xi32>
        %add3A_536 = arith.addi %mul3A_533, %add3A_535 : vector<16xi32>
        %gather3A_537 = tpu.vector_load_idx %arg5[%add3A_469, %add3A_494] : memref<64x128xf32, #tpu.memory_space<vmem>>[vector<16xi32>, vector<16xi32>], vector<16xf32>,
        %gather3A_538 = tpu.vector_load_idx %arg5[%add3A_469, %add3A_500] : memref<64x128xf32, #tpu.memory_space<vmem>>[vector<16xi32>, vector<16xi32>], vector<16xf32>,
        %gather3A_539 = tpu.vector_load_idx %arg5[%add3A_469, %add3A_506] : memref<64x128xf32, #tpu.memory_space<vmem>>[vector<16xi32>, vector<16xi32>], vector<16xf32>,
        %gather3A_540 = tpu.vector_load_idx %arg5[%add3A_469, %add3A_512] : memref<64x128xf32, #tpu.memory_space<vmem>>[vector<16xi32>, vector<16xi32>], vector<16xf32>,
        %gather3A_541 = tpu.vector_load_idx %arg5[%add3A_469, %add3A_518] : memref<64x128xf32, #tpu.memory_space<vmem>>[vector<16xi32>, vector<16xi32>], vector<16xf32>,
        %gather3A_542 = tpu.vector_load_idx %arg5[%add3A_469, %add3A_524] : memref<64x128xf32, #tpu.memory_space<vmem>>[vector<16xi32>, vector<16xi32>], vector<16xf32>,
        %gather3A_543 = tpu.vector_load_idx %arg5[%add3A_469, %add3A_530] : memref<64x128xf32, #tpu.memory_space<vmem>>[vector<16xi32>, vector<16xi32>], vector<16xf32>,
        %gather3A_544 = tpu.vector_load_idx %arg5[%add3A_469, %add3A_536] : memref<64x128xf32, #tpu.memory_space<vmem>>[vector<16xi32>, vector<16xi32>], vector<16xf32>,
        tpu.vector_store_idx %arg7[%add3A_474, %add3A_472], %gather3A_537 : memref<64x128xf32, #tpu.memory_space<vmem>>[vector<16xi32>, vector<16xi32>], vector<16xf32>,
        tpu.vector_store_idx %arg7[%add3A_476, %add3A_472], %gather3A_538 : memref<64x128xf32, #tpu.memory_space<vmem>>[vector<16xi32>, vector<16xi32>], vector<16xf32>,
        tpu.vector_store_idx %arg7[%add3A_478, %add3A_472], %gather3A_539 : memref<64x128xf32, #tpu.memory_space<vmem>>[vector<16xi32>, vector<16xi32>], vector<16xf32>,
        tpu.vector_store_idx %arg7[%add3A_480, %add3A_472], %gather3A_540 : memref<64x128xf32, #tpu.memory_space<vmem>>[vector<16xi32>, vector<16xi32>], vector<16xf32>,
        tpu.vector_store_idx %arg7[%add3A_482, %add3A_472], %gather3A_541 : memref<64x128xf32, #tpu.memory_space<vmem>>[vector<16xi32>, vector<16xi32>], vector<16xf32>,
        tpu.vector_store_idx %arg7[%add3A_484, %add3A_472], %gather3A_542 : memref<64x128xf32, #tpu.memory_space<vmem>>[vector<16xi32>, vector<16xi32>], vector<16xf32>,
        tpu.vector_store_idx %arg7[%add3A_486, %add3A_472], %gather3A_543 : memref<64x128xf32, #tpu.memory_space<vmem>>[vector<16xi32>, vector<16xi32>], vector<16xf32>,
        tpu.vector_store_idx %arg7[%add3A_488, %add3A_472], %gather3A_544 : memref<64x128xf32, #tpu.memory_space<vmem>>[vector<16xi32>, vector<16xi32>], vector<16xf32>,
        %add3A_545 = vector.broadcast %mul3A_167 : i32 to vector<16xi32>
        %add3A_546 = arith.addi %rem3A_53, %add3A_545 : vector<16xi32>
        %add3A_547 = vector.broadcast %mul3A_167 : i32 to vector<16xi32>
        %add3A_548 = arith.addi %rem3A_59, %add3A_547 : vector<16xi32>
        %add3A_549 = vector.broadcast %mul3A_167 : i32 to vector<16xi32>
        %add3A_550 = arith.addi %rem3A_65, %add3A_549 : vector<16xi32>
        %add3A_551 = vector.broadcast %mul3A_167 : i32 to vector<16xi32>
        %add3A_552 = arith.addi %rem3A_71, %add3A_551 : vector<16xi32>
        %add3A_553 = vector.broadcast %mul3A_167 : i32 to vector<16xi32>
        %add3A_554 = arith.addi %rem3A_77, %add3A_553 : vector<16xi32>
        %add3A_555 = vector.broadcast %mul3A_167 : i32 to vector<16xi32>
        %add3A_556 = arith.addi %rem3A_83, %add3A_555 : vector<16xi32>
        %add3A_557 = vector.broadcast %mul3A_167 : i32 to vector<16xi32>
        %add3A_558 = arith.addi %rem3A_89, %add3A_557 : vector<16xi32>
        %add3A_559 = vector.broadcast %mul3A_167 : i32 to vector<16xi32>
        %add3A_560 = arith.addi %rem3A_95, %add3A_559 : vector<16xi32>
        %mul3A_561 = arith.constant 2 : i32
        %mul3A_562 = vector.broadcast %mul3A_561 : i32 to vector<16xi32>
        %mul3A_563 = arith.muli %add3A_546, %mul3A_562 : vector<16xi32>
        %add3A_564 = arith.constant 0 : i32
        %add3A_565 = vector.broadcast %add3A_564 : i32 to vector<16xi32>
        %add3A_566 = arith.addi %mul3A_563, %add3A_565 : vector<16xi32>
        %mul3A_567 = arith.constant 2 : i32
        %mul3A_568 = vector.broadcast %mul3A_567 : i32 to vector<16xi32>
        %mul3A_569 = arith.muli %add3A_548, %mul3A_568 : vector<16xi32>
        %add3A_570 = arith.constant 0 : i32
        %add3A_571 = vector.broadcast %add3A_570 : i32 to vector<16xi32>
        %add3A_572 = arith.addi %mul3A_569, %add3A_571 : vector<16xi32>
        %mul3A_573 = arith.constant 2 : i32
        %mul3A_574 = vector.broadcast %mul3A_573 : i32 to vector<16xi32>
        %mul3A_575 = arith.muli %add3A_550, %mul3A_574 : vector<16xi32>
        %add3A_576 = arith.constant 0 : i32
        %add3A_577 = vector.broadcast %add3A_576 : i32 to vector<16xi32>
        %add3A_578 = arith.addi %mul3A_575, %add3A_577 : vector<16xi32>
        %mul3A_579 = arith.constant 2 : i32
        %mul3A_580 = vector.broadcast %mul3A_579 : i32 to vector<16xi32>
        %mul3A_581 = arith.muli %add3A_552, %mul3A_580 : vector<16xi32>
        %add3A_582 = arith.constant 0 : i32
        %add3A_583 = vector.broadcast %add3A_582 : i32 to vector<16xi32>
        %add3A_584 = arith.addi %mul3A_581, %add3A_583 : vector<16xi32>
        %mul3A_585 = arith.constant 2 : i32
        %mul3A_586 = vector.broadcast %mul3A_585 : i32 to vector<16xi32>
        %mul3A_587 = arith.muli %add3A_554, %mul3A_586 : vector<16xi32>
        %add3A_588 = arith.constant 0 : i32
        %add3A_589 = vector.broadcast %add3A_588 : i32 to vector<16xi32>
        %add3A_590 = arith.addi %mul3A_587, %add3A_589 : vector<16xi32>
        %mul3A_591 = arith.constant 2 : i32
        %mul3A_592 = vector.broadcast %mul3A_591 : i32 to vector<16xi32>
        %mul3A_593 = arith.muli %add3A_556, %mul3A_592 : vector<16xi32>
        %add3A_594 = arith.constant 0 : i32
        %add3A_595 = vector.broadcast %add3A_594 : i32 to vector<16xi32>
        %add3A_596 = arith.addi %mul3A_593, %add3A_595 : vector<16xi32>
        %mul3A_597 = arith.constant 2 : i32
        %mul3A_598 = vector.broadcast %mul3A_597 : i32 to vector<16xi32>
        %mul3A_599 = arith.muli %add3A_558, %mul3A_598 : vector<16xi32>
        %add3A_600 = arith.constant 0 : i32
        %add3A_601 = vector.broadcast %add3A_600 : i32 to vector<16xi32>
        %add3A_602 = arith.addi %mul3A_599, %add3A_601 : vector<16xi32>
        %mul3A_603 = arith.constant 2 : i32
        %mul3A_604 = vector.broadcast %mul3A_603 : i32 to vector<16xi32>
        %mul3A_605 = arith.muli %add3A_560, %mul3A_604 : vector<16xi32>
        %add3A_606 = arith.constant 0 : i32
        %add3A_607 = vector.broadcast %add3A_606 : i32 to vector<16xi32>
        %add3A_608 = arith.addi %mul3A_605, %add3A_607 : vector<16xi32>
        %gather3A_609 = tpu.vector_load_idx %arg5[%add3A_469, %add3A_566] : memref<64x128xf32, #tpu.memory_space<vmem>>[vector<16xi32>, vector<16xi32>], vector<16xf32>,
        %gather3A_610 = tpu.vector_load_idx %arg5[%add3A_469, %add3A_572] : memref<64x128xf32, #tpu.memory_space<vmem>>[vector<16xi32>, vector<16xi32>], vector<16xf32>,
        %gather3A_611 = tpu.vector_load_idx %arg5[%add3A_469, %add3A_578] : memref<64x128xf32, #tpu.memory_space<vmem>>[vector<16xi32>, vector<16xi32>], vector<16xf32>,
        %gather3A_612 = tpu.vector_load_idx %arg5[%add3A_469, %add3A_584] : memref<64x128xf32, #tpu.memory_space<vmem>>[vector<16xi32>, vector<16xi32>], vector<16xf32>,
        %gather3A_613 = tpu.vector_load_idx %arg5[%add3A_469, %add3A_590] : memref<64x128xf32, #tpu.memory_space<vmem>>[vector<16xi32>, vector<16xi32>], vector<16xf32>,
        %gather3A_614 = tpu.vector_load_idx %arg5[%add3A_469, %add3A_596] : memref<64x128xf32, #tpu.memory_space<vmem>>[vector<16xi32>, vector<16xi32>], vector<16xf32>,
        %gather3A_615 = tpu.vector_load_idx %arg5[%add3A_469, %add3A_602] : memref<64x128xf32, #tpu.memory_space<vmem>>[vector<16xi32>, vector<16xi32>], vector<16xf32>,
        %gather3A_616 = tpu.vector_load_idx %arg5[%add3A_469, %add3A_608] : memref<64x128xf32, #tpu.memory_space<vmem>>[vector<16xi32>, vector<16xi32>], vector<16xf32>,
        tpu.vector_store_idx %arg7[%add3A_546, %add3A_472], %gather3A_609 : memref<64x128xf32, #tpu.memory_space<vmem>>[vector<16xi32>, vector<16xi32>], vector<16xf32>,
        tpu.vector_store_idx %arg7[%add3A_548, %add3A_472], %gather3A_610 : memref<64x128xf32, #tpu.memory_space<vmem>>[vector<16xi32>, vector<16xi32>], vector<16xf32>,
        tpu.vector_store_idx %arg7[%add3A_550, %add3A_472], %gather3A_611 : memref<64x128xf32, #tpu.memory_space<vmem>>[vector<16xi32>, vector<16xi32>], vector<16xf32>,
        tpu.vector_store_idx %arg7[%add3A_552, %add3A_472], %gather3A_612 : memref<64x128xf32, #tpu.memory_space<vmem>>[vector<16xi32>, vector<16xi32>], vector<16xf32>,
        tpu.vector_store_idx %arg7[%add3A_554, %add3A_472], %gather3A_613 : memref<64x128xf32, #tpu.memory_space<vmem>>[vector<16xi32>, vector<16xi32>], vector<16xf32>,
        tpu.vector_store_idx %arg7[%add3A_556, %add3A_472], %gather3A_614 : memref<64x128xf32, #tpu.memory_space<vmem>>[vector<16xi32>, vector<16xi32>], vector<16xf32>,
        tpu.vector_store_idx %arg7[%add3A_558, %add3A_472], %gather3A_615 : memref<64x128xf32, #tpu.memory_space<vmem>>[vector<16xi32>, vector<16xi32>], vector<16xf32>,
        tpu.vector_store_idx %arg7[%add3A_560, %add3A_472], %gather3A_616 : memref<64x128xf32, #tpu.memory_space<vmem>>[vector<16xi32>, vector<16xi32>], vector<16xf32>,
        %add3A_617 = arith.constant 48 : i32
        %add3A_618 = vector.broadcast %add3A_617 : i32 to vector<16xi32>
        %add3A_619 = arith.addi %iota3A, %add3A_618 : vector<16xi32>
        %add3A_620 = arith.constant 0 : i32
        %add3A_621 = vector.broadcast %add3A_620 : i32 to vector<16xi32>
        %add3A_622 = arith.addi %add3A_619, %add3A_621 : vector<16xi32>
        %add3A_623 = vector.broadcast %mul3A_167 : i32 to vector<16xi32>
        %add3A_624 = arith.addi %rem3A_5, %add3A_623 : vector<16xi32>
        %add3A_625 = vector.broadcast %mul3A_167 : i32 to vector<16xi32>
        %add3A_626 = arith.addi %rem3A_11, %add3A_625 : vector<16xi32>
        %add3A_627 = vector.broadcast %mul3A_167 : i32 to vector<16xi32>
        %add3A_628 = arith.addi %rem3A_17, %add3A_627 : vector<16xi32>
        %add3A_629 = vector.broadcast %mul3A_167 : i32 to vector<16xi32>
        %add3A_630 = arith.addi %rem3A_23, %add3A_629 : vector<16xi32>
        %add3A_631 = vector.broadcast %mul3A_167 : i32 to vector<16xi32>
        %add3A_632 = arith.addi %rem3A_29, %add3A_631 : vector<16xi32>
        %add3A_633 = vector.broadcast %mul3A_167 : i32 to vector<16xi32>
        %add3A_634 = arith.addi %rem3A_35, %add3A_633 : vector<16xi32>
        %add3A_635 = vector.broadcast %mul3A_167 : i32 to vector<16xi32>
        %add3A_636 = arith.addi %rem3A_41, %add3A_635 : vector<16xi32>
        %add3A_637 = vector.broadcast %mul3A_167 : i32 to vector<16xi32>
        %add3A_638 = arith.addi %rem3A_47, %add3A_637 : vector<16xi32>
        %mul3A_639 = arith.constant 2 : i32
        %mul3A_640 = vector.broadcast %mul3A_639 : i32 to vector<16xi32>
        %mul3A_641 = arith.muli %add3A_624, %mul3A_640 : vector<16xi32>
        %add3A_642 = arith.constant 0 : i32
        %add3A_643 = vector.broadcast %add3A_642 : i32 to vector<16xi32>
        %add3A_644 = arith.addi %mul3A_641, %add3A_643 : vector<16xi32>
        %mul3A_645 = arith.constant 2 : i32
        %mul3A_646 = vector.broadcast %mul3A_645 : i32 to vector<16xi32>
        %mul3A_647 = arith.muli %add3A_626, %mul3A_646 : vector<16xi32>
        %add3A_648 = arith.constant 0 : i32
        %add3A_649 = vector.broadcast %add3A_648 : i32 to vector<16xi32>
        %add3A_650 = arith.addi %mul3A_647, %add3A_649 : vector<16xi32>
        %mul3A_651 = arith.constant 2 : i32
        %mul3A_652 = vector.broadcast %mul3A_651 : i32 to vector<16xi32>
        %mul3A_653 = arith.muli %add3A_628, %mul3A_652 : vector<16xi32>
        %add3A_654 = arith.constant 0 : i32
        %add3A_655 = vector.broadcast %add3A_654 : i32 to vector<16xi32>
        %add3A_656 = arith.addi %mul3A_653, %add3A_655 : vector<16xi32>
        %mul3A_657 = arith.constant 2 : i32
        %mul3A_658 = vector.broadcast %mul3A_657 : i32 to vector<16xi32>
        %mul3A_659 = arith.muli %add3A_630, %mul3A_658 : vector<16xi32>
        %add3A_660 = arith.constant 0 : i32
        %add3A_661 = vector.broadcast %add3A_660 : i32 to vector<16xi32>
        %add3A_662 = arith.addi %mul3A_659, %add3A_661 : vector<16xi32>
        %mul3A_663 = arith.constant 2 : i32
        %mul3A_664 = vector.broadcast %mul3A_663 : i32 to vector<16xi32>
        %mul3A_665 = arith.muli %add3A_632, %mul3A_664 : vector<16xi32>
        %add3A_666 = arith.constant 0 : i32
        %add3A_667 = vector.broadcast %add3A_666 : i32 to vector<16xi32>
        %add3A_668 = arith.addi %mul3A_665, %add3A_667 : vector<16xi32>
        %mul3A_669 = arith.constant 2 : i32
        %mul3A_670 = vector.broadcast %mul3A_669 : i32 to vector<16xi32>
        %mul3A_671 = arith.muli %add3A_634, %mul3A_670 : vector<16xi32>
        %add3A_672 = arith.constant 0 : i32
        %add3A_673 = vector.broadcast %add3A_672 : i32 to vector<16xi32>
        %add3A_674 = arith.addi %mul3A_671, %add3A_673 : vector<16xi32>
        %mul3A_675 = arith.constant 2 : i32
        %mul3A_676 = vector.broadcast %mul3A_675 : i32 to vector<16xi32>
        %mul3A_677 = arith.muli %add3A_636, %mul3A_676 : vector<16xi32>
        %add3A_678 = arith.constant 0 : i32
        %add3A_679 = vector.broadcast %add3A_678 : i32 to vector<16xi32>
        %add3A_680 = arith.addi %mul3A_677, %add3A_679 : vector<16xi32>
        %mul3A_681 = arith.constant 2 : i32
        %mul3A_682 = vector.broadcast %mul3A_681 : i32 to vector<16xi32>
        %mul3A_683 = arith.muli %add3A_638, %mul3A_682 : vector<16xi32>
        %add3A_684 = arith.constant 0 : i32
        %add3A_685 = vector.broadcast %add3A_684 : i32 to vector<16xi32>
        %add3A_686 = arith.addi %mul3A_683, %add3A_685 : vector<16xi32>
        %gather3A_687 = tpu.vector_load_idx %arg5[%add3A_619, %add3A_644] : memref<64x128xf32, #tpu.memory_space<vmem>>[vector<16xi32>, vector<16xi32>], vector<16xf32>,
        %gather3A_688 = tpu.vector_load_idx %arg5[%add3A_619, %add3A_650] : memref<64x128xf32, #tpu.memory_space<vmem>>[vector<16xi32>, vector<16xi32>], vector<16xf32>,
        %gather3A_689 = tpu.vector_load_idx %arg5[%add3A_619, %add3A_656] : memref<64x128xf32, #tpu.memory_space<vmem>>[vector<16xi32>, vector<16xi32>], vector<16xf32>,
        %gather3A_690 = tpu.vector_load_idx %arg5[%add3A_619, %add3A_662] : memref<64x128xf32, #tpu.memory_space<vmem>>[vector<16xi32>, vector<16xi32>], vector<16xf32>,
        %gather3A_691 = tpu.vector_load_idx %arg5[%add3A_619, %add3A_668] : memref<64x128xf32, #tpu.memory_space<vmem>>[vector<16xi32>, vector<16xi32>], vector<16xf32>,
        %gather3A_692 = tpu.vector_load_idx %arg5[%add3A_619, %add3A_674] : memref<64x128xf32, #tpu.memory_space<vmem>>[vector<16xi32>, vector<16xi32>], vector<16xf32>,
        %gather3A_693 = tpu.vector_load_idx %arg5[%add3A_619, %add3A_680] : memref<64x128xf32, #tpu.memory_space<vmem>>[vector<16xi32>, vector<16xi32>], vector<16xf32>,
        %gather3A_694 = tpu.vector_load_idx %arg5[%add3A_619, %add3A_686] : memref<64x128xf32, #tpu.memory_space<vmem>>[vector<16xi32>, vector<16xi32>], vector<16xf32>,
        tpu.vector_store_idx %arg7[%add3A_624, %add3A_622], %gather3A_687 : memref<64x128xf32, #tpu.memory_space<vmem>>[vector<16xi32>, vector<16xi32>], vector<16xf32>,
        tpu.vector_store_idx %arg7[%add3A_626, %add3A_622], %gather3A_688 : memref<64x128xf32, #tpu.memory_space<vmem>>[vector<16xi32>, vector<16xi32>], vector<16xf32>,
        tpu.vector_store_idx %arg7[%add3A_628, %add3A_622], %gather3A_689 : memref<64x128xf32, #tpu.memory_space<vmem>>[vector<16xi32>, vector<16xi32>], vector<16xf32>,
        tpu.vector_store_idx %arg7[%add3A_630, %add3A_622], %gather3A_690 : memref<64x128xf32, #tpu.memory_space<vmem>>[vector<16xi32>, vector<16xi32>], vector<16xf32>,
        tpu.vector_store_idx %arg7[%add3A_632, %add3A_622], %gather3A_691 : memref<64x128xf32, #tpu.memory_space<vmem>>[vector<16xi32>, vector<16xi32>], vector<16xf32>,
        tpu.vector_store_idx %arg7[%add3A_634, %add3A_622], %gather3A_692 : memref<64x128xf32, #tpu.memory_space<vmem>>[vector<16xi32>, vector<16xi32>], vector<16xf32>,
        tpu.vector_store_idx %arg7[%add3A_636, %add3A_622], %gather3A_693 : memref<64x128xf32, #tpu.memory_space<vmem>>[vector<16xi32>, vector<16xi32>], vector<16xf32>,
        tpu.vector_store_idx %arg7[%add3A_638, %add3A_622], %gather3A_694 : memref<64x128xf32, #tpu.memory_space<vmem>>[vector<16xi32>, vector<16xi32>], vector<16xf32>,
        %add3A_695 = vector.broadcast %mul3A_167 : i32 to vector<16xi32>
        %add3A_696 = arith.addi %rem3A_53, %add3A_695 : vector<16xi32>
        %add3A_697 = vector.broadcast %mul3A_167 : i32 to vector<16xi32>
        %add3A_698 = arith.addi %rem3A_59, %add3A_697 : vector<16xi32>
        %add3A_699 = vector.broadcast %mul3A_167 : i32 to vector<16xi32>
        %add3A_700 = arith.addi %rem3A_65, %add3A_699 : vector<16xi32>
        %add3A_701 = vector.broadcast %mul3A_167 : i32 to vector<16xi32>
        %add3A_702 = arith.addi %rem3A_71, %add3A_701 : vector<16xi32>
        %add3A_703 = vector.broadcast %mul3A_167 : i32 to vector<16xi32>
        %add3A_704 = arith.addi %rem3A_77, %add3A_703 : vector<16xi32>
        %add3A_705 = vector.broadcast %mul3A_167 : i32 to vector<16xi32>
        %add3A_706 = arith.addi %rem3A_83, %add3A_705 : vector<16xi32>
        %add3A_707 = vector.broadcast %mul3A_167 : i32 to vector<16xi32>
        %add3A_708 = arith.addi %rem3A_89, %add3A_707 : vector<16xi32>
        %add3A_709 = vector.broadcast %mul3A_167 : i32 to vector<16xi32>
        %add3A_710 = arith.addi %rem3A_95, %add3A_709 : vector<16xi32>
        %mul3A_711 = arith.constant 2 : i32
        %mul3A_712 = vector.broadcast %mul3A_711 : i32 to vector<16xi32>
        %mul3A_713 = arith.muli %add3A_696, %mul3A_712 : vector<16xi32>
        %add3A_714 = arith.constant 0 : i32
        %add3A_715 = vector.broadcast %add3A_714 : i32 to vector<16xi32>
        %add3A_716 = arith.addi %mul3A_713, %add3A_715 : vector<16xi32>
        %mul3A_717 = arith.constant 2 : i32
        %mul3A_718 = vector.broadcast %mul3A_717 : i32 to vector<16xi32>
        %mul3A_719 = arith.muli %add3A_698, %mul3A_718 : vector<16xi32>
        %add3A_720 = arith.constant 0 : i32
        %add3A_721 = vector.broadcast %add3A_720 : i32 to vector<16xi32>
        %add3A_722 = arith.addi %mul3A_719, %add3A_721 : vector<16xi32>
        %mul3A_723 = arith.constant 2 : i32
        %mul3A_724 = vector.broadcast %mul3A_723 : i32 to vector<16xi32>
        %mul3A_725 = arith.muli %add3A_700, %mul3A_724 : vector<16xi32>
        %add3A_726 = arith.constant 0 : i32
        %add3A_727 = vector.broadcast %add3A_726 : i32 to vector<16xi32>
        %add3A_728 = arith.addi %mul3A_725, %add3A_727 : vector<16xi32>
        %mul3A_729 = arith.constant 2 : i32
        %mul3A_730 = vector.broadcast %mul3A_729 : i32 to vector<16xi32>
        %mul3A_731 = arith.muli %add3A_702, %mul3A_730 : vector<16xi32>
        %add3A_732 = arith.constant 0 : i32
        %add3A_733 = vector.broadcast %add3A_732 : i32 to vector<16xi32>
        %add3A_734 = arith.addi %mul3A_731, %add3A_733 : vector<16xi32>
        %mul3A_735 = arith.constant 2 : i32
        %mul3A_736 = vector.broadcast %mul3A_735 : i32 to vector<16xi32>
        %mul3A_737 = arith.muli %add3A_704, %mul3A_736 : vector<16xi32>
        %add3A_738 = arith.constant 0 : i32
        %add3A_739 = vector.broadcast %add3A_738 : i32 to vector<16xi32>
        %add3A_740 = arith.addi %mul3A_737, %add3A_739 : vector<16xi32>
        %mul3A_741 = arith.constant 2 : i32
        %mul3A_742 = vector.broadcast %mul3A_741 : i32 to vector<16xi32>
        %mul3A_743 = arith.muli %add3A_706, %mul3A_742 : vector<16xi32>
        %add3A_744 = arith.constant 0 : i32
        %add3A_745 = vector.broadcast %add3A_744 : i32 to vector<16xi32>
        %add3A_746 = arith.addi %mul3A_743, %add3A_745 : vector<16xi32>
        %mul3A_747 = arith.constant 2 : i32
        %mul3A_748 = vector.broadcast %mul3A_747 : i32 to vector<16xi32>
        %mul3A_749 = arith.muli %add3A_708, %mul3A_748 : vector<16xi32>
        %add3A_750 = arith.constant 0 : i32
        %add3A_751 = vector.broadcast %add3A_750 : i32 to vector<16xi32>
        %add3A_752 = arith.addi %mul3A_749, %add3A_751 : vector<16xi32>
        %mul3A_753 = arith.constant 2 : i32
        %mul3A_754 = vector.broadcast %mul3A_753 : i32 to vector<16xi32>
        %mul3A_755 = arith.muli %add3A_710, %mul3A_754 : vector<16xi32>
        %add3A_756 = arith.constant 0 : i32
        %add3A_757 = vector.broadcast %add3A_756 : i32 to vector<16xi32>
        %add3A_758 = arith.addi %mul3A_755, %add3A_757 : vector<16xi32>
        %gather3A_759 = tpu.vector_load_idx %arg5[%add3A_619, %add3A_716] : memref<64x128xf32, #tpu.memory_space<vmem>>[vector<16xi32>, vector<16xi32>], vector<16xf32>,
        %gather3A_760 = tpu.vector_load_idx %arg5[%add3A_619, %add3A_722] : memref<64x128xf32, #tpu.memory_space<vmem>>[vector<16xi32>, vector<16xi32>], vector<16xf32>,
        %gather3A_761 = tpu.vector_load_idx %arg5[%add3A_619, %add3A_728] : memref<64x128xf32, #tpu.memory_space<vmem>>[vector<16xi32>, vector<16xi32>], vector<16xf32>,
        %gather3A_762 = tpu.vector_load_idx %arg5[%add3A_619, %add3A_734] : memref<64x128xf32, #tpu.memory_space<vmem>>[vector<16xi32>, vector<16xi32>], vector<16xf32>,
        %gather3A_763 = tpu.vector_load_idx %arg5[%add3A_619, %add3A_740] : memref<64x128xf32, #tpu.memory_space<vmem>>[vector<16xi32>, vector<16xi32>], vector<16xf32>,
        %gather3A_764 = tpu.vector_load_idx %arg5[%add3A_619, %add3A_746] : memref<64x128xf32, #tpu.memory_space<vmem>>[vector<16xi32>, vector<16xi32>], vector<16xf32>,
        %gather3A_765 = tpu.vector_load_idx %arg5[%add3A_619, %add3A_752] : memref<64x128xf32, #tpu.memory_space<vmem>>[vector<16xi32>, vector<16xi32>], vector<16xf32>,
        %gather3A_766 = tpu.vector_load_idx %arg5[%add3A_619, %add3A_758] : memref<64x128xf32, #tpu.memory_space<vmem>>[vector<16xi32>, vector<16xi32>], vector<16xf32>,
        tpu.vector_store_idx %arg7[%add3A_696, %add3A_622], %gather3A_759 : memref<64x128xf32, #tpu.memory_space<vmem>>[vector<16xi32>, vector<16xi32>], vector<16xf32>,
        tpu.vector_store_idx %arg7[%add3A_698, %add3A_622], %gather3A_760 : memref<64x128xf32, #tpu.memory_space<vmem>>[vector<16xi32>, vector<16xi32>], vector<16xf32>,
        tpu.vector_store_idx %arg7[%add3A_700, %add3A_622], %gather3A_761 : memref<64x128xf32, #tpu.memory_space<vmem>>[vector<16xi32>, vector<16xi32>], vector<16xf32>,
        tpu.vector_store_idx %arg7[%add3A_702, %add3A_622], %gather3A_762 : memref<64x128xf32, #tpu.memory_space<vmem>>[vector<16xi32>, vector<16xi32>], vector<16xf32>,
        tpu.vector_store_idx %arg7[%add3A_704, %add3A_622], %gather3A_763 : memref<64x128xf32, #tpu.memory_space<vmem>>[vector<16xi32>, vector<16xi32>], vector<16xf32>,
        tpu.vector_store_idx %arg7[%add3A_706, %add3A_622], %gather3A_764 : memref<64x128xf32, #tpu.memory_space<vmem>>[vector<16xi32>, vector<16xi32>], vector<16xf32>,
        tpu.vector_store_idx %arg7[%add3A_708, %add3A_622], %gather3A_765 : memref<64x128xf32, #tpu.memory_space<vmem>>[vector<16xi32>, vector<16xi32>], vector<16xf32>,
        tpu.vector_store_idx %arg7[%add3A_710, %add3A_622], %gather3A_766 : memref<64x128xf32, #tpu.memory_space<vmem>>[vector<16xi32>, vector<16xi32>], vector<16xf32>,
        %add3A_767 = arith.constant 0 : i32
        %add3A_768 = vector.broadcast %add3A_767 : i32 to vector<16xi32>
        %add3A_769 = arith.addi %iota3A, %add3A_768 : vector<16xi32>
        %add3A_770 = arith.constant 64 : i32
        %add3A_771 = vector.broadcast %add3A_770 : i32 to vector<16xi32>
        %add3A_772 = arith.addi %add3A_769, %add3A_771 : vector<16xi32>
        %add3A_773 = vector.broadcast %mul3A_167 : i32 to vector<16xi32>
        %add3A_774 = arith.addi %rem3A_5, %add3A_773 : vector<16xi32>
        %add3A_775 = vector.broadcast %mul3A_167 : i32 to vector<16xi32>
        %add3A_776 = arith.addi %rem3A_11, %add3A_775 : vector<16xi32>
        %add3A_777 = vector.broadcast %mul3A_167 : i32 to vector<16xi32>
        %add3A_778 = arith.addi %rem3A_17, %add3A_777 : vector<16xi32>
        %add3A_779 = vector.broadcast %mul3A_167 : i32 to vector<16xi32>
        %add3A_780 = arith.addi %rem3A_23, %add3A_779 : vector<16xi32>
        %add3A_781 = vector.broadcast %mul3A_167 : i32 to vector<16xi32>
        %add3A_782 = arith.addi %rem3A_29, %add3A_781 : vector<16xi32>
        %add3A_783 = vector.broadcast %mul3A_167 : i32 to vector<16xi32>
        %add3A_784 = arith.addi %rem3A_35, %add3A_783 : vector<16xi32>
        %add3A_785 = vector.broadcast %mul3A_167 : i32 to vector<16xi32>
        %add3A_786 = arith.addi %rem3A_41, %add3A_785 : vector<16xi32>
        %add3A_787 = vector.broadcast %mul3A_167 : i32 to vector<16xi32>
        %add3A_788 = arith.addi %rem3A_47, %add3A_787 : vector<16xi32>
        %mul3A_789 = arith.constant 2 : i32
        %mul3A_790 = vector.broadcast %mul3A_789 : i32 to vector<16xi32>
        %mul3A_791 = arith.muli %add3A_774, %mul3A_790 : vector<16xi32>
        %add3A_792 = arith.constant 1 : i32
        %add3A_793 = vector.broadcast %add3A_792 : i32 to vector<16xi32>
        %add3A_794 = arith.addi %mul3A_791, %add3A_793 : vector<16xi32>
        %mul3A_795 = arith.constant 2 : i32
        %mul3A_796 = vector.broadcast %mul3A_795 : i32 to vector<16xi32>
        %mul3A_797 = arith.muli %add3A_776, %mul3A_796 : vector<16xi32>
        %add3A_798 = arith.constant 1 : i32
        %add3A_799 = vector.broadcast %add3A_798 : i32 to vector<16xi32>
        %add3A_800 = arith.addi %mul3A_797, %add3A_799 : vector<16xi32>
        %mul3A_801 = arith.constant 2 : i32
        %mul3A_802 = vector.broadcast %mul3A_801 : i32 to vector<16xi32>
        %mul3A_803 = arith.muli %add3A_778, %mul3A_802 : vector<16xi32>
        %add3A_804 = arith.constant 1 : i32
        %add3A_805 = vector.broadcast %add3A_804 : i32 to vector<16xi32>
        %add3A_806 = arith.addi %mul3A_803, %add3A_805 : vector<16xi32>
        %mul3A_807 = arith.constant 2 : i32
        %mul3A_808 = vector.broadcast %mul3A_807 : i32 to vector<16xi32>
        %mul3A_809 = arith.muli %add3A_780, %mul3A_808 : vector<16xi32>
        %add3A_810 = arith.constant 1 : i32
        %add3A_811 = vector.broadcast %add3A_810 : i32 to vector<16xi32>
        %add3A_812 = arith.addi %mul3A_809, %add3A_811 : vector<16xi32>
        %mul3A_813 = arith.constant 2 : i32
        %mul3A_814 = vector.broadcast %mul3A_813 : i32 to vector<16xi32>
        %mul3A_815 = arith.muli %add3A_782, %mul3A_814 : vector<16xi32>
        %add3A_816 = arith.constant 1 : i32
        %add3A_817 = vector.broadcast %add3A_816 : i32 to vector<16xi32>
        %add3A_818 = arith.addi %mul3A_815, %add3A_817 : vector<16xi32>
        %mul3A_819 = arith.constant 2 : i32
        %mul3A_820 = vector.broadcast %mul3A_819 : i32 to vector<16xi32>
        %mul3A_821 = arith.muli %add3A_784, %mul3A_820 : vector<16xi32>
        %add3A_822 = arith.constant 1 : i32
        %add3A_823 = vector.broadcast %add3A_822 : i32 to vector<16xi32>
        %add3A_824 = arith.addi %mul3A_821, %add3A_823 : vector<16xi32>
        %mul3A_825 = arith.constant 2 : i32
        %mul3A_826 = vector.broadcast %mul3A_825 : i32 to vector<16xi32>
        %mul3A_827 = arith.muli %add3A_786, %mul3A_826 : vector<16xi32>
        %add3A_828 = arith.constant 1 : i32
        %add3A_829 = vector.broadcast %add3A_828 : i32 to vector<16xi32>
        %add3A_830 = arith.addi %mul3A_827, %add3A_829 : vector<16xi32>
        %mul3A_831 = arith.constant 2 : i32
        %mul3A_832 = vector.broadcast %mul3A_831 : i32 to vector<16xi32>
        %mul3A_833 = arith.muli %add3A_788, %mul3A_832 : vector<16xi32>
        %add3A_834 = arith.constant 1 : i32
        %add3A_835 = vector.broadcast %add3A_834 : i32 to vector<16xi32>
        %add3A_836 = arith.addi %mul3A_833, %add3A_835 : vector<16xi32>
        %gather3A_837 = tpu.vector_load_idx %arg5[%add3A_769, %add3A_794] : memref<64x128xf32, #tpu.memory_space<vmem>>[vector<16xi32>, vector<16xi32>], vector<16xf32>,
        %gather3A_838 = tpu.vector_load_idx %arg5[%add3A_769, %add3A_800] : memref<64x128xf32, #tpu.memory_space<vmem>>[vector<16xi32>, vector<16xi32>], vector<16xf32>,
        %gather3A_839 = tpu.vector_load_idx %arg5[%add3A_769, %add3A_806] : memref<64x128xf32, #tpu.memory_space<vmem>>[vector<16xi32>, vector<16xi32>], vector<16xf32>,
        %gather3A_840 = tpu.vector_load_idx %arg5[%add3A_769, %add3A_812] : memref<64x128xf32, #tpu.memory_space<vmem>>[vector<16xi32>, vector<16xi32>], vector<16xf32>,
        %gather3A_841 = tpu.vector_load_idx %arg5[%add3A_769, %add3A_818] : memref<64x128xf32, #tpu.memory_space<vmem>>[vector<16xi32>, vector<16xi32>], vector<16xf32>,
        %gather3A_842 = tpu.vector_load_idx %arg5[%add3A_769, %add3A_824] : memref<64x128xf32, #tpu.memory_space<vmem>>[vector<16xi32>, vector<16xi32>], vector<16xf32>,
        %gather3A_843 = tpu.vector_load_idx %arg5[%add3A_769, %add3A_830] : memref<64x128xf32, #tpu.memory_space<vmem>>[vector<16xi32>, vector<16xi32>], vector<16xf32>,
        %gather3A_844 = tpu.vector_load_idx %arg5[%add3A_769, %add3A_836] : memref<64x128xf32, #tpu.memory_space<vmem>>[vector<16xi32>, vector<16xi32>], vector<16xf32>,
        tpu.vector_store_idx %arg7[%add3A_774, %add3A_772], %gather3A_837 : memref<64x128xf32, #tpu.memory_space<vmem>>[vector<16xi32>, vector<16xi32>], vector<16xf32>,
        tpu.vector_store_idx %arg7[%add3A_776, %add3A_772], %gather3A_838 : memref<64x128xf32, #tpu.memory_space<vmem>>[vector<16xi32>, vector<16xi32>], vector<16xf32>,
        tpu.vector_store_idx %arg7[%add3A_778, %add3A_772], %gather3A_839 : memref<64x128xf32, #tpu.memory_space<vmem>>[vector<16xi32>, vector<16xi32>], vector<16xf32>,
        tpu.vector_store_idx %arg7[%add3A_780, %add3A_772], %gather3A_840 : memref<64x128xf32, #tpu.memory_space<vmem>>[vector<16xi32>, vector<16xi32>], vector<16xf32>,
        tpu.vector_store_idx %arg7[%add3A_782, %add3A_772], %gather3A_841 : memref<64x128xf32, #tpu.memory_space<vmem>>[vector<16xi32>, vector<16xi32>], vector<16xf32>,
        tpu.vector_store_idx %arg7[%add3A_784, %add3A_772], %gather3A_842 : memref<64x128xf32, #tpu.memory_space<vmem>>[vector<16xi32>, vector<16xi32>], vector<16xf32>,
        tpu.vector_store_idx %arg7[%add3A_786, %add3A_772], %gather3A_843 : memref<64x128xf32, #tpu.memory_space<vmem>>[vector<16xi32>, vector<16xi32>], vector<16xf32>,
        tpu.vector_store_idx %arg7[%add3A_788, %add3A_772], %gather3A_844 : memref<64x128xf32, #tpu.memory_space<vmem>>[vector<16xi32>, vector<16xi32>], vector<16xf32>,
        %add3A_845 = vector.broadcast %mul3A_167 : i32 to vector<16xi32>
        %add3A_846 = arith.addi %rem3A_53, %add3A_845 : vector<16xi32>
        %add3A_847 = vector.broadcast %mul3A_167 : i32 to vector<16xi32>
        %add3A_848 = arith.addi %rem3A_59, %add3A_847 : vector<16xi32>
        %add3A_849 = vector.broadcast %mul3A_167 : i32 to vector<16xi32>
        %add3A_850 = arith.addi %rem3A_65, %add3A_849 : vector<16xi32>
        %add3A_851 = vector.broadcast %mul3A_167 : i32 to vector<16xi32>
        %add3A_852 = arith.addi %rem3A_71, %add3A_851 : vector<16xi32>
        %add3A_853 = vector.broadcast %mul3A_167 : i32 to vector<16xi32>
        %add3A_854 = arith.addi %rem3A_77, %add3A_853 : vector<16xi32>
        %add3A_855 = vector.broadcast %mul3A_167 : i32 to vector<16xi32>
        %add3A_856 = arith.addi %rem3A_83, %add3A_855 : vector<16xi32>
        %add3A_857 = vector.broadcast %mul3A_167 : i32 to vector<16xi32>
        %add3A_858 = arith.addi %rem3A_89, %add3A_857 : vector<16xi32>
        %add3A_859 = vector.broadcast %mul3A_167 : i32 to vector<16xi32>
        %add3A_860 = arith.addi %rem3A_95, %add3A_859 : vector<16xi32>
        %mul3A_861 = arith.constant 2 : i32
        %mul3A_862 = vector.broadcast %mul3A_861 : i32 to vector<16xi32>
        %mul3A_863 = arith.muli %add3A_846, %mul3A_862 : vector<16xi32>
        %add3A_864 = arith.constant 1 : i32
        %add3A_865 = vector.broadcast %add3A_864 : i32 to vector<16xi32>
        %add3A_866 = arith.addi %mul3A_863, %add3A_865 : vector<16xi32>
        %mul3A_867 = arith.constant 2 : i32
        %mul3A_868 = vector.broadcast %mul3A_867 : i32 to vector<16xi32>
        %mul3A_869 = arith.muli %add3A_848, %mul3A_868 : vector<16xi32>
        %add3A_870 = arith.constant 1 : i32
        %add3A_871 = vector.broadcast %add3A_870 : i32 to vector<16xi32>
        %add3A_872 = arith.addi %mul3A_869, %add3A_871 : vector<16xi32>
        %mul3A_873 = arith.constant 2 : i32
        %mul3A_874 = vector.broadcast %mul3A_873 : i32 to vector<16xi32>
        %mul3A_875 = arith.muli %add3A_850, %mul3A_874 : vector<16xi32>
        %add3A_876 = arith.constant 1 : i32
        %add3A_877 = vector.broadcast %add3A_876 : i32 to vector<16xi32>
        %add3A_878 = arith.addi %mul3A_875, %add3A_877 : vector<16xi32>
        %mul3A_879 = arith.constant 2 : i32
        %mul3A_880 = vector.broadcast %mul3A_879 : i32 to vector<16xi32>
        %mul3A_881 = arith.muli %add3A_852, %mul3A_880 : vector<16xi32>
        %add3A_882 = arith.constant 1 : i32
        %add3A_883 = vector.broadcast %add3A_882 : i32 to vector<16xi32>
        %add3A_884 = arith.addi %mul3A_881, %add3A_883 : vector<16xi32>
        %mul3A_885 = arith.constant 2 : i32
        %mul3A_886 = vector.broadcast %mul3A_885 : i32 to vector<16xi32>
        %mul3A_887 = arith.muli %add3A_854, %mul3A_886 : vector<16xi32>
        %add3A_888 = arith.constant 1 : i32
        %add3A_889 = vector.broadcast %add3A_888 : i32 to vector<16xi32>
        %add3A_890 = arith.addi %mul3A_887, %add3A_889 : vector<16xi32>
        %mul3A_891 = arith.constant 2 : i32
        %mul3A_892 = vector.broadcast %mul3A_891 : i32 to vector<16xi32>
        %mul3A_893 = arith.muli %add3A_856, %mul3A_892 : vector<16xi32>
        %add3A_894 = arith.constant 1 : i32
        %add3A_895 = vector.broadcast %add3A_894 : i32 to vector<16xi32>
        %add3A_896 = arith.addi %mul3A_893, %add3A_895 : vector<16xi32>
        %mul3A_897 = arith.constant 2 : i32
        %mul3A_898 = vector.broadcast %mul3A_897 : i32 to vector<16xi32>
        %mul3A_899 = arith.muli %add3A_858, %mul3A_898 : vector<16xi32>
        %add3A_900 = arith.constant 1 : i32
        %add3A_901 = vector.broadcast %add3A_900 : i32 to vector<16xi32>
        %add3A_902 = arith.addi %mul3A_899, %add3A_901 : vector<16xi32>
        %mul3A_903 = arith.constant 2 : i32
        %mul3A_904 = vector.broadcast %mul3A_903 : i32 to vector<16xi32>
        %mul3A_905 = arith.muli %add3A_860, %mul3A_904 : vector<16xi32>
        %add3A_906 = arith.constant 1 : i32
        %add3A_907 = vector.broadcast %add3A_906 : i32 to vector<16xi32>
        %add3A_908 = arith.addi %mul3A_905, %add3A_907 : vector<16xi32>
        %gather3A_909 = tpu.vector_load_idx %arg5[%add3A_769, %add3A_866] : memref<64x128xf32, #tpu.memory_space<vmem>>[vector<16xi32>, vector<16xi32>], vector<16xf32>,
        %gather3A_910 = tpu.vector_load_idx %arg5[%add3A_769, %add3A_872] : memref<64x128xf32, #tpu.memory_space<vmem>>[vector<16xi32>, vector<16xi32>], vector<16xf32>,
        %gather3A_911 = tpu.vector_load_idx %arg5[%add3A_769, %add3A_878] : memref<64x128xf32, #tpu.memory_space<vmem>>[vector<16xi32>, vector<16xi32>], vector<16xf32>,
        %gather3A_912 = tpu.vector_load_idx %arg5[%add3A_769, %add3A_884] : memref<64x128xf32, #tpu.memory_space<vmem>>[vector<16xi32>, vector<16xi32>], vector<16xf32>,
        %gather3A_913 = tpu.vector_load_idx %arg5[%add3A_769, %add3A_890] : memref<64x128xf32, #tpu.memory_space<vmem>>[vector<16xi32>, vector<16xi32>], vector<16xf32>,
        %gather3A_914 = tpu.vector_load_idx %arg5[%add3A_769, %add3A_896] : memref<64x128xf32, #tpu.memory_space<vmem>>[vector<16xi32>, vector<16xi32>], vector<16xf32>,
        %gather3A_915 = tpu.vector_load_idx %arg5[%add3A_769, %add3A_902] : memref<64x128xf32, #tpu.memory_space<vmem>>[vector<16xi32>, vector<16xi32>], vector<16xf32>,
        %gather3A_916 = tpu.vector_load_idx %arg5[%add3A_769, %add3A_908] : memref<64x128xf32, #tpu.memory_space<vmem>>[vector<16xi32>, vector<16xi32>], vector<16xf32>,
        tpu.vector_store_idx %arg7[%add3A_846, %add3A_772], %gather3A_909 : memref<64x128xf32, #tpu.memory_space<vmem>>[vector<16xi32>, vector<16xi32>], vector<16xf32>,
        tpu.vector_store_idx %arg7[%add3A_848, %add3A_772], %gather3A_910 : memref<64x128xf32, #tpu.memory_space<vmem>>[vector<16xi32>, vector<16xi32>], vector<16xf32>,
        tpu.vector_store_idx %arg7[%add3A_850, %add3A_772], %gather3A_911 : memref<64x128xf32, #tpu.memory_space<vmem>>[vector<16xi32>, vector<16xi32>], vector<16xf32>,
        tpu.vector_store_idx %arg7[%add3A_852, %add3A_772], %gather3A_912 : memref<64x128xf32, #tpu.memory_space<vmem>>[vector<16xi32>, vector<16xi32>], vector<16xf32>,
        tpu.vector_store_idx %arg7[%add3A_854, %add3A_772], %gather3A_913 : memref<64x128xf32, #tpu.memory_space<vmem>>[vector<16xi32>, vector<16xi32>], vector<16xf32>,
        tpu.vector_store_idx %arg7[%add3A_856, %add3A_772], %gather3A_914 : memref<64x128xf32, #tpu.memory_space<vmem>>[vector<16xi32>, vector<16xi32>], vector<16xf32>,
        tpu.vector_store_idx %arg7[%add3A_858, %add3A_772], %gather3A_915 : memref<64x128xf32, #tpu.memory_space<vmem>>[vector<16xi32>, vector<16xi32>], vector<16xf32>,
        tpu.vector_store_idx %arg7[%add3A_860, %add3A_772], %gather3A_916 : memref<64x128xf32, #tpu.memory_space<vmem>>[vector<16xi32>, vector<16xi32>], vector<16xf32>,
        %add3A_917 = arith.constant 16 : i32
        %add3A_918 = vector.broadcast %add3A_917 : i32 to vector<16xi32>
        %add3A_919 = arith.addi %iota3A, %add3A_918 : vector<16xi32>
        %add3A_920 = arith.constant 64 : i32
        %add3A_921 = vector.broadcast %add3A_920 : i32 to vector<16xi32>
        %add3A_922 = arith.addi %add3A_919, %add3A_921 : vector<16xi32>
        %add3A_923 = vector.broadcast %mul3A_167 : i32 to vector<16xi32>
        %add3A_924 = arith.addi %rem3A_5, %add3A_923 : vector<16xi32>
        %add3A_925 = vector.broadcast %mul3A_167 : i32 to vector<16xi32>
        %add3A_926 = arith.addi %rem3A_11, %add3A_925 : vector<16xi32>
        %add3A_927 = vector.broadcast %mul3A_167 : i32 to vector<16xi32>
        %add3A_928 = arith.addi %rem3A_17, %add3A_927 : vector<16xi32>
        %add3A_929 = vector.broadcast %mul3A_167 : i32 to vector<16xi32>
        %add3A_930 = arith.addi %rem3A_23, %add3A_929 : vector<16xi32>
        %add3A_931 = vector.broadcast %mul3A_167 : i32 to vector<16xi32>
        %add3A_932 = arith.addi %rem3A_29, %add3A_931 : vector<16xi32>
        %add3A_933 = vector.broadcast %mul3A_167 : i32 to vector<16xi32>
        %add3A_934 = arith.addi %rem3A_35, %add3A_933 : vector<16xi32>
        %add3A_935 = vector.broadcast %mul3A_167 : i32 to vector<16xi32>
        %add3A_936 = arith.addi %rem3A_41, %add3A_935 : vector<16xi32>
        %add3A_937 = vector.broadcast %mul3A_167 : i32 to vector<16xi32>
        %add3A_938 = arith.addi %rem3A_47, %add3A_937 : vector<16xi32>
        %mul3A_939 = arith.constant 2 : i32
        %mul3A_940 = vector.broadcast %mul3A_939 : i32 to vector<16xi32>
        %mul3A_941 = arith.muli %add3A_924, %mul3A_940 : vector<16xi32>
        %add3A_942 = arith.constant 1 : i32
        %add3A_943 = vector.broadcast %add3A_942 : i32 to vector<16xi32>
        %add3A_944 = arith.addi %mul3A_941, %add3A_943 : vector<16xi32>
        %mul3A_945 = arith.constant 2 : i32
        %mul3A_946 = vector.broadcast %mul3A_945 : i32 to vector<16xi32>
        %mul3A_947 = arith.muli %add3A_926, %mul3A_946 : vector<16xi32>
        %add3A_948 = arith.constant 1 : i32
        %add3A_949 = vector.broadcast %add3A_948 : i32 to vector<16xi32>
        %add3A_950 = arith.addi %mul3A_947, %add3A_949 : vector<16xi32>
        %mul3A_951 = arith.constant 2 : i32
        %mul3A_952 = vector.broadcast %mul3A_951 : i32 to vector<16xi32>
        %mul3A_953 = arith.muli %add3A_928, %mul3A_952 : vector<16xi32>
        %add3A_954 = arith.constant 1 : i32
        %add3A_955 = vector.broadcast %add3A_954 : i32 to vector<16xi32>
        %add3A_956 = arith.addi %mul3A_953, %add3A_955 : vector<16xi32>
        %mul3A_957 = arith.constant 2 : i32
        %mul3A_958 = vector.broadcast %mul3A_957 : i32 to vector<16xi32>
        %mul3A_959 = arith.muli %add3A_930, %mul3A_958 : vector<16xi32>
        %add3A_960 = arith.constant 1 : i32
        %add3A_961 = vector.broadcast %add3A_960 : i32 to vector<16xi32>
        %add3A_962 = arith.addi %mul3A_959, %add3A_961 : vector<16xi32>
        %mul3A_963 = arith.constant 2 : i32
        %mul3A_964 = vector.broadcast %mul3A_963 : i32 to vector<16xi32>
        %mul3A_965 = arith.muli %add3A_932, %mul3A_964 : vector<16xi32>
        %add3A_966 = arith.constant 1 : i32
        %add3A_967 = vector.broadcast %add3A_966 : i32 to vector<16xi32>
        %add3A_968 = arith.addi %mul3A_965, %add3A_967 : vector<16xi32>
        %mul3A_969 = arith.constant 2 : i32
        %mul3A_970 = vector.broadcast %mul3A_969 : i32 to vector<16xi32>
        %mul3A_971 = arith.muli %add3A_934, %mul3A_970 : vector<16xi32>
        %add3A_972 = arith.constant 1 : i32
        %add3A_973 = vector.broadcast %add3A_972 : i32 to vector<16xi32>
        %add3A_974 = arith.addi %mul3A_971, %add3A_973 : vector<16xi32>
        %mul3A_975 = arith.constant 2 : i32
        %mul3A_976 = vector.broadcast %mul3A_975 : i32 to vector<16xi32>
        %mul3A_977 = arith.muli %add3A_936, %mul3A_976 : vector<16xi32>
        %add3A_978 = arith.constant 1 : i32
        %add3A_979 = vector.broadcast %add3A_978 : i32 to vector<16xi32>
        %add3A_980 = arith.addi %mul3A_977, %add3A_979 : vector<16xi32>
        %mul3A_981 = arith.constant 2 : i32
        %mul3A_982 = vector.broadcast %mul3A_981 : i32 to vector<16xi32>
        %mul3A_983 = arith.muli %add3A_938, %mul3A_982 : vector<16xi32>
        %add3A_984 = arith.constant 1 : i32
        %add3A_985 = vector.broadcast %add3A_984 : i32 to vector<16xi32>
        %add3A_986 = arith.addi %mul3A_983, %add3A_985 : vector<16xi32>
        %gather3A_987 = tpu.vector_load_idx %arg5[%add3A_919, %add3A_944] : memref<64x128xf32, #tpu.memory_space<vmem>>[vector<16xi32>, vector<16xi32>], vector<16xf32>,
        %gather3A_988 = tpu.vector_load_idx %arg5[%add3A_919, %add3A_950] : memref<64x128xf32, #tpu.memory_space<vmem>>[vector<16xi32>, vector<16xi32>], vector<16xf32>,
        %gather3A_989 = tpu.vector_load_idx %arg5[%add3A_919, %add3A_956] : memref<64x128xf32, #tpu.memory_space<vmem>>[vector<16xi32>, vector<16xi32>], vector<16xf32>,
        %gather3A_990 = tpu.vector_load_idx %arg5[%add3A_919, %add3A_962] : memref<64x128xf32, #tpu.memory_space<vmem>>[vector<16xi32>, vector<16xi32>], vector<16xf32>,
        %gather3A_991 = tpu.vector_load_idx %arg5[%add3A_919, %add3A_968] : memref<64x128xf32, #tpu.memory_space<vmem>>[vector<16xi32>, vector<16xi32>], vector<16xf32>,
        %gather3A_992 = tpu.vector_load_idx %arg5[%add3A_919, %add3A_974] : memref<64x128xf32, #tpu.memory_space<vmem>>[vector<16xi32>, vector<16xi32>], vector<16xf32>,
        %gather3A_993 = tpu.vector_load_idx %arg5[%add3A_919, %add3A_980] : memref<64x128xf32, #tpu.memory_space<vmem>>[vector<16xi32>, vector<16xi32>], vector<16xf32>,
        %gather3A_994 = tpu.vector_load_idx %arg5[%add3A_919, %add3A_986] : memref<64x128xf32, #tpu.memory_space<vmem>>[vector<16xi32>, vector<16xi32>], vector<16xf32>,
        tpu.vector_store_idx %arg7[%add3A_924, %add3A_922], %gather3A_987 : memref<64x128xf32, #tpu.memory_space<vmem>>[vector<16xi32>, vector<16xi32>], vector<16xf32>,
        tpu.vector_store_idx %arg7[%add3A_926, %add3A_922], %gather3A_988 : memref<64x128xf32, #tpu.memory_space<vmem>>[vector<16xi32>, vector<16xi32>], vector<16xf32>,
        tpu.vector_store_idx %arg7[%add3A_928, %add3A_922], %gather3A_989 : memref<64x128xf32, #tpu.memory_space<vmem>>[vector<16xi32>, vector<16xi32>], vector<16xf32>,
        tpu.vector_store_idx %arg7[%add3A_930, %add3A_922], %gather3A_990 : memref<64x128xf32, #tpu.memory_space<vmem>>[vector<16xi32>, vector<16xi32>], vector<16xf32>,
        tpu.vector_store_idx %arg7[%add3A_932, %add3A_922], %gather3A_991 : memref<64x128xf32, #tpu.memory_space<vmem>>[vector<16xi32>, vector<16xi32>], vector<16xf32>,
        tpu.vector_store_idx %arg7[%add3A_934, %add3A_922], %gather3A_992 : memref<64x128xf32, #tpu.memory_space<vmem>>[vector<16xi32>, vector<16xi32>], vector<16xf32>,
        tpu.vector_store_idx %arg7[%add3A_936, %add3A_922], %gather3A_993 : memref<64x128xf32, #tpu.memory_space<vmem>>[vector<16xi32>, vector<16xi32>], vector<16xf32>,
        tpu.vector_store_idx %arg7[%add3A_938, %add3A_922], %gather3A_994 : memref<64x128xf32, #tpu.memory_space<vmem>>[vector<16xi32>, vector<16xi32>], vector<16xf32>,
        %add3A_995 = vector.broadcast %mul3A_167 : i32 to vector<16xi32>
        %add3A_996 = arith.addi %rem3A_53, %add3A_995 : vector<16xi32>
        %add3A_997 = vector.broadcast %mul3A_167 : i32 to vector<16xi32>
        %add3A_998 = arith.addi %rem3A_59, %add3A_997 : vector<16xi32>
        %add3A_999 = vector.broadcast %mul3A_167 : i32 to vector<16xi32>
        %add3A_1000 = arith.addi %rem3A_65, %add3A_999 : vector<16xi32>
        %add3A_1001 = vector.broadcast %mul3A_167 : i32 to vector<16xi32>
        %add3A_1002 = arith.addi %rem3A_71, %add3A_1001 : vector<16xi32>
        %add3A_1003 = vector.broadcast %mul3A_167 : i32 to vector<16xi32>
        %add3A_1004 = arith.addi %rem3A_77, %add3A_1003 : vector<16xi32>
        %add3A_1005 = vector.broadcast %mul3A_167 : i32 to vector<16xi32>
        %add3A_1006 = arith.addi %rem3A_83, %add3A_1005 : vector<16xi32>
        %add3A_1007 = vector.broadcast %mul3A_167 : i32 to vector<16xi32>
        %add3A_1008 = arith.addi %rem3A_89, %add3A_1007 : vector<16xi32>
        %add3A_1009 = vector.broadcast %mul3A_167 : i32 to vector<16xi32>
        %add3A_1010 = arith.addi %rem3A_95, %add3A_1009 : vector<16xi32>
        %mul3A_1011 = arith.constant 2 : i32
        %mul3A_1012 = vector.broadcast %mul3A_1011 : i32 to vector<16xi32>
        %mul3A_1013 = arith.muli %add3A_996, %mul3A_1012 : vector<16xi32>
        %add3A_1014 = arith.constant 1 : i32
        %add3A_1015 = vector.broadcast %add3A_1014 : i32 to vector<16xi32>
        %add3A_1016 = arith.addi %mul3A_1013, %add3A_1015 : vector<16xi32>
        %mul3A_1017 = arith.constant 2 : i32
        %mul3A_1018 = vector.broadcast %mul3A_1017 : i32 to vector<16xi32>
        %mul3A_1019 = arith.muli %add3A_998, %mul3A_1018 : vector<16xi32>
        %add3A_1020 = arith.constant 1 : i32
        %add3A_1021 = vector.broadcast %add3A_1020 : i32 to vector<16xi32>
        %add3A_1022 = arith.addi %mul3A_1019, %add3A_1021 : vector<16xi32>
        %mul3A_1023 = arith.constant 2 : i32
        %mul3A_1024 = vector.broadcast %mul3A_1023 : i32 to vector<16xi32>
        %mul3A_1025 = arith.muli %add3A_1000, %mul3A_1024 : vector<16xi32>
        %add3A_1026 = arith.constant 1 : i32
        %add3A_1027 = vector.broadcast %add3A_1026 : i32 to vector<16xi32>
        %add3A_1028 = arith.addi %mul3A_1025, %add3A_1027 : vector<16xi32>
        %mul3A_1029 = arith.constant 2 : i32
        %mul3A_1030 = vector.broadcast %mul3A_1029 : i32 to vector<16xi32>
        %mul3A_1031 = arith.muli %add3A_1002, %mul3A_1030 : vector<16xi32>
        %add3A_1032 = arith.constant 1 : i32
        %add3A_1033 = vector.broadcast %add3A_1032 : i32 to vector<16xi32>
        %add3A_1034 = arith.addi %mul3A_1031, %add3A_1033 : vector<16xi32>
        %mul3A_1035 = arith.constant 2 : i32
        %mul3A_1036 = vector.broadcast %mul3A_1035 : i32 to vector<16xi32>
        %mul3A_1037 = arith.muli %add3A_1004, %mul3A_1036 : vector<16xi32>
        %add3A_1038 = arith.constant 1 : i32
        %add3A_1039 = vector.broadcast %add3A_1038 : i32 to vector<16xi32>
        %add3A_1040 = arith.addi %mul3A_1037, %add3A_1039 : vector<16xi32>
        %mul3A_1041 = arith.constant 2 : i32
        %mul3A_1042 = vector.broadcast %mul3A_1041 : i32 to vector<16xi32>
        %mul3A_1043 = arith.muli %add3A_1006, %mul3A_1042 : vector<16xi32>
        %add3A_1044 = arith.constant 1 : i32
        %add3A_1045 = vector.broadcast %add3A_1044 : i32 to vector<16xi32>
        %add3A_1046 = arith.addi %mul3A_1043, %add3A_1045 : vector<16xi32>
        %mul3A_1047 = arith.constant 2 : i32
        %mul3A_1048 = vector.broadcast %mul3A_1047 : i32 to vector<16xi32>
        %mul3A_1049 = arith.muli %add3A_1008, %mul3A_1048 : vector<16xi32>
        %add3A_1050 = arith.constant 1 : i32
        %add3A_1051 = vector.broadcast %add3A_1050 : i32 to vector<16xi32>
        %add3A_1052 = arith.addi %mul3A_1049, %add3A_1051 : vector<16xi32>
        %mul3A_1053 = arith.constant 2 : i32
        %mul3A_1054 = vector.broadcast %mul3A_1053 : i32 to vector<16xi32>
        %mul3A_1055 = arith.muli %add3A_1010, %mul3A_1054 : vector<16xi32>
        %add3A_1056 = arith.constant 1 : i32
        %add3A_1057 = vector.broadcast %add3A_1056 : i32 to vector<16xi32>
        %add3A_1058 = arith.addi %mul3A_1055, %add3A_1057 : vector<16xi32>
        %gather3A_1059 = tpu.vector_load_idx %arg5[%add3A_919, %add3A_1016] : memref<64x128xf32, #tpu.memory_space<vmem>>[vector<16xi32>, vector<16xi32>], vector<16xf32>,
        %gather3A_1060 = tpu.vector_load_idx %arg5[%add3A_919, %add3A_1022] : memref<64x128xf32, #tpu.memory_space<vmem>>[vector<16xi32>, vector<16xi32>], vector<16xf32>,
        %gather3A_1061 = tpu.vector_load_idx %arg5[%add3A_919, %add3A_1028] : memref<64x128xf32, #tpu.memory_space<vmem>>[vector<16xi32>, vector<16xi32>], vector<16xf32>,
        %gather3A_1062 = tpu.vector_load_idx %arg5[%add3A_919, %add3A_1034] : memref<64x128xf32, #tpu.memory_space<vmem>>[vector<16xi32>, vector<16xi32>], vector<16xf32>,
        %gather3A_1063 = tpu.vector_load_idx %arg5[%add3A_919, %add3A_1040] : memref<64x128xf32, #tpu.memory_space<vmem>>[vector<16xi32>, vector<16xi32>], vector<16xf32>,
        %gather3A_1064 = tpu.vector_load_idx %arg5[%add3A_919, %add3A_1046] : memref<64x128xf32, #tpu.memory_space<vmem>>[vector<16xi32>, vector<16xi32>], vector<16xf32>,
        %gather3A_1065 = tpu.vector_load_idx %arg5[%add3A_919, %add3A_1052] : memref<64x128xf32, #tpu.memory_space<vmem>>[vector<16xi32>, vector<16xi32>], vector<16xf32>,
        %gather3A_1066 = tpu.vector_load_idx %arg5[%add3A_919, %add3A_1058] : memref<64x128xf32, #tpu.memory_space<vmem>>[vector<16xi32>, vector<16xi32>], vector<16xf32>,
        tpu.vector_store_idx %arg7[%add3A_996, %add3A_922], %gather3A_1059 : memref<64x128xf32, #tpu.memory_space<vmem>>[vector<16xi32>, vector<16xi32>], vector<16xf32>,
        tpu.vector_store_idx %arg7[%add3A_998, %add3A_922], %gather3A_1060 : memref<64x128xf32, #tpu.memory_space<vmem>>[vector<16xi32>, vector<16xi32>], vector<16xf32>,
        tpu.vector_store_idx %arg7[%add3A_1000, %add3A_922], %gather3A_1061 : memref<64x128xf32, #tpu.memory_space<vmem>>[vector<16xi32>, vector<16xi32>], vector<16xf32>,
        tpu.vector_store_idx %arg7[%add3A_1002, %add3A_922], %gather3A_1062 : memref<64x128xf32, #tpu.memory_space<vmem>>[vector<16xi32>, vector<16xi32>], vector<16xf32>,
        tpu.vector_store_idx %arg7[%add3A_1004, %add3A_922], %gather3A_1063 : memref<64x128xf32, #tpu.memory_space<vmem>>[vector<16xi32>, vector<16xi32>], vector<16xf32>,
        tpu.vector_store_idx %arg7[%add3A_1006, %add3A_922], %gather3A_1064 : memref<64x128xf32, #tpu.memory_space<vmem>>[vector<16xi32>, vector<16xi32>], vector<16xf32>,
        tpu.vector_store_idx %arg7[%add3A_1008, %add3A_922], %gather3A_1065 : memref<64x128xf32, #tpu.memory_space<vmem>>[vector<16xi32>, vector<16xi32>], vector<16xf32>,
        tpu.vector_store_idx %arg7[%add3A_1010, %add3A_922], %gather3A_1066 : memref<64x128xf32, #tpu.memory_space<vmem>>[vector<16xi32>, vector<16xi32>], vector<16xf32>,
        %add3A_1067 = arith.constant 32 : i32
        %add3A_1068 = vector.broadcast %add3A_1067 : i32 to vector<16xi32>
        %add3A_1069 = arith.addi %iota3A, %add3A_1068 : vector<16xi32>
        %add3A_1070 = arith.constant 64 : i32
        %add3A_1071 = vector.broadcast %add3A_1070 : i32 to vector<16xi32>
        %add3A_1072 = arith.addi %add3A_1069, %add3A_1071 : vector<16xi32>
        %add3A_1073 = vector.broadcast %mul3A_167 : i32 to vector<16xi32>
        %add3A_1074 = arith.addi %rem3A_5, %add3A_1073 : vector<16xi32>
        %add3A_1075 = vector.broadcast %mul3A_167 : i32 to vector<16xi32>
        %add3A_1076 = arith.addi %rem3A_11, %add3A_1075 : vector<16xi32>
        %add3A_1077 = vector.broadcast %mul3A_167 : i32 to vector<16xi32>
        %add3A_1078 = arith.addi %rem3A_17, %add3A_1077 : vector<16xi32>
        %add3A_1079 = vector.broadcast %mul3A_167 : i32 to vector<16xi32>
        %add3A_1080 = arith.addi %rem3A_23, %add3A_1079 : vector<16xi32>
        %add3A_1081 = vector.broadcast %mul3A_167 : i32 to vector<16xi32>
        %add3A_1082 = arith.addi %rem3A_29, %add3A_1081 : vector<16xi32>
        %add3A_1083 = vector.broadcast %mul3A_167 : i32 to vector<16xi32>
        %add3A_1084 = arith.addi %rem3A_35, %add3A_1083 : vector<16xi32>
        %add3A_1085 = vector.broadcast %mul3A_167 : i32 to vector<16xi32>
        %add3A_1086 = arith.addi %rem3A_41, %add3A_1085 : vector<16xi32>
        %add3A_1087 = vector.broadcast %mul3A_167 : i32 to vector<16xi32>
        %add3A_1088 = arith.addi %rem3A_47, %add3A_1087 : vector<16xi32>
        %mul3A_1089 = arith.constant 2 : i32
        %mul3A_1090 = vector.broadcast %mul3A_1089 : i32 to vector<16xi32>
        %mul3A_1091 = arith.muli %add3A_1074, %mul3A_1090 : vector<16xi32>
        %add3A_1092 = arith.constant 1 : i32
        %add3A_1093 = vector.broadcast %add3A_1092 : i32 to vector<16xi32>
        %add3A_1094 = arith.addi %mul3A_1091, %add3A_1093 : vector<16xi32>
        %mul3A_1095 = arith.constant 2 : i32
        %mul3A_1096 = vector.broadcast %mul3A_1095 : i32 to vector<16xi32>
        %mul3A_1097 = arith.muli %add3A_1076, %mul3A_1096 : vector<16xi32>
        %add3A_1098 = arith.constant 1 : i32
        %add3A_1099 = vector.broadcast %add3A_1098 : i32 to vector<16xi32>
        %add3A_1100 = arith.addi %mul3A_1097, %add3A_1099 : vector<16xi32>
        %mul3A_1101 = arith.constant 2 : i32
        %mul3A_1102 = vector.broadcast %mul3A_1101 : i32 to vector<16xi32>
        %mul3A_1103 = arith.muli %add3A_1078, %mul3A_1102 : vector<16xi32>
        %add3A_1104 = arith.constant 1 : i32
        %add3A_1105 = vector.broadcast %add3A_1104 : i32 to vector<16xi32>
        %add3A_1106 = arith.addi %mul3A_1103, %add3A_1105 : vector<16xi32>
        %mul3A_1107 = arith.constant 2 : i32
        %mul3A_1108 = vector.broadcast %mul3A_1107 : i32 to vector<16xi32>
        %mul3A_1109 = arith.muli %add3A_1080, %mul3A_1108 : vector<16xi32>
        %add3A_1110 = arith.constant 1 : i32
        %add3A_1111 = vector.broadcast %add3A_1110 : i32 to vector<16xi32>
        %add3A_1112 = arith.addi %mul3A_1109, %add3A_1111 : vector<16xi32>
        %mul3A_1113 = arith.constant 2 : i32
        %mul3A_1114 = vector.broadcast %mul3A_1113 : i32 to vector<16xi32>
        %mul3A_1115 = arith.muli %add3A_1082, %mul3A_1114 : vector<16xi32>
        %add3A_1116 = arith.constant 1 : i32
        %add3A_1117 = vector.broadcast %add3A_1116 : i32 to vector<16xi32>
        %add3A_1118 = arith.addi %mul3A_1115, %add3A_1117 : vector<16xi32>
        %mul3A_1119 = arith.constant 2 : i32
        %mul3A_1120 = vector.broadcast %mul3A_1119 : i32 to vector<16xi32>
        %mul3A_1121 = arith.muli %add3A_1084, %mul3A_1120 : vector<16xi32>
        %add3A_1122 = arith.constant 1 : i32
        %add3A_1123 = vector.broadcast %add3A_1122 : i32 to vector<16xi32>
        %add3A_1124 = arith.addi %mul3A_1121, %add3A_1123 : vector<16xi32>
        %mul3A_1125 = arith.constant 2 : i32
        %mul3A_1126 = vector.broadcast %mul3A_1125 : i32 to vector<16xi32>
        %mul3A_1127 = arith.muli %add3A_1086, %mul3A_1126 : vector<16xi32>
        %add3A_1128 = arith.constant 1 : i32
        %add3A_1129 = vector.broadcast %add3A_1128 : i32 to vector<16xi32>
        %add3A_1130 = arith.addi %mul3A_1127, %add3A_1129 : vector<16xi32>
        %mul3A_1131 = arith.constant 2 : i32
        %mul3A_1132 = vector.broadcast %mul3A_1131 : i32 to vector<16xi32>
        %mul3A_1133 = arith.muli %add3A_1088, %mul3A_1132 : vector<16xi32>
        %add3A_1134 = arith.constant 1 : i32
        %add3A_1135 = vector.broadcast %add3A_1134 : i32 to vector<16xi32>
        %add3A_1136 = arith.addi %mul3A_1133, %add3A_1135 : vector<16xi32>
        %gather3A_1137 = tpu.vector_load_idx %arg5[%add3A_1069, %add3A_1094] : memref<64x128xf32, #tpu.memory_space<vmem>>[vector<16xi32>, vector<16xi32>], vector<16xf32>,
        %gather3A_1138 = tpu.vector_load_idx %arg5[%add3A_1069, %add3A_1100] : memref<64x128xf32, #tpu.memory_space<vmem>>[vector<16xi32>, vector<16xi32>], vector<16xf32>,
        %gather3A_1139 = tpu.vector_load_idx %arg5[%add3A_1069, %add3A_1106] : memref<64x128xf32, #tpu.memory_space<vmem>>[vector<16xi32>, vector<16xi32>], vector<16xf32>,
        %gather3A_1140 = tpu.vector_load_idx %arg5[%add3A_1069, %add3A_1112] : memref<64x128xf32, #tpu.memory_space<vmem>>[vector<16xi32>, vector<16xi32>], vector<16xf32>,
        %gather3A_1141 = tpu.vector_load_idx %arg5[%add3A_1069, %add3A_1118] : memref<64x128xf32, #tpu.memory_space<vmem>>[vector<16xi32>, vector<16xi32>], vector<16xf32>,
        %gather3A_1142 = tpu.vector_load_idx %arg5[%add3A_1069, %add3A_1124] : memref<64x128xf32, #tpu.memory_space<vmem>>[vector<16xi32>, vector<16xi32>], vector<16xf32>,
        %gather3A_1143 = tpu.vector_load_idx %arg5[%add3A_1069, %add3A_1130] : memref<64x128xf32, #tpu.memory_space<vmem>>[vector<16xi32>, vector<16xi32>], vector<16xf32>,
        %gather3A_1144 = tpu.vector_load_idx %arg5[%add3A_1069, %add3A_1136] : memref<64x128xf32, #tpu.memory_space<vmem>>[vector<16xi32>, vector<16xi32>], vector<16xf32>,
        tpu.vector_store_idx %arg7[%add3A_1074, %add3A_1072], %gather3A_1137 : memref<64x128xf32, #tpu.memory_space<vmem>>[vector<16xi32>, vector<16xi32>], vector<16xf32>,
        tpu.vector_store_idx %arg7[%add3A_1076, %add3A_1072], %gather3A_1138 : memref<64x128xf32, #tpu.memory_space<vmem>>[vector<16xi32>, vector<16xi32>], vector<16xf32>,
        tpu.vector_store_idx %arg7[%add3A_1078, %add3A_1072], %gather3A_1139 : memref<64x128xf32, #tpu.memory_space<vmem>>[vector<16xi32>, vector<16xi32>], vector<16xf32>,
        tpu.vector_store_idx %arg7[%add3A_1080, %add3A_1072], %gather3A_1140 : memref<64x128xf32, #tpu.memory_space<vmem>>[vector<16xi32>, vector<16xi32>], vector<16xf32>,
        tpu.vector_store_idx %arg7[%add3A_1082, %add3A_1072], %gather3A_1141 : memref<64x128xf32, #tpu.memory_space<vmem>>[vector<16xi32>, vector<16xi32>], vector<16xf32>,
        tpu.vector_store_idx %arg7[%add3A_1084, %add3A_1072], %gather3A_1142 : memref<64x128xf32, #tpu.memory_space<vmem>>[vector<16xi32>, vector<16xi32>], vector<16xf32>,
        tpu.vector_store_idx %arg7[%add3A_1086, %add3A_1072], %gather3A_1143 : memref<64x128xf32, #tpu.memory_space<vmem>>[vector<16xi32>, vector<16xi32>], vector<16xf32>,
        tpu.vector_store_idx %arg7[%add3A_1088, %add3A_1072], %gather3A_1144 : memref<64x128xf32, #tpu.memory_space<vmem>>[vector<16xi32>, vector<16xi32>], vector<16xf32>,
        %add3A_1145 = vector.broadcast %mul3A_167 : i32 to vector<16xi32>
        %add3A_1146 = arith.addi %rem3A_53, %add3A_1145 : vector<16xi32>
        %add3A_1147 = vector.broadcast %mul3A_167 : i32 to vector<16xi32>
        %add3A_1148 = arith.addi %rem3A_59, %add3A_1147 : vector<16xi32>
        %add3A_1149 = vector.broadcast %mul3A_167 : i32 to vector<16xi32>
        %add3A_1150 = arith.addi %rem3A_65, %add3A_1149 : vector<16xi32>
        %add3A_1151 = vector.broadcast %mul3A_167 : i32 to vector<16xi32>
        %add3A_1152 = arith.addi %rem3A_71, %add3A_1151 : vector<16xi32>
        %add3A_1153 = vector.broadcast %mul3A_167 : i32 to vector<16xi32>
        %add3A_1154 = arith.addi %rem3A_77, %add3A_1153 : vector<16xi32>
        %add3A_1155 = vector.broadcast %mul3A_167 : i32 to vector<16xi32>
        %add3A_1156 = arith.addi %rem3A_83, %add3A_1155 : vector<16xi32>
        %add3A_1157 = vector.broadcast %mul3A_167 : i32 to vector<16xi32>
        %add3A_1158 = arith.addi %rem3A_89, %add3A_1157 : vector<16xi32>
        %add3A_1159 = vector.broadcast %mul3A_167 : i32 to vector<16xi32>
        %add3A_1160 = arith.addi %rem3A_95, %add3A_1159 : vector<16xi32>
        %mul3A_1161 = arith.constant 2 : i32
        %mul3A_1162 = vector.broadcast %mul3A_1161 : i32 to vector<16xi32>
        %mul3A_1163 = arith.muli %add3A_1146, %mul3A_1162 : vector<16xi32>
        %add3A_1164 = arith.constant 1 : i32
        %add3A_1165 = vector.broadcast %add3A_1164 : i32 to vector<16xi32>
        %add3A_1166 = arith.addi %mul3A_1163, %add3A_1165 : vector<16xi32>
        %mul3A_1167 = arith.constant 2 : i32
        %mul3A_1168 = vector.broadcast %mul3A_1167 : i32 to vector<16xi32>
        %mul3A_1169 = arith.muli %add3A_1148, %mul3A_1168 : vector<16xi32>
        %add3A_1170 = arith.constant 1 : i32
        %add3A_1171 = vector.broadcast %add3A_1170 : i32 to vector<16xi32>
        %add3A_1172 = arith.addi %mul3A_1169, %add3A_1171 : vector<16xi32>
        %mul3A_1173 = arith.constant 2 : i32
        %mul3A_1174 = vector.broadcast %mul3A_1173 : i32 to vector<16xi32>
        %mul3A_1175 = arith.muli %add3A_1150, %mul3A_1174 : vector<16xi32>
        %add3A_1176 = arith.constant 1 : i32
        %add3A_1177 = vector.broadcast %add3A_1176 : i32 to vector<16xi32>
        %add3A_1178 = arith.addi %mul3A_1175, %add3A_1177 : vector<16xi32>
        %mul3A_1179 = arith.constant 2 : i32
        %mul3A_1180 = vector.broadcast %mul3A_1179 : i32 to vector<16xi32>
        %mul3A_1181 = arith.muli %add3A_1152, %mul3A_1180 : vector<16xi32>
        %add3A_1182 = arith.constant 1 : i32
        %add3A_1183 = vector.broadcast %add3A_1182 : i32 to vector<16xi32>
        %add3A_1184 = arith.addi %mul3A_1181, %add3A_1183 : vector<16xi32>
        %mul3A_1185 = arith.constant 2 : i32
        %mul3A_1186 = vector.broadcast %mul3A_1185 : i32 to vector<16xi32>
        %mul3A_1187 = arith.muli %add3A_1154, %mul3A_1186 : vector<16xi32>
        %add3A_1188 = arith.constant 1 : i32
        %add3A_1189 = vector.broadcast %add3A_1188 : i32 to vector<16xi32>
        %add3A_1190 = arith.addi %mul3A_1187, %add3A_1189 : vector<16xi32>
        %mul3A_1191 = arith.constant 2 : i32
        %mul3A_1192 = vector.broadcast %mul3A_1191 : i32 to vector<16xi32>
        %mul3A_1193 = arith.muli %add3A_1156, %mul3A_1192 : vector<16xi32>
        %add3A_1194 = arith.constant 1 : i32
        %add3A_1195 = vector.broadcast %add3A_1194 : i32 to vector<16xi32>
        %add3A_1196 = arith.addi %mul3A_1193, %add3A_1195 : vector<16xi32>
        %mul3A_1197 = arith.constant 2 : i32
        %mul3A_1198 = vector.broadcast %mul3A_1197 : i32 to vector<16xi32>
        %mul3A_1199 = arith.muli %add3A_1158, %mul3A_1198 : vector<16xi32>
        %add3A_1200 = arith.constant 1 : i32
        %add3A_1201 = vector.broadcast %add3A_1200 : i32 to vector<16xi32>
        %add3A_1202 = arith.addi %mul3A_1199, %add3A_1201 : vector<16xi32>
        %mul3A_1203 = arith.constant 2 : i32
        %mul3A_1204 = vector.broadcast %mul3A_1203 : i32 to vector<16xi32>
        %mul3A_1205 = arith.muli %add3A_1160, %mul3A_1204 : vector<16xi32>
        %add3A_1206 = arith.constant 1 : i32
        %add3A_1207 = vector.broadcast %add3A_1206 : i32 to vector<16xi32>
        %add3A_1208 = arith.addi %mul3A_1205, %add3A_1207 : vector<16xi32>
        %gather3A_1209 = tpu.vector_load_idx %arg5[%add3A_1069, %add3A_1166] : memref<64x128xf32, #tpu.memory_space<vmem>>[vector<16xi32>, vector<16xi32>], vector<16xf32>,
        %gather3A_1210 = tpu.vector_load_idx %arg5[%add3A_1069, %add3A_1172] : memref<64x128xf32, #tpu.memory_space<vmem>>[vector<16xi32>, vector<16xi32>], vector<16xf32>,
        %gather3A_1211 = tpu.vector_load_idx %arg5[%add3A_1069, %add3A_1178] : memref<64x128xf32, #tpu.memory_space<vmem>>[vector<16xi32>, vector<16xi32>], vector<16xf32>,
        %gather3A_1212 = tpu.vector_load_idx %arg5[%add3A_1069, %add3A_1184] : memref<64x128xf32, #tpu.memory_space<vmem>>[vector<16xi32>, vector<16xi32>], vector<16xf32>,
        %gather3A_1213 = tpu.vector_load_idx %arg5[%add3A_1069, %add3A_1190] : memref<64x128xf32, #tpu.memory_space<vmem>>[vector<16xi32>, vector<16xi32>], vector<16xf32>,
        %gather3A_1214 = tpu.vector_load_idx %arg5[%add3A_1069, %add3A_1196] : memref<64x128xf32, #tpu.memory_space<vmem>>[vector<16xi32>, vector<16xi32>], vector<16xf32>,
        %gather3A_1215 = tpu.vector_load_idx %arg5[%add3A_1069, %add3A_1202] : memref<64x128xf32, #tpu.memory_space<vmem>>[vector<16xi32>, vector<16xi32>], vector<16xf32>,
        %gather3A_1216 = tpu.vector_load_idx %arg5[%add3A_1069, %add3A_1208] : memref<64x128xf32, #tpu.memory_space<vmem>>[vector<16xi32>, vector<16xi32>], vector<16xf32>,
        tpu.vector_store_idx %arg7[%add3A_1146, %add3A_1072], %gather3A_1209 : memref<64x128xf32, #tpu.memory_space<vmem>>[vector<16xi32>, vector<16xi32>], vector<16xf32>,
        tpu.vector_store_idx %arg7[%add3A_1148, %add3A_1072], %gather3A_1210 : memref<64x128xf32, #tpu.memory_space<vmem>>[vector<16xi32>, vector<16xi32>], vector<16xf32>,
        tpu.vector_store_idx %arg7[%add3A_1150, %add3A_1072], %gather3A_1211 : memref<64x128xf32, #tpu.memory_space<vmem>>[vector<16xi32>, vector<16xi32>], vector<16xf32>,
        tpu.vector_store_idx %arg7[%add3A_1152, %add3A_1072], %gather3A_1212 : memref<64x128xf32, #tpu.memory_space<vmem>>[vector<16xi32>, vector<16xi32>], vector<16xf32>,
        tpu.vector_store_idx %arg7[%add3A_1154, %add3A_1072], %gather3A_1213 : memref<64x128xf32, #tpu.memory_space<vmem>>[vector<16xi32>, vector<16xi32>], vector<16xf32>,
        tpu.vector_store_idx %arg7[%add3A_1156, %add3A_1072], %gather3A_1214 : memref<64x128xf32, #tpu.memory_space<vmem>>[vector<16xi32>, vector<16xi32>], vector<16xf32>,
        tpu.vector_store_idx %arg7[%add3A_1158, %add3A_1072], %gather3A_1215 : memref<64x128xf32, #tpu.memory_space<vmem>>[vector<16xi32>, vector<16xi32>], vector<16xf32>,
        tpu.vector_store_idx %arg7[%add3A_1160, %add3A_1072], %gather3A_1216 : memref<64x128xf32, #tpu.memory_space<vmem>>[vector<16xi32>, vector<16xi32>], vector<16xf32>,
        %add3A_1217 = arith.constant 48 : i32
        %add3A_1218 = vector.broadcast %add3A_1217 : i32 to vector<16xi32>
        %add3A_1219 = arith.addi %iota3A, %add3A_1218 : vector<16xi32>
        %add3A_1220 = arith.constant 64 : i32
        %add3A_1221 = vector.broadcast %add3A_1220 : i32 to vector<16xi32>
        %add3A_1222 = arith.addi %add3A_1219, %add3A_1221 : vector<16xi32>
        %add3A_1223 = vector.broadcast %mul3A_167 : i32 to vector<16xi32>
        %add3A_1224 = arith.addi %rem3A_5, %add3A_1223 : vector<16xi32>
        %add3A_1225 = vector.broadcast %mul3A_167 : i32 to vector<16xi32>
        %add3A_1226 = arith.addi %rem3A_11, %add3A_1225 : vector<16xi32>
        %add3A_1227 = vector.broadcast %mul3A_167 : i32 to vector<16xi32>
        %add3A_1228 = arith.addi %rem3A_17, %add3A_1227 : vector<16xi32>
        %add3A_1229 = vector.broadcast %mul3A_167 : i32 to vector<16xi32>
        %add3A_1230 = arith.addi %rem3A_23, %add3A_1229 : vector<16xi32>
        %add3A_1231 = vector.broadcast %mul3A_167 : i32 to vector<16xi32>
        %add3A_1232 = arith.addi %rem3A_29, %add3A_1231 : vector<16xi32>
        %add3A_1233 = vector.broadcast %mul3A_167 : i32 to vector<16xi32>
        %add3A_1234 = arith.addi %rem3A_35, %add3A_1233 : vector<16xi32>
        %add3A_1235 = vector.broadcast %mul3A_167 : i32 to vector<16xi32>
        %add3A_1236 = arith.addi %rem3A_41, %add3A_1235 : vector<16xi32>
        %add3A_1237 = vector.broadcast %mul3A_167 : i32 to vector<16xi32>
        %add3A_1238 = arith.addi %rem3A_47, %add3A_1237 : vector<16xi32>
        %mul3A_1239 = arith.constant 2 : i32
        %mul3A_1240 = vector.broadcast %mul3A_1239 : i32 to vector<16xi32>
        %mul3A_1241 = arith.muli %add3A_1224, %mul3A_1240 : vector<16xi32>
        %add3A_1242 = arith.constant 1 : i32
        %add3A_1243 = vector.broadcast %add3A_1242 : i32 to vector<16xi32>
        %add3A_1244 = arith.addi %mul3A_1241, %add3A_1243 : vector<16xi32>
        %mul3A_1245 = arith.constant 2 : i32
        %mul3A_1246 = vector.broadcast %mul3A_1245 : i32 to vector<16xi32>
        %mul3A_1247 = arith.muli %add3A_1226, %mul3A_1246 : vector<16xi32>
        %add3A_1248 = arith.constant 1 : i32
        %add3A_1249 = vector.broadcast %add3A_1248 : i32 to vector<16xi32>
        %add3A_1250 = arith.addi %mul3A_1247, %add3A_1249 : vector<16xi32>
        %mul3A_1251 = arith.constant 2 : i32
        %mul3A_1252 = vector.broadcast %mul3A_1251 : i32 to vector<16xi32>
        %mul3A_1253 = arith.muli %add3A_1228, %mul3A_1252 : vector<16xi32>
        %add3A_1254 = arith.constant 1 : i32
        %add3A_1255 = vector.broadcast %add3A_1254 : i32 to vector<16xi32>
        %add3A_1256 = arith.addi %mul3A_1253, %add3A_1255 : vector<16xi32>
        %mul3A_1257 = arith.constant 2 : i32
        %mul3A_1258 = vector.broadcast %mul3A_1257 : i32 to vector<16xi32>
        %mul3A_1259 = arith.muli %add3A_1230, %mul3A_1258 : vector<16xi32>
        %add3A_1260 = arith.constant 1 : i32
        %add3A_1261 = vector.broadcast %add3A_1260 : i32 to vector<16xi32>
        %add3A_1262 = arith.addi %mul3A_1259, %add3A_1261 : vector<16xi32>
        %mul3A_1263 = arith.constant 2 : i32
        %mul3A_1264 = vector.broadcast %mul3A_1263 : i32 to vector<16xi32>
        %mul3A_1265 = arith.muli %add3A_1232, %mul3A_1264 : vector<16xi32>
        %add3A_1266 = arith.constant 1 : i32
        %add3A_1267 = vector.broadcast %add3A_1266 : i32 to vector<16xi32>
        %add3A_1268 = arith.addi %mul3A_1265, %add3A_1267 : vector<16xi32>
        %mul3A_1269 = arith.constant 2 : i32
        %mul3A_1270 = vector.broadcast %mul3A_1269 : i32 to vector<16xi32>
        %mul3A_1271 = arith.muli %add3A_1234, %mul3A_1270 : vector<16xi32>
        %add3A_1272 = arith.constant 1 : i32
        %add3A_1273 = vector.broadcast %add3A_1272 : i32 to vector<16xi32>
        %add3A_1274 = arith.addi %mul3A_1271, %add3A_1273 : vector<16xi32>
        %mul3A_1275 = arith.constant 2 : i32
        %mul3A_1276 = vector.broadcast %mul3A_1275 : i32 to vector<16xi32>
        %mul3A_1277 = arith.muli %add3A_1236, %mul3A_1276 : vector<16xi32>
        %add3A_1278 = arith.constant 1 : i32
        %add3A_1279 = vector.broadcast %add3A_1278 : i32 to vector<16xi32>
        %add3A_1280 = arith.addi %mul3A_1277, %add3A_1279 : vector<16xi32>
        %mul3A_1281 = arith.constant 2 : i32
        %mul3A_1282 = vector.broadcast %mul3A_1281 : i32 to vector<16xi32>
        %mul3A_1283 = arith.muli %add3A_1238, %mul3A_1282 : vector<16xi32>
        %add3A_1284 = arith.constant 1 : i32
        %add3A_1285 = vector.broadcast %add3A_1284 : i32 to vector<16xi32>
        %add3A_1286 = arith.addi %mul3A_1283, %add3A_1285 : vector<16xi32>
        %gather3A_1287 = tpu.vector_load_idx %arg5[%add3A_1219, %add3A_1244] : memref<64x128xf32, #tpu.memory_space<vmem>>[vector<16xi32>, vector<16xi32>], vector<16xf32>,
        %gather3A_1288 = tpu.vector_load_idx %arg5[%add3A_1219, %add3A_1250] : memref<64x128xf32, #tpu.memory_space<vmem>>[vector<16xi32>, vector<16xi32>], vector<16xf32>,
        %gather3A_1289 = tpu.vector_load_idx %arg5[%add3A_1219, %add3A_1256] : memref<64x128xf32, #tpu.memory_space<vmem>>[vector<16xi32>, vector<16xi32>], vector<16xf32>,
        %gather3A_1290 = tpu.vector_load_idx %arg5[%add3A_1219, %add3A_1262] : memref<64x128xf32, #tpu.memory_space<vmem>>[vector<16xi32>, vector<16xi32>], vector<16xf32>,
        %gather3A_1291 = tpu.vector_load_idx %arg5[%add3A_1219, %add3A_1268] : memref<64x128xf32, #tpu.memory_space<vmem>>[vector<16xi32>, vector<16xi32>], vector<16xf32>,
        %gather3A_1292 = tpu.vector_load_idx %arg5[%add3A_1219, %add3A_1274] : memref<64x128xf32, #tpu.memory_space<vmem>>[vector<16xi32>, vector<16xi32>], vector<16xf32>,
        %gather3A_1293 = tpu.vector_load_idx %arg5[%add3A_1219, %add3A_1280] : memref<64x128xf32, #tpu.memory_space<vmem>>[vector<16xi32>, vector<16xi32>], vector<16xf32>,
        %gather3A_1294 = tpu.vector_load_idx %arg5[%add3A_1219, %add3A_1286] : memref<64x128xf32, #tpu.memory_space<vmem>>[vector<16xi32>, vector<16xi32>], vector<16xf32>,
        tpu.vector_store_idx %arg7[%add3A_1224, %add3A_1222], %gather3A_1287 : memref<64x128xf32, #tpu.memory_space<vmem>>[vector<16xi32>, vector<16xi32>], vector<16xf32>,
        tpu.vector_store_idx %arg7[%add3A_1226, %add3A_1222], %gather3A_1288 : memref<64x128xf32, #tpu.memory_space<vmem>>[vector<16xi32>, vector<16xi32>], vector<16xf32>,
        tpu.vector_store_idx %arg7[%add3A_1228, %add3A_1222], %gather3A_1289 : memref<64x128xf32, #tpu.memory_space<vmem>>[vector<16xi32>, vector<16xi32>], vector<16xf32>,
        tpu.vector_store_idx %arg7[%add3A_1230, %add3A_1222], %gather3A_1290 : memref<64x128xf32, #tpu.memory_space<vmem>>[vector<16xi32>, vector<16xi32>], vector<16xf32>,
        tpu.vector_store_idx %arg7[%add3A_1232, %add3A_1222], %gather3A_1291 : memref<64x128xf32, #tpu.memory_space<vmem>>[vector<16xi32>, vector<16xi32>], vector<16xf32>,
        tpu.vector_store_idx %arg7[%add3A_1234, %add3A_1222], %gather3A_1292 : memref<64x128xf32, #tpu.memory_space<vmem>>[vector<16xi32>, vector<16xi32>], vector<16xf32>,
        tpu.vector_store_idx %arg7[%add3A_1236, %add3A_1222], %gather3A_1293 : memref<64x128xf32, #tpu.memory_space<vmem>>[vector<16xi32>, vector<16xi32>], vector<16xf32>,
        tpu.vector_store_idx %arg7[%add3A_1238, %add3A_1222], %gather3A_1294 : memref<64x128xf32, #tpu.memory_space<vmem>>[vector<16xi32>, vector<16xi32>], vector<16xf32>,
        %add3A_1295 = vector.broadcast %mul3A_167 : i32 to vector<16xi32>
        %add3A_1296 = arith.addi %rem3A_53, %add3A_1295 : vector<16xi32>
        %add3A_1297 = vector.broadcast %mul3A_167 : i32 to vector<16xi32>
        %add3A_1298 = arith.addi %rem3A_59, %add3A_1297 : vector<16xi32>
        %add3A_1299 = vector.broadcast %mul3A_167 : i32 to vector<16xi32>
        %add3A_1300 = arith.addi %rem3A_65, %add3A_1299 : vector<16xi32>
        %add3A_1301 = vector.broadcast %mul3A_167 : i32 to vector<16xi32>
        %add3A_1302 = arith.addi %rem3A_71, %add3A_1301 : vector<16xi32>
        %add3A_1303 = vector.broadcast %mul3A_167 : i32 to vector<16xi32>
        %add3A_1304 = arith.addi %rem3A_77, %add3A_1303 : vector<16xi32>
        %add3A_1305 = vector.broadcast %mul3A_167 : i32 to vector<16xi32>
        %add3A_1306 = arith.addi %rem3A_83, %add3A_1305 : vector<16xi32>
        %add3A_1307 = vector.broadcast %mul3A_167 : i32 to vector<16xi32>
        %add3A_1308 = arith.addi %rem3A_89, %add3A_1307 : vector<16xi32>
        %add3A_1309 = vector.broadcast %mul3A_167 : i32 to vector<16xi32>
        %add3A_1310 = arith.addi %rem3A_95, %add3A_1309 : vector<16xi32>
        %mul3A_1311 = arith.constant 2 : i32
        %mul3A_1312 = vector.broadcast %mul3A_1311 : i32 to vector<16xi32>
        %mul3A_1313 = arith.muli %add3A_1296, %mul3A_1312 : vector<16xi32>
        %add3A_1314 = arith.constant 1 : i32
        %add3A_1315 = vector.broadcast %add3A_1314 : i32 to vector<16xi32>
        %add3A_1316 = arith.addi %mul3A_1313, %add3A_1315 : vector<16xi32>
        %mul3A_1317 = arith.constant 2 : i32
        %mul3A_1318 = vector.broadcast %mul3A_1317 : i32 to vector<16xi32>
        %mul3A_1319 = arith.muli %add3A_1298, %mul3A_1318 : vector<16xi32>
        %add3A_1320 = arith.constant 1 : i32
        %add3A_1321 = vector.broadcast %add3A_1320 : i32 to vector<16xi32>
        %add3A_1322 = arith.addi %mul3A_1319, %add3A_1321 : vector<16xi32>
        %mul3A_1323 = arith.constant 2 : i32
        %mul3A_1324 = vector.broadcast %mul3A_1323 : i32 to vector<16xi32>
        %mul3A_1325 = arith.muli %add3A_1300, %mul3A_1324 : vector<16xi32>
        %add3A_1326 = arith.constant 1 : i32
        %add3A_1327 = vector.broadcast %add3A_1326 : i32 to vector<16xi32>
        %add3A_1328 = arith.addi %mul3A_1325, %add3A_1327 : vector<16xi32>
        %mul3A_1329 = arith.constant 2 : i32
        %mul3A_1330 = vector.broadcast %mul3A_1329 : i32 to vector<16xi32>
        %mul3A_1331 = arith.muli %add3A_1302, %mul3A_1330 : vector<16xi32>
        %add3A_1332 = arith.constant 1 : i32
        %add3A_1333 = vector.broadcast %add3A_1332 : i32 to vector<16xi32>
        %add3A_1334 = arith.addi %mul3A_1331, %add3A_1333 : vector<16xi32>
        %mul3A_1335 = arith.constant 2 : i32
        %mul3A_1336 = vector.broadcast %mul3A_1335 : i32 to vector<16xi32>
        %mul3A_1337 = arith.muli %add3A_1304, %mul3A_1336 : vector<16xi32>
        %add3A_1338 = arith.constant 1 : i32
        %add3A_1339 = vector.broadcast %add3A_1338 : i32 to vector<16xi32>
        %add3A_1340 = arith.addi %mul3A_1337, %add3A_1339 : vector<16xi32>
        %mul3A_1341 = arith.constant 2 : i32
        %mul3A_1342 = vector.broadcast %mul3A_1341 : i32 to vector<16xi32>
        %mul3A_1343 = arith.muli %add3A_1306, %mul3A_1342 : vector<16xi32>
        %add3A_1344 = arith.constant 1 : i32
        %add3A_1345 = vector.broadcast %add3A_1344 : i32 to vector<16xi32>
        %add3A_1346 = arith.addi %mul3A_1343, %add3A_1345 : vector<16xi32>
        %mul3A_1347 = arith.constant 2 : i32
        %mul3A_1348 = vector.broadcast %mul3A_1347 : i32 to vector<16xi32>
        %mul3A_1349 = arith.muli %add3A_1308, %mul3A_1348 : vector<16xi32>
        %add3A_1350 = arith.constant 1 : i32
        %add3A_1351 = vector.broadcast %add3A_1350 : i32 to vector<16xi32>
        %add3A_1352 = arith.addi %mul3A_1349, %add3A_1351 : vector<16xi32>
        %mul3A_1353 = arith.constant 2 : i32
        %mul3A_1354 = vector.broadcast %mul3A_1353 : i32 to vector<16xi32>
        %mul3A_1355 = arith.muli %add3A_1310, %mul3A_1354 : vector<16xi32>
        %add3A_1356 = arith.constant 1 : i32
        %add3A_1357 = vector.broadcast %add3A_1356 : i32 to vector<16xi32>
        %add3A_1358 = arith.addi %mul3A_1355, %add3A_1357 : vector<16xi32>
        %gather3A_1359 = tpu.vector_load_idx %arg5[%add3A_1219, %add3A_1316] : memref<64x128xf32, #tpu.memory_space<vmem>>[vector<16xi32>, vector<16xi32>], vector<16xf32>,
        %gather3A_1360 = tpu.vector_load_idx %arg5[%add3A_1219, %add3A_1322] : memref<64x128xf32, #tpu.memory_space<vmem>>[vector<16xi32>, vector<16xi32>], vector<16xf32>,
        %gather3A_1361 = tpu.vector_load_idx %arg5[%add3A_1219, %add3A_1328] : memref<64x128xf32, #tpu.memory_space<vmem>>[vector<16xi32>, vector<16xi32>], vector<16xf32>,
        %gather3A_1362 = tpu.vector_load_idx %arg5[%add3A_1219, %add3A_1334] : memref<64x128xf32, #tpu.memory_space<vmem>>[vector<16xi32>, vector<16xi32>], vector<16xf32>,
        %gather3A_1363 = tpu.vector_load_idx %arg5[%add3A_1219, %add3A_1340] : memref<64x128xf32, #tpu.memory_space<vmem>>[vector<16xi32>, vector<16xi32>], vector<16xf32>,
        %gather3A_1364 = tpu.vector_load_idx %arg5[%add3A_1219, %add3A_1346] : memref<64x128xf32, #tpu.memory_space<vmem>>[vector<16xi32>, vector<16xi32>], vector<16xf32>,
        %gather3A_1365 = tpu.vector_load_idx %arg5[%add3A_1219, %add3A_1352] : memref<64x128xf32, #tpu.memory_space<vmem>>[vector<16xi32>, vector<16xi32>], vector<16xf32>,
        %gather3A_1366 = tpu.vector_load_idx %arg5[%add3A_1219, %add3A_1358] : memref<64x128xf32, #tpu.memory_space<vmem>>[vector<16xi32>, vector<16xi32>], vector<16xf32>,
        tpu.vector_store_idx %arg7[%add3A_1296, %add3A_1222], %gather3A_1359 : memref<64x128xf32, #tpu.memory_space<vmem>>[vector<16xi32>, vector<16xi32>], vector<16xf32>,
        tpu.vector_store_idx %arg7[%add3A_1298, %add3A_1222], %gather3A_1360 : memref<64x128xf32, #tpu.memory_space<vmem>>[vector<16xi32>, vector<16xi32>], vector<16xf32>,
        tpu.vector_store_idx %arg7[%add3A_1300, %add3A_1222], %gather3A_1361 : memref<64x128xf32, #tpu.memory_space<vmem>>[vector<16xi32>, vector<16xi32>], vector<16xf32>,
        tpu.vector_store_idx %arg7[%add3A_1302, %add3A_1222], %gather3A_1362 : memref<64x128xf32, #tpu.memory_space<vmem>>[vector<16xi32>, vector<16xi32>], vector<16xf32>,
        tpu.vector_store_idx %arg7[%add3A_1304, %add3A_1222], %gather3A_1363 : memref<64x128xf32, #tpu.memory_space<vmem>>[vector<16xi32>, vector<16xi32>], vector<16xf32>,
        tpu.vector_store_idx %arg7[%add3A_1306, %add3A_1222], %gather3A_1364 : memref<64x128xf32, #tpu.memory_space<vmem>>[vector<16xi32>, vector<16xi32>], vector<16xf32>,
        tpu.vector_store_idx %arg7[%add3A_1308, %add3A_1222], %gather3A_1365 : memref<64x128xf32, #tpu.memory_space<vmem>>[vector<16xi32>, vector<16xi32>], vector<16xf32>,
        tpu.vector_store_idx %arg7[%add3A_1310, %add3A_1222], %gather3A_1366 : memref<64x128xf32, #tpu.memory_space<vmem>>[vector<16xi32>, vector<16xi32>], vector<16xf32>,
      }
      %scan3A_152 = arith.constant 4 : i32
      %mul3A_153 = arith.constant 64 : i32
      %mul3A_154 = arith.muli %mul3A_153, %add3A_134 : i32
      %dma_start3A_155 = arith.constant 0 : i32
      %dma_start3A_156 = tpu.memref_slice %arg4[%mul3A_154, %dma_start3A_155] : memref<500000x128xf32, #tpu.memory_space<hbm>> -> memref<64x128xf32, #tpu.memory_space<hbm>>
      %dma_start3A_157 = arith.constant 0 : i32
      %dma_start3A_158 = tpu.memref_slice %arg4[%mul3A_154, %dma_start3A_157] : memref<500000x128xf32, #tpu.memory_space<hbm>> -> memref<64x128xf32, #tpu.memory_space<hbm>>
      tpu.enqueue_dma source(%arg7 : memref<64x128xf32, #tpu.memory_space<vmem>>) target(%dma_start3A_158 : memref<64x128xf32, #tpu.memory_space<hbm>>) target_semaphore(%arg11 : memref<!tpu.dma_semaphore, #tpu.memory_space<semaphore_mem>>)
      %dma_wait3A_159 = arith.constant 0 : i32
      %dma_wait3A_160 = arith.constant 0 : i32
      %dma_wait3A_161 = tpu.memref_slice %arg4[%dma_wait3A_159, %dma_wait3A_160] : memref<500000x128xf32, #tpu.memory_space<hbm>> -> memref<64x128xf32, #tpu.memory_space<hbm>>
      %dma_wait3A_162 = arith.constant 0 : i32
      %dma_wait3A_163 = arith.constant 0 : i32
      %dma_wait3A_164 = tpu.memref_slice %arg4[%dma_wait3A_162, %dma_wait3A_163] : memref<500000x128xf32, #tpu.memory_space<hbm>> -> memref<64x128xf32, #tpu.memory_space<hbm>>
      tpu.wait_dma2 semaphore(%arg11 : memref<!tpu.dma_semaphore, #tpu.memory_space<semaphore_mem>>) src(%arg7 : memref<64x128xf32, #tpu.memory_space<vmem>>) dst(%dma_wait3A_164 : memref<64x128xf32, #tpu.memory_space<hbm>>)
    } else {
    }
    %eq3A = arith.constant 31 : i32
    %eq3A_129 = arith.cmpi eq, %add3A, %eq3A : i32
    %convert_element_type3A_130 = arith.extui %eq3A_129 : i1 to i32
    %cond3A_131 = arith.constant 0 : i32
    %cond3A_132 = arith.cmpi ne, %convert_element_type3A_130, %cond3A_131 : i32
    scf.if %cond3A_132 {
      "tpu.region"() ({
        %run_scoped3A = tpu.sem_alloc : memref<!tpu.dma_semaphore, #tpu.memory_space<semaphore_mem>>
        %dma_start3A_133 = arith.constant 0 : i32
        %dma_start3A_134 = arith.constant 0 : i32
        %dma_start3A_135 = tpu.memref_slice %arg7[%dma_start3A_133, %dma_start3A_134] : memref<64x128xf32, #tpu.memory_space<vmem>> -> memref<32x128xf32, #tpu.memory_space<vmem>>
        %dma_start3A_136 = arith.constant 0 : i32
        %dma_start3A_137 = arith.constant 0 : i32
        %dma_start3A_138 = tpu.memref_slice %arg7[%dma_start3A_136, %dma_start3A_137] : memref<64x128xf32, #tpu.memory_space<vmem>> -> memref<32x128xf32, #tpu.memory_space<vmem>>
        tpu.enqueue_dma source(%arg3 : memref<32x128xf32, #tpu.memory_space<hbm>>) target(%dma_start3A_138 : memref<32x128xf32, #tpu.memory_space<vmem>>) target_semaphore(%run_scoped3A : memref<!tpu.dma_semaphore, #tpu.memory_space<semaphore_mem>>)
        %dma_wait3A_139 = arith.constant 0 : i32
        %dma_wait3A_140 = arith.constant 0 : i32
        %dma_wait3A_141 = tpu.memref_slice %arg7[%dma_wait3A_139, %dma_wait3A_140] : memref<64x128xf32, #tpu.memory_space<vmem>> -> memref<32x128xf32, #tpu.memory_space<vmem>>
        %dma_wait3A_142 = arith.constant 0 : i32
        %dma_wait3A_143 = arith.constant 0 : i32
        %dma_wait3A_144 = tpu.memref_slice %arg7[%dma_wait3A_142, %dma_wait3A_143] : memref<64x128xf32, #tpu.memory_space<vmem>> -> memref<32x128xf32, #tpu.memory_space<vmem>>
        tpu.wait_dma2 semaphore(%run_scoped3A : memref<!tpu.dma_semaphore, #tpu.memory_space<semaphore_mem>>) src(%arg3 : memref<32x128xf32, #tpu.memory_space<hbm>>) dst(%dma_wait3A_144 : memref<32x128xf32, #tpu.memory_space<vmem>>)
        tpu.yield
      }) : () -> ()
      "tpu.region"() ({
        %run_scoped3A = tpu.sem_alloc : memref<!tpu.dma_semaphore, #tpu.memory_space<semaphore_mem>>
        %dma_start3A_133 = arith.constant 0 : i32
        %dma_start3A_134 = arith.constant 0 : i32
        %dma_start3A_135 = tpu.memref_slice %arg7[%dma_start3A_133, %dma_start3A_134] : memref<64x128xf32, #tpu.memory_space<vmem>> -> memref<32x128xf32, #tpu.memory_space<vmem>>
        %dma_start3A_136 = arith.constant 499968 : i32
        %dma_start3A_137 = arith.constant 0 : i32
        %dma_start3A_138 = tpu.memref_slice %arg4[%dma_start3A_136, %dma_start3A_137] : memref<500000x128xf32, #tpu.memory_space<hbm>> -> memref<32x128xf32, #tpu.memory_space<hbm>>
        %dma_start3A_139 = arith.constant 499968 : i32
        %dma_start3A_140 = arith.constant 0 : i32
        %dma_start3A_141 = tpu.memref_slice %arg4[%dma_start3A_139, %dma_start3A_140] : memref<500000x128xf32, #tpu.memory_space<hbm>> -> memref<32x128xf32, #tpu.memory_space<hbm>>
        %dma_start3A_142 = arith.constant 0 : i32
        %dma_start3A_143 = arith.constant 0 : i32
        %dma_start3A_144 = tpu.memref_slice %arg7[%dma_start3A_142, %dma_start3A_143] : memref<64x128xf32, #tpu.memory_space<vmem>> -> memref<32x128xf32, #tpu.memory_space<vmem>>
        tpu.enqueue_dma source(%dma_start3A_144 : memref<32x128xf32, #tpu.memory_space<vmem>>) target(%dma_start3A_141 : memref<32x128xf32, #tpu.memory_space<hbm>>) target_semaphore(%run_scoped3A : memref<!tpu.dma_semaphore, #tpu.memory_space<semaphore_mem>>)
        %dma_wait3A_145 = arith.constant 0 : i32
        %dma_wait3A_146 = arith.constant 0 : i32
        %dma_wait3A_147 = tpu.memref_slice %arg7[%dma_wait3A_145, %dma_wait3A_146] : memref<64x128xf32, #tpu.memory_space<vmem>> -> memref<32x128xf32, #tpu.memory_space<vmem>>
        %dma_wait3A_148 = arith.constant 499968 : i32
        %dma_wait3A_149 = arith.constant 0 : i32
        %dma_wait3A_150 = tpu.memref_slice %arg4[%dma_wait3A_148, %dma_wait3A_149] : memref<500000x128xf32, #tpu.memory_space<hbm>> -> memref<32x128xf32, #tpu.memory_space<hbm>>
        %dma_wait3A_151 = arith.constant 499968 : i32
        %dma_wait3A_152 = arith.constant 0 : i32
        %dma_wait3A_153 = tpu.memref_slice %arg4[%dma_wait3A_151, %dma_wait3A_152] : memref<500000x128xf32, #tpu.memory_space<hbm>> -> memref<32x128xf32, #tpu.memory_space<hbm>>
        %dma_wait3A_154 = arith.constant 0 : i32
        %dma_wait3A_155 = arith.constant 0 : i32
        %dma_wait3A_156 = tpu.memref_slice %arg7[%dma_wait3A_154, %dma_wait3A_155] : memref<64x128xf32, #tpu.memory_space<vmem>> -> memref<32x128xf32, #tpu.memory_space<vmem>>
        tpu.wait_dma2 semaphore(%run_scoped3A : memref<!tpu.dma_semaphore, #tpu.memory_space<semaphore_mem>>) src(%dma_wait3A_156 : memref<32x128xf32, #tpu.memory_space<vmem>>) dst(%dma_wait3A_153 : memref<32x128xf32, #tpu.memory_space<hbm>>)
        tpu.yield
      }) : () -> ()
    } else {
    }
    return
  }
}

</mosaic_0001>

<sc_bundles>
// kernel: _detile.3.cloned.1.call-start
scs
__scs_entry_jumppad:
0x0: {  	(pc) =	sbr.rel $0x88, $3  }
0x1: {  	(tag) =	ssettag $0x0;
	lr =	simm.s32 $0x1  }
0x2: {  	[smem:$0x3F9F] =	sst lr;
	_ =	strace $0xD0000000  }
0x3: {  	_ = 	snop  }
0x4: {  	_ = 	snop  }
0x5: {  	_ = 	snop  }
0x6: {  	_ = 	snop  }
0x7: {  	_ = 	snop  }
__scs_overlays_trampoline_lowered:
0x8: {  	[smem:$0x3FAE] =	sst s0  }
0x9: {  	[smem:$0x3FAF] =	sst s1  }
0xa: {  	[smem:$0x3FB0] =	sst s2  }
0xb: {  	[smem:$0x3FB1] =	sst s3  }
0xc: {  	[smem:$0x3FB2] =	sst s4  }
0xd: {  	[smem:$0x3FB3] =	sst s5  }
0xe: {  	[smem:$0x3FB4] =	sst s6  }
0xf: {  	[smem:$0x3FB5] =	sst s7  }
0x10: {  	[smem:$0x3FB6] =	sst s8  }
0x11: {  	[smem:$0x3FB7] =	sst s9;
	s0 =	simm.s32 @!p0 $0x0  }
0x12: {  	s1 =	sld [smem:$0x3F9D];
	s0 =	simm.s32 @p0 $0x1  }
0x13: {  	[smem:$0x3FB8] =	sst s0;
	s0 =	simm.s32 @!p1 $0x0  }
0x14: {  	s2 =	sld [smem:$0x3F9C];
	s0 =	simm.s32 @p1 $0x1  }
0x15: {  	[smem:$0x3FB9] =	sst s0;
	s0 =	simm.s32 @!p2 $0x0  }
0x16: {  	s3 =	sld [smem:$0x3FDB];
	s0 =	simm.s32 @p2 $0x1  }
0x17: {  	s4 =	simm.s32 $0x1BF5;
	[smem:$0x3FBB] =	sst s0  }
0x18: {  	s0 =	sld [smem:$0x3F9E];
	_ =	swait.ge [sflag:s4], $0x0  }
0x19: {  	s7 =	sld [smem:$0x3F9F]  }
0x1a: {  	s8 =	sadd.s32 $0xFFFFE003, lr  }
0x1b: {  	s9 =	sadd.s32 $0xFFFFFEF7, lr;
	s5 =	simm.s32 $0xFFFFFFFF;
	p2 =	slt.u32 s8, $0xFFFFF086  }
0x1c: {  	p1 =	slt.u32 s9, $0xF7A;
	s5 =	simm.s32 @!p2 $0x0  }
0x1d: {  	s5 =	simm.s32 @p1 $0x1;
	p0 =	seq.s32 s7, s2  }
0x1e: {  	s7 =	smul.u32 @!p0 $0xF7A, s2;
	p2 =	seq.s32 @!p0 s5, $0x0  }
0x1f: {  	s9 =	smul.u32 $0xF7A, s1;
	s8 =	simm.s32 @!p0 $0x1BF5;
	p2 =	por !p2, p0  }
0x20: {  	[sflag:s8] =	ssyncset.s32 @!p0 $0xFFFFF086;
	s6 =	sadd.s32 @!p0 s3, s7;
	s7 =	simm.s32 @!p0 $0x108  }
0x21: {  	s3 =	sadd.s32 s3, s9;
	s6 =	sadd.s32 @!p0 $0x88, s6;
	s7 =	simm.s32 @p2 $0x1082  }
0x22: {  	[simem:s7], [sflag:s8] =	dma.local @!p0 [hbm:s6], $0xF7A  }
0x23: {  	s9 =	sor.u32 $0xD0000000, s2;
	s6 =	simm.s32 $0x108;
	_ =	swait.ge @!p0 [sflag:s8], $0x0  }
0x24: {  	s3 =	sadd.s32 $0x88, s3;
	s6 =	simm.s32 @!p1 $0x1082;
	[sflag:s4] =	ssyncset.s32 $0xFFFFF086  }
0x25: {  	[simem:s6], [sflag:s4] =	dma.local [hbm:s3], $0xF7A  }
0x26: {  	[smem:$0x3F9F] =	sst s1;
	(tag) =	ssettag s2;
	_ =	strace s9  }
0x27: {  	s1 =	sld [smem:$0x3FAF]  }
0x28: {  	s2 =	sld [smem:$0x3FB0]  }
0x29: {  	s4 =	sld [smem:$0x3FB2]  }
0x2a: {  	p0 =	seq.s32 s5, $0x0;
	s5 =	sld [smem:$0x3FB3]  }
0x2b: {  	s6 =	sld [smem:$0x3FB4]  }
0x2c: {  	s7 =	sld [smem:$0x3FB5]  }
0x2d: {  	s3 =	simm.s32 $0x108;
	s8 =	sld [smem:$0x3FB6]  }
0x2e: {  	s3 =	simm.s32 @!p0 $0x1082;
	s9 =	sld [smem:$0x3FB7]  }
0x2f: {  	lr =	sadd.s32 s0, s3;
	s0 =	sld [smem:$0x3FAE]  }
0x30: {  	s3 =	sld [smem:$0x3FB1]  }
0x31: {  	[smem:$0x3FBA] =	sst s10  }
0x32: {  	s10 =	sld [smem:$0x3FB8];
	_ =	sdelay $0x3  }
0x33: {  	p0 =	seq.s32 s10, $0x1;
	s10 =	sld [smem:$0x3FBA];
	_ =	sdelay $0x3  }
0x34: {  	[smem:$0x3FBA] =	sst s10  }
0x35: {  	s10 =	sld [smem:$0x3FB9];
	_ =	sdelay $0x3  }
0x36: {  	p1 =	seq.s32 s10, $0x1;
	s10 =	sld [smem:$0x3FBA];
	_ =	sdelay $0x3  }
0x37: {  	[smem:$0x3FBA] =	sst s10  }
0x38: {  	s10 =	sld [smem:$0x3FBB]  }
0x39: {  	_ = 	snop;
	(pc) =	sbr.ind lr, $3  }
0x3a: {  	_ = 	snop  }
0x3b: {  	_ = 	snop  }
0x3c: {  	p2 =	seq.s32 s10, $0x1;
	s10 =	sld [smem:$0x3FBA]  }
0x3d: {  	_ =	shalt  }
0x3e: {  	_ =	shalt  }
0x3f: {  	_ =	shalt  }
0x40: {  	_ =	shalt  }
0x41: {  	_ =	shalt  }
0x42: {  	_ =	shalt  }
0x43: {  	_ =	shalt  }
0x44: {  	_ =	shalt  }
0x45: {  	_ =	shalt  }
0x46: {  	_ =	shalt  }
0x47: {  	_ =	shalt  }
0x48: {  	_ =	shalt  }
0x49: {  	_ =	shalt  }
0x4a: {  	_ =	shalt  }
0x4b: {  	_ =	shalt  }
0x4c: {  	_ =	shalt  }
0x4d: {  	_ =	shalt  }
0x4e: {  	_ =	shalt  }
0x4f: {  	_ =	shalt  }
0x50: {  	_ =	shalt  }
0x51: {  	_ =	shalt  }
0x52: {  	_ =	shalt  }
0x53: {  	_ =	shalt  }
0x54: {  	_ =	shalt  }
0x55: {  	_ =	shalt  }
0x56: {  	_ =	shalt  }
0x57: {  	_ =	shalt  }
0x58: {  	_ =	shalt  }
0x59: {  	_ =	shalt  }
0x5a: {  	_ =	shalt  }
0x5b: {  	_ =	shalt  }
0x5c: {  	_ =	shalt  }
0x5d: {  	_ =	shalt  }
0x5e: {  	_ =	shalt  }
0x5f: {  	_ =	shalt  }
0x60: {  	_ =	shalt  }
0x61: {  	_ =	shalt  }
0x62: {  	_ =	shalt  }
0x63: {  	_ =	shalt  }
0x64: {  	_ =	shalt  }
0x65: {  	_ =	shalt  }
0x66: {  	_ =	shalt  }
0x67: {  	_ =	shalt  }
0x68: {  	_ =	shalt  }
0x69: {  	_ =	shalt  }
0x6a: {  	_ =	shalt  }
0x6b: {  	_ =	shalt  }
0x6c: {  	_ =	shalt  }
0x6d: {  	_ =	shalt  }
0x6e: {  	_ =	shalt  }
0x6f: {  	_ =	shalt  }
0x70: {  	_ =	shalt  }
0x71: {  	_ =	shalt  }
0x72: {  	_ =	shalt  }
0x73: {  	_ =	shalt  }
0x74: {  	_ =	shalt  }
0x75: {  	_ =	shalt  }
0x76: {  	_ =	shalt  }
0x77: {  	_ =	shalt  }
0x78: {  	_ =	shalt  }
0x79: {  	_ =	shalt  }
0x7a: {  	_ =	shalt  }
0x7b: {  	_ =	shalt  }
0x7c: {  	_ =	shalt  }
0x7d: {  	_ =	shalt  }
0x7e: {  	_ =	shalt  }
0x7f: {  	_ =	shalt  }
0x80: {  	_ =	shalt  }
0x81: {  	_ =	shalt  }
0x82: {  	_ =	shalt  }
0x83: {  	_ =	shalt  }
0x84: {  	_ =	shalt  }
0x85: {  	_ =	shalt  }
0x86: {  	_ =	shalt  }
0x87: {  	_ =	shalt  }
.Lfunc_end0:
.L_simem_size_0:
called_computation_lowered:
.L_overlay_start_0:
0x88: {  	s2 =	sld [smem:$0x3FD9]  }
0x89: {  	s3 =	sld [smem:$0x3FFE];
	_ =	sdelay $0x1  }
0x8a: {  	s1 =	srdreg.scid  }
0x8b: {  	s0 =	sand.u32 $0x1, s1  }
0x8c: {  	s18 =	sshll.u32 s0, $0xA;
	s2 =	sadd.s32 s3, s2  }
0x8d: {  	s2 =	sadd.s32 s2, s18  }
0x8e: {  	[smem:$0x3FC6] =	sst s2  }
0x8f: {  	_ = 	snop  }
0x90: {  	s2 =	sld [smem:$0x3FC9]  }
0x91: {  	s19 =	sld [smem:$0x3FC8]  }
0x92: {  	s4 =	sld [smem:$0x3FD0];
	(tm) =	ssettm $0x1  }
0x93: {  	s5 =	sld [smem:$0x3FFB];
	_ =	sdelay $0x3  }
0x94: {  	_ =	strace s5  }
0x95: {  	s5 =	sld [smem:$0x3FFC];
	_ =	sdelay $0x3  }
0x96: {  	_ =	strace s5  }
0x97: {  	s5 =	sld [smem:$0x3FFD];
	_ =	sdelay $0x3  }
0x98: {  	_ =	strace s5  }
0x99: {  	_ =	strace $0x8FFFFFFF  }
0x9a: {  	s20 =	sld [smem:$0x3FDB];
	_ =	sdelay $0x1  }
0x9b: {  	s6 =	simm.s32 $_scs_section_size  }
0x9c: {  	s7 =	simm.s32 $_size__tile_overlayer_lowered;
	s8 =	simm.s32 $_tile_overlayer_lowered  }
0x9d: {  	s23 =	simm.s32 $0x1BFF;
	s22 =	sshll.u32 s8, $0x1;
	s5 =	sadd.s32 s6, s20  }
0x9e: {  	s9 =	simm.s32 $0x0;
	s21 =	sshll.u32 s7, $0x1;
	s7 =	sadd.s32 s22, s5  }
0x9f: {  	[timem:s9], [sflag:s23] =	dma.local [hbm:s7], s21  }
0xa0: {  	_ =	swait.ge [sflag:s23], s21  }
0xa1: {  	s6 =	ssub.s32 $0x0, s21;
	[sflag:s23] =	ssyncset.done $0x0  }
0xa2: {  	[sflag:s23] =	ssyncadd.s32 s6;
	_ =	sdelay $0x1  }
0xa3: {  	s24 =	simm.s32 $0x1B8B  }
0xa4: {  	_ =	swait.ge [sflag:s24], $0x1  }
0xa5: {  	[sflag:s24] =	ssyncset.done $0x0  }
0xa6: {  	s25 =	simm.s32 $0x1B8E;
	[sflag:s24] =	ssyncadd.s32 $0xFFFFFFFF  }
0xa7: {  	s26 =	simm.s32 $execute0_lowered;
	[smem:$0x3FD2] =	sst s25  }
0xa8: {  	s6 =	sshll.u32 s26, $0x1;
	_ =	strace $0x80000046;
	[dreg:$0x1] =	wrdreg $0xFFFFFFFF  }
0xa9: {  	s28 =	simm.s32 $_size_execute0_lowered;
	s5 =	sadd.s32 s5, s6;
	[dreg:$0x0] =	wrdreg $0x0  }
0xaa: {  	s6 =	sshll.u32 s28, $0x1;
	[dreg:$0x2] =	wrdreg s5  }
0xab: {  	[dreg:$0x3] =	wrdreg s6  }
0xac: {  	[dreg:$0x4] =	wrdreg $0xC0  }
0xad: {  	_ =	task [dreg:s9], $0x5FFFF  }
0xae: {  	[dreg:$0x1] =	wrdreg $0xFFFFFFFF  }
0xaf: {  	[dreg:$0x0] =	wrdreg $0x60  }
0xb0: {  	[dreg:$0x2] =	wrdreg s2  }
0xb1: {  	[dreg:$0x3] =	wrdreg s19  }
0xb2: {  	[dreg:$0x4] =	wrdreg s4  }
0xb3: {  	[dreg:$0x5] =	wrdreg $0x9  }
0xb4: {  	_ =	task.clear_ibuf [dreg:s9], $0x6FFFF;
	_ =	strace $0x90000046  }
0xb5: {  	s29 =	simm.s32 $0x9;
	_ =	strace $0x80000048  }
0xb6: {  	_ =	swait.ge [sflag:s29], $0x1  }
0xb7: {  	[sflag:s29] =	ssyncadd.s32 $0xFFFFFFFF  }
0xb8: {  	_ =	strace $0x90000048  }
0xb9: {  	_ =	sfence  }
0xba: {  	s30 =	sld [smem:$0x0];
	_ =	sdelay $0x2  }
0xbb: {  	s31 =	sshll.u32 s1, $0xD;
	s1 =	sshrl.u32 s1, $0x2  }
0xbc: {  	s3 =	sand.u32 $0x4000, s31;
	s1 =	sadd.s32 s1, s30  }
0xbd: {  	s0 =	sor.u32 s3, s0;
	s1 =	sshll.u32 s1, $0x11  }
0xbe: {  	s0 =	sor.u32 s1, s0  }
0xbf: {  	s0 =	sadd.s32 $0x8F2B, s0  }
0xc0: {  	[sflag:s0] =	ssyncadd.remote.s32 $0x1  }
0xc1: {  	_ =	sfence.sel $0xFFFF  }
0xc2: {  	[dreg:$0x0] =	wrdreg $0xFFFFFFFF;
	(pc) =	sbr.abs _section_cstart, $3  }
0xc3: {  	[dreg:$0x1] =	wrdreg $0xFFFFFFFF  }
0xc4: {  	_ =	task.clear_ibuf [dreg:s9], $0x2FFFF;
	_ =	strace $0x9FFFFFFF  }
0xc5: {  	(tm) =	ssettm $0x7FFFFFFF  }
tec
execute0_lowered:
.L_overlay_start_1:
0x0: {  	(tag) =	ssettag $0x1  }
0x1: {  	v0 =	vimm.s32 $0xFEDCBA9  }
0x2: {  	v2 =	vimm.s32 $0x87654321;
	v3 =	vimm.s32 $0x98765432;
	v4 =	vimm.s32 $0x210FEDCB  }
0x3: {  	v5 =	vimm.s32 $0xA9876543;
	v7 =	vimm.s32 $0xCBA98765;
	v52 =	vimm.s32 $0x543210FE  }
0x4: {  	v53 =	vimm.s32 $0xDCBA9876;
	v54 =	vimm.s32 $0x6543210F;
	v8 =	vimm.s32 $0xEDCBA987  }
0x5: {  	v19 =	vimm.s32 $0xFEDCBA98;
	v20 =	vimm.s32 $0x76543210;
	v1 =	vunpack.c.l.s4.s8 v0  }
0x6: {  	v0 =	vlaneseq.u32;
	v3 =	vunpack.c.l.s4.s8 v3;
	v4 =	vunpack.c.l.s4.s8 v4  }
0x7: {  	v50 =	vunpack.c.l.s4.s8 v7;
	v7 =	vunpack.c.l.s4.s8 v54;
	v8 =	vunpack.c.l.s4.s8 v8  }
0x8: {  	v19 =	vunpack.c.l.s4.s8 v19;
	v55 =	vunpack.c.l.s4.s8 v20;
	v26 =	vor.u32 $0x50, v0  }
0x9: {  	v28 =	vor.u32 $0x60, v0;
	v30 =	vor.u32 $0x70, v0;
	v9 =	vunpack.c.0.s8.s32 v1  }
0xa: {  	v1 =	vunpack.c.l.s4.s8 v2;
	v2 =	vimm.s32 $0x10FEDCBA;
	v12 =	vunpack.c.0.s8.s32 v3  }
0xb: {  	v13 =	vunpack.c.0.s8.s32 v4;
	v18 =	vunpack.c.0.s8.s32 v50;
	v4 =	vunpack.c.l.s4.s8 v52  }
0xc: {  	v20 =	vunpack.c.0.s8.s32 v7;
	v23 =	vunpack.c.0.s8.s32 v8;
	v56 =	vunpack.c.0.s8.s32 v19  }
0xd: {  	v19 =	vunpack.c.0.s8.s32 v55;
	v2 =	vunpack.c.l.s4.s8 v2;
	v10 =	vunpack.c.0.s8.s32 v1  }
0xe: {  	s11 =	rddreg [dreg:$0x0];
	v1 =	vunpack.c.l.s4.s8 v5;
	v24 =	vcombine.low v23, v20;
	v25 =	vand.u32 $0xF, v56  }
0xf: {  	s0 =	rddreg [dreg:$0x1];
	s4 =	srdreg.scid;
	v11 =	vunpack.c.0.s8.s32 v2;
	v2 =	vimm.s32 $0x3210FEDC;
	v62 =	vcombine.low v25, v19  }
0x10: {  	s1 =	rddreg [dreg:$0x2];
	s5 =	sand.u32 $0x1, s4;
	s4 =	simm.s32 $0x0;
	v14 =	vunpack.c.0.s8.s32 v1;
	v1 =	vunpack.c.l.s4.s8 v2;
	v2 =	vimm.s32 $0xBA987654  }
0x11: {  	[smem:$0x7FF] =	sst s4;
	v3 =	vcombine.low v10, v9;
	v37 =	vand.u32 $0xF, v24;
	v10 =	vcombine.low v9, v10  }
0x12: {  	s3 =	rddreg [dreg:$0x3];
	_ =	strace $0x80000047;
	v48 =	vcombine.low v12, v11;
	v2 =	vunpack.c.l.s4.s8 v2;
	v11 =	vcombine.low v11, v12;
	[tilespmem:$0x1FF70] =	vst v62  }
0x13: {  	[tilespmem:$0x1FF80] =	vst v37;
	v15 =	vunpack.c.0.s8.s32 v1;
	v1 =	vimm.s32 $0x43210FED;
	v63 =	vand.u32 $0xF, v10  }
0x14: {  	v49 =	vcombine.low v14, v13;
	v6 =	vunpack.c.l.s4.s8 v1;
	v1 =	vand.u32 $0xF, v3;
	[tilespmem:$0x1FF90] =	vst v63  }
0x15: {  	v58 =	vcombine.low v13, v14;
	v16 =	vunpack.c.0.s8.s32 v2;
	v2 =	vand.u32 $0xF, v48;
	[tilespmem:$0x1FF10] =	vst v1  }
0x16: {  	s2 =	stileid.u32;
	s14 =	simm.s32 $0x400;
	s16 =	simm.s32 $0x7A1400;
	v21 =	vunpack.c.0.s8.s32 v4;
	v9 =	vmul.u32 $0x80, v0;
	v48 =	vand.u32 $0xF, v11;
	[tilespmem:$0x1FF20] =	vst v2  }
0x17: {  	s17 =	simm.s32 $0x2000;
	s18 =	simm.s32 $0x1;
	s19 =	simm.s32 $0x4000;
	v33 =	vand.u32 $0xF, v49;
	v50 =	vand.u32 $0xF, v58;
	[tilespmem:$0x1FFA0] =	vst v48;
	v51 =	vcombine.low v16, v15  }
0x18: {  	s20 =	simm.s32 $0x2;
	s21 =	simm.s32 $0x4;
	s22 =	simm.s32 $0x6000;
	v17 =	vunpack.c.0.s8.s32 v6;
	v6 =	vunpack.c.l.s4.s8 v53;
	v59 =	vcombine.low v15, v16;
	[tilespmem:$0x1FF30] =	vst v33  }
0x19: {  	s23 =	simm.s32 $0x3;
	s6 =	sshll.u32 s2, $0x1;
	s9 =	sadd.s32 $0x8000, s1;
	v24 =	vor.u32 $0x40, v0;
	v16 =	vcombine.low v20, v23;
	[tilespmem:$0x1FFB0] =	vst v50;
	v34 =	vand.u32 $0xF, v51  }
0x1a: {  	p0 =	sgt.u32 s2, $0x1;
	s7 =	ssub.s32 $0x2, s5;
	s24 =	sor.u32 s5, s6;
	v22 =	vunpack.c.0.s8.s32 v6;
	v57 =	vcombine.low v18, v17;
	v51 =	vand.u32 $0xF, v59;
	[tilespmem:$0x1FF40] =	vst v34  }
0x1b: {  	s31 =	sshrl.u32 s7, $0x1;
	s6 =	sshll.u32 s24, $0x7;
	s12 =	sor.u32 $0x1E80, s24;
	v19 =	vor.u32 $0x1000, v9;
	v61 =	vcombine.low v17, v18;
	v54 =	vand.u32 $0xF, v16;
	[tilespmem:$0x1FFC0] =	vst v51  }
.Ltmp0:
0x1c: {  	p1 =	sne.s32 s24, $0x1F;
	s15 =	ssub.s32 s7, s31;
	v25 =	vor.u32 $0x801, v9;
	[tilespmem:$0x1FFF0] =	vst v54;
	v8 =	vcombine.low v22, v21;
	v35 =	vand.u32 $0xF, v57;
	(pc) =	sbr.rel .LBB2_1-.Ltmp0, $4  }
0x1d: {  	s5 =	sadd.s32 s11, s6;
	s6 =	sshll.u32 s24, $0xA;
	s13 =	sshll.u32 s12, $0x7;
	v27 =	vor.u32 $0x1001, v9;
	v15 =	vcombine.low v21, v22;
	v52 =	vand.u32 $0xF, v61;
	[tilespmem:$0x1FF50] =	vst v35  }
0x1e: {  	s12 =	sshll.u32 s12, $0xA;
	s24 =	simm.s32 $0x0;
	s7 =	sadd.s32 $0x1000, s5;
	v29 =	vor.u32 $0x1801, v9;
	v20 =	vor.u32 $0x20, v0;
	[tilespmem:$0x1FFD0] =	vst v52;
	v36 =	vand.u32 $0xF, v8  }
0x1f: {  	s8 =	sadd.s32 $0x2000, s5;
	s10 =	sadd.s32 $0x3000, s5;
	s11 =	sadd.s32 s11, s13;
	v23 =	vor.u32 $0x1, v9;
	v17 =	vor.u32 $0x800, v9;
	v53 =	vand.u32 $0xF, v15;
	[tilespmem:$0x1FF60] =	vst v36  }
0x20: {  	s12 =	sadd.s32 s1, s12;
	s13 =	sadd.s32 $0x7A1000, s1;
	s15 =	smax.u32 s15, $0x1;
	v18 =	vor.u32 $0x10, v0;
	v16 =	vmovc v1;
	v21 =	vor.u32 $0x1800, v9;
	v22 =	vor.u32 $0x30, v0;
	[tilespmem:$0x1FFE0] =	vst v53  }
.LBB2_16:
0x21: {  	s25 =	simm.s32 @!p1 $0x0;
	s26 =	simm.s32 @!p1 $0x4000;
	s28 =	simm.s32 @!p1 $0x5  }
0x22: {  	[tilespmem:s26], [sflag:$0x5] =	stream.linear.gather @!p1 [hbm4b:s0+s25], $0x1000, $0x38;
	[tilespmem:$0x8000] =	vst v63  }
0x23: {  	s24 =	sadd.s32 $0x1, s24;
	_ =	swait.ge @!p1 [sflag:s28], $0x1000  }
0x24: {  	p2 =	sne.s32 s24, s15;
	[sflag:s28] =	ssyncset.done @!p1 $0x0  }
.Ltmp1:
0x25: {  	[sflag:s28] =	ssyncadd.s32 @!p1 $0xFFFFF000;
	(pc) =	sbr.rel @!p2 .LBB2_17-.Ltmp1, $4  }
0x26: {  	[hbm4b:s13+s25] =	stream.linear.scatter @!p1 [tilespmem:s26], [sflag:$0x5], $0x1000, $0x38;
	[tilespmem:$0x8000] =	vst v63  }
0x27: {  	_ =	swait.ge @!p1 [sflag:s28], $0x1000  }
0x28: {  	[sflag:s28] =	ssyncset.done @!p1 $0x0  }
0x29: {  	[sflag:s28] =	ssyncadd.s32 @!p1 $0xFFFFF000  }
.LBB2_1:
0x2a: {  	[tilespmem:s4], [sflag:$0x1] =	stream.strided.gather [hbm4b:s5+s14], $0x2000, s16, s14, $0x38;
	[tilespmem:$0x8000] =	vst v63  }
0x2b: {  	s25 =	simm.s32 $0x0  }
0x2c: {  	[tilespmem:s17], [sflag:$0x2] =	stream.strided.gather [hbm4b:s7+s14], $0x2000, s16, s14, $0x38;
	[tilespmem:$0x8000] =	vst v63  }
.LBB2_2:
0x2d: {  	_ =	swait.ge [sflag:s18], $0x2000  }
0x2e: {  	p2 =	seq.s32 s25, $0x0;
	[sflag:s18] =	ssyncset.done $0x0  }
0x2f: {  	s28 =	simm.s32 @!p2 $0x3;
	[sflag:s18] =	ssyncadd.s32 $0xFFFFE000  }
0x30: {  	_ =	swait.ge @!p2 [sflag:s28], $0x2000  }
0x31: {  	[sflag:s28] =	ssyncset.done @!p2 $0x0  }
0x32: {  	s26 =	sshll.u32 s25, $0xD;
	[sflag:s28] =	ssyncadd.s32 @!p2 $0xFFFFE000;
	s28 =	simm.s32 $0x0  }
.LBB2_3:
0x33: {  	_ =	sdelay $0x1  }
0x34: {  	v39 =	vor.u32 s28, v0  }
0x35: {  	v40 =	vor.u32 s28, v16;
	v31 =	vshll.u32 v39, $0x1  }
0x36: {  	v32 =	vshll.u32 v40, $0x1;
	v38 =	vor.u32 v9, v31;
	v41 =	vor.u32 s28, v2  }
0x37: {  	v43 =	vor.u32 v9, v32;
	v42 =	vor.u32 s28, v33;
	v33 =	vshll.u32 v41, $0x1  }
0x38: {  	v44 =	vor.u32 s28, v34;
	v34 =	vshll.u32 v42, $0x1;
	v45 =	vor.u32 v9, v33  }
0x39: {  	v46 =	vor.u32 s28, v35;
	v35 =	vshll.u32 v44, $0x1;
	v47 =	vor.u32 v9, v34  }
0x3a: {  	v1 =	vld [tilespmem:$0x1FFA0];
	v48 =	vor.u32 s28, v36;
	v36 =	vshll.u32 v46, $0x1;
	v49 =	vor.u32 v9, v35  }
0x3b: {  	v50 =	vor.u32 s28, v37;
	v37 =	vshll.u32 v48, $0x1;
	v52 =	vor.u32 v9, v36;
	v51 =	vld.idx.msk [tilespmem:v38+s4+$0x0], $0xffff  }
0x3c: {  	v39 =	vshll.u32 v39, $0x7;
	v4 =	vor.u32 v9, v37;
	v38 =	vshll.u32 v50, $0x1;
	v53 =	vld.idx.msk [tilespmem:v43+s4+$0x0], $0xffff  }
0x3d: {  	v40 =	vshll.u32 v40, $0x7;
	v6 =	vor.u32 v0, v39;
	v5 =	vor.u32 v9, v38;
	v54 =	vld.idx.msk [tilespmem:v45+s4+$0x0], $0xffff  }
0x3e: {  	v56 =	vor.u32 v0, v40;
	v41 =	vshll.u32 v41, $0x7;
	v55 =	vld.idx.msk [tilespmem:v47+s4+$0x0], $0xffff  }
0x3f: {  	v42 =	vshll.u32 v42, $0x7;
	v57 =	vor.u32 v0, v41;
	v49 =	vld.idx.msk [tilespmem:v49+s4+$0x0], $0xffff  }
0x40: {  	v59 =	vor.u32 v0, v42;
	v52 =	vld.idx.msk [tilespmem:v52+s4+$0x0], $0xffff  }
0x41: {  	v58 =	vld.idx.msk [tilespmem:v4+s4+$0x0], $0xffff  }
0x42: {  	v60 =	vld.idx.msk [tilespmem:v5+s4+$0x0], $0xffff;
	[tilespmem:v6+s19+$0x0] =	vst.idx.msk $0xffff, v51  }
0x43: {  	[tilespmem:v56+s19+$0x0] =	vst.idx.msk $0xffff, v53  }
0x44: {  	v43 =	vshll.u32 v44, $0x7;
	[tilespmem:v57+s19+$0x0] =	vst.idx.msk $0xffff, v54  }
0x45: {  	v61 =	vor.u32 v0, v43;
	[tilespmem:v59+s19+$0x0] =	vst.idx.msk $0xffff, v55;
	v59 =	vor.u32 s28, v1;
	v1 =	vld [tilespmem:$0x1FFB0];
	_ =	sdelay $0x3  }
0x46: {  	v44 =	vshll.u32 v46, $0x7  }
0x47: {  	v7 =	vor.u32 v0, v44;
	v45 =	vshll.u32 v48, $0x7;
	[tilespmem:v61+s19+$0x0] =	vst.idx.msk $0xffff, v49;
	v61 =	vor.u32 s28, v1;
	v1 =	vld [tilespmem:$0x1FFC0]  }
0x48: {  	v46 =	vshll.u32 v50, $0x7;
	v12 =	vor.u32 v0, v45  }
0x49: {  	v13 =	vor.u32 v0, v46;
	v4 =	vld [tilespmem:$0x1FFF0];
	v56 =	vor.u32 s28, v62  }
0x4a: {  	v3 =	vld [tilespmem:$0x1FFE0];
	v47 =	vshll.u32 v56, $0x1;
	v57 =	vor.u32 s28, v63  }
0x4b: {  	v2 =	vld [tilespmem:$0x1FFD0];
	v48 =	vshll.u32 v57, $0x1;
	v55 =	vor.u32 v9, v47  }
0x4c: {  	v14 =	vor.u32 v9, v48;
	[tilespmem:v7+s19+$0x0] =	vst.idx.msk $0xffff, v52;
	v50 =	vshll.u32 v61, $0x1;
	v63 =	vor.u32 s28, v1  }
0x4d: {  	[tilespmem:v12+s19+$0x0] =	vst.idx.msk $0xffff, v58;
	v12 =	vor.u32 v9, v50;
	v51 =	vshll.u32 v63, $0x1  }
0x4e: {  	v4 =	vor.u32 s28, v4;
	v49 =	vshll.u32 v59, $0x1;
	[tilespmem:v13+s19+$0x0] =	vst.idx.msk $0xffff, v60;
	v13 =	vor.u32 v9, v51  }
0x4f: {  	v3 =	vor.u32 s28, v3;
	v54 =	vshll.u32 v4, $0x1;
	v1 =	vor.u32 v9, v49  }
0x50: {  	v2 =	vor.u32 s28, v2;
	v53 =	vshll.u32 v3, $0x1;
	v8 =	vor.u32 v9, v54;
	v5 =	vld.idx.msk [tilespmem:v55+s4+$0x0], $0xffff  }
0x51: {  	v52 =	vshll.u32 v2, $0x1;
	v7 =	vor.u32 v9, v53;
	v55 =	vshll.u32 v56, $0x7;
	v62 =	vld.idx.msk [tilespmem:v14+s4+$0x0], $0xffff  }
0x52: {  	v6 =	vor.u32 v9, v52;
	v56 =	vshll.u32 v57, $0x7;
	v11 =	vor.u32 v0, v55;
	v10 =	vld.idx.msk [tilespmem:v12+s4+$0x0], $0xffff  }
0x53: {  	v57 =	vshll.u32 v59, $0x7;
	v12 =	vld.idx.msk [tilespmem:v13+s4+$0x0], $0xffff;
	v13 =	vor.u32 v0, v56  }
0x54: {  	v14 =	vor.u32 v0, v57;
	v58 =	vshll.u32 v61, $0x7;
	v1 =	vld.idx.msk [tilespmem:v1+s4+$0x0], $0xffff  }
0x55: {  	v8 =	vld.idx.msk [tilespmem:v8+s4+$0x0], $0xffff;
	v15 =	vor.u32 v0, v58;
	v59 =	vshll.u32 v63, $0x7  }
0x56: {  	v60 =	vshll.u32 v2, $0x7;
	v7 =	vld.idx.msk [tilespmem:v7+s4+$0x0], $0xffff;
	v63 =	vor.u32 v0, v59  }
0x57: {  	v2 =	vor.u32 v0, v60;
	v61 =	vshll.u32 v3, $0x7;
	v6 =	vld.idx.msk [tilespmem:v6+s4+$0x0], $0xffff;
	[tilespmem:v11+s19+$0x0] =	vst.idx.msk $0xffff, v5  }
0x58: {  	v3 =	vor.u32 v0, v61;
	[tilespmem:v13+s19+$0x0] =	vst.idx.msk $0xffff, v62;
	v62 =	vshll.u32 v4, $0x7  }
0x59: {  	[tilespmem:v14+s19+$0x0] =	vst.idx.msk $0xffff, v1;
	v1 =	vor.u32 v0, v62  }
0x5a: {  	v14 =	vor.u32 v17, v31;
	[tilespmem:v15+s19+$0x0] =	vst.idx.msk $0xffff, v10  }
0x5b: {  	v13 =	vor.u32 v17, v32;
	[tilespmem:v63+s19+$0x0] =	vst.idx.msk $0xffff, v12  }
0x5c: {  	[tilespmem:v2+s19+$0x0] =	vst.idx.msk $0xffff, v6;
	v2 =	vor.u32 v17, v33  }
0x5d: {  	[tilespmem:v3+s19+$0x0] =	vst.idx.msk $0xffff, v7;
	v3 =	vor.u32 v17, v34  }
0x5e: {  	v7 =	vor.u32 v17, v37;
	[tilespmem:v1+s19+$0x0] =	vst.idx.msk $0xffff, v8  }
0x5f: {  	v1 =	vor.u32 v17, v35;
	v4 =	vld.idx.msk [tilespmem:v14+s4+$0x0], $0xffff  }
0x60: {  	v14 =	vor.u32 v17, v36;
	v5 =	vld.idx.msk [tilespmem:v13+s4+$0x0], $0xffff  }
0x61: {  	v10 =	vor.u32 v18, v39;
	v8 =	vor.u32 v17, v38;
	v2 =	vld.idx.msk [tilespmem:v2+s4+$0x0], $0xffff  }
0x62: {  	v11 =	vor.u32 v18, v40;
	v3 =	vld.idx.msk [tilespmem:v3+s4+$0x0], $0xffff  }
0x63: {  	v12 =	vor.u32 v18, v41;
	v7 =	vld.idx.msk [tilespmem:v7+s4+$0x0], $0xffff  }
0x64: {  	v13 =	vor.u32 v18, v42;
	v1 =	vld.idx.msk [tilespmem:v1+s4+$0x0], $0xffff  }
0x65: {  	v6 =	vld.idx.msk [tilespmem:v14+s4+$0x0], $0xffff;
	v14 =	vor.u32 v18, v43  }
0x66: {  	v8 =	vld.idx.msk [tilespmem:v8+s4+$0x0], $0xffff;
	[tilespmem:v10+s19+$0x0] =	vst.idx.msk $0xffff, v4;
	v4 =	vor.u32 v18, v44  }
0x67: {  	[tilespmem:v11+s19+$0x0] =	vst.idx.msk $0xffff, v5;
	v5 =	vor.u32 v18, v45  }
0x68: {  	[tilespmem:v12+s19+$0x0] =	vst.idx.msk $0xffff, v2;
	v2 =	vor.u32 v18, v46  }
0x69: {  	[tilespmem:v13+s19+$0x0] =	vst.idx.msk $0xffff, v3;
	v3 =	vor.u32 v17, v47  }
0x6a: {  	v12 =	vor.u32 v17, v49;
	[tilespmem:v14+s19+$0x0] =	vst.idx.msk $0xffff, v1  }
0x6b: {  	v13 =	vor.u32 v17, v50;
	[tilespmem:v4+s19+$0x0] =	vst.idx.msk $0xffff, v6  }
0x6c: {  	v1 =	vor.u32 v17, v48;
	[tilespmem:v5+s19+$0x0] =	vst.idx.msk $0xffff, v7  }
0x6d: {  	v14 =	vor.u32 v17, v52;
	[tilespmem:v2+s19+$0x0] =	vst.idx.msk $0xffff, v8  }
0x6e: {  	v7 =	vor.u32 v17, v53;
	v3 =	vld.idx.msk [tilespmem:v3+s4+$0x0], $0xffff  }
0x6f: {  	v2 =	vor.u32 v17, v51;
	v4 =	vld.idx.msk [tilespmem:v12+s4+$0x0], $0xffff  }
0x70: {  	v10 =	vor.u32 v18, v55;
	v8 =	vor.u32 v17, v54;
	v5 =	vld.idx.msk [tilespmem:v13+s4+$0x0], $0xffff  }
0x71: {  	v11 =	vor.u32 v18, v56;
	v1 =	vld.idx.msk [tilespmem:v1+s4+$0x0], $0xffff  }
0x72: {  	v12 =	vor.u32 v18, v57;
	v6 =	vld.idx.msk [tilespmem:v14+s4+$0x0], $0xffff  }
0x73: {  	v13 =	vor.u32 v18, v58;
	v7 =	vld.idx.msk [tilespmem:v7+s4+$0x0], $0xffff  }
0x74: {  	v14 =	vor.u32 v18, v59;
	v2 =	vld.idx.msk [tilespmem:v2+s4+$0x0], $0xffff  }
0x75: {  	v8 =	vld.idx.msk [tilespmem:v8+s4+$0x0], $0xffff;
	[tilespmem:v10+s19+$0x0] =	vst.idx.msk $0xffff, v3;
	v3 =	vor.u32 v18, v60  }
0x76: {  	[tilespmem:v11+s19+$0x0] =	vst.idx.msk $0xffff, v1;
	v1 =	vor.u32 v18, v61  }
0x77: {  	[tilespmem:v12+s19+$0x0] =	vst.idx.msk $0xffff, v4;
	v4 =	vor.u32 v18, v62  }
0x78: {  	v12 =	vor.u32 v19, v31;
	[tilespmem:v13+s19+$0x0] =	vst.idx.msk $0xffff, v5  }
0x79: {  	v13 =	vor.u32 v19, v35;
	[tilespmem:v14+s19+$0x0] =	vst.idx.msk $0xffff, v2  }
0x7a: {  	v2 =	vor.u32 v19, v32;
	[tilespmem:v3+s19+$0x0] =	vst.idx.msk $0xffff, v6  }
0x7b: {  	v14 =	vor.u32 v19, v36;
	[tilespmem:v1+s19+$0x0] =	vst.idx.msk $0xffff, v7  }
0x7c: {  	v3 =	vor.u32 v19, v33;
	[tilespmem:v4+s19+$0x0] =	vst.idx.msk $0xffff, v8  }
0x7d: {  	v1 =	vor.u32 v19, v34;
	v5 =	vld.idx.msk [tilespmem:v12+s4+$0x0], $0xffff  }
0x7e: {  	v7 =	vor.u32 v19, v37;
	v4 =	vld.idx.msk [tilespmem:v13+s4+$0x0], $0xffff  }
0x7f: {  	v10 =	vor.u32 v20, v39;
	v8 =	vor.u32 v19, v38;
	v2 =	vld.idx.msk [tilespmem:v2+s4+$0x0], $0xffff  }
0x80: {  	v11 =	vor.u32 v20, v40;
	v6 =	vld.idx.msk [tilespmem:v14+s4+$0x0], $0xffff  }
0x81: {  	v12 =	vor.u32 v20, v41;
	v3 =	vld.idx.msk [tilespmem:v3+s4+$0x0], $0xffff  }
0x82: {  	v13 =	vor.u32 v20, v42;
	v1 =	vld.idx.msk [tilespmem:v1+s4+$0x0], $0xffff  }
0x83: {  	v14 =	vor.u32 v20, v43;
	v7 =	vld.idx.msk [tilespmem:v7+s4+$0x0], $0xffff  }
0x84: {  	v8 =	vld.idx.msk [tilespmem:v8+s4+$0x0], $0xffff;
	[tilespmem:v10+s19+$0x0] =	vst.idx.msk $0xffff, v5;
	v5 =	vor.u32 v20, v44  }
0x85: {  	[tilespmem:v11+s19+$0x0] =	vst.idx.msk $0xffff, v2;
	v2 =	vor.u32 v20, v45  }
0x86: {  	[tilespmem:v12+s19+$0x0] =	vst.idx.msk $0xffff, v3;
	v3 =	vor.u32 v20, v46  }
0x87: {  	[tilespmem:v13+s19+$0x0] =	vst.idx.msk $0xffff, v1;
	v1 =	vor.u32 v19, v47  }
0x88: {  	v12 =	vor.u32 v19, v48;
	[tilespmem:v14+s19+$0x0] =	vst.idx.msk $0xffff, v4  }
0x89: {  	v13 =	vor.u32 v19, v49;
	[tilespmem:v5+s19+$0x0] =	vst.idx.msk $0xffff, v6  }
0x8a: {  	v14 =	vor.u32 v19, v52;
	[tilespmem:v2+s19+$0x0] =	vst.idx.msk $0xffff, v7  }
0x8b: {  	v2 =	vor.u32 v19, v50;
	[tilespmem:v3+s19+$0x0] =	vst.idx.msk $0xffff, v8  }
0x8c: {  	v7 =	vor.u32 v19, v53;
	v1 =	vld.idx.msk [tilespmem:v1+s4+$0x0], $0xffff  }
0x8d: {  	v3 =	vor.u32 v19, v51;
	v4 =	vld.idx.msk [tilespmem:v12+s4+$0x0], $0xffff  }
0x8e: {  	v10 =	vor.u32 v20, v55;
	v8 =	vor.u32 v19, v54;
	v5 =	vld.idx.msk [tilespmem:v13+s4+$0x0], $0xffff  }
0x8f: {  	v11 =	vor.u32 v20, v56;
	v6 =	vld.idx.msk [tilespmem:v14+s4+$0x0], $0xffff  }
0x90: {  	v12 =	vor.u32 v20, v57;
	v2 =	vld.idx.msk [tilespmem:v2+s4+$0x0], $0xffff  }
0x91: {  	v13 =	vor.u32 v20, v58;
	v7 =	vld.idx.msk [tilespmem:v7+s4+$0x0], $0xffff  }
0x92: {  	v14 =	vor.u32 v20, v59;
	v3 =	vld.idx.msk [tilespmem:v3+s4+$0x0], $0xffff  }
0x93: {  	v8 =	vld.idx.msk [tilespmem:v8+s4+$0x0], $0xffff;
	[tilespmem:v10+s19+$0x0] =	vst.idx.msk $0xffff, v1;
	v1 =	vor.u32 v20, v60  }
0x94: {  	[tilespmem:v11+s19+$0x0] =	vst.idx.msk $0xffff, v4;
	v4 =	vor.u32 v20, v61  }
0x95: {  	[tilespmem:v12+s19+$0x0] =	vst.idx.msk $0xffff, v5;
	v5 =	vor.u32 v20, v62  }
0x96: {  	[tilespmem:v13+s19+$0x0] =	vst.idx.msk $0xffff, v2;
	v2 =	vor.u32 v21, v31  }
0x97: {  	v12 =	vor.u32 v21, v34;
	[tilespmem:v14+s19+$0x0] =	vst.idx.msk $0xffff, v3  }
0x98: {  	v13 =	vor.u32 v21, v35;
	[tilespmem:v1+s19+$0x0] =	vst.idx.msk $0xffff, v6  }
0x99: {  	v3 =	vor.u32 v21, v32;
	[tilespmem:v4+s19+$0x0] =	vst.idx.msk $0xffff, v7  }
0x9a: {  	v1 =	vor.u32 v21, v33;
	[tilespmem:v5+s19+$0x0] =	vst.idx.msk $0xffff, v8  }
0x9b: {  	v14 =	vor.u32 v21, v36;
	v2 =	vld.idx.msk [tilespmem:v2+s4+$0x0], $0xffff  }
0x9c: {  	v7 =	vor.u32 v21, v37;
	v4 =	vld.idx.msk [tilespmem:v12+s4+$0x0], $0xffff  }
0x9d: {  	v10 =	vor.u32 v22, v39;
	v8 =	vor.u32 v21, v38;
	v5 =	vld.idx.msk [tilespmem:v13+s4+$0x0], $0xffff  }
0x9e: {  	v11 =	vor.u32 v22, v40;
	v3 =	vld.idx.msk [tilespmem:v3+s4+$0x0], $0xffff  }
0x9f: {  	v12 =	vor.u32 v22, v41;
	v1 =	vld.idx.msk [tilespmem:v1+s4+$0x0], $0xffff  }
0xa0: {  	v13 =	vor.u32 v22, v42;
	v6 =	vld.idx.msk [tilespmem:v14+s4+$0x0], $0xffff  }
0xa1: {  	v14 =	vor.u32 v22, v43;
	v7 =	vld.idx.msk [tilespmem:v7+s4+$0x0], $0xffff  }
0xa2: {  	v8 =	vld.idx.msk [tilespmem:v8+s4+$0x0], $0xffff;
	[tilespmem:v10+s19+$0x0] =	vst.idx.msk $0xffff, v2;
	v2 =	vor.u32 v22, v44  }
0xa3: {  	[tilespmem:v11+s19+$0x0] =	vst.idx.msk $0xffff, v3;
	v3 =	vor.u32 v22, v45  }
0xa4: {  	[tilespmem:v12+s19+$0x0] =	vst.idx.msk $0xffff, v1;
	v1 =	vor.u32 v22, v46  }
0xa5: {  	v12 =	vor.u32 v21, v47;
	[tilespmem:v13+s19+$0x0] =	vst.idx.msk $0xffff, v4  }
0xa6: {  	v13 =	vor.u32 v21, v48;
	[tilespmem:v14+s19+$0x0] =	vst.idx.msk $0xffff, v5  }
0xa7: {  	v14 =	vor.u32 v21, v52;
	[tilespmem:v2+s19+$0x0] =	vst.idx.msk $0xffff, v6  }
0xa8: {  	v2 =	vor.u32 v21, v49;
	[tilespmem:v3+s19+$0x0] =	vst.idx.msk $0xffff, v7  }
0xa9: {  	v3 =	vor.u32 v21, v50;
	[tilespmem:v1+s19+$0x0] =	vst.idx.msk $0xffff, v8  }
0xaa: {  	v7 =	vor.u32 v21, v53;
	v4 =	vld.idx.msk [tilespmem:v12+s4+$0x0], $0xffff  }
0xab: {  	v1 =	vor.u32 v21, v51;
	v5 =	vld.idx.msk [tilespmem:v13+s4+$0x0], $0xffff  }
0xac: {  	v10 =	vor.u32 v22, v55;
	v8 =	vor.u32 v21, v54;
	v6 =	vld.idx.msk [tilespmem:v14+s4+$0x0], $0xffff  }
0xad: {  	v11 =	vor.u32 v22, v56;
	v2 =	vld.idx.msk [tilespmem:v2+s4+$0x0], $0xffff  }
0xae: {  	v12 =	vor.u32 v22, v57;
	v3 =	vld.idx.msk [tilespmem:v3+s4+$0x0], $0xffff  }
0xaf: {  	v13 =	vor.u32 v22, v58;
	v7 =	vld.idx.msk [tilespmem:v7+s4+$0x0], $0xffff  }
0xb0: {  	v14 =	vor.u32 v22, v59;
	v1 =	vld.idx.msk [tilespmem:v1+s4+$0x0], $0xffff  }
0xb1: {  	v8 =	vld.idx.msk [tilespmem:v8+s4+$0x0], $0xffff;
	[tilespmem:v10+s19+$0x0] =	vst.idx.msk $0xffff, v4;
	v4 =	vor.u32 v22, v60  }
0xb2: {  	[tilespmem:v11+s19+$0x0] =	vst.idx.msk $0xffff, v5;
	v5 =	vor.u32 v22, v61  }
0xb3: {  	[tilespmem:v12+s19+$0x0] =	vst.idx.msk $0xffff, v2;
	v2 =	vor.u32 v22, v62  }
0xb4: {  	[tilespmem:v13+s19+$0x0] =	vst.idx.msk $0xffff, v3;
	v3 =	vor.u32 v23, v31  }
0xb5: {  	v12 =	vor.u32 v23, v33;
	[tilespmem:v14+s19+$0x0] =	vst.idx.msk $0xffff, v1  }
0xb6: {  	v13 =	vor.u32 v23, v34;
	[tilespmem:v4+s19+$0x0] =	vst.idx.msk $0xffff, v6  }
0xb7: {  	v1 =	vor.u32 v23, v32;
	[tilespmem:v5+s19+$0x0] =	vst.idx.msk $0xffff, v7  }
0xb8: {  	v14 =	vor.u32 v23, v36;
	[tilespmem:v2+s19+$0x0] =	vst.idx.msk $0xffff, v8  }
0xb9: {  	v7 =	vor.u32 v23, v37;
	v3 =	vld.idx.msk [tilespmem:v3+s4+$0x0], $0xffff  }
0xba: {  	v2 =	vor.u32 v23, v35;
	v4 =	vld.idx.msk [tilespmem:v12+s4+$0x0], $0xffff  }
0xbb: {  	v10 =	vor.u32 v24, v39;
	v8 =	vor.u32 v23, v38;
	v5 =	vld.idx.msk [tilespmem:v13+s4+$0x0], $0xffff  }
0xbc: {  	v11 =	vor.u32 v24, v40;
	v1 =	vld.idx.msk [tilespmem:v1+s4+$0x0], $0xffff  }
0xbd: {  	v12 =	vor.u32 v24, v41;
	v6 =	vld.idx.msk [tilespmem:v14+s4+$0x0], $0xffff  }
0xbe: {  	v13 =	vor.u32 v24, v42;
	v7 =	vld.idx.msk [tilespmem:v7+s4+$0x0], $0xffff  }
0xbf: {  	v14 =	vor.u32 v24, v43;
	v2 =	vld.idx.msk [tilespmem:v2+s4+$0x0], $0xffff  }
0xc0: {  	v8 =	vld.idx.msk [tilespmem:v8+s4+$0x0], $0xffff;
	[tilespmem:v10+s19+$0x0] =	vst.idx.msk $0xffff, v3;
	v3 =	vor.u32 v24, v44  }
0xc1: {  	[tilespmem:v11+s19+$0x0] =	vst.idx.msk $0xffff, v1;
	v1 =	vor.u32 v24, v45  }
0xc2: {  	[tilespmem:v12+s19+$0x0] =	vst.idx.msk $0xffff, v4;
	v4 =	vor.u32 v24, v46  }
0xc3: {  	v12 =	vor.u32 v23, v47;
	[tilespmem:v13+s19+$0x0] =	vst.idx.msk $0xffff, v5  }
0xc4: {  	v13 =	vor.u32 v23, v51;
	[tilespmem:v14+s19+$0x0] =	vst.idx.msk $0xffff, v2  }
0xc5: {  	v2 =	vor.u32 v23, v48;
	[tilespmem:v3+s19+$0x0] =	vst.idx.msk $0xffff, v6  }
0xc6: {  	v14 =	vor.u32 v23, v52;
	[tilespmem:v1+s19+$0x0] =	vst.idx.msk $0xffff, v7  }
0xc7: {  	v3 =	vor.u32 v23, v49;
	[tilespmem:v4+s19+$0x0] =	vst.idx.msk $0xffff, v8  }
0xc8: {  	v1 =	vor.u32 v23, v50;
	v5 =	vld.idx.msk [tilespmem:v12+s4+$0x0], $0xffff  }
0xc9: {  	v7 =	vor.u32 v23, v53;
	v4 =	vld.idx.msk [tilespmem:v13+s4+$0x0], $0xffff  }
0xca: {  	v10 =	vor.u32 v24, v55;
	v8 =	vor.u32 v23, v54;
	v2 =	vld.idx.msk [tilespmem:v2+s4+$0x0], $0xffff  }
0xcb: {  	v11 =	vor.u32 v24, v56;
	v6 =	vld.idx.msk [tilespmem:v14+s4+$0x0], $0xffff  }
0xcc: {  	v12 =	vor.u32 v24, v57;
	v3 =	vld.idx.msk [tilespmem:v3+s4+$0x0], $0xffff  }
0xcd: {  	v13 =	vor.u32 v24, v58;
	v1 =	vld.idx.msk [tilespmem:v1+s4+$0x0], $0xffff  }
0xce: {  	v14 =	vor.u32 v24, v59;
	v7 =	vld.idx.msk [tilespmem:v7+s4+$0x0], $0xffff  }
0xcf: {  	v8 =	vld.idx.msk [tilespmem:v8+s4+$0x0], $0xffff;
	[tilespmem:v10+s19+$0x0] =	vst.idx.msk $0xffff, v5;
	v5 =	vor.u32 v24, v60  }
0xd0: {  	[tilespmem:v11+s19+$0x0] =	vst.idx.msk $0xffff, v2;
	v2 =	vor.u32 v24, v61  }
0xd1: {  	[tilespmem:v12+s19+$0x0] =	vst.idx.msk $0xffff, v3;
	v3 =	vor.u32 v24, v62  }
0xd2: {  	[tilespmem:v13+s19+$0x0] =	vst.idx.msk $0xffff, v1;
	v1 =	vor.u32 v25, v31  }
0xd3: {  	v12 =	vor.u32 v25, v32;
	[tilespmem:v14+s19+$0x0] =	vst.idx.msk $0xffff, v4  }
0xd4: {  	v13 =	vor.u32 v25, v33;
	[tilespmem:v5+s19+$0x0] =	vst.idx.msk $0xffff, v6  }
0xd5: {  	v14 =	vor.u32 v25, v36;
	[tilespmem:v2+s19+$0x0] =	vst.idx.msk $0xffff, v7  }
0xd6: {  	v2 =	vor.u32 v25, v34;
	[tilespmem:v3+s19+$0x0] =	vst.idx.msk $0xffff, v8  }
0xd7: {  	v7 =	vor.u32 v25, v37;
	v1 =	vld.idx.msk [tilespmem:v1+s4+$0x0], $0xffff  }
0xd8: {  	v3 =	vor.u32 v25, v35;
	v4 =	vld.idx.msk [tilespmem:v12+s4+$0x0], $0xffff  }
0xd9: {  	v10 =	vor.u32 v26, v39;
	v8 =	vor.u32 v25, v38;
	v5 =	vld.idx.msk [tilespmem:v13+s4+$0x0], $0xffff  }
0xda: {  	v11 =	vor.u32 v26, v40;
	v6 =	vld.idx.msk [tilespmem:v14+s4+$0x0], $0xffff  }
0xdb: {  	v12 =	vor.u32 v26, v41;
	v2 =	vld.idx.msk [tilespmem:v2+s4+$0x0], $0xffff  }
0xdc: {  	v13 =	vor.u32 v26, v42;
	v7 =	vld.idx.msk [tilespmem:v7+s4+$0x0], $0xffff  }
0xdd: {  	v14 =	vor.u32 v26, v43;
	v3 =	vld.idx.msk [tilespmem:v3+s4+$0x0], $0xffff  }
0xde: {  	v8 =	vld.idx.msk [tilespmem:v8+s4+$0x0], $0xffff;
	[tilespmem:v10+s19+$0x0] =	vst.idx.msk $0xffff, v1;
	v1 =	vor.u32 v26, v44  }
0xdf: {  	[tilespmem:v11+s19+$0x0] =	vst.idx.msk $0xffff, v4;
	v4 =	vor.u32 v26, v45  }
0xe0: {  	[tilespmem:v12+s19+$0x0] =	vst.idx.msk $0xffff, v5;
	v5 =	vor.u32 v26, v46  }
0xe1: {  	[tilespmem:v13+s19+$0x0] =	vst.idx.msk $0xffff, v2;
	v2 =	vor.u32 v25, v47  }
0xe2: {  	v12 =	vor.u32 v25, v50;
	[tilespmem:v14+s19+$0x0] =	vst.idx.msk $0xffff, v3  }
0xe3: {  	v13 =	vor.u32 v25, v51;
	[tilespmem:v1+s19+$0x0] =	vst.idx.msk $0xffff, v6  }
0xe4: {  	v3 =	vor.u32 v25, v48;
	[tilespmem:v4+s19+$0x0] =	vst.idx.msk $0xffff, v7  }
0xe5: {  	v1 =	vor.u32 v25, v49;
	[tilespmem:v5+s19+$0x0] =	vst.idx.msk $0xffff, v8  }
0xe6: {  	v14 =	vor.u32 v25, v52;
	v2 =	vld.idx.msk [tilespmem:v2+s4+$0x0], $0xffff  }
0xe7: {  	v7 =	vor.u32 v25, v53;
	v4 =	vld.idx.msk [tilespmem:v12+s4+$0x0], $0xffff  }
0xe8: {  	v10 =	vor.u32 v26, v55;
	v8 =	vor.u32 v25, v54;
	v5 =	vld.idx.msk [tilespmem:v13+s4+$0x0], $0xffff  }
0xe9: {  	v11 =	vor.u32 v26, v56;
	v3 =	vld.idx.msk [tilespmem:v3+s4+$0x0], $0xffff  }
0xea: {  	v12 =	vor.u32 v26, v57;
	v1 =	vld.idx.msk [tilespmem:v1+s4+$0x0], $0xffff  }
0xeb: {  	v13 =	vor.u32 v26, v58;
	v6 =	vld.idx.msk [tilespmem:v14+s4+$0x0], $0xffff  }
0xec: {  	v14 =	vor.u32 v26, v59;
	v7 =	vld.idx.msk [tilespmem:v7+s4+$0x0], $0xffff  }
0xed: {  	v8 =	vld.idx.msk [tilespmem:v8+s4+$0x0], $0xffff;
	[tilespmem:v10+s19+$0x0] =	vst.idx.msk $0xffff, v2;
	v2 =	vor.u32 v26, v60  }
0xee: {  	[tilespmem:v11+s19+$0x0] =	vst.idx.msk $0xffff, v3;
	v3 =	vor.u32 v26, v61  }
0xef: {  	[tilespmem:v12+s19+$0x0] =	vst.idx.msk $0xffff, v1;
	v1 =	vor.u32 v26, v62  }
0xf0: {  	v12 =	vor.u32 v27, v31;
	[tilespmem:v13+s19+$0x0] =	vst.idx.msk $0xffff, v4  }
0xf1: {  	v13 =	vor.u32 v27, v32;
	[tilespmem:v14+s19+$0x0] =	vst.idx.msk $0xffff, v5  }
0xf2: {  	v14 =	vor.u32 v27, v36;
	[tilespmem:v2+s19+$0x0] =	vst.idx.msk $0xffff, v6  }
0xf3: {  	v2 =	vor.u32 v27, v33;
	[tilespmem:v3+s19+$0x0] =	vst.idx.msk $0xffff, v7  }
0xf4: {  	v3 =	vor.u32 v27, v34;
	[tilespmem:v1+s19+$0x0] =	vst.idx.msk $0xffff, v8  }
0xf5: {  	v7 =	vor.u32 v27, v37;
	v4 =	vld.idx.msk [tilespmem:v12+s4+$0x0], $0xffff  }
0xf6: {  	v1 =	vor.u32 v27, v35;
	v5 =	vld.idx.msk [tilespmem:v13+s4+$0x0], $0xffff  }
0xf7: {  	v10 =	vor.u32 v28, v39;
	v8 =	vor.u32 v27, v38;
	v6 =	vld.idx.msk [tilespmem:v14+s4+$0x0], $0xffff  }
0xf8: {  	v11 =	vor.u32 v28, v40;
	v2 =	vld.idx.msk [tilespmem:v2+s4+$0x0], $0xffff  }
0xf9: {  	v12 =	vor.u32 v28, v41;
	v3 =	vld.idx.msk [tilespmem:v3+s4+$0x0], $0xffff  }
0xfa: {  	v13 =	vor.u32 v28, v42;
	v7 =	vld.idx.msk [tilespmem:v7+s4+$0x0], $0xffff  }
0xfb: {  	v14 =	vor.u32 v28, v43;
	v1 =	vld.idx.msk [tilespmem:v1+s4+$0x0], $0xffff  }
0xfc: {  	v8 =	vld.idx.msk [tilespmem:v8+s4+$0x0], $0xffff;
	[tilespmem:v10+s19+$0x0] =	vst.idx.msk $0xffff, v4;
	v4 =	vor.u32 v28, v44  }
0xfd: {  	[tilespmem:v11+s19+$0x0] =	vst.idx.msk $0xffff, v5;
	v5 =	vor.u32 v28, v45  }
0xfe: {  	[tilespmem:v12+s19+$0x0] =	vst.idx.msk $0xffff, v2;
	v2 =	vor.u32 v28, v46  }
0xff: {  	[tilespmem:v13+s19+$0x0] =	vst.idx.msk $0xffff, v3;
	v3 =	vor.u32 v27, v47  }
0x100: {  	v12 =	vor.u32 v27, v49;
	[tilespmem:v14+s19+$0x0] =	vst.idx.msk $0xffff, v1  }
0x101: {  	v13 =	vor.u32 v27, v50;
	[tilespmem:v4+s19+$0x0] =	vst.idx.msk $0xffff, v6  }
0x102: {  	v1 =	vor.u32 v27, v48;
	[tilespmem:v5+s19+$0x0] =	vst.idx.msk $0xffff, v7  }
0x103: {  	v14 =	vor.u32 v27, v52;
	[tilespmem:v2+s19+$0x0] =	vst.idx.msk $0xffff, v8  }
0x104: {  	v7 =	vor.u32 v27, v53;
	v3 =	vld.idx.msk [tilespmem:v3+s4+$0x0], $0xffff  }
0x105: {  	v2 =	vor.u32 v27, v51;
	v4 =	vld.idx.msk [tilespmem:v12+s4+$0x0], $0xffff  }
0x106: {  	v10 =	vor.u32 v28, v55;
	v8 =	vor.u32 v27, v54;
	v5 =	vld.idx.msk [tilespmem:v13+s4+$0x0], $0xffff  }
0x107: {  	v11 =	vor.u32 v28, v56;
	v1 =	vld.idx.msk [tilespmem:v1+s4+$0x0], $0xffff  }
0x108: {  	v12 =	vor.u32 v28, v57;
	v6 =	vld.idx.msk [tilespmem:v14+s4+$0x0], $0xffff  }
0x109: {  	v13 =	vor.u32 v28, v58;
	v7 =	vld.idx.msk [tilespmem:v7+s4+$0x0], $0xffff  }
0x10a: {  	v14 =	vor.u32 v28, v59;
	v2 =	vld.idx.msk [tilespmem:v2+s4+$0x0], $0xffff  }
0x10b: {  	v8 =	vld.idx.msk [tilespmem:v8+s4+$0x0], $0xffff;
	[tilespmem:v10+s19+$0x0] =	vst.idx.msk $0xffff, v3;
	v3 =	vor.u32 v28, v60  }
0x10c: {  	[tilespmem:v11+s19+$0x0] =	vst.idx.msk $0xffff, v1;
	v1 =	vor.u32 v28, v61  }
0x10d: {  	[tilespmem:v12+s19+$0x0] =	vst.idx.msk $0xffff, v4;
	v4 =	vor.u32 v28, v62  }
0x10e: {  	v12 =	vor.u32 v29, v31;
	[tilespmem:v13+s19+$0x0] =	vst.idx.msk $0xffff, v5  }
0x10f: {  	v13 =	vor.u32 v29, v35;
	[tilespmem:v14+s19+$0x0] =	vst.idx.msk $0xffff, v2  }
0x110: {  	v2 =	vor.u32 v29, v32;
	[tilespmem:v3+s19+$0x0] =	vst.idx.msk $0xffff, v6  }
0x111: {  	v14 =	vor.u32 v29, v36;
	[tilespmem:v1+s19+$0x0] =	vst.idx.msk $0xffff, v7  }
0x112: {  	v3 =	vor.u32 v29, v33;
	[tilespmem:v4+s19+$0x0] =	vst.idx.msk $0xffff, v8  }
0x113: {  	v1 =	vor.u32 v29, v34;
	v5 =	vld.idx.msk [tilespmem:v12+s4+$0x0], $0xffff  }
0x114: {  	v32 =	vor.u32 v29, v37;
	v4 =	vld.idx.msk [tilespmem:v13+s4+$0x0], $0xffff  }
0x115: {  	v10 =	vor.u32 v30, v39;
	v8 =	vor.u32 v29, v38;
	v2 =	vld.idx.msk [tilespmem:v2+s4+$0x0], $0xffff  }
0x116: {  	v11 =	vor.u32 v30, v40;
	v6 =	vld.idx.msk [tilespmem:v14+s4+$0x0], $0xffff  }
0x117: {  	v41 =	vor.u32 v30, v41;
	v3 =	vld.idx.msk [tilespmem:v3+s4+$0x0], $0xffff  }
0x118: {  	v42 =	vor.u32 v30, v42;
	v1 =	vld.idx.msk [tilespmem:v1+s4+$0x0], $0xffff  }
0x119: {  	v43 =	vor.u32 v30, v43;
	v7 =	vld.idx.msk [tilespmem:v32+s4+$0x0], $0xffff  }
0x11a: {  	v44 =	vor.u32 v30, v44;
	v8 =	vld.idx.msk [tilespmem:v8+s4+$0x0], $0xffff;
	[tilespmem:v10+s19+$0x0] =	vst.idx.msk $0xffff, v5  }
0x11b: {  	[tilespmem:v11+s19+$0x0] =	vst.idx.msk $0xffff, v2;
	v2 =	vor.u32 v30, v45  }
0x11c: {  	[tilespmem:v41+s19+$0x0] =	vst.idx.msk $0xffff, v3;
	v3 =	vor.u32 v30, v46  }
0x11d: {  	[tilespmem:v42+s19+$0x0] =	vst.idx.msk $0xffff, v1;
	v1 =	vor.u32 v29, v47  }
0x11e: {  	v48 =	vor.u32 v29, v48;
	[tilespmem:v43+s19+$0x0] =	vst.idx.msk $0xffff, v4  }
0x11f: {  	v49 =	vor.u32 v29, v49;
	[tilespmem:v44+s19+$0x0] =	vst.idx.msk $0xffff, v6  }
0x120: {  	v52 =	vor.u32 v29, v52;
	[tilespmem:v2+s19+$0x0] =	vst.idx.msk $0xffff, v7  }
0x121: {  	v63 =	vld [tilespmem:$0x1FF90];
	v53 =	vor.u32 v29, v53;
	[tilespmem:v3+s19+$0x0] =	vst.idx.msk $0xffff, v8  }
0x122: {  	v2 =	vor.u32 v29, v50;
	v1 =	vld.idx.msk [tilespmem:v1+s4+$0x0], $0xffff  }
0x123: {  	v3 =	vor.u32 v29, v51;
	v4 =	vld.idx.msk [tilespmem:v48+s4+$0x0], $0xffff  }
0x124: {  	v10 =	vor.u32 v30, v55;
	v8 =	vor.u32 v29, v54;
	v5 =	vld.idx.msk [tilespmem:v49+s4+$0x0], $0xffff  }
0x125: {  	v11 =	vor.u32 v30, v56;
	v6 =	vld.idx.msk [tilespmem:v52+s4+$0x0], $0xffff  }
0x126: {  	v55 =	vor.u32 v30, v57;
	v7 =	vld.idx.msk [tilespmem:v53+s4+$0x0], $0xffff  }
0x127: {  	v56 =	vor.u32 v30, v58;
	v2 =	vld.idx.msk [tilespmem:v2+s4+$0x0], $0xffff  }
0x128: {  	v57 =	vor.u32 v30, v59;
	v3 =	vld.idx.msk [tilespmem:v3+s4+$0x0], $0xffff  }
0x129: {  	v8 =	vld.idx.msk [tilespmem:v8+s4+$0x0], $0xffff;
	[tilespmem:v10+s19+$0x0] =	vst.idx.msk $0xffff, v1;
	v1 =	vor.u32 v30, v60  }
0x12a: {  	v35 =	vld [tilespmem:$0x1FF50];
	v58 =	vor.u32 v30, v61;
	[tilespmem:v11+s19+$0x0] =	vst.idx.msk $0xffff, v4  }
0x12b: {  	p3 =	sne.s32 s28, $0x30;
	v36 =	vld [tilespmem:$0x1FF60];
	v59 =	vor.u32 v30, v62;
	[tilespmem:v55+s19+$0x0] =	vst.idx.msk $0xffff, v5  }
.Ltmp2:
0x12c: {  	v37 =	vld [tilespmem:$0x1FF80];
	[tilespmem:v56+s19+$0x0] =	vst.idx.msk $0xffff, v2;
	(pc) =	sbr.rel @p3 .LBB2_3-.Ltmp2, $4  }
0x12d: {  	v33 =	vld [tilespmem:$0x1FF30];
	[tilespmem:v57+s19+$0x0] =	vst.idx.msk $0xffff, v3  }
0x12e: {  	v34 =	vld [tilespmem:$0x1FF40];
	[tilespmem:v1+s19+$0x0] =	vst.idx.msk $0xffff, v6  }
0x12f: {  	v62 =	vld [tilespmem:$0x1FF70];
	[tilespmem:v58+s19+$0x0] =	vst.idx.msk $0xffff, v7  }
0x130: {  	s28 =	sadd.s32 $0x10, s28;
	v2 =	vld [tilespmem:$0x1FF20];
	[tilespmem:v59+s19+$0x0] =	vst.idx.msk $0xffff, v8  }
0x131: {  	p3 =	sne.s32 s25, $0x79  }
.Ltmp3:
0x132: {  	_ = 	snop;
	(pc) =	sbr.rel @p3 .LBB2_6-.Ltmp3, $4  }
0x133: {  	s28 =	sshll.u32 s25, $0x10  }
0x134: {  	s28 =	sor.u32 s6, s28  }
0x135: {  	s29 =	sadd.s32 s1, s28  }
0x136: {  	[hbm4b:s29+s4] =	stream.linear.scatter [tilespmem:s19], [sflag:$0x3], $0x2000, $0x38;
	[tilespmem:$0x8000] =	vst v63  }
.Ltmp4:
0x137: {  	(pc) =	sbr.rel .LBB2_7-.Ltmp4, $4  }
0x138: {  	_ = 	snop  }
0x139: {  	_ =	swait.ge [sflag:s20], $0x2000  }
0x13a: {  	[sflag:s20] =	ssyncset.done $0x0  }
0x13b: {  	[sflag:s20] =	ssyncadd.s32 $0xFFFFE000  }
.LBB2_6:
.Ltmp5:
0x13c: {  	s29 =	sadd.s32 s26, s8;
	(pc) =	sbr.rel @p2 .LBB2_8-.Ltmp5, $4  }
0x13d: {  	[tilespmem:s4], [sflag:$0x1] =	stream.strided.gather [hbm4b:s29+s14], $0x2000, s16, s14, $0x38;
	[tilespmem:$0x8000] =	vst v63  }
0x13e: {  	_ =	swait.ge [sflag:s20], $0x2000  }
0x13f: {  	[sflag:s20] =	ssyncset.done $0x0  }
0x140: {  	[sflag:s20] =	ssyncadd.s32 $0xFFFFE000  }
.LBB2_7:
0x141: {  	_ =	swait.ge [sflag:s21], $0x2000  }
0x142: {  	[sflag:s21] =	ssyncset.done $0x0  }
0x143: {  	[sflag:s21] =	ssyncadd.s32 $0xFFFFE000  }
.LBB2_8:
0x144: {  	s29 =	simm.s32 $0x0  }
.LBB2_9:
0x145: {  	v1 =	vor.u32 s29, v0;
	v3 =	vld [tilespmem:$0x1FF20]  }
0x146: {  	v31 =	vshll.u32 v1, $0x1  }
0x147: {  	v4 =	vor.u32 v9, v31;
	v2 =	vor.u32 s29, v16;
	v5 =	vor.u32 s29, v33  }
0x148: {  	v7 =	vor.u32 s29, v34;
	v10 =	vor.u32 s29, v35;
	v32 =	vshll.u32 v2, $0x1  }
0x149: {  	v12 =	vor.u32 s29, v36;
	v34 =	vshll.u32 v5, $0x1;
	v6 =	vor.u32 v9, v32  }
0x14a: {  	v3 =	vor.u32 s29, v3;
	v36 =	vshll.u32 v10, $0x1;
	v11 =	vor.u32 v9, v34  }
0x14b: {  	v33 =	vshll.u32 v3, $0x1;
	v15 =	vor.u32 v9, v36  }
0x14c: {  	v35 =	vshll.u32 v7, $0x1;
	v8 =	vor.u32 v9, v33  }
0x14d: {  	v14 =	vor.u32 s29, v37;
	v37 =	vshll.u32 v12, $0x1;
	v13 =	vor.u32 v9, v35;
	v4 =	vld.idx.msk [tilespmem:v4+s17+$0x0], $0xffff  }
0x14e: {  	v39 =	vshll.u32 v1, $0x7;
	v38 =	vshll.u32 v14, $0x1;
	v43 =	vor.u32 v9, v37;
	v6 =	vld.idx.msk [tilespmem:v6+s17+$0x0], $0xffff  }
0x14f: {  	v40 =	vshll.u32 v2, $0x7;
	v44 =	vor.u32 v9, v38;
	v1 =	vld.idx.msk [tilespmem:v11+s17+$0x0], $0xffff;
	v11 =	vor.u32 v0, v39  }
0x150: {  	v53 =	vor.u32 v0, v40;
	v41 =	vshll.u32 v3, $0x7;
	v3 =	vld.idx.msk [tilespmem:v15+s17+$0x0], $0xffff  }
0x151: {  	v42 =	vshll.u32 v5, $0x7;
	v15 =	vor.u32 v0, v41;
	v8 =	vld.idx.msk [tilespmem:v8+s17+$0x0], $0xffff  }
0x152: {  	v48 =	vor.u32 v0, v42;
	v2 =	vld.idx.msk [tilespmem:v13+s17+$0x0], $0xffff  }
0x153: {  	v54 =	vld.idx.msk [tilespmem:v43+s17+$0x0], $0xffff  }
0x154: {  	v43 =	vshll.u32 v7, $0x7;
	v55 =	vld.idx.msk [tilespmem:v44+s17+$0x0], $0xffff;
	[tilespmem:v11+s22+$0x0] =	vst.idx.msk $0xffff, v4  }
0x155: {  	v44 =	vshll.u32 v10, $0x7;
	v49 =	vor.u32 v0, v43;
	[tilespmem:v53+s22+$0x0] =	vst.idx.msk $0xffff, v6  }
0x156: {  	v56 =	vor.u32 v0, v44;
	[tilespmem:v15+s22+$0x0] =	vst.idx.msk $0xffff, v8  }
0x157: {  	[tilespmem:v48+s22+$0x0] =	vst.idx.msk $0xffff, v1;
	v1 =	vld [tilespmem:$0x1FFA0]  }
0x158: {  	v61 =	vld [tilespmem:$0x1FFD0];
	v45 =	vshll.u32 v12, $0x7;
	v46 =	vshll.u32 v14, $0x7  }
0x159: {  	v57 =	vor.u32 v0, v45;
	v10 =	vor.u32 s29, v62;
	v62 =	vld [tilespmem:$0x1FFE0];
	v11 =	vor.u32 s29, v63  }
0x15a: {  	v8 =	vor.u32 v0, v46;
	v48 =	vshll.u32 v11, $0x1;
	[tilespmem:v49+s22+$0x0] =	vst.idx.msk $0xffff, v2;
	v2 =	vld [tilespmem:$0x1FFB0]  }
0x15b: {  	v59 =	vor.u32 v9, v48;
	[tilespmem:v56+s22+$0x0] =	vst.idx.msk $0xffff, v3;
	v3 =	vld [tilespmem:$0x1FFC0]  }
0x15c: {  	v47 =	vshll.u32 v10, $0x1;
	v63 =	vld [tilespmem:$0x1FFF0];
	v1 =	vor.u32 s29, v1  }
0x15d: {  	v5 =	vor.u32 s29, v61;
	v58 =	vor.u32 v9, v47;
	v49 =	vshll.u32 v1, $0x1  }
0x15e: {  	v52 =	vshll.u32 v5, $0x1;
	v7 =	vor.u32 s29, v62;
	[tilespmem:v57+s22+$0x0] =	vst.idx.msk $0xffff, v54;
	v60 =	vor.u32 v9, v49  }
0x15f: {  	v53 =	vshll.u32 v7, $0x1;
	v15 =	vor.u32 v9, v52;
	[tilespmem:v8+s22+$0x0] =	vst.idx.msk $0xffff, v55;
	v2 =	vor.u32 s29, v2  }
0x160: {  	v13 =	vld.idx.msk [tilespmem:v59+s17+$0x0], $0xffff;
	v59 =	vor.u32 v9, v53;
	v3 =	vor.u32 s29, v3;
	v50 =	vshll.u32 v2, $0x1  }
0x161: {  	v14 =	vor.u32 s29, v63;
	v51 =	vshll.u32 v3, $0x1;
	v6 =	vor.u32 v9, v50  }
0x162: {  	v54 =	vshll.u32 v14, $0x1;
	v12 =	vld.idx.msk [tilespmem:v58+s17+$0x0], $0xffff;
	v8 =	vor.u32 v9, v51  }
0x163: {  	v55 =	vshll.u32 v10, $0x7;
	v4 =	vld.idx.msk [tilespmem:v60+s17+$0x0], $0xffff;
	v60 =	vor.u32 v9, v54  }
0x164: {  	v56 =	vshll.u32 v11, $0x7;
	v10 =	vor.u32 v0, v55;
	v57 =	vshll.u32 v1, $0x7;
	v1 =	vld.idx.msk [tilespmem:v15+s17+$0x0], $0xffff  }
0x165: {  	v11 =	vor.u32 v0, v56;
	v58 =	vshll.u32 v2, $0x7;
	v2 =	vld.idx.msk [tilespmem:v59+s17+$0x0], $0xffff  }
0x166: {  	v15 =	vor.u32 v0, v57;
	v6 =	vld.idx.msk [tilespmem:v6+s17+$0x0], $0xffff  }
0x167: {  	v63 =	vor.u32 v0, v58;
	v59 =	vshll.u32 v3, $0x7;
	v8 =	vld.idx.msk [tilespmem:v8+s17+$0x0], $0xffff  }
0x168: {  	v16 =	vor.u32 v0, v59;
	v3 =	vld.idx.msk [tilespmem:v60+s17+$0x0], $0xffff;
	v60 =	vshll.u32 v5, $0x7  }
0x169: {  	v61 =	vshll.u32 v7, $0x7;
	[tilespmem:v10+s22+$0x0] =	vst.idx.msk $0xffff, v12;
	v5 =	vor.u32 v0, v60  }
0x16a: {  	v7 =	vor.u32 v0, v61;
	v62 =	vshll.u32 v14, $0x7;
	[tilespmem:v11+s22+$0x0] =	vst.idx.msk $0xffff, v13  }
0x16b: {  	v12 =	vor.u32 v0, v62;
	[tilespmem:v15+s22+$0x0] =	vst.idx.msk $0xffff, v4  }
0x16c: {  	v13 =	vor.u32 v17, v31;
	[tilespmem:v63+s22+$0x0] =	vst.idx.msk $0xffff, v6  }
0x16d: {  	[tilespmem:v16+s22+$0x0] =	vst.idx.msk $0xffff, v8;
	v8 =	vor.u32 v17, v32  }
0x16e: {  	v14 =	vor.u32 v17, v36;
	[tilespmem:v5+s22+$0x0] =	vst.idx.msk $0xffff, v1  }
0x16f: {  	v1 =	vor.u32 v17, v33;
	[tilespmem:v7+s22+$0x0] =	vst.idx.msk $0xffff, v2  }
0x170: {  	v2 =	vor.u32 v17, v34;
	[tilespmem:v12+s22+$0x0] =	vst.idx.msk $0xffff, v3  }
0x171: {  	v7 =	vor.u32 v17, v37;
	v4 =	vld.idx.msk [tilespmem:v13+s17+$0x0], $0xffff  }
0x172: {  	v3 =	vor.u32 v17, v35;
	v6 =	vld.idx.msk [tilespmem:v8+s17+$0x0], $0xffff  }
0x173: {  	v10 =	vor.u32 v18, v39;
	v8 =	vor.u32 v17, v38;
	v5 =	vld.idx.msk [tilespmem:v14+s17+$0x0], $0xffff  }
0x174: {  	v11 =	vor.u32 v18, v40;
	v1 =	vld.idx.msk [tilespmem:v1+s17+$0x0], $0xffff  }
0x175: {  	v12 =	vor.u32 v18, v41;
	v2 =	vld.idx.msk [tilespmem:v2+s17+$0x0], $0xffff  }
0x176: {  	v13 =	vor.u32 v18, v42;
	v7 =	vld.idx.msk [tilespmem:v7+s17+$0x0], $0xffff  }
0x177: {  	v14 =	vor.u32 v18, v43;
	v3 =	vld.idx.msk [tilespmem:v3+s17+$0x0], $0xffff  }
0x178: {  	v8 =	vld.idx.msk [tilespmem:v8+s17+$0x0], $0xffff;
	[tilespmem:v10+s22+$0x0] =	vst.idx.msk $0xffff, v4;
	v4 =	vor.u32 v18, v44  }
0x179: {  	[tilespmem:v11+s22+$0x0] =	vst.idx.msk $0xffff, v6;
	v6 =	vor.u32 v18, v45  }
0x17a: {  	[tilespmem:v12+s22+$0x0] =	vst.idx.msk $0xffff, v1;
	v1 =	vor.u32 v18, v46  }
0x17b: {  	[tilespmem:v13+s22+$0x0] =	vst.idx.msk $0xffff, v2;
	v2 =	vor.u32 v17, v47  }
0x17c: {  	v12 =	vor.u32 v17, v49;
	[tilespmem:v14+s22+$0x0] =	vst.idx.msk $0xffff, v3  }
0x17d: {  	v13 =	vor.u32 v17, v50;
	[tilespmem:v4+s22+$0x0] =	vst.idx.msk $0xffff, v5  }
0x17e: {  	v3 =	vor.u32 v17, v48;
	[tilespmem:v6+s22+$0x0] =	vst.idx.msk $0xffff, v7  }
0x17f: {  	v14 =	vor.u32 v17, v52;
	[tilespmem:v1+s22+$0x0] =	vst.idx.msk $0xffff, v8  }
0x180: {  	v7 =	vor.u32 v17, v53;
	v2 =	vld.idx.msk [tilespmem:v2+s17+$0x0], $0xffff  }
0x181: {  	v1 =	vor.u32 v17, v51;
	v4 =	vld.idx.msk [tilespmem:v12+s17+$0x0], $0xffff  }
0x182: {  	v10 =	vor.u32 v18, v55;
	v8 =	vor.u32 v17, v54;
	v5 =	vld.idx.msk [tilespmem:v13+s17+$0x0], $0xffff  }
0x183: {  	v11 =	vor.u32 v18, v56;
	v3 =	vld.idx.msk [tilespmem:v3+s17+$0x0], $0xffff  }
0x184: {  	v12 =	vor.u32 v18, v57;
	v6 =	vld.idx.msk [tilespmem:v14+s17+$0x0], $0xffff  }
0x185: {  	v13 =	vor.u32 v18, v58;
	v7 =	vld.idx.msk [tilespmem:v7+s17+$0x0], $0xffff  }
0x186: {  	v14 =	vor.u32 v18, v59;
	v1 =	vld.idx.msk [tilespmem:v1+s17+$0x0], $0xffff  }
0x187: {  	v8 =	vld.idx.msk [tilespmem:v8+s17+$0x0], $0xffff;
	[tilespmem:v10+s22+$0x0] =	vst.idx.msk $0xffff, v2;
	v2 =	vor.u32 v18, v60  }
0x188: {  	[tilespmem:v11+s22+$0x0] =	vst.idx.msk $0xffff, v3;
	v3 =	vor.u32 v18, v61  }
0x189: {  	[tilespmem:v12+s22+$0x0] =	vst.idx.msk $0xffff, v4;
	v4 =	vor.u32 v18, v62  }
0x18a: {  	v12 =	vor.u32 v19, v31;
	[tilespmem:v13+s22+$0x0] =	vst.idx.msk $0xffff, v5  }
0x18b: {  	v13 =	vor.u32 v19, v35;
	[tilespmem:v14+s22+$0x0] =	vst.idx.msk $0xffff, v1  }
0x18c: {  	v1 =	vor.u32 v19, v32;
	[tilespmem:v2+s22+$0x0] =	vst.idx.msk $0xffff, v6  }
0x18d: {  	v14 =	vor.u32 v19, v36;
	[tilespmem:v3+s22+$0x0] =	vst.idx.msk $0xffff, v7  }
0x18e: {  	v2 =	vor.u32 v19, v33;
	[tilespmem:v4+s22+$0x0] =	vst.idx.msk $0xffff, v8  }
0x18f: {  	v3 =	vor.u32 v19, v34;
	v5 =	vld.idx.msk [tilespmem:v12+s17+$0x0], $0xffff  }
0x190: {  	v7 =	vor.u32 v19, v37;
	v4 =	vld.idx.msk [tilespmem:v13+s17+$0x0], $0xffff  }
0x191: {  	v10 =	vor.u32 v20, v39;
	v8 =	vor.u32 v19, v38;
	v1 =	vld.idx.msk [tilespmem:v1+s17+$0x0], $0xffff  }
0x192: {  	v11 =	vor.u32 v20, v40;
	v6 =	vld.idx.msk [tilespmem:v14+s17+$0x0], $0xffff  }
0x193: {  	v12 =	vor.u32 v20, v41;
	v2 =	vld.idx.msk [tilespmem:v2+s17+$0x0], $0xffff  }
0x194: {  	v13 =	vor.u32 v20, v42;
	v3 =	vld.idx.msk [tilespmem:v3+s17+$0x0], $0xffff  }
0x195: {  	v14 =	vor.u32 v20, v43;
	v7 =	vld.idx.msk [tilespmem:v7+s17+$0x0], $0xffff  }
0x196: {  	v8 =	vld.idx.msk [tilespmem:v8+s17+$0x0], $0xffff;
	[tilespmem:v10+s22+$0x0] =	vst.idx.msk $0xffff, v5;
	v5 =	vor.u32 v20, v44  }
0x197: {  	[tilespmem:v11+s22+$0x0] =	vst.idx.msk $0xffff, v1;
	v1 =	vor.u32 v20, v45  }
0x198: {  	[tilespmem:v12+s22+$0x0] =	vst.idx.msk $0xffff, v2;
	v2 =	vor.u32 v20, v46  }
0x199: {  	[tilespmem:v13+s22+$0x0] =	vst.idx.msk $0xffff, v3;
	v3 =	vor.u32 v19, v47  }
0x19a: {  	v12 =	vor.u32 v19, v48;
	[tilespmem:v14+s22+$0x0] =	vst.idx.msk $0xffff, v4  }
0x19b: {  	v13 =	vor.u32 v19, v49;
	[tilespmem:v5+s22+$0x0] =	vst.idx.msk $0xffff, v6  }
0x19c: {  	v14 =	vor.u32 v19, v52;
	[tilespmem:v1+s22+$0x0] =	vst.idx.msk $0xffff, v7  }
0x19d: {  	v1 =	vor.u32 v19, v50;
	[tilespmem:v2+s22+$0x0] =	vst.idx.msk $0xffff, v8  }
0x19e: {  	v7 =	vor.u32 v19, v53;
	v3 =	vld.idx.msk [tilespmem:v3+s17+$0x0], $0xffff  }
0x19f: {  	v2 =	vor.u32 v19, v51;
	v4 =	vld.idx.msk [tilespmem:v12+s17+$0x0], $0xffff  }
0x1a0: {  	v10 =	vor.u32 v20, v55;
	v8 =	vor.u32 v19, v54;
	v5 =	vld.idx.msk [tilespmem:v13+s17+$0x0], $0xffff  }
0x1a1: {  	v11 =	vor.u32 v20, v56;
	v6 =	vld.idx.msk [tilespmem:v14+s17+$0x0], $0xffff  }
0x1a2: {  	v12 =	vor.u32 v20, v57;
	v1 =	vld.idx.msk [tilespmem:v1+s17+$0x0], $0xffff  }
0x1a3: {  	v13 =	vor.u32 v20, v58;
	v7 =	vld.idx.msk [tilespmem:v7+s17+$0x0], $0xffff  }
0x1a4: {  	v14 =	vor.u32 v20, v59;
	v2 =	vld.idx.msk [tilespmem:v2+s17+$0x0], $0xffff  }
0x1a5: {  	v8 =	vld.idx.msk [tilespmem:v8+s17+$0x0], $0xffff;
	[tilespmem:v10+s22+$0x0] =	vst.idx.msk $0xffff, v3;
	v3 =	vor.u32 v20, v60  }
0x1a6: {  	[tilespmem:v11+s22+$0x0] =	vst.idx.msk $0xffff, v4;
	v4 =	vor.u32 v20, v61  }
0x1a7: {  	[tilespmem:v12+s22+$0x0] =	vst.idx.msk $0xffff, v5;
	v5 =	vor.u32 v20, v62  }
0x1a8: {  	[tilespmem:v13+s22+$0x0] =	vst.idx.msk $0xffff, v1;
	v1 =	vor.u32 v21, v31  }
0x1a9: {  	v12 =	vor.u32 v21, v34;
	[tilespmem:v14+s22+$0x0] =	vst.idx.msk $0xffff, v2  }
0x1aa: {  	v13 =	vor.u32 v21, v35;
	[tilespmem:v3+s22+$0x0] =	vst.idx.msk $0xffff, v6  }
0x1ab: {  	v2 =	vor.u32 v21, v32;
	[tilespmem:v4+s22+$0x0] =	vst.idx.msk $0xffff, v7  }
0x1ac: {  	v3 =	vor.u32 v21, v33;
	[tilespmem:v5+s22+$0x0] =	vst.idx.msk $0xffff, v8  }
0x1ad: {  	v14 =	vor.u32 v21, v36;
	v1 =	vld.idx.msk [tilespmem:v1+s17+$0x0], $0xffff  }
0x1ae: {  	v7 =	vor.u32 v21, v37;
	v4 =	vld.idx.msk [tilespmem:v12+s17+$0x0], $0xffff  }
0x1af: {  	v10 =	vor.u32 v22, v39;
	v8 =	vor.u32 v21, v38;
	v5 =	vld.idx.msk [tilespmem:v13+s17+$0x0], $0xffff  }
0x1b0: {  	v11 =	vor.u32 v22, v40;
	v2 =	vld.idx.msk [tilespmem:v2+s17+$0x0], $0xffff  }
0x1b1: {  	v12 =	vor.u32 v22, v41;
	v3 =	vld.idx.msk [tilespmem:v3+s17+$0x0], $0xffff  }
0x1b2: {  	v13 =	vor.u32 v22, v42;
	v6 =	vld.idx.msk [tilespmem:v14+s17+$0x0], $0xffff  }
0x1b3: {  	v14 =	vor.u32 v22, v43;
	v7 =	vld.idx.msk [tilespmem:v7+s17+$0x0], $0xffff  }
0x1b4: {  	v8 =	vld.idx.msk [tilespmem:v8+s17+$0x0], $0xffff;
	[tilespmem:v10+s22+$0x0] =	vst.idx.msk $0xffff, v1;
	v1 =	vor.u32 v22, v44  }
0x1b5: {  	[tilespmem:v11+s22+$0x0] =	vst.idx.msk $0xffff, v2;
	v2 =	vor.u32 v22, v45  }
0x1b6: {  	[tilespmem:v12+s22+$0x0] =	vst.idx.msk $0xffff, v3;
	v3 =	vor.u32 v22, v46  }
0x1b7: {  	v12 =	vor.u32 v21, v47;
	[tilespmem:v13+s22+$0x0] =	vst.idx.msk $0xffff, v4  }
0x1b8: {  	v13 =	vor.u32 v21, v48;
	[tilespmem:v14+s22+$0x0] =	vst.idx.msk $0xffff, v5  }
0x1b9: {  	v14 =	vor.u32 v21, v52;
	[tilespmem:v1+s22+$0x0] =	vst.idx.msk $0xffff, v6  }
0x1ba: {  	v1 =	vor.u32 v21, v49;
	[tilespmem:v2+s22+$0x0] =	vst.idx.msk $0xffff, v7  }
0x1bb: {  	v2 =	vor.u32 v21, v50;
	[tilespmem:v3+s22+$0x0] =	vst.idx.msk $0xffff, v8  }
0x1bc: {  	v7 =	vor.u32 v21, v53;
	v4 =	vld.idx.msk [tilespmem:v12+s17+$0x0], $0xffff  }
0x1bd: {  	v3 =	vor.u32 v21, v51;
	v5 =	vld.idx.msk [tilespmem:v13+s17+$0x0], $0xffff  }
0x1be: {  	v10 =	vor.u32 v22, v55;
	v8 =	vor.u32 v21, v54;
	v6 =	vld.idx.msk [tilespmem:v14+s17+$0x0], $0xffff  }
0x1bf: {  	v11 =	vor.u32 v22, v56;
	v1 =	vld.idx.msk [tilespmem:v1+s17+$0x0], $0xffff  }
0x1c0: {  	v12 =	vor.u32 v22, v57;
	v2 =	vld.idx.msk [tilespmem:v2+s17+$0x0], $0xffff  }
0x1c1: {  	v13 =	vor.u32 v22, v58;
	v7 =	vld.idx.msk [tilespmem:v7+s17+$0x0], $0xffff  }
0x1c2: {  	v14 =	vor.u32 v22, v59;
	v3 =	vld.idx.msk [tilespmem:v3+s17+$0x0], $0xffff  }
0x1c3: {  	v8 =	vld.idx.msk [tilespmem:v8+s17+$0x0], $0xffff;
	[tilespmem:v10+s22+$0x0] =	vst.idx.msk $0xffff, v4;
	v4 =	vor.u32 v22, v60  }
0x1c4: {  	[tilespmem:v11+s22+$0x0] =	vst.idx.msk $0xffff, v5;
	v5 =	vor.u32 v22, v61  }
0x1c5: {  	[tilespmem:v12+s22+$0x0] =	vst.idx.msk $0xffff, v1;
	v1 =	vor.u32 v22, v62  }
0x1c6: {  	[tilespmem:v13+s22+$0x0] =	vst.idx.msk $0xffff, v2;
	v2 =	vor.u32 v23, v31  }
0x1c7: {  	v12 =	vor.u32 v23, v33;
	[tilespmem:v14+s22+$0x0] =	vst.idx.msk $0xffff, v3  }
0x1c8: {  	v13 =	vor.u32 v23, v34;
	[tilespmem:v4+s22+$0x0] =	vst.idx.msk $0xffff, v6  }
0x1c9: {  	v3 =	vor.u32 v23, v32;
	[tilespmem:v5+s22+$0x0] =	vst.idx.msk $0xffff, v7  }
0x1ca: {  	v14 =	vor.u32 v23, v36;
	[tilespmem:v1+s22+$0x0] =	vst.idx.msk $0xffff, v8  }
0x1cb: {  	v7 =	vor.u32 v23, v37;
	v2 =	vld.idx.msk [tilespmem:v2+s17+$0x0], $0xffff  }
0x1cc: {  	v1 =	vor.u32 v23, v35;
	v4 =	vld.idx.msk [tilespmem:v12+s17+$0x0], $0xffff  }
0x1cd: {  	v10 =	vor.u32 v24, v39;
	v8 =	vor.u32 v23, v38;
	v5 =	vld.idx.msk [tilespmem:v13+s17+$0x0], $0xffff  }
0x1ce: {  	v11 =	vor.u32 v24, v40;
	v3 =	vld.idx.msk [tilespmem:v3+s17+$0x0], $0xffff  }
0x1cf: {  	v12 =	vor.u32 v24, v41;
	v6 =	vld.idx.msk [tilespmem:v14+s17+$0x0], $0xffff  }
0x1d0: {  	v13 =	vor.u32 v24, v42;
	v7 =	vld.idx.msk [tilespmem:v7+s17+$0x0], $0xffff  }
0x1d1: {  	v14 =	vor.u32 v24, v43;
	v1 =	vld.idx.msk [tilespmem:v1+s17+$0x0], $0xffff  }
0x1d2: {  	v8 =	vld.idx.msk [tilespmem:v8+s17+$0x0], $0xffff;
	[tilespmem:v10+s22+$0x0] =	vst.idx.msk $0xffff, v2;
	v2 =	vor.u32 v24, v44  }
0x1d3: {  	[tilespmem:v11+s22+$0x0] =	vst.idx.msk $0xffff, v3;
	v3 =	vor.u32 v24, v45  }
0x1d4: {  	[tilespmem:v12+s22+$0x0] =	vst.idx.msk $0xffff, v4;
	v4 =	vor.u32 v24, v46  }
0x1d5: {  	v12 =	vor.u32 v23, v47;
	[tilespmem:v13+s22+$0x0] =	vst.idx.msk $0xffff, v5  }
0x1d6: {  	v13 =	vor.u32 v23, v51;
	[tilespmem:v14+s22+$0x0] =	vst.idx.msk $0xffff, v1  }
0x1d7: {  	v1 =	vor.u32 v23, v48;
	[tilespmem:v2+s22+$0x0] =	vst.idx.msk $0xffff, v6  }
0x1d8: {  	v14 =	vor.u32 v23, v52;
	[tilespmem:v3+s22+$0x0] =	vst.idx.msk $0xffff, v7  }
0x1d9: {  	v2 =	vor.u32 v23, v49;
	[tilespmem:v4+s22+$0x0] =	vst.idx.msk $0xffff, v8  }
0x1da: {  	v3 =	vor.u32 v23, v50;
	v5 =	vld.idx.msk [tilespmem:v12+s17+$0x0], $0xffff  }
0x1db: {  	v7 =	vor.u32 v23, v53;
	v4 =	vld.idx.msk [tilespmem:v13+s17+$0x0], $0xffff  }
0x1dc: {  	v10 =	vor.u32 v24, v55;
	v8 =	vor.u32 v23, v54;
	v1 =	vld.idx.msk [tilespmem:v1+s17+$0x0], $0xffff  }
0x1dd: {  	v11 =	vor.u32 v24, v56;
	v6 =	vld.idx.msk [tilespmem:v14+s17+$0x0], $0xffff  }
0x1de: {  	v12 =	vor.u32 v24, v57;
	v2 =	vld.idx.msk [tilespmem:v2+s17+$0x0], $0xffff  }
0x1df: {  	v13 =	vor.u32 v24, v58;
	v3 =	vld.idx.msk [tilespmem:v3+s17+$0x0], $0xffff  }
0x1e0: {  	v14 =	vor.u32 v24, v59;
	v7 =	vld.idx.msk [tilespmem:v7+s17+$0x0], $0xffff  }
0x1e1: {  	v8 =	vld.idx.msk [tilespmem:v8+s17+$0x0], $0xffff;
	[tilespmem:v10+s22+$0x0] =	vst.idx.msk $0xffff, v5;
	v5 =	vor.u32 v24, v60  }
0x1e2: {  	[tilespmem:v11+s22+$0x0] =	vst.idx.msk $0xffff, v1;
	v1 =	vor.u32 v24, v61  }
0x1e3: {  	[tilespmem:v12+s22+$0x0] =	vst.idx.msk $0xffff, v2;
	v2 =	vor.u32 v24, v62  }
0x1e4: {  	[tilespmem:v13+s22+$0x0] =	vst.idx.msk $0xffff, v3;
	v3 =	vor.u32 v25, v31  }
0x1e5: {  	v12 =	vor.u32 v25, v32;
	[tilespmem:v14+s22+$0x0] =	vst.idx.msk $0xffff, v4  }
0x1e6: {  	v13 =	vor.u32 v25, v33;
	[tilespmem:v5+s22+$0x0] =	vst.idx.msk $0xffff, v6  }
0x1e7: {  	v14 =	vor.u32 v25, v36;
	[tilespmem:v1+s22+$0x0] =	vst.idx.msk $0xffff, v7  }
0x1e8: {  	v1 =	vor.u32 v25, v34;
	[tilespmem:v2+s22+$0x0] =	vst.idx.msk $0xffff, v8  }
0x1e9: {  	v7 =	vor.u32 v25, v37;
	v3 =	vld.idx.msk [tilespmem:v3+s17+$0x0], $0xffff  }
0x1ea: {  	v2 =	vor.u32 v25, v35;
	v4 =	vld.idx.msk [tilespmem:v12+s17+$0x0], $0xffff  }
0x1eb: {  	v10 =	vor.u32 v26, v39;
	v8 =	vor.u32 v25, v38;
	v5 =	vld.idx.msk [tilespmem:v13+s17+$0x0], $0xffff  }
0x1ec: {  	v11 =	vor.u32 v26, v40;
	v6 =	vld.idx.msk [tilespmem:v14+s17+$0x0], $0xffff  }
0x1ed: {  	v12 =	vor.u32 v26, v41;
	v1 =	vld.idx.msk [tilespmem:v1+s17+$0x0], $0xffff  }
0x1ee: {  	v13 =	vor.u32 v26, v42;
	v7 =	vld.idx.msk [tilespmem:v7+s17+$0x0], $0xffff  }
0x1ef: {  	v14 =	vor.u32 v26, v43;
	v2 =	vld.idx.msk [tilespmem:v2+s17+$0x0], $0xffff  }
0x1f0: {  	v8 =	vld.idx.msk [tilespmem:v8+s17+$0x0], $0xffff;
	[tilespmem:v10+s22+$0x0] =	vst.idx.msk $0xffff, v3;
	v3 =	vor.u32 v26, v44  }
0x1f1: {  	[tilespmem:v11+s22+$0x0] =	vst.idx.msk $0xffff, v4;
	v4 =	vor.u32 v26, v45  }
0x1f2: {  	[tilespmem:v12+s22+$0x0] =	vst.idx.msk $0xffff, v5;
	v5 =	vor.u32 v26, v46  }
0x1f3: {  	[tilespmem:v13+s22+$0x0] =	vst.idx.msk $0xffff, v1;
	v1 =	vor.u32 v25, v47  }
0x1f4: {  	v12 =	vor.u32 v25, v50;
	[tilespmem:v14+s22+$0x0] =	vst.idx.msk $0xffff, v2  }
0x1f5: {  	v13 =	vor.u32 v25, v51;
	[tilespmem:v3+s22+$0x0] =	vst.idx.msk $0xffff, v6  }
0x1f6: {  	v2 =	vor.u32 v25, v48;
	[tilespmem:v4+s22+$0x0] =	vst.idx.msk $0xffff, v7  }
0x1f7: {  	v3 =	vor.u32 v25, v49;
	[tilespmem:v5+s22+$0x0] =	vst.idx.msk $0xffff, v8  }
0x1f8: {  	v14 =	vor.u32 v25, v52;
	v1 =	vld.idx.msk [tilespmem:v1+s17+$0x0], $0xffff  }
0x1f9: {  	v7 =	vor.u32 v25, v53;
	v4 =	vld.idx.msk [tilespmem:v12+s17+$0x0], $0xffff  }
0x1fa: {  	v10 =	vor.u32 v26, v55;
	v8 =	vor.u32 v25, v54;
	v5 =	vld.idx.msk [tilespmem:v13+s17+$0x0], $0xffff  }
0x1fb: {  	v11 =	vor.u32 v26, v56;
	v2 =	vld.idx.msk [tilespmem:v2+s17+$0x0], $0xffff  }
0x1fc: {  	v12 =	vor.u32 v26, v57;
	v3 =	vld.idx.msk [tilespmem:v3+s17+$0x0], $0xffff  }
0x1fd: {  	v13 =	vor.u32 v26, v58;
	v6 =	vld.idx.msk [tilespmem:v14+s17+$0x0], $0xffff  }
0x1fe: {  	v14 =	vor.u32 v26, v59;
	v7 =	vld.idx.msk [tilespmem:v7+s17+$0x0], $0xffff  }
0x1ff: {  	v8 =	vld.idx.msk [tilespmem:v8+s17+$0x0], $0xffff;
	[tilespmem:v10+s22+$0x0] =	vst.idx.msk $0xffff, v1;
	v1 =	vor.u32 v26, v60  }
0x200: {  	[tilespmem:v11+s22+$0x0] =	vst.idx.msk $0xffff, v2;
	v2 =	vor.u32 v26, v61  }
0x201: {  	[tilespmem:v12+s22+$0x0] =	vst.idx.msk $0xffff, v3;
	v3 =	vor.u32 v26, v62  }
0x202: {  	v12 =	vor.u32 v27, v31;
	[tilespmem:v13+s22+$0x0] =	vst.idx.msk $0xffff, v4  }
0x203: {  	v13 =	vor.u32 v27, v32;
	[tilespmem:v14+s22+$0x0] =	vst.idx.msk $0xffff, v5  }
0x204: {  	v14 =	vor.u32 v27, v36;
	[tilespmem:v1+s22+$0x0] =	vst.idx.msk $0xffff, v6  }
0x205: {  	v1 =	vor.u32 v27, v33;
	[tilespmem:v2+s22+$0x0] =	vst.idx.msk $0xffff, v7  }
0x206: {  	v2 =	vor.u32 v27, v34;
	[tilespmem:v3+s22+$0x0] =	vst.idx.msk $0xffff, v8  }
0x207: {  	v7 =	vor.u32 v27, v37;
	v4 =	vld.idx.msk [tilespmem:v12+s17+$0x0], $0xffff  }
0x208: {  	v3 =	vor.u32 v27, v35;
	v5 =	vld.idx.msk [tilespmem:v13+s17+$0x0], $0xffff  }
0x209: {  	v10 =	vor.u32 v28, v39;
	v8 =	vor.u32 v27, v38;
	v6 =	vld.idx.msk [tilespmem:v14+s17+$0x0], $0xffff  }
0x20a: {  	v11 =	vor.u32 v28, v40;
	v1 =	vld.idx.msk [tilespmem:v1+s17+$0x0], $0xffff  }
0x20b: {  	v12 =	vor.u32 v28, v41;
	v2 =	vld.idx.msk [tilespmem:v2+s17+$0x0], $0xffff  }
0x20c: {  	v13 =	vor.u32 v28, v42;
	v7 =	vld.idx.msk [tilespmem:v7+s17+$0x0], $0xffff  }
0x20d: {  	v14 =	vor.u32 v28, v43;
	v3 =	vld.idx.msk [tilespmem:v3+s17+$0x0], $0xffff  }
0x20e: {  	v8 =	vld.idx.msk [tilespmem:v8+s17+$0x0], $0xffff;
	[tilespmem:v10+s22+$0x0] =	vst.idx.msk $0xffff, v4;
	v4 =	vor.u32 v28, v44  }
0x20f: {  	[tilespmem:v11+s22+$0x0] =	vst.idx.msk $0xffff, v5;
	v5 =	vor.u32 v28, v45  }
0x210: {  	[tilespmem:v12+s22+$0x0] =	vst.idx.msk $0xffff, v1;
	v1 =	vor.u32 v28, v46  }
0x211: {  	[tilespmem:v13+s22+$0x0] =	vst.idx.msk $0xffff, v2;
	v2 =	vor.u32 v27, v47  }
0x212: {  	v12 =	vor.u32 v27, v49;
	[tilespmem:v14+s22+$0x0] =	vst.idx.msk $0xffff, v3  }
0x213: {  	v13 =	vor.u32 v27, v50;
	[tilespmem:v4+s22+$0x0] =	vst.idx.msk $0xffff, v6  }
0x214: {  	v3 =	vor.u32 v27, v48;
	[tilespmem:v5+s22+$0x0] =	vst.idx.msk $0xffff, v7  }
0x215: {  	v14 =	vor.u32 v27, v52;
	[tilespmem:v1+s22+$0x0] =	vst.idx.msk $0xffff, v8  }
0x216: {  	v7 =	vor.u32 v27, v53;
	v2 =	vld.idx.msk [tilespmem:v2+s17+$0x0], $0xffff  }
0x217: {  	v1 =	vor.u32 v27, v51;
	v4 =	vld.idx.msk [tilespmem:v12+s17+$0x0], $0xffff  }
0x218: {  	v10 =	vor.u32 v28, v55;
	v8 =	vor.u32 v27, v54;
	v5 =	vld.idx.msk [tilespmem:v13+s17+$0x0], $0xffff  }
0x219: {  	v11 =	vor.u32 v28, v56;
	v3 =	vld.idx.msk [tilespmem:v3+s17+$0x0], $0xffff  }
0x21a: {  	v12 =	vor.u32 v28, v57;
	v6 =	vld.idx.msk [tilespmem:v14+s17+$0x0], $0xffff  }
0x21b: {  	v13 =	vor.u32 v28, v58;
	v7 =	vld.idx.msk [tilespmem:v7+s17+$0x0], $0xffff  }
0x21c: {  	v14 =	vor.u32 v28, v59;
	v1 =	vld.idx.msk [tilespmem:v1+s17+$0x0], $0xffff  }
0x21d: {  	v8 =	vld.idx.msk [tilespmem:v8+s17+$0x0], $0xffff;
	[tilespmem:v10+s22+$0x0] =	vst.idx.msk $0xffff, v2;
	v2 =	vor.u32 v28, v60  }
0x21e: {  	[tilespmem:v11+s22+$0x0] =	vst.idx.msk $0xffff, v3;
	v3 =	vor.u32 v28, v61  }
0x21f: {  	[tilespmem:v12+s22+$0x0] =	vst.idx.msk $0xffff, v4;
	v4 =	vor.u32 v28, v62  }
0x220: {  	v12 =	vor.u32 v29, v31;
	[tilespmem:v13+s22+$0x0] =	vst.idx.msk $0xffff, v5  }
0x221: {  	v13 =	vor.u32 v29, v35;
	[tilespmem:v14+s22+$0x0] =	vst.idx.msk $0xffff, v1  }
0x222: {  	v1 =	vor.u32 v29, v32;
	[tilespmem:v2+s22+$0x0] =	vst.idx.msk $0xffff, v6  }
0x223: {  	v14 =	vor.u32 v29, v36;
	[tilespmem:v3+s22+$0x0] =	vst.idx.msk $0xffff, v7  }
0x224: {  	v2 =	vor.u32 v29, v33;
	[tilespmem:v4+s22+$0x0] =	vst.idx.msk $0xffff, v8  }
0x225: {  	v3 =	vor.u32 v29, v34;
	v5 =	vld.idx.msk [tilespmem:v12+s17+$0x0], $0xffff  }
0x226: {  	v32 =	vor.u32 v29, v37;
	v4 =	vld.idx.msk [tilespmem:v13+s17+$0x0], $0xffff  }
0x227: {  	v10 =	vor.u32 v30, v39;
	v8 =	vor.u32 v29, v38;
	v1 =	vld.idx.msk [tilespmem:v1+s17+$0x0], $0xffff  }
0x228: {  	v11 =	vor.u32 v30, v40;
	v6 =	vld.idx.msk [tilespmem:v14+s17+$0x0], $0xffff  }
0x229: {  	v41 =	vor.u32 v30, v41;
	v2 =	vld.idx.msk [tilespmem:v2+s17+$0x0], $0xffff  }
0x22a: {  	v42 =	vor.u32 v30, v42;
	v3 =	vld.idx.msk [tilespmem:v3+s17+$0x0], $0xffff  }
0x22b: {  	v43 =	vor.u32 v30, v43;
	v7 =	vld.idx.msk [tilespmem:v32+s17+$0x0], $0xffff  }
0x22c: {  	v44 =	vor.u32 v30, v44;
	v8 =	vld.idx.msk [tilespmem:v8+s17+$0x0], $0xffff;
	[tilespmem:v10+s22+$0x0] =	vst.idx.msk $0xffff, v5  }
0x22d: {  	[tilespmem:v11+s22+$0x0] =	vst.idx.msk $0xffff, v1;
	v1 =	vor.u32 v30, v45  }
0x22e: {  	[tilespmem:v41+s22+$0x0] =	vst.idx.msk $0xffff, v2;
	v2 =	vor.u32 v30, v46  }
0x22f: {  	[tilespmem:v42+s22+$0x0] =	vst.idx.msk $0xffff, v3;
	v3 =	vor.u32 v29, v47  }
0x230: {  	v48 =	vor.u32 v29, v48;
	[tilespmem:v43+s22+$0x0] =	vst.idx.msk $0xffff, v4  }
0x231: {  	v49 =	vor.u32 v29, v49;
	[tilespmem:v44+s22+$0x0] =	vst.idx.msk $0xffff, v6  }
0x232: {  	v63 =	vld [tilespmem:$0x1FF90];
	v52 =	vor.u32 v29, v52;
	[tilespmem:v1+s22+$0x0] =	vst.idx.msk $0xffff, v7  }
0x233: {  	v16 =	vld [tilespmem:$0x1FF10];
	v53 =	vor.u32 v29, v53;
	[tilespmem:v2+s22+$0x0] =	vst.idx.msk $0xffff, v8  }
0x234: {  	v1 =	vor.u32 v29, v50;
	v3 =	vld.idx.msk [tilespmem:v3+s17+$0x0], $0xffff  }
0x235: {  	v2 =	vor.u32 v29, v51;
	v4 =	vld.idx.msk [tilespmem:v48+s17+$0x0], $0xffff  }
0x236: {  	v10 =	vor.u32 v30, v55;
	v8 =	vor.u32 v29, v54;
	v5 =	vld.idx.msk [tilespmem:v49+s17+$0x0], $0xffff  }
0x237: {  	v11 =	vor.u32 v30, v56;
	v6 =	vld.idx.msk [tilespmem:v52+s17+$0x0], $0xffff  }
0x238: {  	v55 =	vor.u32 v30, v57;
	v7 =	vld.idx.msk [tilespmem:v53+s17+$0x0], $0xffff  }
0x239: {  	v56 =	vor.u32 v30, v58;
	v1 =	vld.idx.msk [tilespmem:v1+s17+$0x0], $0xffff  }
0x23a: {  	v57 =	vor.u32 v30, v59;
	v2 =	vld.idx.msk [tilespmem:v2+s17+$0x0], $0xffff  }
0x23b: {  	v8 =	vld.idx.msk [tilespmem:v8+s17+$0x0], $0xffff;
	[tilespmem:v10+s22+$0x0] =	vst.idx.msk $0xffff, v3;
	v3 =	vor.u32 v30, v60  }
0x23c: {  	v35 =	vld [tilespmem:$0x1FF50];
	v58 =	vor.u32 v30, v61;
	[tilespmem:v11+s22+$0x0] =	vst.idx.msk $0xffff, v4  }
0x23d: {  	p2 =	sne.s32 s29, $0x30;
	v36 =	vld [tilespmem:$0x1FF60];
	v59 =	vor.u32 v30, v62;
	[tilespmem:v55+s22+$0x0] =	vst.idx.msk $0xffff, v5  }
.Ltmp6:
0x23e: {  	v37 =	vld [tilespmem:$0x1FF80];
	[tilespmem:v56+s22+$0x0] =	vst.idx.msk $0xffff, v1;
	(pc) =	sbr.rel @p2 .LBB2_9-.Ltmp6, $4  }
0x23f: {  	v33 =	vld [tilespmem:$0x1FF30];
	[tilespmem:v57+s22+$0x0] =	vst.idx.msk $0xffff, v2  }
0x240: {  	v34 =	vld [tilespmem:$0x1FF40];
	[tilespmem:v3+s22+$0x0] =	vst.idx.msk $0xffff, v6  }
0x241: {  	v62 =	vld [tilespmem:$0x1FF70];
	[tilespmem:v58+s22+$0x0] =	vst.idx.msk $0xffff, v7  }
0x242: {  	s29 =	sadd.s32 $0x10, s29;
	v2 =	vld [tilespmem:$0x1FF20];
	[tilespmem:v59+s22+$0x0] =	vst.idx.msk $0xffff, v8  }
0x243: {  	p2 =	seq.s32 s25, $0x79  }
.Ltmp7:
0x244: {  	_ = 	snop;
	(pc) =	sbr.rel @p2 .LBB2_12-.Ltmp7, $3  }
0x245: {  	_ =	sdelay $0x1  }
0x246: {  	s28 =	sadd.s32 s28, s9  }
0x247: {  	[hbm4b:s28+s4] =	stream.linear.scatter [tilespmem:s22], [sflag:$0x4], $0x2000, $0x38;
	[tilespmem:$0x8000] =	vst v63  }
.Ltmp8:
0x248: {  	(pc) =	sbr.rel .LBB2_2-.Ltmp8, $3  }
0x249: {  	_ =	sdelay $0x1  }
0x24a: {  	s26 =	sadd.s32 s26, s10;
	s25 =	sadd.s32 $0x1, s25  }
0x24b: {  	[tilespmem:s17], [sflag:$0x2] =	stream.strided.gather [hbm4b:s26+s14], $0x2000, s16, s14, $0x38;
	[tilespmem:$0x8000] =	vst v63  }
.LBB2_12:
0x24c: {  	_ =	swait.ge [sflag:s23], $0x2000  }
0x24d: {  	[sflag:s23] =	ssyncset.done $0x0  }
0x24e: {  	[sflag:s23] =	ssyncadd.s32 $0xFFFFE000  }
0x24f: {  	_ =	swait.ge [sflag:s21], $0x2000  }
0x250: {  	v48 =	vld [tilespmem:$0x1FFA0]  }
.Ltmp9:
0x251: {  	v50 =	vld [tilespmem:$0x1FFB0];
	(pc) =	sbr.rel @p0 .LBB2_16-.Ltmp9, $4  }
0x252: {  	v51 =	vld [tilespmem:$0x1FFC0]  }
0x253: {  	v52 =	vld [tilespmem:$0x1FFD0]  }
0x254: {  	[sflag:s21] =	ssyncset.done $0x0;
	v53 =	vld [tilespmem:$0x1FFE0]  }
0x255: {  	v54 =	vld [tilespmem:$0x1FFF0];
	[sflag:s21] =	ssyncadd.s32 $0xFFFFE000  }
0x256: {  	s25 =	simm.s32 $0x0  }
0x257: {  	[tilespmem:s25], [sflag:$0x1] =	stream.strided.gather [hbm4b:s11+s14], $0x2000, s16, s14, $0x38;
	[tilespmem:$0x8000] =	vst v63  }
0x258: {  	_ =	swait.ge [sflag:s18], $0x2000  }
0x259: {  	[sflag:s18] =	ssyncset.done $0x0  }
0x25a: {  	[sflag:s18] =	ssyncadd.s32 $0xFFFFE000  }
.LBB2_14:
0x25b: {  	v1 =	vor.u32 s25, v0  }
0x25c: {  	v3 =	vld [tilespmem:$0x1FF20];
	v31 =	vshll.u32 v1, $0x1  }
0x25d: {  	v4 =	vor.u32 v9, v31;
	v2 =	vor.u32 s25, v16  }
0x25e: {  	v5 =	vor.u32 s25, v33;
	v7 =	vor.u32 s25, v34;
	v32 =	vshll.u32 v2, $0x1  }
0x25f: {  	v10 =	vor.u32 s25, v35;
	v34 =	vshll.u32 v5, $0x1;
	v6 =	vor.u32 v9, v32  }
0x260: {  	v12 =	vor.u32 s25, v36;
	v35 =	vshll.u32 v7, $0x1;
	v11 =	vor.u32 v9, v34  }
0x261: {  	v3 =	vor.u32 s25, v3;
	v36 =	vshll.u32 v10, $0x1;
	v13 =	vor.u32 v9, v35  }
0x262: {  	v33 =	vshll.u32 v3, $0x1;
	v15 =	vor.u32 v9, v36  }
0x263: {  	v14 =	vor.u32 s25, v37;
	v37 =	vshll.u32 v12, $0x1;
	v8 =	vor.u32 v9, v33;
	v4 =	vld.idx.msk [tilespmem:v4+s4+$0x0], $0xffff  }
0x264: {  	v38 =	vshll.u32 v14, $0x1;
	v16 =	vor.u32 v9, v37;
	v6 =	vld.idx.msk [tilespmem:v6+s4+$0x0], $0xffff  }
0x265: {  	v39 =	vshll.u32 v1, $0x7;
	v44 =	vor.u32 v9, v38;
	v1 =	vld.idx.msk [tilespmem:v11+s4+$0x0], $0xffff  }
0x266: {  	v40 =	vshll.u32 v2, $0x7;
	v11 =	vor.u32 v0, v39;
	v2 =	vld.idx.msk [tilespmem:v13+s4+$0x0], $0xffff  }
0x267: {  	v58 =	vor.u32 v0, v40;
	v41 =	vshll.u32 v3, $0x7;
	v3 =	vld.idx.msk [tilespmem:v15+s4+$0x0], $0xffff  }
0x268: {  	v42 =	vshll.u32 v5, $0x7;
	v15 =	vor.u32 v0, v41;
	v8 =	vld.idx.msk [tilespmem:v8+s4+$0x0], $0xffff  }
0x269: {  	v43 =	vshll.u32 v7, $0x7;
	v59 =	vld.idx.msk [tilespmem:v16+s4+$0x0], $0xffff;
	v16 =	vor.u32 v0, v42  }
0x26a: {  	v49 =	vor.u32 v0, v43;
	v60 =	vld.idx.msk [tilespmem:v44+s4+$0x0], $0xffff;
	v44 =	vshll.u32 v10, $0x7  }
0x26b: {  	v45 =	vshll.u32 v12, $0x7;
	v46 =	vshll.u32 v14, $0x7;
	v61 =	vor.u32 v0, v44;
	[tilespmem:v11+s19+$0x0] =	vst.idx.msk $0xffff, v4  }
0x26c: {  	v5 =	vor.u32 s25, v52;
	v55 =	vor.u32 v0, v45;
	v10 =	vor.u32 s25, v62;
	[tilespmem:v58+s19+$0x0] =	vst.idx.msk $0xffff, v6  }
0x26d: {  	v47 =	vshll.u32 v10, $0x1;
	v11 =	vor.u32 s25, v63;
	[tilespmem:v15+s19+$0x0] =	vst.idx.msk $0xffff, v8;
	v8 =	vor.u32 v0, v46  }
0x26e: {  	v56 =	vor.u32 v9, v47;
	[tilespmem:v16+s19+$0x0] =	vst.idx.msk $0xffff, v1;
	v1 =	vor.u32 s25, v48;
	v48 =	vshll.u32 v11, $0x1  }
0x26f: {  	v52 =	vshll.u32 v5, $0x1;
	[tilespmem:v49+s19+$0x0] =	vst.idx.msk $0xffff, v2;
	v57 =	vor.u32 v9, v48  }
0x270: {  	v7 =	vor.u32 s25, v53;
	v15 =	vor.u32 v9, v52;
	v49 =	vshll.u32 v1, $0x1;
	[tilespmem:v61+s19+$0x0] =	vst.idx.msk $0xffff, v3  }
0x271: {  	v53 =	vshll.u32 v7, $0x1;
	v2 =	vor.u32 s25, v50;
	v58 =	vor.u32 v9, v49;
	[tilespmem:v55+s19+$0x0] =	vst.idx.msk $0xffff, v59  }
0x272: {  	v16 =	vor.u32 v9, v53;
	v3 =	vor.u32 s25, v51;
	v50 =	vshll.u32 v2, $0x1;
	[tilespmem:v8+s19+$0x0] =	vst.idx.msk $0xffff, v60  }
0x273: {  	v14 =	vor.u32 s25, v54;
	v51 =	vshll.u32 v3, $0x1;
	v59 =	vor.u32 v9, v50;
	v12 =	vld.idx.msk [tilespmem:v56+s4+$0x0], $0xffff  }
0x274: {  	v54 =	vshll.u32 v14, $0x1;
	v8 =	vor.u32 v9, v51;
	v13 =	vld.idx.msk [tilespmem:v57+s4+$0x0], $0xffff  }
0x275: {  	v55 =	vshll.u32 v10, $0x7;
	v60 =	vor.u32 v9, v54;
	v57 =	vshll.u32 v1, $0x7;
	v1 =	vld.idx.msk [tilespmem:v15+s4+$0x0], $0xffff  }
0x276: {  	v10 =	vor.u32 v0, v55;
	v56 =	vshll.u32 v11, $0x7;
	v4 =	vld.idx.msk [tilespmem:v58+s4+$0x0], $0xffff  }
0x277: {  	v11 =	vor.u32 v0, v56;
	v58 =	vshll.u32 v2, $0x7;
	v2 =	vld.idx.msk [tilespmem:v16+s4+$0x0], $0xffff  }
0x278: {  	v15 =	vor.u32 v0, v57;
	v6 =	vld.idx.msk [tilespmem:v59+s4+$0x0], $0xffff  }
0x279: {  	v16 =	vor.u32 v0, v58;
	v59 =	vshll.u32 v3, $0x7;
	v8 =	vld.idx.msk [tilespmem:v8+s4+$0x0], $0xffff  }
0x27a: {  	v3 =	vld.idx.msk [tilespmem:v60+s4+$0x0], $0xffff;
	v63 =	vor.u32 v0, v59;
	v60 =	vshll.u32 v5, $0x7  }
0x27b: {  	v61 =	vshll.u32 v7, $0x7;
	[tilespmem:v10+s19+$0x0] =	vst.idx.msk $0xffff, v12;
	v5 =	vor.u32 v0, v60  }
0x27c: {  	v62 =	vshll.u32 v14, $0x7;
	v7 =	vor.u32 v0, v61;
	[tilespmem:v11+s19+$0x0] =	vst.idx.msk $0xffff, v13  }
0x27d: {  	v12 =	vor.u32 v0, v62;
	[tilespmem:v15+s19+$0x0] =	vst.idx.msk $0xffff, v4  }
0x27e: {  	v13 =	vor.u32 v17, v31;
	[tilespmem:v16+s19+$0x0] =	vst.idx.msk $0xffff, v6  }
0x27f: {  	v14 =	vor.u32 v17, v36;
	[tilespmem:v63+s19+$0x0] =	vst.idx.msk $0xffff, v8  }
0x280: {  	v8 =	vor.u32 v17, v32;
	[tilespmem:v5+s19+$0x0] =	vst.idx.msk $0xffff, v1  }
0x281: {  	v1 =	vor.u32 v17, v33;
	[tilespmem:v7+s19+$0x0] =	vst.idx.msk $0xffff, v2  }
0x282: {  	v2 =	vor.u32 v17, v34;
	[tilespmem:v12+s19+$0x0] =	vst.idx.msk $0xffff, v3  }
0x283: {  	v7 =	vor.u32 v17, v37;
	v4 =	vld.idx.msk [tilespmem:v13+s4+$0x0], $0xffff  }
0x284: {  	v3 =	vor.u32 v17, v35;
	v5 =	vld.idx.msk [tilespmem:v14+s4+$0x0], $0xffff  }
0x285: {  	v10 =	vor.u32 v18, v39;
	v6 =	vld.idx.msk [tilespmem:v8+s4+$0x0], $0xffff;
	v8 =	vor.u32 v17, v38  }
0x286: {  	v11 =	vor.u32 v18, v40;
	v1 =	vld.idx.msk [tilespmem:v1+s4+$0x0], $0xffff  }
0x287: {  	v12 =	vor.u32 v18, v41;
	v2 =	vld.idx.msk [tilespmem:v2+s4+$0x0], $0xffff  }
0x288: {  	v13 =	vor.u32 v18, v42;
	v7 =	vld.idx.msk [tilespmem:v7+s4+$0x0], $0xffff  }
0x289: {  	v14 =	vor.u32 v18, v43;
	v3 =	vld.idx.msk [tilespmem:v3+s4+$0x0], $0xffff  }
0x28a: {  	v8 =	vld.idx.msk [tilespmem:v8+s4+$0x0], $0xffff;
	[tilespmem:v10+s19+$0x0] =	vst.idx.msk $0xffff, v4;
	v4 =	vor.u32 v18, v44  }
0x28b: {  	[tilespmem:v11+s19+$0x0] =	vst.idx.msk $0xffff, v6;
	v6 =	vor.u32 v18, v45  }
0x28c: {  	[tilespmem:v12+s19+$0x0] =	vst.idx.msk $0xffff, v1;
	v1 =	vor.u32 v18, v46  }
0x28d: {  	[tilespmem:v13+s19+$0x0] =	vst.idx.msk $0xffff, v2;
	v2 =	vor.u32 v17, v47  }
0x28e: {  	v12 =	vor.u32 v17, v49;
	[tilespmem:v14+s19+$0x0] =	vst.idx.msk $0xffff, v3  }
0x28f: {  	v13 =	vor.u32 v17, v50;
	[tilespmem:v4+s19+$0x0] =	vst.idx.msk $0xffff, v5  }
0x290: {  	v3 =	vor.u32 v17, v48;
	[tilespmem:v6+s19+$0x0] =	vst.idx.msk $0xffff, v7  }
0x291: {  	v14 =	vor.u32 v17, v52;
	[tilespmem:v1+s19+$0x0] =	vst.idx.msk $0xffff, v8  }
0x292: {  	v7 =	vor.u32 v17, v53;
	v2 =	vld.idx.msk [tilespmem:v2+s4+$0x0], $0xffff  }
0x293: {  	v1 =	vor.u32 v17, v51;
	v4 =	vld.idx.msk [tilespmem:v12+s4+$0x0], $0xffff  }
0x294: {  	v10 =	vor.u32 v18, v55;
	v8 =	vor.u32 v17, v54;
	v5 =	vld.idx.msk [tilespmem:v13+s4+$0x0], $0xffff  }
0x295: {  	v11 =	vor.u32 v18, v56;
	v3 =	vld.idx.msk [tilespmem:v3+s4+$0x0], $0xffff  }
0x296: {  	v12 =	vor.u32 v18, v57;
	v6 =	vld.idx.msk [tilespmem:v14+s4+$0x0], $0xffff  }
0x297: {  	v13 =	vor.u32 v18, v58;
	v7 =	vld.idx.msk [tilespmem:v7+s4+$0x0], $0xffff  }
0x298: {  	v14 =	vor.u32 v18, v59;
	v1 =	vld.idx.msk [tilespmem:v1+s4+$0x0], $0xffff  }
0x299: {  	v8 =	vld.idx.msk [tilespmem:v8+s4+$0x0], $0xffff;
	[tilespmem:v10+s19+$0x0] =	vst.idx.msk $0xffff, v2;
	v2 =	vor.u32 v18, v60  }
0x29a: {  	[tilespmem:v11+s19+$0x0] =	vst.idx.msk $0xffff, v3;
	v3 =	vor.u32 v18, v61  }
0x29b: {  	[tilespmem:v12+s19+$0x0] =	vst.idx.msk $0xffff, v4;
	v4 =	vor.u32 v18, v62  }
0x29c: {  	v12 =	vor.u32 v19, v31;
	[tilespmem:v13+s19+$0x0] =	vst.idx.msk $0xffff, v5  }
0x29d: {  	v13 =	vor.u32 v19, v35;
	[tilespmem:v14+s19+$0x0] =	vst.idx.msk $0xffff, v1  }
0x29e: {  	v1 =	vor.u32 v19, v32;
	[tilespmem:v2+s19+$0x0] =	vst.idx.msk $0xffff, v6  }
0x29f: {  	v14 =	vor.u32 v19, v36;
	[tilespmem:v3+s19+$0x0] =	vst.idx.msk $0xffff, v7  }
0x2a0: {  	v2 =	vor.u32 v19, v33;
	[tilespmem:v4+s19+$0x0] =	vst.idx.msk $0xffff, v8  }
0x2a1: {  	v3 =	vor.u32 v19, v34;
	v5 =	vld.idx.msk [tilespmem:v12+s4+$0x0], $0xffff  }
0x2a2: {  	v7 =	vor.u32 v19, v37;
	v4 =	vld.idx.msk [tilespmem:v13+s4+$0x0], $0xffff  }
0x2a3: {  	v10 =	vor.u32 v20, v39;
	v8 =	vor.u32 v19, v38;
	v1 =	vld.idx.msk [tilespmem:v1+s4+$0x0], $0xffff  }
0x2a4: {  	v11 =	vor.u32 v20, v40;
	v6 =	vld.idx.msk [tilespmem:v14+s4+$0x0], $0xffff  }
0x2a5: {  	v12 =	vor.u32 v20, v41;
	v2 =	vld.idx.msk [tilespmem:v2+s4+$0x0], $0xffff  }
0x2a6: {  	v13 =	vor.u32 v20, v42;
	v3 =	vld.idx.msk [tilespmem:v3+s4+$0x0], $0xffff  }
0x2a7: {  	v14 =	vor.u32 v20, v43;
	v7 =	vld.idx.msk [tilespmem:v7+s4+$0x0], $0xffff  }
0x2a8: {  	v8 =	vld.idx.msk [tilespmem:v8+s4+$0x0], $0xffff;
	[tilespmem:v10+s19+$0x0] =	vst.idx.msk $0xffff, v5;
	v5 =	vor.u32 v20, v44  }
0x2a9: {  	[tilespmem:v11+s19+$0x0] =	vst.idx.msk $0xffff, v1;
	v1 =	vor.u32 v20, v45  }
0x2aa: {  	[tilespmem:v12+s19+$0x0] =	vst.idx.msk $0xffff, v2;
	v2 =	vor.u32 v20, v46  }
0x2ab: {  	[tilespmem:v13+s19+$0x0] =	vst.idx.msk $0xffff, v3;
	v3 =	vor.u32 v19, v47  }
0x2ac: {  	v12 =	vor.u32 v19, v48;
	[tilespmem:v14+s19+$0x0] =	vst.idx.msk $0xffff, v4  }
0x2ad: {  	v13 =	vor.u32 v19, v49;
	[tilespmem:v5+s19+$0x0] =	vst.idx.msk $0xffff, v6  }
0x2ae: {  	v14 =	vor.u32 v19, v52;
	[tilespmem:v1+s19+$0x0] =	vst.idx.msk $0xffff, v7  }
0x2af: {  	v1 =	vor.u32 v19, v50;
	[tilespmem:v2+s19+$0x0] =	vst.idx.msk $0xffff, v8  }
0x2b0: {  	v7 =	vor.u32 v19, v53;
	v3 =	vld.idx.msk [tilespmem:v3+s4+$0x0], $0xffff  }
0x2b1: {  	v2 =	vor.u32 v19, v51;
	v4 =	vld.idx.msk [tilespmem:v12+s4+$0x0], $0xffff  }
0x2b2: {  	v10 =	vor.u32 v20, v55;
	v8 =	vor.u32 v19, v54;
	v5 =	vld.idx.msk [tilespmem:v13+s4+$0x0], $0xffff  }
0x2b3: {  	v11 =	vor.u32 v20, v56;
	v6 =	vld.idx.msk [tilespmem:v14+s4+$0x0], $0xffff  }
0x2b4: {  	v12 =	vor.u32 v20, v57;
	v1 =	vld.idx.msk [tilespmem:v1+s4+$0x0], $0xffff  }
0x2b5: {  	v13 =	vor.u32 v20, v58;
	v7 =	vld.idx.msk [tilespmem:v7+s4+$0x0], $0xffff  }
0x2b6: {  	v14 =	vor.u32 v20, v59;
	v2 =	vld.idx.msk [tilespmem:v2+s4+$0x0], $0xffff  }
0x2b7: {  	v8 =	vld.idx.msk [tilespmem:v8+s4+$0x0], $0xffff;
	[tilespmem:v10+s19+$0x0] =	vst.idx.msk $0xffff, v3;
	v3 =	vor.u32 v20, v60  }
0x2b8: {  	[tilespmem:v11+s19+$0x0] =	vst.idx.msk $0xffff, v4;
	v4 =	vor.u32 v20, v61  }
0x2b9: {  	[tilespmem:v12+s19+$0x0] =	vst.idx.msk $0xffff, v5;
	v5 =	vor.u32 v20, v62  }
0x2ba: {  	[tilespmem:v13+s19+$0x0] =	vst.idx.msk $0xffff, v1;
	v1 =	vor.u32 v21, v31  }
0x2bb: {  	v12 =	vor.u32 v21, v34;
	[tilespmem:v14+s19+$0x0] =	vst.idx.msk $0xffff, v2  }
0x2bc: {  	v13 =	vor.u32 v21, v35;
	[tilespmem:v3+s19+$0x0] =	vst.idx.msk $0xffff, v6  }
0x2bd: {  	v2 =	vor.u32 v21, v32;
	[tilespmem:v4+s19+$0x0] =	vst.idx.msk $0xffff, v7  }
0x2be: {  	v3 =	vor.u32 v21, v33;
	[tilespmem:v5+s19+$0x0] =	vst.idx.msk $0xffff, v8  }
0x2bf: {  	v14 =	vor.u32 v21, v36;
	v1 =	vld.idx.msk [tilespmem:v1+s4+$0x0], $0xffff  }
0x2c0: {  	v7 =	vor.u32 v21, v37;
	v4 =	vld.idx.msk [tilespmem:v12+s4+$0x0], $0xffff  }
0x2c1: {  	v10 =	vor.u32 v22, v39;
	v8 =	vor.u32 v21, v38;
	v5 =	vld.idx.msk [tilespmem:v13+s4+$0x0], $0xffff  }
0x2c2: {  	v11 =	vor.u32 v22, v40;
	v2 =	vld.idx.msk [tilespmem:v2+s4+$0x0], $0xffff  }
0x2c3: {  	v12 =	vor.u32 v22, v41;
	v3 =	vld.idx.msk [tilespmem:v3+s4+$0x0], $0xffff  }
0x2c4: {  	v13 =	vor.u32 v22, v42;
	v6 =	vld.idx.msk [tilespmem:v14+s4+$0x0], $0xffff  }
0x2c5: {  	v14 =	vor.u32 v22, v43;
	v7 =	vld.idx.msk [tilespmem:v7+s4+$0x0], $0xffff  }
0x2c6: {  	v8 =	vld.idx.msk [tilespmem:v8+s4+$0x0], $0xffff;
	[tilespmem:v10+s19+$0x0] =	vst.idx.msk $0xffff, v1;
	v1 =	vor.u32 v22, v44  }
0x2c7: {  	[tilespmem:v11+s19+$0x0] =	vst.idx.msk $0xffff, v2;
	v2 =	vor.u32 v22, v45  }
0x2c8: {  	[tilespmem:v12+s19+$0x0] =	vst.idx.msk $0xffff, v3;
	v3 =	vor.u32 v22, v46  }
0x2c9: {  	v12 =	vor.u32 v21, v47;
	[tilespmem:v13+s19+$0x0] =	vst.idx.msk $0xffff, v4  }
0x2ca: {  	v13 =	vor.u32 v21, v48;
	[tilespmem:v14+s19+$0x0] =	vst.idx.msk $0xffff, v5  }
0x2cb: {  	v14 =	vor.u32 v21, v52;
	[tilespmem:v1+s19+$0x0] =	vst.idx.msk $0xffff, v6  }
0x2cc: {  	v1 =	vor.u32 v21, v49;
	[tilespmem:v2+s19+$0x0] =	vst.idx.msk $0xffff, v7  }
0x2cd: {  	v2 =	vor.u32 v21, v50;
	[tilespmem:v3+s19+$0x0] =	vst.idx.msk $0xffff, v8  }
0x2ce: {  	v7 =	vor.u32 v21, v53;
	v4 =	vld.idx.msk [tilespmem:v12+s4+$0x0], $0xffff  }
0x2cf: {  	v3 =	vor.u32 v21, v51;
	v5 =	vld.idx.msk [tilespmem:v13+s4+$0x0], $0xffff  }
0x2d0: {  	v10 =	vor.u32 v22, v55;
	v8 =	vor.u32 v21, v54;
	v6 =	vld.idx.msk [tilespmem:v14+s4+$0x0], $0xffff  }
0x2d1: {  	v11 =	vor.u32 v22, v56;
	v1 =	vld.idx.msk [tilespmem:v1+s4+$0x0], $0xffff  }
0x2d2: {  	v12 =	vor.u32 v22, v57;
	v2 =	vld.idx.msk [tilespmem:v2+s4+$0x0], $0xffff  }
0x2d3: {  	v13 =	vor.u32 v22, v58;
	v7 =	vld.idx.msk [tilespmem:v7+s4+$0x0], $0xffff  }
0x2d4: {  	v14 =	vor.u32 v22, v59;
	v3 =	vld.idx.msk [tilespmem:v3+s4+$0x0], $0xffff  }
0x2d5: {  	v8 =	vld.idx.msk [tilespmem:v8+s4+$0x0], $0xffff;
	[tilespmem:v10+s19+$0x0] =	vst.idx.msk $0xffff, v4;
	v4 =	vor.u32 v22, v60  }
0x2d6: {  	[tilespmem:v11+s19+$0x0] =	vst.idx.msk $0xffff, v5;
	v5 =	vor.u32 v22, v61  }
0x2d7: {  	[tilespmem:v12+s19+$0x0] =	vst.idx.msk $0xffff, v1;
	v1 =	vor.u32 v22, v62  }
0x2d8: {  	[tilespmem:v13+s19+$0x0] =	vst.idx.msk $0xffff, v2;
	v2 =	vor.u32 v23, v31  }
0x2d9: {  	v12 =	vor.u32 v23, v33;
	[tilespmem:v14+s19+$0x0] =	vst.idx.msk $0xffff, v3  }
0x2da: {  	v13 =	vor.u32 v23, v34;
	[tilespmem:v4+s19+$0x0] =	vst.idx.msk $0xffff, v6  }
0x2db: {  	v3 =	vor.u32 v23, v32;
	[tilespmem:v5+s19+$0x0] =	vst.idx.msk $0xffff, v7  }
0x2dc: {  	v14 =	vor.u32 v23, v36;
	[tilespmem:v1+s19+$0x0] =	vst.idx.msk $0xffff, v8  }
0x2dd: {  	v7 =	vor.u32 v23, v37;
	v2 =	vld.idx.msk [tilespmem:v2+s4+$0x0], $0xffff  }
0x2de: {  	v1 =	vor.u32 v23, v35;
	v4 =	vld.idx.msk [tilespmem:v12+s4+$0x0], $0xffff  }
0x2df: {  	v10 =	vor.u32 v24, v39;
	v8 =	vor.u32 v23, v38;
	v5 =	vld.idx.msk [tilespmem:v13+s4+$0x0], $0xffff  }
0x2e0: {  	v11 =	vor.u32 v24, v40;
	v3 =	vld.idx.msk [tilespmem:v3+s4+$0x0], $0xffff  }
0x2e1: {  	v12 =	vor.u32 v24, v41;
	v6 =	vld.idx.msk [tilespmem:v14+s4+$0x0], $0xffff  }
0x2e2: {  	v13 =	vor.u32 v24, v42;
	v7 =	vld.idx.msk [tilespmem:v7+s4+$0x0], $0xffff  }
0x2e3: {  	v14 =	vor.u32 v24, v43;
	v1 =	vld.idx.msk [tilespmem:v1+s4+$0x0], $0xffff  }
0x2e4: {  	v8 =	vld.idx.msk [tilespmem:v8+s4+$0x0], $0xffff;
	[tilespmem:v10+s19+$0x0] =	vst.idx.msk $0xffff, v2;
	v2 =	vor.u32 v24, v44  }
0x2e5: {  	[tilespmem:v11+s19+$0x0] =	vst.idx.msk $0xffff, v3;
	v3 =	vor.u32 v24, v45  }
0x2e6: {  	[tilespmem:v12+s19+$0x0] =	vst.idx.msk $0xffff, v4;
	v4 =	vor.u32 v24, v46  }
0x2e7: {  	v12 =	vor.u32 v23, v47;
	[tilespmem:v13+s19+$0x0] =	vst.idx.msk $0xffff, v5  }
0x2e8: {  	v13 =	vor.u32 v23, v51;
	[tilespmem:v14+s19+$0x0] =	vst.idx.msk $0xffff, v1  }
0x2e9: {  	v1 =	vor.u32 v23, v48;
	[tilespmem:v2+s19+$0x0] =	vst.idx.msk $0xffff, v6  }
0x2ea: {  	v14 =	vor.u32 v23, v52;
	[tilespmem:v3+s19+$0x0] =	vst.idx.msk $0xffff, v7  }
0x2eb: {  	v2 =	vor.u32 v23, v49;
	[tilespmem:v4+s19+$0x0] =	vst.idx.msk $0xffff, v8  }
0x2ec: {  	v3 =	vor.u32 v23, v50;
	v5 =	vld.idx.msk [tilespmem:v12+s4+$0x0], $0xffff  }
0x2ed: {  	v7 =	vor.u32 v23, v53;
	v4 =	vld.idx.msk [tilespmem:v13+s4+$0x0], $0xffff  }
0x2ee: {  	v10 =	vor.u32 v24, v55;
	v8 =	vor.u32 v23, v54;
	v1 =	vld.idx.msk [tilespmem:v1+s4+$0x0], $0xffff  }
0x2ef: {  	v11 =	vor.u32 v24, v56;
	v6 =	vld.idx.msk [tilespmem:v14+s4+$0x0], $0xffff  }
0x2f0: {  	v12 =	vor.u32 v24, v57;
	v2 =	vld.idx.msk [tilespmem:v2+s4+$0x0], $0xffff  }
0x2f1: {  	v13 =	vor.u32 v24, v58;
	v3 =	vld.idx.msk [tilespmem:v3+s4+$0x0], $0xffff  }
0x2f2: {  	v14 =	vor.u32 v24, v59;
	v7 =	vld.idx.msk [tilespmem:v7+s4+$0x0], $0xffff  }
0x2f3: {  	v8 =	vld.idx.msk [tilespmem:v8+s4+$0x0], $0xffff;
	[tilespmem:v10+s19+$0x0] =	vst.idx.msk $0xffff, v5;
	v5 =	vor.u32 v24, v60  }
0x2f4: {  	[tilespmem:v11+s19+$0x0] =	vst.idx.msk $0xffff, v1;
	v1 =	vor.u32 v24, v61  }
0x2f5: {  	[tilespmem:v12+s19+$0x0] =	vst.idx.msk $0xffff, v2;
	v2 =	vor.u32 v24, v62  }
0x2f6: {  	[tilespmem:v13+s19+$0x0] =	vst.idx.msk $0xffff, v3;
	v3 =	vor.u32 v25, v31  }
0x2f7: {  	v12 =	vor.u32 v25, v32;
	[tilespmem:v14+s19+$0x0] =	vst.idx.msk $0xffff, v4  }
0x2f8: {  	v13 =	vor.u32 v25, v33;
	[tilespmem:v5+s19+$0x0] =	vst.idx.msk $0xffff, v6  }
0x2f9: {  	v14 =	vor.u32 v25, v36;
	[tilespmem:v1+s19+$0x0] =	vst.idx.msk $0xffff, v7  }
0x2fa: {  	v1 =	vor.u32 v25, v34;
	[tilespmem:v2+s19+$0x0] =	vst.idx.msk $0xffff, v8  }
0x2fb: {  	v7 =	vor.u32 v25, v37;
	v3 =	vld.idx.msk [tilespmem:v3+s4+$0x0], $0xffff  }
0x2fc: {  	v2 =	vor.u32 v25, v35;
	v4 =	vld.idx.msk [tilespmem:v12+s4+$0x0], $0xffff  }
0x2fd: {  	v10 =	vor.u32 v26, v39;
	v8 =	vor.u32 v25, v38;
	v5 =	vld.idx.msk [tilespmem:v13+s4+$0x0], $0xffff  }
0x2fe: {  	v11 =	vor.u32 v26, v40;
	v6 =	vld.idx.msk [tilespmem:v14+s4+$0x0], $0xffff  }
0x2ff: {  	v12 =	vor.u32 v26, v41;
	v1 =	vld.idx.msk [tilespmem:v1+s4+$0x0], $0xffff  }
0x300: {  	v13 =	vor.u32 v26, v42;
	v7 =	vld.idx.msk [tilespmem:v7+s4+$0x0], $0xffff  }
0x301: {  	v14 =	vor.u32 v26, v43;
	v2 =	vld.idx.msk [tilespmem:v2+s4+$0x0], $0xffff  }
0x302: {  	v8 =	vld.idx.msk [tilespmem:v8+s4+$0x0], $0xffff;
	[tilespmem:v10+s19+$0x0] =	vst.idx.msk $0xffff, v3;
	v3 =	vor.u32 v26, v44  }
0x303: {  	[tilespmem:v11+s19+$0x0] =	vst.idx.msk $0xffff, v4;
	v4 =	vor.u32 v26, v45  }
0x304: {  	[tilespmem:v12+s19+$0x0] =	vst.idx.msk $0xffff, v5;
	v5 =	vor.u32 v26, v46  }
0x305: {  	[tilespmem:v13+s19+$0x0] =	vst.idx.msk $0xffff, v1;
	v1 =	vor.u32 v25, v47  }
0x306: {  	v12 =	vor.u32 v25, v50;
	[tilespmem:v14+s19+$0x0] =	vst.idx.msk $0xffff, v2  }
0x307: {  	v13 =	vor.u32 v25, v51;
	[tilespmem:v3+s19+$0x0] =	vst.idx.msk $0xffff, v6  }
0x308: {  	v2 =	vor.u32 v25, v48;
	[tilespmem:v4+s19+$0x0] =	vst.idx.msk $0xffff, v7  }
0x309: {  	v3 =	vor.u32 v25, v49;
	[tilespmem:v5+s19+$0x0] =	vst.idx.msk $0xffff, v8  }
0x30a: {  	v14 =	vor.u32 v25, v52;
	v1 =	vld.idx.msk [tilespmem:v1+s4+$0x0], $0xffff  }
0x30b: {  	v7 =	vor.u32 v25, v53;
	v4 =	vld.idx.msk [tilespmem:v12+s4+$0x0], $0xffff  }
0x30c: {  	v10 =	vor.u32 v26, v55;
	v8 =	vor.u32 v25, v54;
	v5 =	vld.idx.msk [tilespmem:v13+s4+$0x0], $0xffff  }
0x30d: {  	v11 =	vor.u32 v26, v56;
	v2 =	vld.idx.msk [tilespmem:v2+s4+$0x0], $0xffff  }
0x30e: {  	v12 =	vor.u32 v26, v57;
	v3 =	vld.idx.msk [tilespmem:v3+s4+$0x0], $0xffff  }
0x30f: {  	v13 =	vor.u32 v26, v58;
	v6 =	vld.idx.msk [tilespmem:v14+s4+$0x0], $0xffff  }
0x310: {  	v14 =	vor.u32 v26, v59;
	v7 =	vld.idx.msk [tilespmem:v7+s4+$0x0], $0xffff  }
0x311: {  	v8 =	vld.idx.msk [tilespmem:v8+s4+$0x0], $0xffff;
	[tilespmem:v10+s19+$0x0] =	vst.idx.msk $0xffff, v1;
	v1 =	vor.u32 v26, v60  }
0x312: {  	[tilespmem:v11+s19+$0x0] =	vst.idx.msk $0xffff, v2;
	v2 =	vor.u32 v26, v61  }
0x313: {  	[tilespmem:v12+s19+$0x0] =	vst.idx.msk $0xffff, v3;
	v3 =	vor.u32 v26, v62  }
0x314: {  	v12 =	vor.u32 v27, v31;
	[tilespmem:v13+s19+$0x0] =	vst.idx.msk $0xffff, v4  }
0x315: {  	v13 =	vor.u32 v27, v32;
	[tilespmem:v14+s19+$0x0] =	vst.idx.msk $0xffff, v5  }
0x316: {  	v14 =	vor.u32 v27, v36;
	[tilespmem:v1+s19+$0x0] =	vst.idx.msk $0xffff, v6  }
0x317: {  	v1 =	vor.u32 v27, v33;
	[tilespmem:v2+s19+$0x0] =	vst.idx.msk $0xffff, v7  }
0x318: {  	v2 =	vor.u32 v27, v34;
	[tilespmem:v3+s19+$0x0] =	vst.idx.msk $0xffff, v8  }
0x319: {  	v7 =	vor.u32 v27, v37;
	v4 =	vld.idx.msk [tilespmem:v12+s4+$0x0], $0xffff  }
0x31a: {  	v3 =	vor.u32 v27, v35;
	v5 =	vld.idx.msk [tilespmem:v13+s4+$0x0], $0xffff  }
0x31b: {  	v10 =	vor.u32 v28, v39;
	v8 =	vor.u32 v27, v38;
	v6 =	vld.idx.msk [tilespmem:v14+s4+$0x0], $0xffff  }
0x31c: {  	v11 =	vor.u32 v28, v40;
	v1 =	vld.idx.msk [tilespmem:v1+s4+$0x0], $0xffff  }
0x31d: {  	v12 =	vor.u32 v28, v41;
	v2 =	vld.idx.msk [tilespmem:v2+s4+$0x0], $0xffff  }
0x31e: {  	v13 =	vor.u32 v28, v42;
	v7 =	vld.idx.msk [tilespmem:v7+s4+$0x0], $0xffff  }
0x31f: {  	v14 =	vor.u32 v28, v43;
	v3 =	vld.idx.msk [tilespmem:v3+s4+$0x0], $0xffff  }
0x320: {  	v8 =	vld.idx.msk [tilespmem:v8+s4+$0x0], $0xffff;
	[tilespmem:v10+s19+$0x0] =	vst.idx.msk $0xffff, v4;
	v4 =	vor.u32 v28, v44  }
0x321: {  	[tilespmem:v11+s19+$0x0] =	vst.idx.msk $0xffff, v5;
	v5 =	vor.u32 v28, v45  }
0x322: {  	[tilespmem:v12+s19+$0x0] =	vst.idx.msk $0xffff, v1;
	v1 =	vor.u32 v28, v46  }
0x323: {  	[tilespmem:v13+s19+$0x0] =	vst.idx.msk $0xffff, v2;
	v2 =	vor.u32 v27, v47  }
0x324: {  	v12 =	vor.u32 v27, v49;
	[tilespmem:v14+s19+$0x0] =	vst.idx.msk $0xffff, v3  }
0x325: {  	v13 =	vor.u32 v27, v50;
	[tilespmem:v4+s19+$0x0] =	vst.idx.msk $0xffff, v6  }
0x326: {  	v3 =	vor.u32 v27, v48;
	[tilespmem:v5+s19+$0x0] =	vst.idx.msk $0xffff, v7  }
0x327: {  	v14 =	vor.u32 v27, v52;
	[tilespmem:v1+s19+$0x0] =	vst.idx.msk $0xffff, v8  }
0x328: {  	v7 =	vor.u32 v27, v53;
	v2 =	vld.idx.msk [tilespmem:v2+s4+$0x0], $0xffff  }
0x329: {  	v1 =	vor.u32 v27, v51;
	v4 =	vld.idx.msk [tilespmem:v12+s4+$0x0], $0xffff  }
0x32a: {  	v10 =	vor.u32 v28, v55;
	v8 =	vor.u32 v27, v54;
	v5 =	vld.idx.msk [tilespmem:v13+s4+$0x0], $0xffff  }
0x32b: {  	v11 =	vor.u32 v28, v56;
	v3 =	vld.idx.msk [tilespmem:v3+s4+$0x0], $0xffff  }
0x32c: {  	v12 =	vor.u32 v28, v57;
	v6 =	vld.idx.msk [tilespmem:v14+s4+$0x0], $0xffff  }
0x32d: {  	v13 =	vor.u32 v28, v58;
	v7 =	vld.idx.msk [tilespmem:v7+s4+$0x0], $0xffff  }
0x32e: {  	v14 =	vor.u32 v28, v59;
	v1 =	vld.idx.msk [tilespmem:v1+s4+$0x0], $0xffff  }
0x32f: {  	v8 =	vld.idx.msk [tilespmem:v8+s4+$0x0], $0xffff;
	[tilespmem:v10+s19+$0x0] =	vst.idx.msk $0xffff, v2;
	v2 =	vor.u32 v28, v60  }
0x330: {  	[tilespmem:v11+s19+$0x0] =	vst.idx.msk $0xffff, v3;
	v3 =	vor.u32 v28, v61  }
0x331: {  	[tilespmem:v12+s19+$0x0] =	vst.idx.msk $0xffff, v4;
	v4 =	vor.u32 v28, v62  }
0x332: {  	v12 =	vor.u32 v29, v31;
	[tilespmem:v13+s19+$0x0] =	vst.idx.msk $0xffff, v5  }
0x333: {  	v13 =	vor.u32 v29, v35;
	[tilespmem:v14+s19+$0x0] =	vst.idx.msk $0xffff, v1  }
0x334: {  	v1 =	vor.u32 v29, v32;
	[tilespmem:v2+s19+$0x0] =	vst.idx.msk $0xffff, v6  }
0x335: {  	v14 =	vor.u32 v29, v36;
	[tilespmem:v3+s19+$0x0] =	vst.idx.msk $0xffff, v7  }
0x336: {  	v16 =	vld [tilespmem:$0x1FF10];
	v2 =	vor.u32 v29, v33;
	[tilespmem:v4+s19+$0x0] =	vst.idx.msk $0xffff, v8  }
0x337: {  	v3 =	vor.u32 v29, v34;
	v5 =	vld.idx.msk [tilespmem:v12+s4+$0x0], $0xffff  }
0x338: {  	v32 =	vor.u32 v29, v37;
	v4 =	vld.idx.msk [tilespmem:v13+s4+$0x0], $0xffff  }
0x339: {  	v10 =	vor.u32 v30, v39;
	v8 =	vor.u32 v29, v38;
	v1 =	vld.idx.msk [tilespmem:v1+s4+$0x0], $0xffff  }
0x33a: {  	v11 =	vor.u32 v30, v40;
	v6 =	vld.idx.msk [tilespmem:v14+s4+$0x0], $0xffff  }
0x33b: {  	v41 =	vor.u32 v30, v41;
	v2 =	vld.idx.msk [tilespmem:v2+s4+$0x0], $0xffff  }
0x33c: {  	v42 =	vor.u32 v30, v42;
	v3 =	vld.idx.msk [tilespmem:v3+s4+$0x0], $0xffff  }
0x33d: {  	v43 =	vor.u32 v30, v43;
	v7 =	vld.idx.msk [tilespmem:v32+s4+$0x0], $0xffff  }
0x33e: {  	v44 =	vor.u32 v30, v44;
	v8 =	vld.idx.msk [tilespmem:v8+s4+$0x0], $0xffff;
	[tilespmem:v10+s19+$0x0] =	vst.idx.msk $0xffff, v5  }
0x33f: {  	v63 =	vld [tilespmem:$0x1FF90];
	[tilespmem:v11+s19+$0x0] =	vst.idx.msk $0xffff, v1;
	v1 =	vor.u32 v30, v45  }
0x340: {  	v35 =	vld [tilespmem:$0x1FF50];
	[tilespmem:v41+s19+$0x0] =	vst.idx.msk $0xffff, v2;
	v2 =	vor.u32 v30, v46  }
0x341: {  	v36 =	vld [tilespmem:$0x1FF60];
	[tilespmem:v42+s19+$0x0] =	vst.idx.msk $0xffff, v3;
	v3 =	vor.u32 v29, v47  }
0x342: {  	v37 =	vld [tilespmem:$0x1FF80];
	v10 =	vor.u32 v30, v55;
	v45 =	vor.u32 v29, v48;
	[tilespmem:v43+s19+$0x0] =	vst.idx.msk $0xffff, v4  }
0x343: {  	v33 =	vld [tilespmem:$0x1FF30];
	v55 =	vor.u32 v30, v57;
	v46 =	vor.u32 v29, v49;
	[tilespmem:v44+s19+$0x0] =	vst.idx.msk $0xffff, v6  }
0x344: {  	v34 =	vld [tilespmem:$0x1FF40];
	v57 =	vor.u32 v30, v59;
	v47 =	vor.u32 v29, v52;
	[tilespmem:v1+s19+$0x0] =	vst.idx.msk $0xffff, v7  }
0x345: {  	v59 =	vor.u32 v30, v62;
	v62 =	vld [tilespmem:$0x1FF70];
	v49 =	vor.u32 v29, v53;
	[tilespmem:v2+s19+$0x0] =	vst.idx.msk $0xffff, v8  }
0x346: {  	v1 =	vor.u32 v29, v50;
	v3 =	vld.idx.msk [tilespmem:v3+s4+$0x0], $0xffff  }
0x347: {  	v2 =	vor.u32 v29, v51;
	v4 =	vld.idx.msk [tilespmem:v45+s4+$0x0], $0xffff  }
0x348: {  	v8 =	vor.u32 v29, v54;
	v5 =	vld.idx.msk [tilespmem:v46+s4+$0x0], $0xffff  }
0x349: {  	v11 =	vor.u32 v30, v56;
	v6 =	vld.idx.msk [tilespmem:v47+s4+$0x0], $0xffff  }
0x34a: {  	v7 =	vld.idx.msk [tilespmem:v49+s4+$0x0], $0xffff  }
0x34b: {  	v56 =	vor.u32 v30, v58;
	v1 =	vld.idx.msk [tilespmem:v1+s4+$0x0], $0xffff  }
0x34c: {  	v2 =	vld.idx.msk [tilespmem:v2+s4+$0x0], $0xffff  }
0x34d: {  	v8 =	vld.idx.msk [tilespmem:v8+s4+$0x0], $0xffff;
	[tilespmem:v10+s19+$0x0] =	vst.idx.msk $0xffff, v3;
	v3 =	vor.u32 v30, v60  }
0x34e: {  	v48 =	vld [tilespmem:$0x1FFA0];
	v58 =	vor.u32 v30, v61;
	[tilespmem:v11+s19+$0x0] =	vst.idx.msk $0xffff, v4  }
0x34f: {  	p2 =	sne.s32 s25, $0x30;
	v53 =	vld [tilespmem:$0x1FFE0];
	[tilespmem:v55+s19+$0x0] =	vst.idx.msk $0xffff, v5  }
.Ltmp10:
0x350: {  	v52 =	vld [tilespmem:$0x1FFD0];
	[tilespmem:v56+s19+$0x0] =	vst.idx.msk $0xffff, v1;
	(pc) =	sbr.rel @p2 .LBB2_14-.Ltmp10, $4  }
0x351: {  	v50 =	vld [tilespmem:$0x1FFB0];
	[tilespmem:v57+s19+$0x0] =	vst.idx.msk $0xffff, v2  }
0x352: {  	v51 =	vld [tilespmem:$0x1FFC0];
	[tilespmem:v3+s19+$0x0] =	vst.idx.msk $0xffff, v6  }
0x353: {  	v54 =	vld [tilespmem:$0x1FFF0];
	[tilespmem:v58+s19+$0x0] =	vst.idx.msk $0xffff, v7  }
0x354: {  	s25 =	sadd.s32 $0x10, s25;
	v2 =	vld [tilespmem:$0x1FF20];
	[tilespmem:v59+s19+$0x0] =	vst.idx.msk $0xffff, v8  }
.Ltmp11:
0x355: {  	(pc) =	sbr.rel .LBB2_16-.Ltmp11, $4  }
0x356: {  	[hbm4b:s12+s4] =	stream.linear.scatter [tilespmem:s19], [sflag:$0x3], $0x2000, $0x38;
	[tilespmem:$0x8000] =	vst v63  }
0x357: {  	_ =	swait.ge [sflag:s23], $0x2000  }
0x358: {  	[sflag:s23] =	ssyncset.done $0x0  }
0x359: {  	[sflag:s23] =	ssyncadd.s32 $0xFFFFE000  }
.LBB2_17:
0x35a: {  	_ =	sfence.sel $0x180000  }
0x35b: {  	[bflag:$0x0] =	sbarrier.arrive $0xFFFF  }
0x35c: {  	p0 =	sne.s32 s2, $0x0;
	_ =	strace $0x90000047  }
0x35d: {  	s0 =	sadd.s32 @!p0 $0x100000, s3;
	[bflag:$0x2] =	sbarrier.arrive $0xFFFF  }
0x35e: {  	[sflag:s0] =	ssyncadd.tile.s32 @!p0 $0x1;
	_ =	shalt  }
.Lfunc_end2:
_tile_overlayer_lowered:
.L_overlay_start_2:
0x35f: {  	(tag) =	ssettag $0x2  }
0x360: {  	s0 =	rddreg [dreg:$0x0];
	s2 =	stileid.u32  }
0x361: {  	s1 =	rddreg [dreg:$0x1];
	p0 =	sne.s32 s2, $0x0  }
0x362: {  	s3 =	rddreg [dreg:$0x2];
	[bflag:$0x3] =	sbarrier.arrive $0xFFFF;
	s2 =	simm.s32 @!p0 $0x1C05  }
0x363: {  	[timem:s3], [sflag:s2] =	dma.local @!p0 [hbm:s0], s1  }
0x364: {  	s0 =	simm.s32 @!p0 $0x5  }
0x365: {  	_ =	swait.ge @!p0 [sflag:s0], s1  }
0x366: {  	s1 =	ssub.s32 @!p0 $0x0, s1;
	[sflag:s0] =	ssyncset.done @!p0 $0x0  }
0x367: {  	[sflag:s0] =	ssyncadd.s32 @!p0 s1  }
0x368: {  	[bflag:$0x3] =	sbarrier.arrive $0xFFFF  }
0x369: {  	_ =	shalt  }

</sc_bundles>
